<compile_context>
chip_gen: v7x
topology: tpu7x:2x2x1
jax: 0.10.2.dev20260603
libtpu: 0.0.44.dev20260713+nightly
codegen_flags: <defaults>
</compile_context>

<pallas_src>
import jax
import jax.numpy as jnp
from jax import lax
from jax.experimental import pallas as pl
from jax.experimental.pallas import tpu as pltpu
from jax.experimental.pallas import tpu_sc as plsc

N = 50000
NC = 100000
D = 128

NPAD = 50176
NW = 32
GROUPS = 14
GSZ = 256
CELLS_PER_W = GROUPS * GSZ
NCPAD = NW * CELLS_PER_W



def _proj_body(u_ref, wv_ref, pt_ref):
    pt_ref[...] = lax.dot_general(
        wv_ref[...], u_ref[...],
        dimension_numbers=(((0,), (1,)), ((), ())),
        preferred_element_type=jnp.float32)


def _node_proj_t(u0, wv):
    RB = 8192
    grid = pl.cdiv(N, RB)
    return pl.pallas_call(
        _proj_body,
        grid=(grid,),
        in_specs=[
            pl.BlockSpec((RB, D), lambda i: (i, 0)),
            pl.BlockSpec((D, 9), lambda i: (0, 0)),
        ],
        out_specs=pl.BlockSpec((9, RB), lambda i: (0, i)),
        out_shape=jax.ShapeDtypeStruct((9, N), jnp.float32),
    )(u0, wv)



def _cbf_body(cct_ref, vpt_ref, ffdt_ref, w18_ref, t_ref, w0_ref, b_ref, o_ref):
    ts = t_ref[0, 0]
    for j in range(3):
        base = ts * w0_ref[0, j] + b_ref[0, j]
        acc = jnp.full(cct_ref.shape[1:], base, jnp.float32)[None, :]
        for i in range(2):
            acc = acc + w18_ref[i, j] * cct_ref[i:i + 1, :]
        for i in range(6):
            acc = acc + w18_ref[2 + i, j] * vpt_ref[i:i + 1, :]
        o_ref[j:j + 1, :] = acc * ffdt_ref[j:j + 1, :]


def _cell_base_t(cct, vpt, ffdt, w18, t, w0, b):
    CB = 14336
    grid = NCPAD // CB
    return pl.pallas_call(
        _cbf_body,
        grid=(grid,),
        in_specs=[
            pl.BlockSpec((2, CB), lambda i: (0, i)),
            pl.BlockSpec((6, CB), lambda i: (0, i)),
            pl.BlockSpec((3, CB), lambda i: (0, i)),
            pl.BlockSpec((8, 3), lambda i: (0, 0)),
            pl.BlockSpec((1, 1), lambda i: (0, 0)),
            pl.BlockSpec((1, 3), lambda i: (0, 0)),
            pl.BlockSpec((1, 3), lambda i: (0, 0)),
        ],
        out_specs=pl.BlockSpec((3, CB), lambda i: (0, i)),
        out_shape=jax.ShapeDtypeStruct((3, NCPAD), jnp.float32),
    )(cct, vpt, ffdt, w18, t, w0, b)



def _sc_body(pt_hbm, tri_hbm, cbf_hbm, ffd_hbm, out_hbm,
             idx0, idx1, idx2, cbf0, cbf1, cbf2, ffd0, ffd1, ffd2,
             ga, gb, acc_v, pt_sh, gsems, ssems):
    sid = lax.axis_index("s")
    wid = lax.axis_index("c") * 16 + sid
    idxs = (idx0, idx1, idx2)
    cbfs = (cbf0, cbf1, cbf2)
    ffds = (ffd0, ffd1, ffd2)
    gbufs = (ga, gb)

    stage = []
    for k in range(3):
        stage.append(pltpu.make_async_copy(tri_hbm.at[k, wid], idxs[k],
                                           ssems.at[0, k]))
        stage.append(pltpu.make_async_copy(cbf_hbm.at[k, wid], cbfs[k],
                                           ssems.at[1, k]))
        stage.append(pltpu.make_async_copy(ffd_hbm.at[k, wid], ffds[k],
                                           ssems.at[2, k]))
    for c in stage:
        c.start()

    @pl.when(sid == 0)
    def _():
        pltpu.sync_copy(pt_hbm, pt_sh)

    z = jnp.zeros((16,), jnp.float32)

    def zero_body(i, _):
        base = pl.multiple_of(i * 256, 256)
        for jj in range(16):
            acc_v[pl.ds(base + jj * 16, 16)] = z
        return 0

    lax.fori_loop(0, NPAD // 256, zero_body, 0)
    for c in stage:
        c.wait()
    plsc.subcore_barrier()

    def fire(g, buf):
        goff = pl.multiple_of(g * GSZ, GSZ)
        for k in range(3):
            isl = idxs[k].at[pl.ds(goff, GSZ)]
            for j in range(3):
                m = 3 * k + j
                pltpu.make_async_copy(pt_sh.at[m].at[isl],
                                      gbufs[buf].at[m], gsems.at[buf, m]).start()

    def drain(buf):
        for m in range(9):
            pltpu.make_async_copy(pt_sh.at[m].at[idxs[0].at[pl.ds(0, GSZ)]],
                                  gbufs[buf].at[m], gsems.at[buf, m]).wait()

    def compute(g, buf):
        goff = pl.multiple_of(g * GSZ, GSZ)
        for s in range(GSZ // 16):
            off = s * 16
            for j in range(3):
                sv = (gbufs[buf][j, pl.ds(off, 16)]
                      + gbufs[buf][3 + j, pl.ds(off, 16)]
                      + gbufs[buf][6 + j, pl.ds(off, 16)])
                val = (cbfs[j][pl.ds(goff + off, 16)]
                       + ffds[j][pl.ds(goff + off, 16)] * sv)
                nidx = idxs[j][pl.ds(goff + off, 16)]
                plsc.addupdate_scatter(acc_v, [nidx], val)

    fire(0, 0)

    def pair_body(i, _):
        g0 = 2 * i
        fire(g0 + 1, 1)
        drain(0)
        compute(g0, 0)

        @pl.when(i < GROUPS // 2 - 1)
        def _():
            fire(g0 + 2, 0)

        drain(1)
        compute(g0 + 1, 1)
        return 0

    lax.fori_loop(0, GROUPS // 2, pair_body, 0)

    pltpu.sync_copy(acc_v.at[pl.ds(0, N)], out_hbm.at[wid])


def _sc_scatter(pt, tri_t, cbf_t, ffd_t):
    mesh = plsc.VectorSubcoreMesh(core_axis_name="c", subcore_axis_name="s")
    kern = pl.kernel(
        _sc_body,
        out_type=jax.ShapeDtypeStruct((NW, N), jnp.float32),
        mesh=mesh,
        scratch_types=(
            [pltpu.VMEM((CELLS_PER_W,), jnp.int32) for _ in range(3)]
            + [pltpu.VMEM((CELLS_PER_W,), jnp.float32) for _ in range(6)]
            + [pltpu.VMEM((9, GSZ), jnp.float32) for _ in range(2)]
            + [pltpu.VMEM((NPAD,), jnp.float32),
               pltpu.VMEM_SHARED((9, N), jnp.float32),
               pltpu.SemaphoreType.DMA((2, 9)),
               pltpu.SemaphoreType.DMA((3, 3))]
        ),
        compiler_params=pltpu.CompilerParams(needs_layout_passes=False,
                                             use_tc_tiling_on_sc=False),
    )
    return kern(pt, tri_t, cbf_t, ffd_t)



def _combine_body(p_ref, im_ref, o_ref):
    o_ref[...] = jnp.sum(p_ref[...], axis=0, keepdims=True) * im_ref[...]


def _combine(partials, im_row):
    return pl.pallas_call(
        _combine_body,
        in_specs=[
            pl.BlockSpec((NW, N), lambda: (0, 0)),
            pl.BlockSpec((1, N), lambda: (0, 0)),
        ],
        out_specs=pl.BlockSpec((1, N), lambda: (0, 0)),
        out_shape=jax.ShapeDtypeStruct((1, N), jnp.float32),
    )(partials, im_row)



def kernel(u, t, triangulation, cell_centers, cell_local_vertex_pos,
           free_form_data, inv_mass, W, b):
    u0 = u[0]
    wv = jnp.concatenate(
        [W[9 + 128 * k: 9 + 128 * (k + 1)] for k in range(3)]
        , axis=1)

    pt = _node_proj_t(u0, wv)

    tri_t = jnp.pad(triangulation.T, ((0, 0), (0, NCPAD - NC)))
    ffd_t = jnp.pad(free_form_data.T, ((0, 0), (0, NCPAD - NC)))
    cct = jnp.pad(cell_centers.T, ((0, 0), (0, NCPAD - NC)))
    vpt = jnp.pad(cell_local_vertex_pos.reshape(NC, 6).T,
                  ((0, 0), (0, NCPAD - NC)))

    cbf_t = _cell_base_t(cct, vpt, ffd_t, W[1:9], t.reshape(1, 1),
                         W[0].reshape(1, 3), b.reshape(1, 3))

    tri_r = tri_t.reshape(3, NW, CELLS_PER_W)
    cbf_r = cbf_t.reshape(3, NW, CELLS_PER_W)
    ffd_r = ffd_t.reshape(3, NW, CELLS_PER_W)

    partials = _sc_scatter(pt, tri_r, cbf_r, ffd_r)

    out = _combine(partials, inv_mass.reshape(1, N))
    return out

# --- scband reference (transcript-rebuilt; emitter-appended) ---
"""Pipeline reference for scband-pdeterm-17927193494012 (READ-ONLY COPY).

The authoritative reference and input builder live on the scoring server;
editing this copy changes nothing except your own understanding.
"""

import jax, jax.numpy as jnp
import numpy as np

N = 50000      # mesh nodes
NC = 100000    # mesh cells (triangles)
D = 128        # node feature channels
B = 1          # batch
F = 1 + 2 + 3 * 2 + 3 * D  # time + cell_center + local vertex pos + vertex features = 393


def setup_inputs(seed: int = 0) -> dict:
    key = jax.random.key(seed)
    ks = jax.random.split(key, 9)
    u = jax.random.normal(ks[0], (B, N, D), dtype=jnp.float32)
    t = jax.random.uniform(ks[1], (B, 1), dtype=jnp.float32)
    triangulation = jax.random.randint(ks[2], (NC, 3), 0, N, dtype=jnp.int32)
    cell_centers = jax.random.normal(ks[3], (NC, 2), dtype=jnp.float32)
    cell_local_vertex_pos = jax.random.normal(ks[4], (NC, 3, 2), dtype=jnp.float32)
    free_form_data = jax.random.uniform(ks[5], (NC, 3), dtype=jnp.float32)
    inv_mass = jax.random.uniform(ks[6], (N,), dtype=jnp.float32)
    W = jax.random.normal(ks[7], (F, 3), dtype=jnp.float32) * 0.05
    b = jnp.zeros((3,), dtype=jnp.float32)
    return {
        "u": u,
        "t": t,
        "triangulation": triangulation,
        "cell_centers": cell_centers,
        "cell_local_vertex_pos": cell_local_vertex_pos,
        "free_form_data": free_form_data,
        "inv_mass": inv_mass,
        "W": W,
        "b": b,
    }


def reference(u, t, triangulation, cell_centers, cell_local_vertex_pos,
              free_form_data, inv_mass, W, b):
    # PDETerm forward over a SystemState: assemble per-cell features
    # (SystemState.cell_features with stationary=False, autonomous=False),
    # map them to per-vertex coefficients, and scatter-add the free-form
    # cell contributions back to the nodes, scaled by the inverse lumped
    # mass matrix (FEN free-form PDE term).
    batch = u.shape[0]
    ncells = triangulation.shape[0]

    # vertex_features = u[:, T]  -> gather: [B, NC, 3, D]
    vertex_features = u[:, triangulation]
    vertex_features = vertex_features.reshape(batch, ncells, -1)  # [B, NC, 3*D]

    time_feat = jnp.broadcast_to(t[:, None, :], (batch, ncells, t.shape[-1]))
    cell_pos = jnp.broadcast_to(cell_centers[None], (batch, ncells, cell_centers.shape[-1]))
    vpos = cell_local_vertex_pos.reshape(ncells, -1)
    vpos = jnp.broadcast_to(vpos[None], (batch, ncells, vpos.shape[-1]))

    cell_features = jnp.concatenate([time_feat, cell_pos, vpos, vertex_features], axis=-1)  # [B, NC, F]

    # per-cell, per-vertex coefficients
    coeff = cell_features @ W + b  # [B, NC, 3]

    # weight by free-form inner products <v_i, 1> per cell and scatter to nodes
    contrib = coeff * free_form_data[None]  # [B, NC, 3]
    idx = triangulation.reshape(-1)         # [NC*3]
    out = jnp.zeros((batch, inv_mass.shape[0]), dtype=u.dtype)
    out = out.at[:, idx].add(contrib.reshape(batch, -1))

    return out * inv_mass[None]

if __name__ == "__main__":
    import jax
    _d = setup_inputs()
    print(jax.jit(kernel)(*tuple(_d.values())))

</pallas_src>

<mosaic_0001>
#map = affine_map<(d0, d1) -> (0, 0)>
#map1 = affine_map<(d0, d1) -> (0, 0, 0)>
module attributes {stable_mosaic.version = 14 : i64} {
  func.func @_sc_body(%arg0: i32, %arg1: i32, %arg2: memref<9x50000xf32, #tpu.memory_space<hbm>>, %arg3: memref<3x32x3584xi32, #tpu.memory_space<hbm>>, %arg4: memref<3x32x3584xf32, #tpu.memory_space<hbm>>, %arg5: memref<3x32x3584xf32, #tpu.memory_space<hbm>>, %arg6: memref<32x50000xf32, #tpu.memory_space<hbm>>, %arg7: memref<3584xi32, #tpu.memory_space<vmem>>, %arg8: memref<3584xi32, #tpu.memory_space<vmem>>, %arg9: memref<3584xi32, #tpu.memory_space<vmem>>, %arg10: memref<3584xf32, #tpu.memory_space<vmem>>, %arg11: memref<3584xf32, #tpu.memory_space<vmem>>, %arg12: memref<3584xf32, #tpu.memory_space<vmem>>, %arg13: memref<3584xf32, #tpu.memory_space<vmem>>, %arg14: memref<3584xf32, #tpu.memory_space<vmem>>, %arg15: memref<3584xf32, #tpu.memory_space<vmem>>, %arg16: memref<9x256xf32, #tpu.memory_space<vmem>>, %arg17: memref<9x256xf32, #tpu.memory_space<vmem>>, %arg18: memref<50176xf32, #tpu.memory_space<vmem>>, %arg19: memref<9x50000xf32, #tpu.memory_space<vmem_shared>>, %arg20: memref<2x9x!tpu.dma_semaphore, #tpu.memory_space<semaphore_mem>>, %arg21: memref<3x3x!tpu.dma_semaphore, #tpu.memory_space<semaphore_mem>>) attributes {dimension_semantics = [#tpu.dimension_semantics<core_parallel>, #tpu.dimension_semantics<subcore_parallel>], iteration_bounds = array<i64: 2, 16>, scalar_prefetch = 0 : i64, scratch_operands = 15 : i64, tpu.core_type = #tpu.core_type<sc_vector_subcore>, window_params = [{transform_indices = #map}, {transform_indices = #map1}, {transform_indices = #map1}, {transform_indices = #map1}, {transform_indices = #map}]} {
    %mul3A = arith.constant 16 : i32
    %mul3A_0 = arith.muli %arg0, %mul3A : i32
    %add3A = arith.addi %mul3A_0, %arg1 : i32
    %dma_start3A = arith.constant 0 : i32
    %dma_start3A_1 = arith.constant 0 : i32
    %dma_start3A_2 = arith.constant 0 : i32
    %dma_start3A_3 = arith.constant 0 : i32
    %dma_start3A_4 = tpu.memref_slice %arg3[%dma_start3A, %add3A, %dma_start3A_3] : memref<3x32x3584xi32, #tpu.memory_space<hbm>> -> memref<1x1x3584xi32, #tpu.memory_space<hbm>>
    %dma_start3A_5 = tpu.memref_squeeze %dma_start3A_4 : memref<1x1x3584xi32, #tpu.memory_space<hbm>> -> memref<3584xi32, #tpu.memory_space<hbm>>
    %dma_start3A_6 = tpu.memref_slice %arg21[%dma_start3A_1, %dma_start3A_2] : memref<3x3x!tpu.dma_semaphore, #tpu.memory_space<semaphore_mem>> -> memref<1x1x!tpu.dma_semaphore, #tpu.memory_space<semaphore_mem>>
    %dma_start3A_7 = tpu.memref_squeeze %dma_start3A_6 : memref<1x1x!tpu.dma_semaphore, #tpu.memory_space<semaphore_mem>> -> memref<!tpu.dma_semaphore, #tpu.memory_space<semaphore_mem>>
    %dma_start3A_8 = arith.constant 0 : i32
    %dma_start3A_9 = tpu.memref_slice %arg3[%dma_start3A, %add3A, %dma_start3A_8] : memref<3x32x3584xi32, #tpu.memory_space<hbm>> -> memref<1x1x3584xi32, #tpu.memory_space<hbm>>
    %dma_start3A_10 = tpu.memref_squeeze %dma_start3A_9 : memref<1x1x3584xi32, #tpu.memory_space<hbm>> -> memref<3584xi32, #tpu.memory_space<hbm>>
    tpu.enqueue_dma source(%dma_start3A_10 : memref<3584xi32, #tpu.memory_space<hbm>>) target(%arg7 : memref<3584xi32, #tpu.memory_space<vmem>>) target_semaphore(%dma_start3A_7 : memref<!tpu.dma_semaphore, #tpu.memory_space<semaphore_mem>>)
    %dma_start3A_11 = arith.constant 0 : i32
    %dma_start3A_12 = arith.constant 1 : i32
    %dma_start3A_13 = arith.constant 0 : i32
    %dma_start3A_14 = arith.constant 0 : i32
    %dma_start3A_15 = tpu.memref_slice %arg4[%dma_start3A_11, %add3A, %dma_start3A_14] : memref<3x32x3584xf32, #tpu.memory_space<hbm>> -> memref<1x1x3584xf32, #tpu.memory_space<hbm>>
    %dma_start3A_16 = tpu.memref_squeeze %dma_start3A_15 : memref<1x1x3584xf32, #tpu.memory_space<hbm>> -> memref<3584xf32, #tpu.memory_space<hbm>>
    %dma_start3A_17 = tpu.memref_slice %arg21[%dma_start3A_12, %dma_start3A_13] : memref<3x3x!tpu.dma_semaphore, #tpu.memory_space<semaphore_mem>> -> memref<1x1x!tpu.dma_semaphore, #tpu.memory_space<semaphore_mem>>
    %dma_start3A_18 = tpu.memref_squeeze %dma_start3A_17 : memref<1x1x!tpu.dma_semaphore, #tpu.memory_space<semaphore_mem>> -> memref<!tpu.dma_semaphore, #tpu.memory_space<semaphore_mem>>
    %dma_start3A_19 = arith.constant 0 : i32
    %dma_start3A_20 = tpu.memref_slice %arg4[%dma_start3A_11, %add3A, %dma_start3A_19] : memref<3x32x3584xf32, #tpu.memory_space<hbm>> -> memref<1x1x3584xf32, #tpu.memory_space<hbm>>
    %dma_start3A_21 = tpu.memref_squeeze %dma_start3A_20 : memref<1x1x3584xf32, #tpu.memory_space<hbm>> -> memref<3584xf32, #tpu.memory_space<hbm>>
    tpu.enqueue_dma source(%dma_start3A_21 : memref<3584xf32, #tpu.memory_space<hbm>>) target(%arg10 : memref<3584xf32, #tpu.memory_space<vmem>>) target_semaphore(%dma_start3A_18 : memref<!tpu.dma_semaphore, #tpu.memory_space<semaphore_mem>>)
    %dma_start3A_22 = arith.constant 0 : i32
    %dma_start3A_23 = arith.constant 2 : i32
    %dma_start3A_24 = arith.constant 0 : i32
    %dma_start3A_25 = arith.constant 0 : i32
    %dma_start3A_26 = tpu.memref_slice %arg5[%dma_start3A_22, %add3A, %dma_start3A_25] : memref<3x32x3584xf32, #tpu.memory_space<hbm>> -> memref<1x1x3584xf32, #tpu.memory_space<hbm>>
    %dma_start3A_27 = tpu.memref_squeeze %dma_start3A_26 : memref<1x1x3584xf32, #tpu.memory_space<hbm>> -> memref<3584xf32, #tpu.memory_space<hbm>>
    %dma_start3A_28 = tpu.memref_slice %arg21[%dma_start3A_23, %dma_start3A_24] : memref<3x3x!tpu.dma_semaphore, #tpu.memory_space<semaphore_mem>> -> memref<1x1x!tpu.dma_semaphore, #tpu.memory_space<semaphore_mem>>
    %dma_start3A_29 = tpu.memref_squeeze %dma_start3A_28 : memref<1x1x!tpu.dma_semaphore, #tpu.memory_space<semaphore_mem>> -> memref<!tpu.dma_semaphore, #tpu.memory_space<semaphore_mem>>
    %dma_start3A_30 = arith.constant 0 : i32
    %dma_start3A_31 = tpu.memref_slice %arg5[%dma_start3A_22, %add3A, %dma_start3A_30] : memref<3x32x3584xf32, #tpu.memory_space<hbm>> -> memref<1x1x3584xf32, #tpu.memory_space<hbm>>
    %dma_start3A_32 = tpu.memref_squeeze %dma_start3A_31 : memref<1x1x3584xf32, #tpu.memory_space<hbm>> -> memref<3584xf32, #tpu.memory_space<hbm>>
    tpu.enqueue_dma source(%dma_start3A_32 : memref<3584xf32, #tpu.memory_space<hbm>>) target(%arg13 : memref<3584xf32, #tpu.memory_space<vmem>>) target_semaphore(%dma_start3A_29 : memref<!tpu.dma_semaphore, #tpu.memory_space<semaphore_mem>>)
    %dma_start3A_33 = arith.constant 1 : i32
    %dma_start3A_34 = arith.constant 0 : i32
    %dma_start3A_35 = arith.constant 1 : i32
    %dma_start3A_36 = arith.constant 0 : i32
    %dma_start3A_37 = tpu.memref_slice %arg3[%dma_start3A_33, %add3A, %dma_start3A_36] : memref<3x32x3584xi32, #tpu.memory_space<hbm>> -> memref<1x1x3584xi32, #tpu.memory_space<hbm>>
    %dma_start3A_38 = tpu.memref_squeeze %dma_start3A_37 : memref<1x1x3584xi32, #tpu.memory_space<hbm>> -> memref<3584xi32, #tpu.memory_space<hbm>>
    %dma_start3A_39 = tpu.memref_slice %arg21[%dma_start3A_34, %dma_start3A_35] : memref<3x3x!tpu.dma_semaphore, #tpu.memory_space<semaphore_mem>> -> memref<1x1x!tpu.dma_semaphore, #tpu.memory_space<semaphore_mem>>
    %dma_start3A_40 = tpu.memref_squeeze %dma_start3A_39 : memref<1x1x!tpu.dma_semaphore, #tpu.memory_space<semaphore_mem>> -> memref<!tpu.dma_semaphore, #tpu.memory_space<semaphore_mem>>
    %dma_start3A_41 = arith.constant 0 : i32
    %dma_start3A_42 = tpu.memref_slice %arg3[%dma_start3A_33, %add3A, %dma_start3A_41] : memref<3x32x3584xi32, #tpu.memory_space<hbm>> -> memref<1x1x3584xi32, #tpu.memory_space<hbm>>
    %dma_start3A_43 = tpu.memref_squeeze %dma_start3A_42 : memref<1x1x3584xi32, #tpu.memory_space<hbm>> -> memref<3584xi32, #tpu.memory_space<hbm>>
    tpu.enqueue_dma source(%dma_start3A_43 : memref<3584xi32, #tpu.memory_space<hbm>>) target(%arg8 : memref<3584xi32, #tpu.memory_space<vmem>>) target_semaphore(%dma_start3A_40 : memref<!tpu.dma_semaphore, #tpu.memory_space<semaphore_mem>>)
    %dma_start3A_44 = arith.constant 1 : i32
    %dma_start3A_45 = arith.constant 1 : i32
    %dma_start3A_46 = arith.constant 1 : i32
    %dma_start3A_47 = arith.constant 0 : i32
    %dma_start3A_48 = tpu.memref_slice %arg4[%dma_start3A_44, %add3A, %dma_start3A_47] : memref<3x32x3584xf32, #tpu.memory_space<hbm>> -> memref<1x1x3584xf32, #tpu.memory_space<hbm>>
    %dma_start3A_49 = tpu.memref_squeeze %dma_start3A_48 : memref<1x1x3584xf32, #tpu.memory_space<hbm>> -> memref<3584xf32, #tpu.memory_space<hbm>>
    %dma_start3A_50 = tpu.memref_slice %arg21[%dma_start3A_45, %dma_start3A_46] : memref<3x3x!tpu.dma_semaphore, #tpu.memory_space<semaphore_mem>> -> memref<1x1x!tpu.dma_semaphore, #tpu.memory_space<semaphore_mem>>
    %dma_start3A_51 = tpu.memref_squeeze %dma_start3A_50 : memref<1x1x!tpu.dma_semaphore, #tpu.memory_space<semaphore_mem>> -> memref<!tpu.dma_semaphore, #tpu.memory_space<semaphore_mem>>
    %dma_start3A_52 = arith.constant 0 : i32
    %dma_start3A_53 = tpu.memref_slice %arg4[%dma_start3A_44, %add3A, %dma_start3A_52] : memref<3x32x3584xf32, #tpu.memory_space<hbm>> -> memref<1x1x3584xf32, #tpu.memory_space<hbm>>
    %dma_start3A_54 = tpu.memref_squeeze %dma_start3A_53 : memref<1x1x3584xf32, #tpu.memory_space<hbm>> -> memref<3584xf32, #tpu.memory_space<hbm>>
    tpu.enqueue_dma source(%dma_start3A_54 : memref<3584xf32, #tpu.memory_space<hbm>>) target(%arg11 : memref<3584xf32, #tpu.memory_space<vmem>>) target_semaphore(%dma_start3A_51 : memref<!tpu.dma_semaphore, #tpu.memory_space<semaphore_mem>>)
    %dma_start3A_55 = arith.constant 1 : i32
    %dma_start3A_56 = arith.constant 2 : i32
    %dma_start3A_57 = arith.constant 1 : i32
    %dma_start3A_58 = arith.constant 0 : i32
    %dma_start3A_59 = tpu.memref_slice %arg5[%dma_start3A_55, %add3A, %dma_start3A_58] : memref<3x32x3584xf32, #tpu.memory_space<hbm>> -> memref<1x1x3584xf32, #tpu.memory_space<hbm>>
    %dma_start3A_60 = tpu.memref_squeeze %dma_start3A_59 : memref<1x1x3584xf32, #tpu.memory_space<hbm>> -> memref<3584xf32, #tpu.memory_space<hbm>>
    %dma_start3A_61 = tpu.memref_slice %arg21[%dma_start3A_56, %dma_start3A_57] : memref<3x3x!tpu.dma_semaphore, #tpu.memory_space<semaphore_mem>> -> memref<1x1x!tpu.dma_semaphore, #tpu.memory_space<semaphore_mem>>
    %dma_start3A_62 = tpu.memref_squeeze %dma_start3A_61 : memref<1x1x!tpu.dma_semaphore, #tpu.memory_space<semaphore_mem>> -> memref<!tpu.dma_semaphore, #tpu.memory_space<semaphore_mem>>
    %dma_start3A_63 = arith.constant 0 : i32
    %dma_start3A_64 = tpu.memref_slice %arg5[%dma_start3A_55, %add3A, %dma_start3A_63] : memref<3x32x3584xf32, #tpu.memory_space<hbm>> -> memref<1x1x3584xf32, #tpu.memory_space<hbm>>
    %dma_start3A_65 = tpu.memref_squeeze %dma_start3A_64 : memref<1x1x3584xf32, #tpu.memory_space<hbm>> -> memref<3584xf32, #tpu.memory_space<hbm>>
    tpu.enqueue_dma source(%dma_start3A_65 : memref<3584xf32, #tpu.memory_space<hbm>>) target(%arg14 : memref<3584xf32, #tpu.memory_space<vmem>>) target_semaphore(%dma_start3A_62 : memref<!tpu.dma_semaphore, #tpu.memory_space<semaphore_mem>>)
    %dma_start3A_66 = arith.constant 2 : i32
    %dma_start3A_67 = arith.constant 0 : i32
    %dma_start3A_68 = arith.constant 2 : i32
    %dma_start3A_69 = arith.constant 0 : i32
    %dma_start3A_70 = tpu.memref_slice %arg3[%dma_start3A_66, %add3A, %dma_start3A_69] : memref<3x32x3584xi32, #tpu.memory_space<hbm>> -> memref<1x1x3584xi32, #tpu.memory_space<hbm>>
    %dma_start3A_71 = tpu.memref_squeeze %dma_start3A_70 : memref<1x1x3584xi32, #tpu.memory_space<hbm>> -> memref<3584xi32, #tpu.memory_space<hbm>>
    %dma_start3A_72 = tpu.memref_slice %arg21[%dma_start3A_67, %dma_start3A_68] : memref<3x3x!tpu.dma_semaphore, #tpu.memory_space<semaphore_mem>> -> memref<1x1x!tpu.dma_semaphore, #tpu.memory_space<semaphore_mem>>
    %dma_start3A_73 = tpu.memref_squeeze %dma_start3A_72 : memref<1x1x!tpu.dma_semaphore, #tpu.memory_space<semaphore_mem>> -> memref<!tpu.dma_semaphore, #tpu.memory_space<semaphore_mem>>
    %dma_start3A_74 = arith.constant 0 : i32
    %dma_start3A_75 = tpu.memref_slice %arg3[%dma_start3A_66, %add3A, %dma_start3A_74] : memref<3x32x3584xi32, #tpu.memory_space<hbm>> -> memref<1x1x3584xi32, #tpu.memory_space<hbm>>
    %dma_start3A_76 = tpu.memref_squeeze %dma_start3A_75 : memref<1x1x3584xi32, #tpu.memory_space<hbm>> -> memref<3584xi32, #tpu.memory_space<hbm>>
    tpu.enqueue_dma source(%dma_start3A_76 : memref<3584xi32, #tpu.memory_space<hbm>>) target(%arg9 : memref<3584xi32, #tpu.memory_space<vmem>>) target_semaphore(%dma_start3A_73 : memref<!tpu.dma_semaphore, #tpu.memory_space<semaphore_mem>>)
    %dma_start3A_77 = arith.constant 2 : i32
    %dma_start3A_78 = arith.constant 1 : i32
    %dma_start3A_79 = arith.constant 2 : i32
    %dma_start3A_80 = arith.constant 0 : i32
    %dma_start3A_81 = tpu.memref_slice %arg4[%dma_start3A_77, %add3A, %dma_start3A_80] : memref<3x32x3584xf32, #tpu.memory_space<hbm>> -> memref<1x1x3584xf32, #tpu.memory_space<hbm>>
    %dma_start3A_82 = tpu.memref_squeeze %dma_start3A_81 : memref<1x1x3584xf32, #tpu.memory_space<hbm>> -> memref<3584xf32, #tpu.memory_space<hbm>>
    %dma_start3A_83 = tpu.memref_slice %arg21[%dma_start3A_78, %dma_start3A_79] : memref<3x3x!tpu.dma_semaphore, #tpu.memory_space<semaphore_mem>> -> memref<1x1x!tpu.dma_semaphore, #tpu.memory_space<semaphore_mem>>
    %dma_start3A_84 = tpu.memref_squeeze %dma_start3A_83 : memref<1x1x!tpu.dma_semaphore, #tpu.memory_space<semaphore_mem>> -> memref<!tpu.dma_semaphore, #tpu.memory_space<semaphore_mem>>
    %dma_start3A_85 = arith.constant 0 : i32
    %dma_start3A_86 = tpu.memref_slice %arg4[%dma_start3A_77, %add3A, %dma_start3A_85] : memref<3x32x3584xf32, #tpu.memory_space<hbm>> -> memref<1x1x3584xf32, #tpu.memory_space<hbm>>
    %dma_start3A_87 = tpu.memref_squeeze %dma_start3A_86 : memref<1x1x3584xf32, #tpu.memory_space<hbm>> -> memref<3584xf32, #tpu.memory_space<hbm>>
    tpu.enqueue_dma source(%dma_start3A_87 : memref<3584xf32, #tpu.memory_space<hbm>>) target(%arg12 : memref<3584xf32, #tpu.memory_space<vmem>>) target_semaphore(%dma_start3A_84 : memref<!tpu.dma_semaphore, #tpu.memory_space<semaphore_mem>>)
    %dma_start3A_88 = arith.constant 2 : i32
    %dma_start3A_89 = arith.constant 2 : i32
    %dma_start3A_90 = arith.constant 2 : i32
    %dma_start3A_91 = arith.constant 0 : i32
    %dma_start3A_92 = tpu.memref_slice %arg5[%dma_start3A_88, %add3A, %dma_start3A_91] : memref<3x32x3584xf32, #tpu.memory_space<hbm>> -> memref<1x1x3584xf32, #tpu.memory_space<hbm>>
    %dma_start3A_93 = tpu.memref_squeeze %dma_start3A_92 : memref<1x1x3584xf32, #tpu.memory_space<hbm>> -> memref<3584xf32, #tpu.memory_space<hbm>>
    %dma_start3A_94 = tpu.memref_slice %arg21[%dma_start3A_89, %dma_start3A_90] : memref<3x3x!tpu.dma_semaphore, #tpu.memory_space<semaphore_mem>> -> memref<1x1x!tpu.dma_semaphore, #tpu.memory_space<semaphore_mem>>
    %dma_start3A_95 = tpu.memref_squeeze %dma_start3A_94 : memref<1x1x!tpu.dma_semaphore, #tpu.memory_space<semaphore_mem>> -> memref<!tpu.dma_semaphore, #tpu.memory_space<semaphore_mem>>
    %dma_start3A_96 = arith.constant 0 : i32
    %dma_start3A_97 = tpu.memref_slice %arg5[%dma_start3A_88, %add3A, %dma_start3A_96] : memref<3x32x3584xf32, #tpu.memory_space<hbm>> -> memref<1x1x3584xf32, #tpu.memory_space<hbm>>
    %dma_start3A_98 = tpu.memref_squeeze %dma_start3A_97 : memref<1x1x3584xf32, #tpu.memory_space<hbm>> -> memref<3584xf32, #tpu.memory_space<hbm>>
    tpu.enqueue_dma source(%dma_start3A_98 : memref<3584xf32, #tpu.memory_space<hbm>>) target(%arg15 : memref<3584xf32, #tpu.memory_space<vmem>>) target_semaphore(%dma_start3A_95 : memref<!tpu.dma_semaphore, #tpu.memory_space<semaphore_mem>>)
    %eq3A = arith.constant 0 : i32
    %eq3A_99 = arith.cmpi eq, %arg1, %eq3A : i32
    %convert_element_type3A = arith.extui %eq3A_99 : i1 to i32
    %cond3A = arith.constant 0 : i32
    %cond3A_100 = arith.cmpi ne, %convert_element_type3A, %cond3A : i32
    scf.if %cond3A_100 {
      "tpu.region"() ({
        %run_scoped3A = tpu.sem_alloc : memref<!tpu.dma_semaphore, #tpu.memory_space<semaphore_mem>>
        tpu.enqueue_dma source(%arg2 : memref<9x50000xf32, #tpu.memory_space<hbm>>) target(%arg19 : memref<9x50000xf32, #tpu.memory_space<vmem_shared>>) target_semaphore(%run_scoped3A : memref<!tpu.dma_semaphore, #tpu.memory_space<semaphore_mem>>)
        tpu.wait_dma2 semaphore(%run_scoped3A : memref<!tpu.dma_semaphore, #tpu.memory_space<semaphore_mem>>) src(%arg2 : memref<9x50000xf32, #tpu.memory_space<hbm>>) dst(%arg19 : memref<9x50000xf32, #tpu.memory_space<vmem_shared>>)
        tpu.yield
      }) : () -> ()
    } else {
    }
    %broadcast_in_dim3A = arith.constant 0.000000e+00 : f32
    %broadcast_in_dim3A_101 = vector.broadcast %broadcast_in_dim3A : f32 to vector<16xf32>
    %scan3A = arith.constant 0 : i32
    %scan3A_102 = arith.constant 0 : i32
    %scan3A_103 = arith.constant 196 : i32
    %scan3A_104 = arith.addi %scan3A_102, %scan3A_103 : i32
    %scan3A_105 = arith.constant 1 : i32
    %scan3A_106 = scf.for %scan3A_349 = %scan3A_102 to %scan3A_104 step %scan3A_105 iter_args(%scan3A_350 = %scan3A) -> (i32)  : i32 {
      %mul3A_351 = arith.constant 256 : i32
      %mul3A_352 = arith.muli %scan3A_349, %mul3A_351 : i32
      %multiple_of3A_353 = tpu.assume_multiple %mul3A_352, 256 : i32
      %add3A_354 = arith.constant 0 : i32
      %add3A_355 = arith.addi %multiple_of3A_353, %add3A_354 : i32
      %swap3A = arith.index_cast %add3A_355 : i32 to index
      %swap3A_356 = tpu.vector_load %arg18[%swap3A] {strides = array<i32>} : memref<50176xf32, #tpu.memory_space<vmem>>, vector<16xf32>,
      tpu.vector_store %arg18[%swap3A], %broadcast_in_dim3A_101 {strides = array<i32>} : memref<50176xf32, #tpu.memory_space<vmem>>, vector<16xf32>,
      %add3A_357 = arith.constant 16 : i32
      %add3A_358 = arith.addi %multiple_of3A_353, %add3A_357 : i32
      %swap3A_359 = arith.index_cast %add3A_358 : i32 to index
      %swap3A_360 = tpu.vector_load %arg18[%swap3A_359] {strides = array<i32>} : memref<50176xf32, #tpu.memory_space<vmem>>, vector<16xf32>,
      tpu.vector_store %arg18[%swap3A_359], %broadcast_in_dim3A_101 {strides = array<i32>} : memref<50176xf32, #tpu.memory_space<vmem>>, vector<16xf32>,
      %add3A_361 = arith.constant 32 : i32
      %add3A_362 = arith.addi %multiple_of3A_353, %add3A_361 : i32
      %swap3A_363 = arith.index_cast %add3A_362 : i32 to index
      %swap3A_364 = tpu.vector_load %arg18[%swap3A_363] {strides = array<i32>} : memref<50176xf32, #tpu.memory_space<vmem>>, vector<16xf32>,
      tpu.vector_store %arg18[%swap3A_363], %broadcast_in_dim3A_101 {strides = array<i32>} : memref<50176xf32, #tpu.memory_space<vmem>>, vector<16xf32>,
      %add3A_365 = arith.constant 48 : i32
      %add3A_366 = arith.addi %multiple_of3A_353, %add3A_365 : i32
      %swap3A_367 = arith.index_cast %add3A_366 : i32 to index
      %swap3A_368 = tpu.vector_load %arg18[%swap3A_367] {strides = array<i32>} : memref<50176xf32, #tpu.memory_space<vmem>>, vector<16xf32>,
      tpu.vector_store %arg18[%swap3A_367], %broadcast_in_dim3A_101 {strides = array<i32>} : memref<50176xf32, #tpu.memory_space<vmem>>, vector<16xf32>,
      %add3A_369 = arith.constant 64 : i32
      %add3A_370 = arith.addi %multiple_of3A_353, %add3A_369 : i32
      %swap3A_371 = arith.index_cast %add3A_370 : i32 to index
      %swap3A_372 = tpu.vector_load %arg18[%swap3A_371] {strides = array<i32>} : memref<50176xf32, #tpu.memory_space<vmem>>, vector<16xf32>,
      tpu.vector_store %arg18[%swap3A_371], %broadcast_in_dim3A_101 {strides = array<i32>} : memref<50176xf32, #tpu.memory_space<vmem>>, vector<16xf32>,
      %add3A_373 = arith.constant 80 : i32
      %add3A_374 = arith.addi %multiple_of3A_353, %add3A_373 : i32
      %swap3A_375 = arith.index_cast %add3A_374 : i32 to index
      %swap3A_376 = tpu.vector_load %arg18[%swap3A_375] {strides = array<i32>} : memref<50176xf32, #tpu.memory_space<vmem>>, vector<16xf32>,
      tpu.vector_store %arg18[%swap3A_375], %broadcast_in_dim3A_101 {strides = array<i32>} : memref<50176xf32, #tpu.memory_space<vmem>>, vector<16xf32>,
      %add3A_377 = arith.constant 96 : i32
      %add3A_378 = arith.addi %multiple_of3A_353, %add3A_377 : i32
      %swap3A_379 = arith.index_cast %add3A_378 : i32 to index
      %swap3A_380 = tpu.vector_load %arg18[%swap3A_379] {strides = array<i32>} : memref<50176xf32, #tpu.memory_space<vmem>>, vector<16xf32>,
      tpu.vector_store %arg18[%swap3A_379], %broadcast_in_dim3A_101 {strides = array<i32>} : memref<50176xf32, #tpu.memory_space<vmem>>, vector<16xf32>,
      %add3A_381 = arith.constant 112 : i32
      %add3A_382 = arith.addi %multiple_of3A_353, %add3A_381 : i32
      %swap3A_383 = arith.index_cast %add3A_382 : i32 to index
      %swap3A_384 = tpu.vector_load %arg18[%swap3A_383] {strides = array<i32>} : memref<50176xf32, #tpu.memory_space<vmem>>, vector<16xf32>,
      tpu.vector_store %arg18[%swap3A_383], %broadcast_in_dim3A_101 {strides = array<i32>} : memref<50176xf32, #tpu.memory_space<vmem>>, vector<16xf32>,
      %add3A_385 = arith.constant 128 : i32
      %add3A_386 = arith.addi %multiple_of3A_353, %add3A_385 : i32
      %swap3A_387 = arith.index_cast %add3A_386 : i32 to index
      %swap3A_388 = tpu.vector_load %arg18[%swap3A_387] {strides = array<i32>} : memref<50176xf32, #tpu.memory_space<vmem>>, vector<16xf32>,
      tpu.vector_store %arg18[%swap3A_387], %broadcast_in_dim3A_101 {strides = array<i32>} : memref<50176xf32, #tpu.memory_space<vmem>>, vector<16xf32>,
      %add3A_389 = arith.constant 144 : i32
      %add3A_390 = arith.addi %multiple_of3A_353, %add3A_389 : i32
      %swap3A_391 = arith.index_cast %add3A_390 : i32 to index
      %swap3A_392 = tpu.vector_load %arg18[%swap3A_391] {strides = array<i32>} : memref<50176xf32, #tpu.memory_space<vmem>>, vector<16xf32>,
      tpu.vector_store %arg18[%swap3A_391], %broadcast_in_dim3A_101 {strides = array<i32>} : memref<50176xf32, #tpu.memory_space<vmem>>, vector<16xf32>,
      %add3A_393 = arith.constant 160 : i32
      %add3A_394 = arith.addi %multiple_of3A_353, %add3A_393 : i32
      %swap3A_395 = arith.index_cast %add3A_394 : i32 to index
      %swap3A_396 = tpu.vector_load %arg18[%swap3A_395] {strides = array<i32>} : memref<50176xf32, #tpu.memory_space<vmem>>, vector<16xf32>,
      tpu.vector_store %arg18[%swap3A_395], %broadcast_in_dim3A_101 {strides = array<i32>} : memref<50176xf32, #tpu.memory_space<vmem>>, vector<16xf32>,
      %add3A_397 = arith.constant 176 : i32
      %add3A_398 = arith.addi %multiple_of3A_353, %add3A_397 : i32
      %swap3A_399 = arith.index_cast %add3A_398 : i32 to index
      %swap3A_400 = tpu.vector_load %arg18[%swap3A_399] {strides = array<i32>} : memref<50176xf32, #tpu.memory_space<vmem>>, vector<16xf32>,
      tpu.vector_store %arg18[%swap3A_399], %broadcast_in_dim3A_101 {strides = array<i32>} : memref<50176xf32, #tpu.memory_space<vmem>>, vector<16xf32>,
      %add3A_401 = arith.constant 192 : i32
      %add3A_402 = arith.addi %multiple_of3A_353, %add3A_401 : i32
      %swap3A_403 = arith.index_cast %add3A_402 : i32 to index
      %swap3A_404 = tpu.vector_load %arg18[%swap3A_403] {strides = array<i32>} : memref<50176xf32, #tpu.memory_space<vmem>>, vector<16xf32>,
      tpu.vector_store %arg18[%swap3A_403], %broadcast_in_dim3A_101 {strides = array<i32>} : memref<50176xf32, #tpu.memory_space<vmem>>, vector<16xf32>,
      %add3A_405 = arith.constant 208 : i32
      %add3A_406 = arith.addi %multiple_of3A_353, %add3A_405 : i32
      %swap3A_407 = arith.index_cast %add3A_406 : i32 to index
      %swap3A_408 = tpu.vector_load %arg18[%swap3A_407] {strides = array<i32>} : memref<50176xf32, #tpu.memory_space<vmem>>, vector<16xf32>,
      tpu.vector_store %arg18[%swap3A_407], %broadcast_in_dim3A_101 {strides = array<i32>} : memref<50176xf32, #tpu.memory_space<vmem>>, vector<16xf32>,
      %add3A_409 = arith.constant 224 : i32
      %add3A_410 = arith.addi %multiple_of3A_353, %add3A_409 : i32
      %swap3A_411 = arith.index_cast %add3A_410 : i32 to index
      %swap3A_412 = tpu.vector_load %arg18[%swap3A_411] {strides = array<i32>} : memref<50176xf32, #tpu.memory_space<vmem>>, vector<16xf32>,
      tpu.vector_store %arg18[%swap3A_411], %broadcast_in_dim3A_101 {strides = array<i32>} : memref<50176xf32, #tpu.memory_space<vmem>>, vector<16xf32>,
      %add3A_413 = arith.constant 240 : i32
      %add3A_414 = arith.addi %multiple_of3A_353, %add3A_413 : i32
      %swap3A_415 = arith.index_cast %add3A_414 : i32 to index
      %swap3A_416 = tpu.vector_load %arg18[%swap3A_415] {strides = array<i32>} : memref<50176xf32, #tpu.memory_space<vmem>>, vector<16xf32>,
      tpu.vector_store %arg18[%swap3A_415], %broadcast_in_dim3A_101 {strides = array<i32>} : memref<50176xf32, #tpu.memory_space<vmem>>, vector<16xf32>,
      %scan3A_417 = arith.constant 0 : i32
      scf.yield %scan3A_417 : i32
    }
    %scan3A_107 = arith.constant 196 : i32
    %dma_wait3A = arith.constant 0 : i32
    %dma_wait3A_108 = arith.constant 0 : i32
    %dma_wait3A_109 = arith.constant 0 : i32
    %dma_wait3A_110 = arith.constant 0 : i32
    %dma_wait3A_111 = tpu.memref_slice %arg3[%dma_wait3A, %add3A, %dma_wait3A_110] : memref<3x32x3584xi32, #tpu.memory_space<hbm>> -> memref<1x1x3584xi32, #tpu.memory_space<hbm>>
    %dma_wait3A_112 = tpu.memref_squeeze %dma_wait3A_111 : memref<1x1x3584xi32, #tpu.memory_space<hbm>> -> memref<3584xi32, #tpu.memory_space<hbm>>
    %dma_wait3A_113 = tpu.memref_slice %arg21[%dma_wait3A_108, %dma_wait3A_109] : memref<3x3x!tpu.dma_semaphore, #tpu.memory_space<semaphore_mem>> -> memref<1x1x!tpu.dma_semaphore, #tpu.memory_space<semaphore_mem>>
    %dma_wait3A_114 = tpu.memref_squeeze %dma_wait3A_113 : memref<1x1x!tpu.dma_semaphore, #tpu.memory_space<semaphore_mem>> -> memref<!tpu.dma_semaphore, #tpu.memory_space<semaphore_mem>>
    %dma_wait3A_115 = arith.constant 0 : i32
    %dma_wait3A_116 = tpu.memref_slice %arg3[%dma_wait3A, %add3A, %dma_wait3A_115] : memref<3x32x3584xi32, #tpu.memory_space<hbm>> -> memref<1x1x3584xi32, #tpu.memory_space<hbm>>
    %dma_wait3A_117 = tpu.memref_squeeze %dma_wait3A_116 : memref<1x1x3584xi32, #tpu.memory_space<hbm>> -> memref<3584xi32, #tpu.memory_space<hbm>>
    tpu.wait_dma2 semaphore(%dma_wait3A_114 : memref<!tpu.dma_semaphore, #tpu.memory_space<semaphore_mem>>) src(%dma_wait3A_117 : memref<3584xi32, #tpu.memory_space<hbm>>) dst(%arg7 : memref<3584xi32, #tpu.memory_space<vmem>>)
    %dma_wait3A_118 = arith.constant 0 : i32
    %dma_wait3A_119 = arith.constant 1 : i32
    %dma_wait3A_120 = arith.constant 0 : i32
    %dma_wait3A_121 = arith.constant 0 : i32
    %dma_wait3A_122 = tpu.memref_slice %arg4[%dma_wait3A_118, %add3A, %dma_wait3A_121] : memref<3x32x3584xf32, #tpu.memory_space<hbm>> -> memref<1x1x3584xf32, #tpu.memory_space<hbm>>
    %dma_wait3A_123 = tpu.memref_squeeze %dma_wait3A_122 : memref<1x1x3584xf32, #tpu.memory_space<hbm>> -> memref<3584xf32, #tpu.memory_space<hbm>>
    %dma_wait3A_124 = tpu.memref_slice %arg21[%dma_wait3A_119, %dma_wait3A_120] : memref<3x3x!tpu.dma_semaphore, #tpu.memory_space<semaphore_mem>> -> memref<1x1x!tpu.dma_semaphore, #tpu.memory_space<semaphore_mem>>
    %dma_wait3A_125 = tpu.memref_squeeze %dma_wait3A_124 : memref<1x1x!tpu.dma_semaphore, #tpu.memory_space<semaphore_mem>> -> memref<!tpu.dma_semaphore, #tpu.memory_space<semaphore_mem>>
    %dma_wait3A_126 = arith.constant 0 : i32
    %dma_wait3A_127 = tpu.memref_slice %arg4[%dma_wait3A_118, %add3A, %dma_wait3A_126] : memref<3x32x3584xf32, #tpu.memory_space<hbm>> -> memref<1x1x3584xf32, #tpu.memory_space<hbm>>
    %dma_wait3A_128 = tpu.memref_squeeze %dma_wait3A_127 : memref<1x1x3584xf32, #tpu.memory_space<hbm>> -> memref<3584xf32, #tpu.memory_space<hbm>>
    tpu.wait_dma2 semaphore(%dma_wait3A_125 : memref<!tpu.dma_semaphore, #tpu.memory_space<semaphore_mem>>) src(%dma_wait3A_128 : memref<3584xf32, #tpu.memory_space<hbm>>) dst(%arg10 : memref<3584xf32, #tpu.memory_space<vmem>>)
    %dma_wait3A_129 = arith.constant 0 : i32
    %dma_wait3A_130 = arith.constant 2 : i32
    %dma_wait3A_131 = arith.constant 0 : i32
    %dma_wait3A_132 = arith.constant 0 : i32
    %dma_wait3A_133 = tpu.memref_slice %arg5[%dma_wait3A_129, %add3A, %dma_wait3A_132] : memref<3x32x3584xf32, #tpu.memory_space<hbm>> -> memref<1x1x3584xf32, #tpu.memory_space<hbm>>
    %dma_wait3A_134 = tpu.memref_squeeze %dma_wait3A_133 : memref<1x1x3584xf32, #tpu.memory_space<hbm>> -> memref<3584xf32, #tpu.memory_space<hbm>>
    %dma_wait3A_135 = tpu.memref_slice %arg21[%dma_wait3A_130, %dma_wait3A_131] : memref<3x3x!tpu.dma_semaphore, #tpu.memory_space<semaphore_mem>> -> memref<1x1x!tpu.dma_semaphore, #tpu.memory_space<semaphore_mem>>
    %dma_wait3A_136 = tpu.memref_squeeze %dma_wait3A_135 : memref<1x1x!tpu.dma_semaphore, #tpu.memory_space<semaphore_mem>> -> memref<!tpu.dma_semaphore, #tpu.memory_space<semaphore_mem>>
    %dma_wait3A_137 = arith.constant 0 : i32
    %dma_wait3A_138 = tpu.memref_slice %arg5[%dma_wait3A_129, %add3A, %dma_wait3A_137] : memref<3x32x3584xf32, #tpu.memory_space<hbm>> -> memref<1x1x3584xf32, #tpu.memory_space<hbm>>
    %dma_wait3A_139 = tpu.memref_squeeze %dma_wait3A_138 : memref<1x1x3584xf32, #tpu.memory_space<hbm>> -> memref<3584xf32, #tpu.memory_space<hbm>>
    tpu.wait_dma2 semaphore(%dma_wait3A_136 : memref<!tpu.dma_semaphore, #tpu.memory_space<semaphore_mem>>) src(%dma_wait3A_139 : memref<3584xf32, #tpu.memory_space<hbm>>) dst(%arg13 : memref<3584xf32, #tpu.memory_space<vmem>>)
    %dma_wait3A_140 = arith.constant 1 : i32
    %dma_wait3A_141 = arith.constant 0 : i32
    %dma_wait3A_142 = arith.constant 1 : i32
    %dma_wait3A_143 = arith.constant 0 : i32
    %dma_wait3A_144 = tpu.memref_slice %arg3[%dma_wait3A_140, %add3A, %dma_wait3A_143] : memref<3x32x3584xi32, #tpu.memory_space<hbm>> -> memref<1x1x3584xi32, #tpu.memory_space<hbm>>
    %dma_wait3A_145 = tpu.memref_squeeze %dma_wait3A_144 : memref<1x1x3584xi32, #tpu.memory_space<hbm>> -> memref<3584xi32, #tpu.memory_space<hbm>>
    %dma_wait3A_146 = tpu.memref_slice %arg21[%dma_wait3A_141, %dma_wait3A_142] : memref<3x3x!tpu.dma_semaphore, #tpu.memory_space<semaphore_mem>> -> memref<1x1x!tpu.dma_semaphore, #tpu.memory_space<semaphore_mem>>
    %dma_wait3A_147 = tpu.memref_squeeze %dma_wait3A_146 : memref<1x1x!tpu.dma_semaphore, #tpu.memory_space<semaphore_mem>> -> memref<!tpu.dma_semaphore, #tpu.memory_space<semaphore_mem>>
    %dma_wait3A_148 = arith.constant 0 : i32
    %dma_wait3A_149 = tpu.memref_slice %arg3[%dma_wait3A_140, %add3A, %dma_wait3A_148] : memref<3x32x3584xi32, #tpu.memory_space<hbm>> -> memref<1x1x3584xi32, #tpu.memory_space<hbm>>
    %dma_wait3A_150 = tpu.memref_squeeze %dma_wait3A_149 : memref<1x1x3584xi32, #tpu.memory_space<hbm>> -> memref<3584xi32, #tpu.memory_space<hbm>>
    tpu.wait_dma2 semaphore(%dma_wait3A_147 : memref<!tpu.dma_semaphore, #tpu.memory_space<semaphore_mem>>) src(%dma_wait3A_150 : memref<3584xi32, #tpu.memory_space<hbm>>) dst(%arg8 : memref<3584xi32, #tpu.memory_space<vmem>>)
    %dma_wait3A_151 = arith.constant 1 : i32
    %dma_wait3A_152 = arith.constant 1 : i32
    %dma_wait3A_153 = arith.constant 1 : i32
    %dma_wait3A_154 = arith.constant 0 : i32
    %dma_wait3A_155 = tpu.memref_slice %arg4[%dma_wait3A_151, %add3A, %dma_wait3A_154] : memref<3x32x3584xf32, #tpu.memory_space<hbm>> -> memref<1x1x3584xf32, #tpu.memory_space<hbm>>
    %dma_wait3A_156 = tpu.memref_squeeze %dma_wait3A_155 : memref<1x1x3584xf32, #tpu.memory_space<hbm>> -> memref<3584xf32, #tpu.memory_space<hbm>>
    %dma_wait3A_157 = tpu.memref_slice %arg21[%dma_wait3A_152, %dma_wait3A_153] : memref<3x3x!tpu.dma_semaphore, #tpu.memory_space<semaphore_mem>> -> memref<1x1x!tpu.dma_semaphore, #tpu.memory_space<semaphore_mem>>
    %dma_wait3A_158 = tpu.memref_squeeze %dma_wait3A_157 : memref<1x1x!tpu.dma_semaphore, #tpu.memory_space<semaphore_mem>> -> memref<!tpu.dma_semaphore, #tpu.memory_space<semaphore_mem>>
    %dma_wait3A_159 = arith.constant 0 : i32
    %dma_wait3A_160 = tpu.memref_slice %arg4[%dma_wait3A_151, %add3A, %dma_wait3A_159] : memref<3x32x3584xf32, #tpu.memory_space<hbm>> -> memref<1x1x3584xf32, #tpu.memory_space<hbm>>
    %dma_wait3A_161 = tpu.memref_squeeze %dma_wait3A_160 : memref<1x1x3584xf32, #tpu.memory_space<hbm>> -> memref<3584xf32, #tpu.memory_space<hbm>>
    tpu.wait_dma2 semaphore(%dma_wait3A_158 : memref<!tpu.dma_semaphore, #tpu.memory_space<semaphore_mem>>) src(%dma_wait3A_161 : memref<3584xf32, #tpu.memory_space<hbm>>) dst(%arg11 : memref<3584xf32, #tpu.memory_space<vmem>>)
    %dma_wait3A_162 = arith.constant 1 : i32
    %dma_wait3A_163 = arith.constant 2 : i32
    %dma_wait3A_164 = arith.constant 1 : i32
    %dma_wait3A_165 = arith.constant 0 : i32
    %dma_wait3A_166 = tpu.memref_slice %arg5[%dma_wait3A_162, %add3A, %dma_wait3A_165] : memref<3x32x3584xf32, #tpu.memory_space<hbm>> -> memref<1x1x3584xf32, #tpu.memory_space<hbm>>
    %dma_wait3A_167 = tpu.memref_squeeze %dma_wait3A_166 : memref<1x1x3584xf32, #tpu.memory_space<hbm>> -> memref<3584xf32, #tpu.memory_space<hbm>>
    %dma_wait3A_168 = tpu.memref_slice %arg21[%dma_wait3A_163, %dma_wait3A_164] : memref<3x3x!tpu.dma_semaphore, #tpu.memory_space<semaphore_mem>> -> memref<1x1x!tpu.dma_semaphore, #tpu.memory_space<semaphore_mem>>
    %dma_wait3A_169 = tpu.memref_squeeze %dma_wait3A_168 : memref<1x1x!tpu.dma_semaphore, #tpu.memory_space<semaphore_mem>> -> memref<!tpu.dma_semaphore, #tpu.memory_space<semaphore_mem>>
    %dma_wait3A_170 = arith.constant 0 : i32
    %dma_wait3A_171 = tpu.memref_slice %arg5[%dma_wait3A_162, %add3A, %dma_wait3A_170] : memref<3x32x3584xf32, #tpu.memory_space<hbm>> -> memref<1x1x3584xf32, #tpu.memory_space<hbm>>
    %dma_wait3A_172 = tpu.memref_squeeze %dma_wait3A_171 : memref<1x1x3584xf32, #tpu.memory_space<hbm>> -> memref<3584xf32, #tpu.memory_space<hbm>>
    tpu.wait_dma2 semaphore(%dma_wait3A_169 : memref<!tpu.dma_semaphore, #tpu.memory_space<semaphore_mem>>) src(%dma_wait3A_172 : memref<3584xf32, #tpu.memory_space<hbm>>) dst(%arg14 : memref<3584xf32, #tpu.memory_space<vmem>>)
    %dma_wait3A_173 = arith.constant 2 : i32
    %dma_wait3A_174 = arith.constant 0 : i32
    %dma_wait3A_175 = arith.constant 2 : i32
    %dma_wait3A_176 = arith.constant 0 : i32
    %dma_wait3A_177 = tpu.memref_slice %arg3[%dma_wait3A_173, %add3A, %dma_wait3A_176] : memref<3x32x3584xi32, #tpu.memory_space<hbm>> -> memref<1x1x3584xi32, #tpu.memory_space<hbm>>
    %dma_wait3A_178 = tpu.memref_squeeze %dma_wait3A_177 : memref<1x1x3584xi32, #tpu.memory_space<hbm>> -> memref<3584xi32, #tpu.memory_space<hbm>>
    %dma_wait3A_179 = tpu.memref_slice %arg21[%dma_wait3A_174, %dma_wait3A_175] : memref<3x3x!tpu.dma_semaphore, #tpu.memory_space<semaphore_mem>> -> memref<1x1x!tpu.dma_semaphore, #tpu.memory_space<semaphore_mem>>
    %dma_wait3A_180 = tpu.memref_squeeze %dma_wait3A_179 : memref<1x1x!tpu.dma_semaphore, #tpu.memory_space<semaphore_mem>> -> memref<!tpu.dma_semaphore, #tpu.memory_space<semaphore_mem>>
    %dma_wait3A_181 = arith.constant 0 : i32
    %dma_wait3A_182 = tpu.memref_slice %arg3[%dma_wait3A_173, %add3A, %dma_wait3A_181] : memref<3x32x3584xi32, #tpu.memory_space<hbm>> -> memref<1x1x3584xi32, #tpu.memory_space<hbm>>
    %dma_wait3A_183 = tpu.memref_squeeze %dma_wait3A_182 : memref<1x1x3584xi32, #tpu.memory_space<hbm>> -> memref<3584xi32, #tpu.memory_space<hbm>>
    tpu.wait_dma2 semaphore(%dma_wait3A_180 : memref<!tpu.dma_semaphore, #tpu.memory_space<semaphore_mem>>) src(%dma_wait3A_183 : memref<3584xi32, #tpu.memory_space<hbm>>) dst(%arg9 : memref<3584xi32, #tpu.memory_space<vmem>>)
    %dma_wait3A_184 = arith.constant 2 : i32
    %dma_wait3A_185 = arith.constant 1 : i32
    %dma_wait3A_186 = arith.constant 2 : i32
    %dma_wait3A_187 = arith.constant 0 : i32
    %dma_wait3A_188 = tpu.memref_slice %arg4[%dma_wait3A_184, %add3A, %dma_wait3A_187] : memref<3x32x3584xf32, #tpu.memory_space<hbm>> -> memref<1x1x3584xf32, #tpu.memory_space<hbm>>
    %dma_wait3A_189 = tpu.memref_squeeze %dma_wait3A_188 : memref<1x1x3584xf32, #tpu.memory_space<hbm>> -> memref<3584xf32, #tpu.memory_space<hbm>>
    %dma_wait3A_190 = tpu.memref_slice %arg21[%dma_wait3A_185, %dma_wait3A_186] : memref<3x3x!tpu.dma_semaphore, #tpu.memory_space<semaphore_mem>> -> memref<1x1x!tpu.dma_semaphore, #tpu.memory_space<semaphore_mem>>
    %dma_wait3A_191 = tpu.memref_squeeze %dma_wait3A_190 : memref<1x1x!tpu.dma_semaphore, #tpu.memory_space<semaphore_mem>> -> memref<!tpu.dma_semaphore, #tpu.memory_space<semaphore_mem>>
    %dma_wait3A_192 = arith.constant 0 : i32
    %dma_wait3A_193 = tpu.memref_slice %arg4[%dma_wait3A_184, %add3A, %dma_wait3A_192] : memref<3x32x3584xf32, #tpu.memory_space<hbm>> -> memref<1x1x3584xf32, #tpu.memory_space<hbm>>
    %dma_wait3A_194 = tpu.memref_squeeze %dma_wait3A_193 : memref<1x1x3584xf32, #tpu.memory_space<hbm>> -> memref<3584xf32, #tpu.memory_space<hbm>>
    tpu.wait_dma2 semaphore(%dma_wait3A_191 : memref<!tpu.dma_semaphore, #tpu.memory_space<semaphore_mem>>) src(%dma_wait3A_194 : memref<3584xf32, #tpu.memory_space<hbm>>) dst(%arg12 : memref<3584xf32, #tpu.memory_space<vmem>>)
    %dma_wait3A_195 = arith.constant 2 : i32
    %dma_wait3A_196 = arith.constant 2 : i32
    %dma_wait3A_197 = arith.constant 2 : i32
    %dma_wait3A_198 = arith.constant 0 : i32
    %dma_wait3A_199 = tpu.memref_slice %arg5[%dma_wait3A_195, %add3A, %dma_wait3A_198] : memref<3x32x3584xf32, #tpu.memory_space<hbm>> -> memref<1x1x3584xf32, #tpu.memory_space<hbm>>
    %dma_wait3A_200 = tpu.memref_squeeze %dma_wait3A_199 : memref<1x1x3584xf32, #tpu.memory_space<hbm>> -> memref<3584xf32, #tpu.memory_space<hbm>>
    %dma_wait3A_201 = tpu.memref_slice %arg21[%dma_wait3A_196, %dma_wait3A_197] : memref<3x3x!tpu.dma_semaphore, #tpu.memory_space<semaphore_mem>> -> memref<1x1x!tpu.dma_semaphore, #tpu.memory_space<semaphore_mem>>
    %dma_wait3A_202 = tpu.memref_squeeze %dma_wait3A_201 : memref<1x1x!tpu.dma_semaphore, #tpu.memory_space<semaphore_mem>> -> memref<!tpu.dma_semaphore, #tpu.memory_space<semaphore_mem>>
    %dma_wait3A_203 = arith.constant 0 : i32
    %dma_wait3A_204 = tpu.memref_slice %arg5[%dma_wait3A_195, %add3A, %dma_wait3A_203] : memref<3x32x3584xf32, #tpu.memory_space<hbm>> -> memref<1x1x3584xf32, #tpu.memory_space<hbm>>
    %dma_wait3A_205 = tpu.memref_squeeze %dma_wait3A_204 : memref<1x1x3584xf32, #tpu.memory_space<hbm>> -> memref<3584xf32, #tpu.memory_space<hbm>>
    tpu.wait_dma2 semaphore(%dma_wait3A_202 : memref<!tpu.dma_semaphore, #tpu.memory_space<semaphore_mem>>) src(%dma_wait3A_205 : memref<3584xf32, #tpu.memory_space<hbm>>) dst(%arg15 : memref<3584xf32, #tpu.memory_space<vmem>>)
    %barrier3A = arith.constant 0 : index
    tpu.barrier barrier_id(%barrier3A)
    %multiple_of3A = arith.constant 0 : i32
    %multiple_of3A_206 = tpu.assume_multiple %multiple_of3A, 256 : i32
    %dma_start3A_207 = arith.constant 0 : i32
    %dma_start3A_208 = arith.constant 0 : i32
    %dma_start3A_209 = arith.constant 0 : i32
    %dma_start3A_210 = arith.constant 0 : i32
    %dma_start3A_211 = arith.constant 0 : i32
    %dma_start3A_212 = tpu.memref_slice %arg16[%dma_start3A_208, %dma_start3A_211] : memref<9x256xf32, #tpu.memory_space<vmem>> -> memref<1x256xf32, #tpu.memory_space<vmem>>
    %dma_start3A_213 = tpu.memref_squeeze %dma_start3A_212 : memref<1x256xf32, #tpu.memory_space<vmem>> -> memref<256xf32, #tpu.memory_space<vmem>>
    %dma_start3A_214 = tpu.memref_slice %arg7[%multiple_of3A_206] : memref<3584xi32, #tpu.memory_space<vmem>> -> memref<256xi32, #tpu.memory_space<vmem>>
    %dma_start3A_215 = arith.constant 0 : i32
    %dma_start3A_216 = tpu.memref_slice %arg19[%dma_start3A_207, %dma_start3A_215] : memref<9x50000xf32, #tpu.memory_space<vmem_shared>> -> memref<1x50000xf32, #tpu.memory_space<vmem_shared>>
    %dma_start3A_217 = tpu.memref_squeeze %dma_start3A_216 : memref<1x50000xf32, #tpu.memory_space<vmem_shared>> -> memref<50000xf32, #tpu.memory_space<vmem_shared>>
    %dma_start3A_218 = arith.constant 0 : i32
    %dma_start3A_219 = tpu.memref_slice %dma_start3A_217[%dma_start3A_218] : memref<50000xf32, #tpu.memory_space<vmem_shared>> -> memref<50000xf32, #tpu.memory_space<vmem_shared>>
    %dma_start3A_220 = tpu.memref_slice %arg20[%dma_start3A_209, %dma_start3A_210] : memref<2x9x!tpu.dma_semaphore, #tpu.memory_space<semaphore_mem>> -> memref<1x1x!tpu.dma_semaphore, #tpu.memory_space<semaphore_mem>>
    %dma_start3A_221 = tpu.memref_squeeze %dma_start3A_220 : memref<1x1x!tpu.dma_semaphore, #tpu.memory_space<semaphore_mem>> -> memref<!tpu.dma_semaphore, #tpu.memory_space<semaphore_mem>>
    tpu.enqueue_indirect_dma source(%dma_start3A_219 : memref<50000xf32, #tpu.memory_space<vmem_shared>>) target(%dma_start3A_213 : memref<256xf32, #tpu.memory_space<vmem>>) offsets(%dma_start3A_214 : memref<256xi32, #tpu.memory_space<vmem>>) semaphore(%dma_start3A_221 : memref<!tpu.dma_semaphore, #tpu.memory_space<semaphore_mem>>)
    %dma_start3A_222 = arith.constant 1 : i32
    %dma_start3A_223 = arith.constant 1 : i32
    %dma_start3A_224 = arith.constant 0 : i32
    %dma_start3A_225 = arith.constant 1 : i32
    %dma_start3A_226 = arith.constant 0 : i32
    %dma_start3A_227 = tpu.memref_slice %arg16[%dma_start3A_223, %dma_start3A_226] : memref<9x256xf32, #tpu.memory_space<vmem>> -> memref<1x256xf32, #tpu.memory_space<vmem>>
    %dma_start3A_228 = tpu.memref_squeeze %dma_start3A_227 : memref<1x256xf32, #tpu.memory_space<vmem>> -> memref<256xf32, #tpu.memory_space<vmem>>
    %dma_start3A_229 = tpu.memref_slice %arg7[%multiple_of3A_206] : memref<3584xi32, #tpu.memory_space<vmem>> -> memref<256xi32, #tpu.memory_space<vmem>>
    %dma_start3A_230 = arith.constant 0 : i32
    %dma_start3A_231 = tpu.memref_slice %arg19[%dma_start3A_222, %dma_start3A_230] : memref<9x50000xf32, #tpu.memory_space<vmem_shared>> -> memref<1x50000xf32, #tpu.memory_space<vmem_shared>>
    %dma_start3A_232 = tpu.memref_squeeze %dma_start3A_231 : memref<1x50000xf32, #tpu.memory_space<vmem_shared>> -> memref<50000xf32, #tpu.memory_space<vmem_shared>>
    %dma_start3A_233 = arith.constant 0 : i32
    %dma_start3A_234 = tpu.memref_slice %dma_start3A_232[%dma_start3A_233] : memref<50000xf32, #tpu.memory_space<vmem_shared>> -> memref<50000xf32, #tpu.memory_space<vmem_shared>>
    %dma_start3A_235 = tpu.memref_slice %arg20[%dma_start3A_224, %dma_start3A_225] : memref<2x9x!tpu.dma_semaphore, #tpu.memory_space<semaphore_mem>> -> memref<1x1x!tpu.dma_semaphore, #tpu.memory_space<semaphore_mem>>
    %dma_start3A_236 = tpu.memref_squeeze %dma_start3A_235 : memref<1x1x!tpu.dma_semaphore, #tpu.memory_space<semaphore_mem>> -> memref<!tpu.dma_semaphore, #tpu.memory_space<semaphore_mem>>
    tpu.enqueue_indirect_dma source(%dma_start3A_234 : memref<50000xf32, #tpu.memory_space<vmem_shared>>) target(%dma_start3A_228 : memref<256xf32, #tpu.memory_space<vmem>>) offsets(%dma_start3A_229 : memref<256xi32, #tpu.memory_space<vmem>>) semaphore(%dma_start3A_236 : memref<!tpu.dma_semaphore, #tpu.memory_space<semaphore_mem>>)
    %dma_start3A_237 = arith.constant 2 : i32
    %dma_start3A_238 = arith.constant 2 : i32
    %dma_start3A_239 = arith.constant 0 : i32
    %dma_start3A_240 = arith.constant 2 : i32
    %dma_start3A_241 = arith.constant 0 : i32
    %dma_start3A_242 = tpu.memref_slice %arg16[%dma_start3A_238, %dma_start3A_241] : memref<9x256xf32, #tpu.memory_space<vmem>> -> memref<1x256xf32, #tpu.memory_space<vmem>>
    %dma_start3A_243 = tpu.memref_squeeze %dma_start3A_242 : memref<1x256xf32, #tpu.memory_space<vmem>> -> memref<256xf32, #tpu.memory_space<vmem>>
    %dma_start3A_244 = tpu.memref_slice %arg7[%multiple_of3A_206] : memref<3584xi32, #tpu.memory_space<vmem>> -> memref<256xi32, #tpu.memory_space<vmem>>
    %dma_start3A_245 = arith.constant 0 : i32
    %dma_start3A_246 = tpu.memref_slice %arg19[%dma_start3A_237, %dma_start3A_245] : memref<9x50000xf32, #tpu.memory_space<vmem_shared>> -> memref<1x50000xf32, #tpu.memory_space<vmem_shared>>
    %dma_start3A_247 = tpu.memref_squeeze %dma_start3A_246 : memref<1x50000xf32, #tpu.memory_space<vmem_shared>> -> memref<50000xf32, #tpu.memory_space<vmem_shared>>
    %dma_start3A_248 = arith.constant 0 : i32
    %dma_start3A_249 = tpu.memref_slice %dma_start3A_247[%dma_start3A_248] : memref<50000xf32, #tpu.memory_space<vmem_shared>> -> memref<50000xf32, #tpu.memory_space<vmem_shared>>
    %dma_start3A_250 = tpu.memref_slice %arg20[%dma_start3A_239, %dma_start3A_240] : memref<2x9x!tpu.dma_semaphore, #tpu.memory_space<semaphore_mem>> -> memref<1x1x!tpu.dma_semaphore, #tpu.memory_space<semaphore_mem>>
    %dma_start3A_251 = tpu.memref_squeeze %dma_start3A_250 : memref<1x1x!tpu.dma_semaphore, #tpu.memory_space<semaphore_mem>> -> memref<!tpu.dma_semaphore, #tpu.memory_space<semaphore_mem>>
    tpu.enqueue_indirect_dma source(%dma_start3A_249 : memref<50000xf32, #tpu.memory_space<vmem_shared>>) target(%dma_start3A_243 : memref<256xf32, #tpu.memory_space<vmem>>) offsets(%dma_start3A_244 : memref<256xi32, #tpu.memory_space<vmem>>) semaphore(%dma_start3A_251 : memref<!tpu.dma_semaphore, #tpu.memory_space<semaphore_mem>>)
    %dma_start3A_252 = arith.constant 3 : i32
    %dma_start3A_253 = arith.constant 3 : i32
    %dma_start3A_254 = arith.constant 0 : i32
    %dma_start3A_255 = arith.constant 3 : i32
    %dma_start3A_256 = arith.constant 0 : i32
    %dma_start3A_257 = tpu.memref_slice %arg16[%dma_start3A_253, %dma_start3A_256] : memref<9x256xf32, #tpu.memory_space<vmem>> -> memref<1x256xf32, #tpu.memory_space<vmem>>
    %dma_start3A_258 = tpu.memref_squeeze %dma_start3A_257 : memref<1x256xf32, #tpu.memory_space<vmem>> -> memref<256xf32, #tpu.memory_space<vmem>>
    %dma_start3A_259 = tpu.memref_slice %arg8[%multiple_of3A_206] : memref<3584xi32, #tpu.memory_space<vmem>> -> memref<256xi32, #tpu.memory_space<vmem>>
    %dma_start3A_260 = arith.constant 0 : i32
    %dma_start3A_261 = tpu.memref_slice %arg19[%dma_start3A_252, %dma_start3A_260] : memref<9x50000xf32, #tpu.memory_space<vmem_shared>> -> memref<1x50000xf32, #tpu.memory_space<vmem_shared>>
    %dma_start3A_262 = tpu.memref_squeeze %dma_start3A_261 : memref<1x50000xf32, #tpu.memory_space<vmem_shared>> -> memref<50000xf32, #tpu.memory_space<vmem_shared>>
    %dma_start3A_263 = arith.constant 0 : i32
    %dma_start3A_264 = tpu.memref_slice %dma_start3A_262[%dma_start3A_263] : memref<50000xf32, #tpu.memory_space<vmem_shared>> -> memref<50000xf32, #tpu.memory_space<vmem_shared>>
    %dma_start3A_265 = tpu.memref_slice %arg20[%dma_start3A_254, %dma_start3A_255] : memref<2x9x!tpu.dma_semaphore, #tpu.memory_space<semaphore_mem>> -> memref<1x1x!tpu.dma_semaphore, #tpu.memory_space<semaphore_mem>>
    %dma_start3A_266 = tpu.memref_squeeze %dma_start3A_265 : memref<1x1x!tpu.dma_semaphore, #tpu.memory_space<semaphore_mem>> -> memref<!tpu.dma_semaphore, #tpu.memory_space<semaphore_mem>>
    tpu.enqueue_indirect_dma source(%dma_start3A_264 : memref<50000xf32, #tpu.memory_space<vmem_shared>>) target(%dma_start3A_258 : memref<256xf32, #tpu.memory_space<vmem>>) offsets(%dma_start3A_259 : memref<256xi32, #tpu.memory_space<vmem>>) semaphore(%dma_start3A_266 : memref<!tpu.dma_semaphore, #tpu.memory_space<semaphore_mem>>)
    %dma_start3A_267 = arith.constant 4 : i32
    %dma_start3A_268 = arith.constant 4 : i32
    %dma_start3A_269 = arith.constant 0 : i32
    %dma_start3A_270 = arith.constant 4 : i32
    %dma_start3A_271 = arith.constant 0 : i32
    %dma_start3A_272 = tpu.memref_slice %arg16[%dma_start3A_268, %dma_start3A_271] : memref<9x256xf32, #tpu.memory_space<vmem>> -> memref<1x256xf32, #tpu.memory_space<vmem>>
    %dma_start3A_273 = tpu.memref_squeeze %dma_start3A_272 : memref<1x256xf32, #tpu.memory_space<vmem>> -> memref<256xf32, #tpu.memory_space<vmem>>
    %dma_start3A_274 = tpu.memref_slice %arg8[%multiple_of3A_206] : memref<3584xi32, #tpu.memory_space<vmem>> -> memref<256xi32, #tpu.memory_space<vmem>>
    %dma_start3A_275 = arith.constant 0 : i32
    %dma_start3A_276 = tpu.memref_slice %arg19[%dma_start3A_267, %dma_start3A_275] : memref<9x50000xf32, #tpu.memory_space<vmem_shared>> -> memref<1x50000xf32, #tpu.memory_space<vmem_shared>>
    %dma_start3A_277 = tpu.memref_squeeze %dma_start3A_276 : memref<1x50000xf32, #tpu.memory_space<vmem_shared>> -> memref<50000xf32, #tpu.memory_space<vmem_shared>>
    %dma_start3A_278 = arith.constant 0 : i32
    %dma_start3A_279 = tpu.memref_slice %dma_start3A_277[%dma_start3A_278] : memref<50000xf32, #tpu.memory_space<vmem_shared>> -> memref<50000xf32, #tpu.memory_space<vmem_shared>>
    %dma_start3A_280 = tpu.memref_slice %arg20[%dma_start3A_269, %dma_start3A_270] : memref<2x9x!tpu.dma_semaphore, #tpu.memory_space<semaphore_mem>> -> memref<1x1x!tpu.dma_semaphore, #tpu.memory_space<semaphore_mem>>
    %dma_start3A_281 = tpu.memref_squeeze %dma_start3A_280 : memref<1x1x!tpu.dma_semaphore, #tpu.memory_space<semaphore_mem>> -> memref<!tpu.dma_semaphore, #tpu.memory_space<semaphore_mem>>
    tpu.enqueue_indirect_dma source(%dma_start3A_279 : memref<50000xf32, #tpu.memory_space<vmem_shared>>) target(%dma_start3A_273 : memref<256xf32, #tpu.memory_space<vmem>>) offsets(%dma_start3A_274 : memref<256xi32, #tpu.memory_space<vmem>>) semaphore(%dma_start3A_281 : memref<!tpu.dma_semaphore, #tpu.memory_space<semaphore_mem>>)
    %dma_start3A_282 = arith.constant 5 : i32
    %dma_start3A_283 = arith.constant 5 : i32
    %dma_start3A_284 = arith.constant 0 : i32
    %dma_start3A_285 = arith.constant 5 : i32
    %dma_start3A_286 = arith.constant 0 : i32
    %dma_start3A_287 = tpu.memref_slice %arg16[%dma_start3A_283, %dma_start3A_286] : memref<9x256xf32, #tpu.memory_space<vmem>> -> memref<1x256xf32, #tpu.memory_space<vmem>>
    %dma_start3A_288 = tpu.memref_squeeze %dma_start3A_287 : memref<1x256xf32, #tpu.memory_space<vmem>> -> memref<256xf32, #tpu.memory_space<vmem>>
    %dma_start3A_289 = tpu.memref_slice %arg8[%multiple_of3A_206] : memref<3584xi32, #tpu.memory_space<vmem>> -> memref<256xi32, #tpu.memory_space<vmem>>
    %dma_start3A_290 = arith.constant 0 : i32
    %dma_start3A_291 = tpu.memref_slice %arg19[%dma_start3A_282, %dma_start3A_290] : memref<9x50000xf32, #tpu.memory_space<vmem_shared>> -> memref<1x50000xf32, #tpu.memory_space<vmem_shared>>
    %dma_start3A_292 = tpu.memref_squeeze %dma_start3A_291 : memref<1x50000xf32, #tpu.memory_space<vmem_shared>> -> memref<50000xf32, #tpu.memory_space<vmem_shared>>
    %dma_start3A_293 = arith.constant 0 : i32
    %dma_start3A_294 = tpu.memref_slice %dma_start3A_292[%dma_start3A_293] : memref<50000xf32, #tpu.memory_space<vmem_shared>> -> memref<50000xf32, #tpu.memory_space<vmem_shared>>
    %dma_start3A_295 = tpu.memref_slice %arg20[%dma_start3A_284, %dma_start3A_285] : memref<2x9x!tpu.dma_semaphore, #tpu.memory_space<semaphore_mem>> -> memref<1x1x!tpu.dma_semaphore, #tpu.memory_space<semaphore_mem>>
    %dma_start3A_296 = tpu.memref_squeeze %dma_start3A_295 : memref<1x1x!tpu.dma_semaphore, #tpu.memory_space<semaphore_mem>> -> memref<!tpu.dma_semaphore, #tpu.memory_space<semaphore_mem>>
    tpu.enqueue_indirect_dma source(%dma_start3A_294 : memref<50000xf32, #tpu.memory_space<vmem_shared>>) target(%dma_start3A_288 : memref<256xf32, #tpu.memory_space<vmem>>) offsets(%dma_start3A_289 : memref<256xi32, #tpu.memory_space<vmem>>) semaphore(%dma_start3A_296 : memref<!tpu.dma_semaphore, #tpu.memory_space<semaphore_mem>>)
    %dma_start3A_297 = arith.constant 6 : i32
    %dma_start3A_298 = arith.constant 6 : i32
    %dma_start3A_299 = arith.constant 0 : i32
    %dma_start3A_300 = arith.constant 6 : i32
    %dma_start3A_301 = arith.constant 0 : i32
    %dma_start3A_302 = tpu.memref_slice %arg16[%dma_start3A_298, %dma_start3A_301] : memref<9x256xf32, #tpu.memory_space<vmem>> -> memref<1x256xf32, #tpu.memory_space<vmem>>
    %dma_start3A_303 = tpu.memref_squeeze %dma_start3A_302 : memref<1x256xf32, #tpu.memory_space<vmem>> -> memref<256xf32, #tpu.memory_space<vmem>>
    %dma_start3A_304 = tpu.memref_slice %arg9[%multiple_of3A_206] : memref<3584xi32, #tpu.memory_space<vmem>> -> memref<256xi32, #tpu.memory_space<vmem>>
    %dma_start3A_305 = arith.constant 0 : i32
    %dma_start3A_306 = tpu.memref_slice %arg19[%dma_start3A_297, %dma_start3A_305] : memref<9x50000xf32, #tpu.memory_space<vmem_shared>> -> memref<1x50000xf32, #tpu.memory_space<vmem_shared>>
    %dma_start3A_307 = tpu.memref_squeeze %dma_start3A_306 : memref<1x50000xf32, #tpu.memory_space<vmem_shared>> -> memref<50000xf32, #tpu.memory_space<vmem_shared>>
    %dma_start3A_308 = arith.constant 0 : i32
    %dma_start3A_309 = tpu.memref_slice %dma_start3A_307[%dma_start3A_308] : memref<50000xf32, #tpu.memory_space<vmem_shared>> -> memref<50000xf32, #tpu.memory_space<vmem_shared>>
    %dma_start3A_310 = tpu.memref_slice %arg20[%dma_start3A_299, %dma_start3A_300] : memref<2x9x!tpu.dma_semaphore, #tpu.memory_space<semaphore_mem>> -> memref<1x1x!tpu.dma_semaphore, #tpu.memory_space<semaphore_mem>>
    %dma_start3A_311 = tpu.memref_squeeze %dma_start3A_310 : memref<1x1x!tpu.dma_semaphore, #tpu.memory_space<semaphore_mem>> -> memref<!tpu.dma_semaphore, #tpu.memory_space<semaphore_mem>>
    tpu.enqueue_indirect_dma source(%dma_start3A_309 : memref<50000xf32, #tpu.memory_space<vmem_shared>>) target(%dma_start3A_303 : memref<256xf32, #tpu.memory_space<vmem>>) offsets(%dma_start3A_304 : memref<256xi32, #tpu.memory_space<vmem>>) semaphore(%dma_start3A_311 : memref<!tpu.dma_semaphore, #tpu.memory_space<semaphore_mem>>)
    %dma_start3A_312 = arith.constant 7 : i32
    %dma_start3A_313 = arith.constant 7 : i32
    %dma_start3A_314 = arith.constant 0 : i32
    %dma_start3A_315 = arith.constant 7 : i32
    %dma_start3A_316 = arith.constant 0 : i32
    %dma_start3A_317 = tpu.memref_slice %arg16[%dma_start3A_313, %dma_start3A_316] : memref<9x256xf32, #tpu.memory_space<vmem>> -> memref<1x256xf32, #tpu.memory_space<vmem>>
    %dma_start3A_318 = tpu.memref_squeeze %dma_start3A_317 : memref<1x256xf32, #tpu.memory_space<vmem>> -> memref<256xf32, #tpu.memory_space<vmem>>
    %dma_start3A_319 = tpu.memref_slice %arg9[%multiple_of3A_206] : memref<3584xi32, #tpu.memory_space<vmem>> -> memref<256xi32, #tpu.memory_space<vmem>>
    %dma_start3A_320 = arith.constant 0 : i32
    %dma_start3A_321 = tpu.memref_slice %arg19[%dma_start3A_312, %dma_start3A_320] : memref<9x50000xf32, #tpu.memory_space<vmem_shared>> -> memref<1x50000xf32, #tpu.memory_space<vmem_shared>>
    %dma_start3A_322 = tpu.memref_squeeze %dma_start3A_321 : memref<1x50000xf32, #tpu.memory_space<vmem_shared>> -> memref<50000xf32, #tpu.memory_space<vmem_shared>>
    %dma_start3A_323 = arith.constant 0 : i32
    %dma_start3A_324 = tpu.memref_slice %dma_start3A_322[%dma_start3A_323] : memref<50000xf32, #tpu.memory_space<vmem_shared>> -> memref<50000xf32, #tpu.memory_space<vmem_shared>>
    %dma_start3A_325 = tpu.memref_slice %arg20[%dma_start3A_314, %dma_start3A_315] : memref<2x9x!tpu.dma_semaphore, #tpu.memory_space<semaphore_mem>> -> memref<1x1x!tpu.dma_semaphore, #tpu.memory_space<semaphore_mem>>
    %dma_start3A_326 = tpu.memref_squeeze %dma_start3A_325 : memref<1x1x!tpu.dma_semaphore, #tpu.memory_space<semaphore_mem>> -> memref<!tpu.dma_semaphore, #tpu.memory_space<semaphore_mem>>
    tpu.enqueue_indirect_dma source(%dma_start3A_324 : memref<50000xf32, #tpu.memory_space<vmem_shared>>) target(%dma_start3A_318 : memref<256xf32, #tpu.memory_space<vmem>>) offsets(%dma_start3A_319 : memref<256xi32, #tpu.memory_space<vmem>>) semaphore(%dma_start3A_326 : memref<!tpu.dma_semaphore, #tpu.memory_space<semaphore_mem>>)
    %dma_start3A_327 = arith.constant 8 : i32
    %dma_start3A_328 = arith.constant 8 : i32
    %dma_start3A_329 = arith.constant 0 : i32
    %dma_start3A_330 = arith.constant 8 : i32
    %dma_start3A_331 = arith.constant 0 : i32
    %dma_start3A_332 = tpu.memref_slice %arg16[%dma_start3A_328, %dma_start3A_331] : memref<9x256xf32, #tpu.memory_space<vmem>> -> memref<1x256xf32, #tpu.memory_space<vmem>>
    %dma_start3A_333 = tpu.memref_squeeze %dma_start3A_332 : memref<1x256xf32, #tpu.memory_space<vmem>> -> memref<256xf32, #tpu.memory_space<vmem>>
    %dma_start3A_334 = tpu.memref_slice %arg9[%multiple_of3A_206] : memref<3584xi32, #tpu.memory_space<vmem>> -> memref<256xi32, #tpu.memory_space<vmem>>
    %dma_start3A_335 = arith.constant 0 : i32
    %dma_start3A_336 = tpu.memref_slice %arg19[%dma_start3A_327, %dma_start3A_335] : memref<9x50000xf32, #tpu.memory_space<vmem_shared>> -> memref<1x50000xf32, #tpu.memory_space<vmem_shared>>
    %dma_start3A_337 = tpu.memref_squeeze %dma_start3A_336 : memref<1x50000xf32, #tpu.memory_space<vmem_shared>> -> memref<50000xf32, #tpu.memory_space<vmem_shared>>
    %dma_start3A_338 = arith.constant 0 : i32
    %dma_start3A_339 = tpu.memref_slice %dma_start3A_337[%dma_start3A_338] : memref<50000xf32, #tpu.memory_space<vmem_shared>> -> memref<50000xf32, #tpu.memory_space<vmem_shared>>
    %dma_start3A_340 = tpu.memref_slice %arg20[%dma_start3A_329, %dma_start3A_330] : memref<2x9x!tpu.dma_semaphore, #tpu.memory_space<semaphore_mem>> -> memref<1x1x!tpu.dma_semaphore, #tpu.memory_space<semaphore_mem>>
    %dma_start3A_341 = tpu.memref_squeeze %dma_start3A_340 : memref<1x1x!tpu.dma_semaphore, #tpu.memory_space<semaphore_mem>> -> memref<!tpu.dma_semaphore, #tpu.memory_space<semaphore_mem>>
    tpu.enqueue_indirect_dma source(%dma_start3A_339 : memref<50000xf32, #tpu.memory_space<vmem_shared>>) target(%dma_start3A_333 : memref<256xf32, #tpu.memory_space<vmem>>) offsets(%dma_start3A_334 : memref<256xi32, #tpu.memory_space<vmem>>) semaphore(%dma_start3A_341 : memref<!tpu.dma_semaphore, #tpu.memory_space<semaphore_mem>>)
    %scan3A_342 = arith.constant 0 : i32
    %scan3A_343 = arith.constant 0 : i32
    %scan3A_344 = arith.constant 7 : i32
    %scan3A_345 = arith.addi %scan3A_343, %scan3A_344 : i32
    %scan3A_346 = arith.constant 1 : i32
    %scan3A_347 = scf.for %scan3A_349 = %scan3A_343 to %scan3A_345 step %scan3A_346 iter_args(%scan3A_350 = %scan3A_342) -> (i32)  : i32 {
      %mul3A_351 = arith.constant 2 : i32
      %mul3A_352 = arith.muli %mul3A_351, %scan3A_349 : i32
      %add3A_353 = arith.constant 1 : i32
      %add3A_354 = arith.addi %mul3A_352, %add3A_353 : i32
      %mul3A_355 = arith.constant 256 : i32
      %mul3A_356 = arith.muli %add3A_354, %mul3A_355 : i32
      %multiple_of3A_357 = tpu.assume_multiple %mul3A_356, 256 : i32
      %dma_start3A_358 = arith.constant 0 : i32
      %dma_start3A_359 = arith.constant 0 : i32
      %dma_start3A_360 = arith.constant 1 : i32
      %dma_start3A_361 = arith.constant 0 : i32
      %dma_start3A_362 = arith.constant 0 : i32
      %dma_start3A_363 = tpu.memref_slice %arg17[%dma_start3A_359, %dma_start3A_362] : memref<9x256xf32, #tpu.memory_space<vmem>> -> memref<1x256xf32, #tpu.memory_space<vmem>>
      %dma_start3A_364 = tpu.memref_squeeze %dma_start3A_363 : memref<1x256xf32, #tpu.memory_space<vmem>> -> memref<256xf32, #tpu.memory_space<vmem>>
      %dma_start3A_365 = tpu.memref_slice %arg7[%multiple_of3A_357] : memref<3584xi32, #tpu.memory_space<vmem>> -> memref<256xi32, #tpu.memory_space<vmem>>
      %dma_start3A_366 = arith.constant 0 : i32
      %dma_start3A_367 = tpu.memref_slice %arg19[%dma_start3A_358, %dma_start3A_366] : memref<9x50000xf32, #tpu.memory_space<vmem_shared>> -> memref<1x50000xf32, #tpu.memory_space<vmem_shared>>
      %dma_start3A_368 = tpu.memref_squeeze %dma_start3A_367 : memref<1x50000xf32, #tpu.memory_space<vmem_shared>> -> memref<50000xf32, #tpu.memory_space<vmem_shared>>
      %dma_start3A_369 = arith.constant 0 : i32
      %dma_start3A_370 = tpu.memref_slice %dma_start3A_368[%dma_start3A_369] : memref<50000xf32, #tpu.memory_space<vmem_shared>> -> memref<50000xf32, #tpu.memory_space<vmem_shared>>
      %dma_start3A_371 = tpu.memref_slice %arg20[%dma_start3A_360, %dma_start3A_361] : memref<2x9x!tpu.dma_semaphore, #tpu.memory_space<semaphore_mem>> -> memref<1x1x!tpu.dma_semaphore, #tpu.memory_space<semaphore_mem>>
      %dma_start3A_372 = tpu.memref_squeeze %dma_start3A_371 : memref<1x1x!tpu.dma_semaphore, #tpu.memory_space<semaphore_mem>> -> memref<!tpu.dma_semaphore, #tpu.memory_space<semaphore_mem>>
      tpu.enqueue_indirect_dma source(%dma_start3A_370 : memref<50000xf32, #tpu.memory_space<vmem_shared>>) target(%dma_start3A_364 : memref<256xf32, #tpu.memory_space<vmem>>) offsets(%dma_start3A_365 : memref<256xi32, #tpu.memory_space<vmem>>) semaphore(%dma_start3A_372 : memref<!tpu.dma_semaphore, #tpu.memory_space<semaphore_mem>>)
      %dma_start3A_373 = arith.constant 1 : i32
      %dma_start3A_374 = arith.constant 1 : i32
      %dma_start3A_375 = arith.constant 1 : i32
      %dma_start3A_376 = arith.constant 1 : i32
      %dma_start3A_377 = arith.constant 0 : i32
      %dma_start3A_378 = tpu.memref_slice %arg17[%dma_start3A_374, %dma_start3A_377] : memref<9x256xf32, #tpu.memory_space<vmem>> -> memref<1x256xf32, #tpu.memory_space<vmem>>
      %dma_start3A_379 = tpu.memref_squeeze %dma_start3A_378 : memref<1x256xf32, #tpu.memory_space<vmem>> -> memref<256xf32, #tpu.memory_space<vmem>>
      %dma_start3A_380 = tpu.memref_slice %arg7[%multiple_of3A_357] : memref<3584xi32, #tpu.memory_space<vmem>> -> memref<256xi32, #tpu.memory_space<vmem>>
      %dma_start3A_381 = arith.constant 0 : i32
      %dma_start3A_382 = tpu.memref_slice %arg19[%dma_start3A_373, %dma_start3A_381] : memref<9x50000xf32, #tpu.memory_space<vmem_shared>> -> memref<1x50000xf32, #tpu.memory_space<vmem_shared>>
      %dma_start3A_383 = tpu.memref_squeeze %dma_start3A_382 : memref<1x50000xf32, #tpu.memory_space<vmem_shared>> -> memref<50000xf32, #tpu.memory_space<vmem_shared>>
      %dma_start3A_384 = arith.constant 0 : i32
      %dma_start3A_385 = tpu.memref_slice %dma_start3A_383[%dma_start3A_384] : memref<50000xf32, #tpu.memory_space<vmem_shared>> -> memref<50000xf32, #tpu.memory_space<vmem_shared>>
      %dma_start3A_386 = tpu.memref_slice %arg20[%dma_start3A_375, %dma_start3A_376] : memref<2x9x!tpu.dma_semaphore, #tpu.memory_space<semaphore_mem>> -> memref<1x1x!tpu.dma_semaphore, #tpu.memory_space<semaphore_mem>>
      %dma_start3A_387 = tpu.memref_squeeze %dma_start3A_386 : memref<1x1x!tpu.dma_semaphore, #tpu.memory_space<semaphore_mem>> -> memref<!tpu.dma_semaphore, #tpu.memory_space<semaphore_mem>>
      tpu.enqueue_indirect_dma source(%dma_start3A_385 : memref<50000xf32, #tpu.memory_space<vmem_shared>>) target(%dma_start3A_379 : memref<256xf32, #tpu.memory_space<vmem>>) offsets(%dma_start3A_380 : memref<256xi32, #tpu.memory_space<vmem>>) semaphore(%dma_start3A_387 : memref<!tpu.dma_semaphore, #tpu.memory_space<semaphore_mem>>)
      %dma_start3A_388 = arith.constant 2 : i32
      %dma_start3A_389 = arith.constant 2 : i32
      %dma_start3A_390 = arith.constant 1 : i32
      %dma_start3A_391 = arith.constant 2 : i32
      %dma_start3A_392 = arith.constant 0 : i32
      %dma_start3A_393 = tpu.memref_slice %arg17[%dma_start3A_389, %dma_start3A_392] : memref<9x256xf32, #tpu.memory_space<vmem>> -> memref<1x256xf32, #tpu.memory_space<vmem>>
      %dma_start3A_394 = tpu.memref_squeeze %dma_start3A_393 : memref<1x256xf32, #tpu.memory_space<vmem>> -> memref<256xf32, #tpu.memory_space<vmem>>
      %dma_start3A_395 = tpu.memref_slice %arg7[%multiple_of3A_357] : memref<3584xi32, #tpu.memory_space<vmem>> -> memref<256xi32, #tpu.memory_space<vmem>>
      %dma_start3A_396 = arith.constant 0 : i32
      %dma_start3A_397 = tpu.memref_slice %arg19[%dma_start3A_388, %dma_start3A_396] : memref<9x50000xf32, #tpu.memory_space<vmem_shared>> -> memref<1x50000xf32, #tpu.memory_space<vmem_shared>>
      %dma_start3A_398 = tpu.memref_squeeze %dma_start3A_397 : memref<1x50000xf32, #tpu.memory_space<vmem_shared>> -> memref<50000xf32, #tpu.memory_space<vmem_shared>>
      %dma_start3A_399 = arith.constant 0 : i32
      %dma_start3A_400 = tpu.memref_slice %dma_start3A_398[%dma_start3A_399] : memref<50000xf32, #tpu.memory_space<vmem_shared>> -> memref<50000xf32, #tpu.memory_space<vmem_shared>>
      %dma_start3A_401 = tpu.memref_slice %arg20[%dma_start3A_390, %dma_start3A_391] : memref<2x9x!tpu.dma_semaphore, #tpu.memory_space<semaphore_mem>> -> memref<1x1x!tpu.dma_semaphore, #tpu.memory_space<semaphore_mem>>
      %dma_start3A_402 = tpu.memref_squeeze %dma_start3A_401 : memref<1x1x!tpu.dma_semaphore, #tpu.memory_space<semaphore_mem>> -> memref<!tpu.dma_semaphore, #tpu.memory_space<semaphore_mem>>
      tpu.enqueue_indirect_dma source(%dma_start3A_400 : memref<50000xf32, #tpu.memory_space<vmem_shared>>) target(%dma_start3A_394 : memref<256xf32, #tpu.memory_space<vmem>>) offsets(%dma_start3A_395 : memref<256xi32, #tpu.memory_space<vmem>>) semaphore(%dma_start3A_402 : memref<!tpu.dma_semaphore, #tpu.memory_space<semaphore_mem>>)
      %dma_start3A_403 = arith.constant 3 : i32
      %dma_start3A_404 = arith.constant 3 : i32
      %dma_start3A_405 = arith.constant 1 : i32
      %dma_start3A_406 = arith.constant 3 : i32
      %dma_start3A_407 = arith.constant 0 : i32
      %dma_start3A_408 = tpu.memref_slice %arg17[%dma_start3A_404, %dma_start3A_407] : memref<9x256xf32, #tpu.memory_space<vmem>> -> memref<1x256xf32, #tpu.memory_space<vmem>>
      %dma_start3A_409 = tpu.memref_squeeze %dma_start3A_408 : memref<1x256xf32, #tpu.memory_space<vmem>> -> memref<256xf32, #tpu.memory_space<vmem>>
      %dma_start3A_410 = tpu.memref_slice %arg8[%multiple_of3A_357] : memref<3584xi32, #tpu.memory_space<vmem>> -> memref<256xi32, #tpu.memory_space<vmem>>
      %dma_start3A_411 = arith.constant 0 : i32
      %dma_start3A_412 = tpu.memref_slice %arg19[%dma_start3A_403, %dma_start3A_411] : memref<9x50000xf32, #tpu.memory_space<vmem_shared>> -> memref<1x50000xf32, #tpu.memory_space<vmem_shared>>
      %dma_start3A_413 = tpu.memref_squeeze %dma_start3A_412 : memref<1x50000xf32, #tpu.memory_space<vmem_shared>> -> memref<50000xf32, #tpu.memory_space<vmem_shared>>
      %dma_start3A_414 = arith.constant 0 : i32
      %dma_start3A_415 = tpu.memref_slice %dma_start3A_413[%dma_start3A_414] : memref<50000xf32, #tpu.memory_space<vmem_shared>> -> memref<50000xf32, #tpu.memory_space<vmem_shared>>
      %dma_start3A_416 = tpu.memref_slice %arg20[%dma_start3A_405, %dma_start3A_406] : memref<2x9x!tpu.dma_semaphore, #tpu.memory_space<semaphore_mem>> -> memref<1x1x!tpu.dma_semaphore, #tpu.memory_space<semaphore_mem>>
      %dma_start3A_417 = tpu.memref_squeeze %dma_start3A_416 : memref<1x1x!tpu.dma_semaphore, #tpu.memory_space<semaphore_mem>> -> memref<!tpu.dma_semaphore, #tpu.memory_space<semaphore_mem>>
      tpu.enqueue_indirect_dma source(%dma_start3A_415 : memref<50000xf32, #tpu.memory_space<vmem_shared>>) target(%dma_start3A_409 : memref<256xf32, #tpu.memory_space<vmem>>) offsets(%dma_start3A_410 : memref<256xi32, #tpu.memory_space<vmem>>) semaphore(%dma_start3A_417 : memref<!tpu.dma_semaphore, #tpu.memory_space<semaphore_mem>>)
      %dma_start3A_418 = arith.constant 4 : i32
      %dma_start3A_419 = arith.constant 4 : i32
      %dma_start3A_420 = arith.constant 1 : i32
      %dma_start3A_421 = arith.constant 4 : i32
      %dma_start3A_422 = arith.constant 0 : i32
      %dma_start3A_423 = tpu.memref_slice %arg17[%dma_start3A_419, %dma_start3A_422] : memref<9x256xf32, #tpu.memory_space<vmem>> -> memref<1x256xf32, #tpu.memory_space<vmem>>
      %dma_start3A_424 = tpu.memref_squeeze %dma_start3A_423 : memref<1x256xf32, #tpu.memory_space<vmem>> -> memref<256xf32, #tpu.memory_space<vmem>>
      %dma_start3A_425 = tpu.memref_slice %arg8[%multiple_of3A_357] : memref<3584xi32, #tpu.memory_space<vmem>> -> memref<256xi32, #tpu.memory_space<vmem>>
      %dma_start3A_426 = arith.constant 0 : i32
      %dma_start3A_427 = tpu.memref_slice %arg19[%dma_start3A_418, %dma_start3A_426] : memref<9x50000xf32, #tpu.memory_space<vmem_shared>> -> memref<1x50000xf32, #tpu.memory_space<vmem_shared>>
      %dma_start3A_428 = tpu.memref_squeeze %dma_start3A_427 : memref<1x50000xf32, #tpu.memory_space<vmem_shared>> -> memref<50000xf32, #tpu.memory_space<vmem_shared>>
      %dma_start3A_429 = arith.constant 0 : i32
      %dma_start3A_430 = tpu.memref_slice %dma_start3A_428[%dma_start3A_429] : memref<50000xf32, #tpu.memory_space<vmem_shared>> -> memref<50000xf32, #tpu.memory_space<vmem_shared>>
      %dma_start3A_431 = tpu.memref_slice %arg20[%dma_start3A_420, %dma_start3A_421] : memref<2x9x!tpu.dma_semaphore, #tpu.memory_space<semaphore_mem>> -> memref<1x1x!tpu.dma_semaphore, #tpu.memory_space<semaphore_mem>>
      %dma_start3A_432 = tpu.memref_squeeze %dma_start3A_431 : memref<1x1x!tpu.dma_semaphore, #tpu.memory_space<semaphore_mem>> -> memref<!tpu.dma_semaphore, #tpu.memory_space<semaphore_mem>>
      tpu.enqueue_indirect_dma source(%dma_start3A_430 : memref<50000xf32, #tpu.memory_space<vmem_shared>>) target(%dma_start3A_424 : memref<256xf32, #tpu.memory_space<vmem>>) offsets(%dma_start3A_425 : memref<256xi32, #tpu.memory_space<vmem>>) semaphore(%dma_start3A_432 : memref<!tpu.dma_semaphore, #tpu.memory_space<semaphore_mem>>)
      %dma_start3A_433 = arith.constant 5 : i32
      %dma_start3A_434 = arith.constant 5 : i32
      %dma_start3A_435 = arith.constant 1 : i32
      %dma_start3A_436 = arith.constant 5 : i32
      %dma_start3A_437 = arith.constant 0 : i32
      %dma_start3A_438 = tpu.memref_slice %arg17[%dma_start3A_434, %dma_start3A_437] : memref<9x256xf32, #tpu.memory_space<vmem>> -> memref<1x256xf32, #tpu.memory_space<vmem>>
      %dma_start3A_439 = tpu.memref_squeeze %dma_start3A_438 : memref<1x256xf32, #tpu.memory_space<vmem>> -> memref<256xf32, #tpu.memory_space<vmem>>
      %dma_start3A_440 = tpu.memref_slice %arg8[%multiple_of3A_357] : memref<3584xi32, #tpu.memory_space<vmem>> -> memref<256xi32, #tpu.memory_space<vmem>>
      %dma_start3A_441 = arith.constant 0 : i32
      %dma_start3A_442 = tpu.memref_slice %arg19[%dma_start3A_433, %dma_start3A_441] : memref<9x50000xf32, #tpu.memory_space<vmem_shared>> -> memref<1x50000xf32, #tpu.memory_space<vmem_shared>>
      %dma_start3A_443 = tpu.memref_squeeze %dma_start3A_442 : memref<1x50000xf32, #tpu.memory_space<vmem_shared>> -> memref<50000xf32, #tpu.memory_space<vmem_shared>>
      %dma_start3A_444 = arith.constant 0 : i32
      %dma_start3A_445 = tpu.memref_slice %dma_start3A_443[%dma_start3A_444] : memref<50000xf32, #tpu.memory_space<vmem_shared>> -> memref<50000xf32, #tpu.memory_space<vmem_shared>>
      %dma_start3A_446 = tpu.memref_slice %arg20[%dma_start3A_435, %dma_start3A_436] : memref<2x9x!tpu.dma_semaphore, #tpu.memory_space<semaphore_mem>> -> memref<1x1x!tpu.dma_semaphore, #tpu.memory_space<semaphore_mem>>
      %dma_start3A_447 = tpu.memref_squeeze %dma_start3A_446 : memref<1x1x!tpu.dma_semaphore, #tpu.memory_space<semaphore_mem>> -> memref<!tpu.dma_semaphore, #tpu.memory_space<semaphore_mem>>
      tpu.enqueue_indirect_dma source(%dma_start3A_445 : memref<50000xf32, #tpu.memory_space<vmem_shared>>) target(%dma_start3A_439 : memref<256xf32, #tpu.memory_space<vmem>>) offsets(%dma_start3A_440 : memref<256xi32, #tpu.memory_space<vmem>>) semaphore(%dma_start3A_447 : memref<!tpu.dma_semaphore, #tpu.memory_space<semaphore_mem>>)
      %dma_start3A_448 = arith.constant 6 : i32
      %dma_start3A_449 = arith.constant 6 : i32
      %dma_start3A_450 = arith.constant 1 : i32
      %dma_start3A_451 = arith.constant 6 : i32
      %dma_start3A_452 = arith.constant 0 : i32
      %dma_start3A_453 = tpu.memref_slice %arg17[%dma_start3A_449, %dma_start3A_452] : memref<9x256xf32, #tpu.memory_space<vmem>> -> memref<1x256xf32, #tpu.memory_space<vmem>>
      %dma_start3A_454 = tpu.memref_squeeze %dma_start3A_453 : memref<1x256xf32, #tpu.memory_space<vmem>> -> memref<256xf32, #tpu.memory_space<vmem>>
      %dma_start3A_455 = tpu.memref_slice %arg9[%multiple_of3A_357] : memref<3584xi32, #tpu.memory_space<vmem>> -> memref<256xi32, #tpu.memory_space<vmem>>
      %dma_start3A_456 = arith.constant 0 : i32
      %dma_start3A_457 = tpu.memref_slice %arg19[%dma_start3A_448, %dma_start3A_456] : memref<9x50000xf32, #tpu.memory_space<vmem_shared>> -> memref<1x50000xf32, #tpu.memory_space<vmem_shared>>
      %dma_start3A_458 = tpu.memref_squeeze %dma_start3A_457 : memref<1x50000xf32, #tpu.memory_space<vmem_shared>> -> memref<50000xf32, #tpu.memory_space<vmem_shared>>
      %dma_start3A_459 = arith.constant 0 : i32
      %dma_start3A_460 = tpu.memref_slice %dma_start3A_458[%dma_start3A_459] : memref<50000xf32, #tpu.memory_space<vmem_shared>> -> memref<50000xf32, #tpu.memory_space<vmem_shared>>
      %dma_start3A_461 = tpu.memref_slice %arg20[%dma_start3A_450, %dma_start3A_451] : memref<2x9x!tpu.dma_semaphore, #tpu.memory_space<semaphore_mem>> -> memref<1x1x!tpu.dma_semaphore, #tpu.memory_space<semaphore_mem>>
      %dma_start3A_462 = tpu.memref_squeeze %dma_start3A_461 : memref<1x1x!tpu.dma_semaphore, #tpu.memory_space<semaphore_mem>> -> memref<!tpu.dma_semaphore, #tpu.memory_space<semaphore_mem>>
      tpu.enqueue_indirect_dma source(%dma_start3A_460 : memref<50000xf32, #tpu.memory_space<vmem_shared>>) target(%dma_start3A_454 : memref<256xf32, #tpu.memory_space<vmem>>) offsets(%dma_start3A_455 : memref<256xi32, #tpu.memory_space<vmem>>) semaphore(%dma_start3A_462 : memref<!tpu.dma_semaphore, #tpu.memory_space<semaphore_mem>>)
      %dma_start3A_463 = arith.constant 7 : i32
      %dma_start3A_464 = arith.constant 7 : i32
      %dma_start3A_465 = arith.constant 1 : i32
      %dma_start3A_466 = arith.constant 7 : i32
      %dma_start3A_467 = arith.constant 0 : i32
      %dma_start3A_468 = tpu.memref_slice %arg17[%dma_start3A_464, %dma_start3A_467] : memref<9x256xf32, #tpu.memory_space<vmem>> -> memref<1x256xf32, #tpu.memory_space<vmem>>
      %dma_start3A_469 = tpu.memref_squeeze %dma_start3A_468 : memref<1x256xf32, #tpu.memory_space<vmem>> -> memref<256xf32, #tpu.memory_space<vmem>>
      %dma_start3A_470 = tpu.memref_slice %arg9[%multiple_of3A_357] : memref<3584xi32, #tpu.memory_space<vmem>> -> memref<256xi32, #tpu.memory_space<vmem>>
      %dma_start3A_471 = arith.constant 0 : i32
      %dma_start3A_472 = tpu.memref_slice %arg19[%dma_start3A_463, %dma_start3A_471] : memref<9x50000xf32, #tpu.memory_space<vmem_shared>> -> memref<1x50000xf32, #tpu.memory_space<vmem_shared>>
      %dma_start3A_473 = tpu.memref_squeeze %dma_start3A_472 : memref<1x50000xf32, #tpu.memory_space<vmem_shared>> -> memref<50000xf32, #tpu.memory_space<vmem_shared>>
      %dma_start3A_474 = arith.constant 0 : i32
      %dma_start3A_475 = tpu.memref_slice %dma_start3A_473[%dma_start3A_474] : memref<50000xf32, #tpu.memory_space<vmem_shared>> -> memref<50000xf32, #tpu.memory_space<vmem_shared>>
      %dma_start3A_476 = tpu.memref_slice %arg20[%dma_start3A_465, %dma_start3A_466] : memref<2x9x!tpu.dma_semaphore, #tpu.memory_space<semaphore_mem>> -> memref<1x1x!tpu.dma_semaphore, #tpu.memory_space<semaphore_mem>>
      %dma_start3A_477 = tpu.memref_squeeze %dma_start3A_476 : memref<1x1x!tpu.dma_semaphore, #tpu.memory_space<semaphore_mem>> -> memref<!tpu.dma_semaphore, #tpu.memory_space<semaphore_mem>>
      tpu.enqueue_indirect_dma source(%dma_start3A_475 : memref<50000xf32, #tpu.memory_space<vmem_shared>>) target(%dma_start3A_469 : memref<256xf32, #tpu.memory_space<vmem>>) offsets(%dma_start3A_470 : memref<256xi32, #tpu.memory_space<vmem>>) semaphore(%dma_start3A_477 : memref<!tpu.dma_semaphore, #tpu.memory_space<semaphore_mem>>)
      %dma_start3A_478 = arith.constant 8 : i32
      %dma_start3A_479 = arith.constant 8 : i32
      %dma_start3A_480 = arith.constant 1 : i32
      %dma_start3A_481 = arith.constant 8 : i32
      %dma_start3A_482 = arith.constant 0 : i32
      %dma_start3A_483 = tpu.memref_slice %arg17[%dma_start3A_479, %dma_start3A_482] : memref<9x256xf32, #tpu.memory_space<vmem>> -> memref<1x256xf32, #tpu.memory_space<vmem>>
      %dma_start3A_484 = tpu.memref_squeeze %dma_start3A_483 : memref<1x256xf32, #tpu.memory_space<vmem>> -> memref<256xf32, #tpu.memory_space<vmem>>
      %dma_start3A_485 = tpu.memref_slice %arg9[%multiple_of3A_357] : memref<3584xi32, #tpu.memory_space<vmem>> -> memref<256xi32, #tpu.memory_space<vmem>>
      %dma_start3A_486 = arith.constant 0 : i32
      %dma_start3A_487 = tpu.memref_slice %arg19[%dma_start3A_478, %dma_start3A_486] : memref<9x50000xf32, #tpu.memory_space<vmem_shared>> -> memref<1x50000xf32, #tpu.memory_space<vmem_shared>>
      %dma_start3A_488 = tpu.memref_squeeze %dma_start3A_487 : memref<1x50000xf32, #tpu.memory_space<vmem_shared>> -> memref<50000xf32, #tpu.memory_space<vmem_shared>>
      %dma_start3A_489 = arith.constant 0 : i32
      %dma_start3A_490 = tpu.memref_slice %dma_start3A_488[%dma_start3A_489] : memref<50000xf32, #tpu.memory_space<vmem_shared>> -> memref<50000xf32, #tpu.memory_space<vmem_shared>>
      %dma_start3A_491 = tpu.memref_slice %arg20[%dma_start3A_480, %dma_start3A_481] : memref<2x9x!tpu.dma_semaphore, #tpu.memory_space<semaphore_mem>> -> memref<1x1x!tpu.dma_semaphore, #tpu.memory_space<semaphore_mem>>
      %dma_start3A_492 = tpu.memref_squeeze %dma_start3A_491 : memref<1x1x!tpu.dma_semaphore, #tpu.memory_space<semaphore_mem>> -> memref<!tpu.dma_semaphore, #tpu.memory_space<semaphore_mem>>
      tpu.enqueue_indirect_dma source(%dma_start3A_490 : memref<50000xf32, #tpu.memory_space<vmem_shared>>) target(%dma_start3A_484 : memref<256xf32, #tpu.memory_space<vmem>>) offsets(%dma_start3A_485 : memref<256xi32, #tpu.memory_space<vmem>>) semaphore(%dma_start3A_492 : memref<!tpu.dma_semaphore, #tpu.memory_space<semaphore_mem>>)
      %dma_wait3A_493 = arith.constant 0 : i32
      %dma_wait3A_494 = arith.constant 0 : i32
      %dma_wait3A_495 = arith.constant 0 : i32
      %dma_wait3A_496 = arith.constant 0 : i32
      %dma_wait3A_497 = arith.constant 0 : i32
      %dma_wait3A_498 = tpu.memref_slice %arg16[%dma_wait3A_494, %dma_wait3A_497] : memref<9x256xf32, #tpu.memory_space<vmem>> -> memref<1x256xf32, #tpu.memory_space<vmem>>
      %dma_wait3A_499 = tpu.memref_squeeze %dma_wait3A_498 : memref<1x256xf32, #tpu.memory_space<vmem>> -> memref<256xf32, #tpu.memory_space<vmem>>
      %dma_wait3A_500 = arith.constant 0 : i32
      %dma_wait3A_501 = tpu.memref_slice %arg7[%dma_wait3A_500] : memref<3584xi32, #tpu.memory_space<vmem>> -> memref<256xi32, #tpu.memory_space<vmem>>
      %dma_wait3A_502 = arith.constant 0 : i32
      %dma_wait3A_503 = tpu.memref_slice %arg19[%dma_wait3A_493, %dma_wait3A_502] : memref<9x50000xf32, #tpu.memory_space<vmem_shared>> -> memref<1x50000xf32, #tpu.memory_space<vmem_shared>>
      %dma_wait3A_504 = tpu.memref_squeeze %dma_wait3A_503 : memref<1x50000xf32, #tpu.memory_space<vmem_shared>> -> memref<50000xf32, #tpu.memory_space<vmem_shared>>
      %dma_wait3A_505 = arith.constant 0 : i32
      %dma_wait3A_506 = tpu.memref_slice %dma_wait3A_504[%dma_wait3A_505] : memref<50000xf32, #tpu.memory_space<vmem_shared>> -> memref<50000xf32, #tpu.memory_space<vmem_shared>>
      %dma_wait3A_507 = tpu.memref_slice %arg20[%dma_wait3A_495, %dma_wait3A_496] : memref<2x9x!tpu.dma_semaphore, #tpu.memory_space<semaphore_mem>> -> memref<1x1x!tpu.dma_semaphore, #tpu.memory_space<semaphore_mem>>
      %dma_wait3A_508 = tpu.memref_squeeze %dma_wait3A_507 : memref<1x1x!tpu.dma_semaphore, #tpu.memory_space<semaphore_mem>> -> memref<!tpu.dma_semaphore, #tpu.memory_space<semaphore_mem>>
      tpu.wait_indirect_dma semaphore(%dma_wait3A_508 : memref<!tpu.dma_semaphore, #tpu.memory_space<semaphore_mem>>) src(%dma_wait3A_506 : memref<50000xf32, #tpu.memory_space<vmem_shared>>) dst(%dma_wait3A_499 : memref<256xf32, #tpu.memory_space<vmem>>)
      %dma_wait3A_509 = arith.constant 1 : i32
      %dma_wait3A_510 = arith.constant 1 : i32
      %dma_wait3A_511 = arith.constant 0 : i32
      %dma_wait3A_512 = arith.constant 1 : i32
      %dma_wait3A_513 = arith.constant 0 : i32
      %dma_wait3A_514 = tpu.memref_slice %arg16[%dma_wait3A_510, %dma_wait3A_513] : memref<9x256xf32, #tpu.memory_space<vmem>> -> memref<1x256xf32, #tpu.memory_space<vmem>>
      %dma_wait3A_515 = tpu.memref_squeeze %dma_wait3A_514 : memref<1x256xf32, #tpu.memory_space<vmem>> -> memref<256xf32, #tpu.memory_space<vmem>>
      %dma_wait3A_516 = arith.constant 0 : i32
      %dma_wait3A_517 = tpu.memref_slice %arg7[%dma_wait3A_516] : memref<3584xi32, #tpu.memory_space<vmem>> -> memref<256xi32, #tpu.memory_space<vmem>>
      %dma_wait3A_518 = arith.constant 0 : i32
      %dma_wait3A_519 = tpu.memref_slice %arg19[%dma_wait3A_509, %dma_wait3A_518] : memref<9x50000xf32, #tpu.memory_space<vmem_shared>> -> memref<1x50000xf32, #tpu.memory_space<vmem_shared>>
      %dma_wait3A_520 = tpu.memref_squeeze %dma_wait3A_519 : memref<1x50000xf32, #tpu.memory_space<vmem_shared>> -> memref<50000xf32, #tpu.memory_space<vmem_shared>>
      %dma_wait3A_521 = arith.constant 0 : i32
      %dma_wait3A_522 = tpu.memref_slice %dma_wait3A_520[%dma_wait3A_521] : memref<50000xf32, #tpu.memory_space<vmem_shared>> -> memref<50000xf32, #tpu.memory_space<vmem_shared>>
      %dma_wait3A_523 = tpu.memref_slice %arg20[%dma_wait3A_511, %dma_wait3A_512] : memref<2x9x!tpu.dma_semaphore, #tpu.memory_space<semaphore_mem>> -> memref<1x1x!tpu.dma_semaphore, #tpu.memory_space<semaphore_mem>>
      %dma_wait3A_524 = tpu.memref_squeeze %dma_wait3A_523 : memref<1x1x!tpu.dma_semaphore, #tpu.memory_space<semaphore_mem>> -> memref<!tpu.dma_semaphore, #tpu.memory_space<semaphore_mem>>
      tpu.wait_indirect_dma semaphore(%dma_wait3A_524 : memref<!tpu.dma_semaphore, #tpu.memory_space<semaphore_mem>>) src(%dma_wait3A_522 : memref<50000xf32, #tpu.memory_space<vmem_shared>>) dst(%dma_wait3A_515 : memref<256xf32, #tpu.memory_space<vmem>>)
      %dma_wait3A_525 = arith.constant 2 : i32
      %dma_wait3A_526 = arith.constant 2 : i32
      %dma_wait3A_527 = arith.constant 0 : i32
      %dma_wait3A_528 = arith.constant 2 : i32
      %dma_wait3A_529 = arith.constant 0 : i32
      %dma_wait3A_530 = tpu.memref_slice %arg16[%dma_wait3A_526, %dma_wait3A_529] : memref<9x256xf32, #tpu.memory_space<vmem>> -> memref<1x256xf32, #tpu.memory_space<vmem>>
      %dma_wait3A_531 = tpu.memref_squeeze %dma_wait3A_530 : memref<1x256xf32, #tpu.memory_space<vmem>> -> memref<256xf32, #tpu.memory_space<vmem>>
      %dma_wait3A_532 = arith.constant 0 : i32
      %dma_wait3A_533 = tpu.memref_slice %arg7[%dma_wait3A_532] : memref<3584xi32, #tpu.memory_space<vmem>> -> memref<256xi32, #tpu.memory_space<vmem>>
      %dma_wait3A_534 = arith.constant 0 : i32
      %dma_wait3A_535 = tpu.memref_slice %arg19[%dma_wait3A_525, %dma_wait3A_534] : memref<9x50000xf32, #tpu.memory_space<vmem_shared>> -> memref<1x50000xf32, #tpu.memory_space<vmem_shared>>
      %dma_wait3A_536 = tpu.memref_squeeze %dma_wait3A_535 : memref<1x50000xf32, #tpu.memory_space<vmem_shared>> -> memref<50000xf32, #tpu.memory_space<vmem_shared>>
      %dma_wait3A_537 = arith.constant 0 : i32
      %dma_wait3A_538 = tpu.memref_slice %dma_wait3A_536[%dma_wait3A_537] : memref<50000xf32, #tpu.memory_space<vmem_shared>> -> memref<50000xf32, #tpu.memory_space<vmem_shared>>
      %dma_wait3A_539 = tpu.memref_slice %arg20[%dma_wait3A_527, %dma_wait3A_528] : memref<2x9x!tpu.dma_semaphore, #tpu.memory_space<semaphore_mem>> -> memref<1x1x!tpu.dma_semaphore, #tpu.memory_space<semaphore_mem>>
      %dma_wait3A_540 = tpu.memref_squeeze %dma_wait3A_539 : memref<1x1x!tpu.dma_semaphore, #tpu.memory_space<semaphore_mem>> -> memref<!tpu.dma_semaphore, #tpu.memory_space<semaphore_mem>>
      tpu.wait_indirect_dma semaphore(%dma_wait3A_540 : memref<!tpu.dma_semaphore, #tpu.memory_space<semaphore_mem>>) src(%dma_wait3A_538 : memref<50000xf32, #tpu.memory_space<vmem_shared>>) dst(%dma_wait3A_531 : memref<256xf32, #tpu.memory_space<vmem>>)
      %dma_wait3A_541 = arith.constant 3 : i32
      %dma_wait3A_542 = arith.constant 3 : i32
      %dma_wait3A_543 = arith.constant 0 : i32
      %dma_wait3A_544 = arith.constant 3 : i32
      %dma_wait3A_545 = arith.constant 0 : i32
      %dma_wait3A_546 = tpu.memref_slice %arg16[%dma_wait3A_542, %dma_wait3A_545] : memref<9x256xf32, #tpu.memory_space<vmem>> -> memref<1x256xf32, #tpu.memory_space<vmem>>
      %dma_wait3A_547 = tpu.memref_squeeze %dma_wait3A_546 : memref<1x256xf32, #tpu.memory_space<vmem>> -> memref<256xf32, #tpu.memory_space<vmem>>
      %dma_wait3A_548 = arith.constant 0 : i32
      %dma_wait3A_549 = tpu.memref_slice %arg7[%dma_wait3A_548] : memref<3584xi32, #tpu.memory_space<vmem>> -> memref<256xi32, #tpu.memory_space<vmem>>
      %dma_wait3A_550 = arith.constant 0 : i32
      %dma_wait3A_551 = tpu.memref_slice %arg19[%dma_wait3A_541, %dma_wait3A_550] : memref<9x50000xf32, #tpu.memory_space<vmem_shared>> -> memref<1x50000xf32, #tpu.memory_space<vmem_shared>>
      %dma_wait3A_552 = tpu.memref_squeeze %dma_wait3A_551 : memref<1x50000xf32, #tpu.memory_space<vmem_shared>> -> memref<50000xf32, #tpu.memory_space<vmem_shared>>
      %dma_wait3A_553 = arith.constant 0 : i32
      %dma_wait3A_554 = tpu.memref_slice %dma_wait3A_552[%dma_wait3A_553] : memref<50000xf32, #tpu.memory_space<vmem_shared>> -> memref<50000xf32, #tpu.memory_space<vmem_shared>>
      %dma_wait3A_555 = tpu.memref_slice %arg20[%dma_wait3A_543, %dma_wait3A_544] : memref<2x9x!tpu.dma_semaphore, #tpu.memory_space<semaphore_mem>> -> memref<1x1x!tpu.dma_semaphore, #tpu.memory_space<semaphore_mem>>
      %dma_wait3A_556 = tpu.memref_squeeze %dma_wait3A_555 : memref<1x1x!tpu.dma_semaphore, #tpu.memory_space<semaphore_mem>> -> memref<!tpu.dma_semaphore, #tpu.memory_space<semaphore_mem>>
      tpu.wait_indirect_dma semaphore(%dma_wait3A_556 : memref<!tpu.dma_semaphore, #tpu.memory_space<semaphore_mem>>) src(%dma_wait3A_554 : memref<50000xf32, #tpu.memory_space<vmem_shared>>) dst(%dma_wait3A_547 : memref<256xf32, #tpu.memory_space<vmem>>)
      %dma_wait3A_557 = arith.constant 4 : i32
      %dma_wait3A_558 = arith.constant 4 : i32
      %dma_wait3A_559 = arith.constant 0 : i32
      %dma_wait3A_560 = arith.constant 4 : i32
      %dma_wait3A_561 = arith.constant 0 : i32
      %dma_wait3A_562 = tpu.memref_slice %arg16[%dma_wait3A_558, %dma_wait3A_561] : memref<9x256xf32, #tpu.memory_space<vmem>> -> memref<1x256xf32, #tpu.memory_space<vmem>>
      %dma_wait3A_563 = tpu.memref_squeeze %dma_wait3A_562 : memref<1x256xf32, #tpu.memory_space<vmem>> -> memref<256xf32, #tpu.memory_space<vmem>>
      %dma_wait3A_564 = arith.constant 0 : i32
      %dma_wait3A_565 = tpu.memref_slice %arg7[%dma_wait3A_564] : memref<3584xi32, #tpu.memory_space<vmem>> -> memref<256xi32, #tpu.memory_space<vmem>>
      %dma_wait3A_566 = arith.constant 0 : i32
      %dma_wait3A_567 = tpu.memref_slice %arg19[%dma_wait3A_557, %dma_wait3A_566] : memref<9x50000xf32, #tpu.memory_space<vmem_shared>> -> memref<1x50000xf32, #tpu.memory_space<vmem_shared>>
      %dma_wait3A_568 = tpu.memref_squeeze %dma_wait3A_567 : memref<1x50000xf32, #tpu.memory_space<vmem_shared>> -> memref<50000xf32, #tpu.memory_space<vmem_shared>>
      %dma_wait3A_569 = arith.constant 0 : i32
      %dma_wait3A_570 = tpu.memref_slice %dma_wait3A_568[%dma_wait3A_569] : memref<50000xf32, #tpu.memory_space<vmem_shared>> -> memref<50000xf32, #tpu.memory_space<vmem_shared>>
      %dma_wait3A_571 = tpu.memref_slice %arg20[%dma_wait3A_559, %dma_wait3A_560] : memref<2x9x!tpu.dma_semaphore, #tpu.memory_space<semaphore_mem>> -> memref<1x1x!tpu.dma_semaphore, #tpu.memory_space<semaphore_mem>>
      %dma_wait3A_572 = tpu.memref_squeeze %dma_wait3A_571 : memref<1x1x!tpu.dma_semaphore, #tpu.memory_space<semaphore_mem>> -> memref<!tpu.dma_semaphore, #tpu.memory_space<semaphore_mem>>
      tpu.wait_indirect_dma semaphore(%dma_wait3A_572 : memref<!tpu.dma_semaphore, #tpu.memory_space<semaphore_mem>>) src(%dma_wait3A_570 : memref<50000xf32, #tpu.memory_space<vmem_shared>>) dst(%dma_wait3A_563 : memref<256xf32, #tpu.memory_space<vmem>>)
      %dma_wait3A_573 = arith.constant 5 : i32
      %dma_wait3A_574 = arith.constant 5 : i32
      %dma_wait3A_575 = arith.constant 0 : i32
      %dma_wait3A_576 = arith.constant 5 : i32
      %dma_wait3A_577 = arith.constant 0 : i32
      %dma_wait3A_578 = tpu.memref_slice %arg16[%dma_wait3A_574, %dma_wait3A_577] : memref<9x256xf32, #tpu.memory_space<vmem>> -> memref<1x256xf32, #tpu.memory_space<vmem>>
      %dma_wait3A_579 = tpu.memref_squeeze %dma_wait3A_578 : memref<1x256xf32, #tpu.memory_space<vmem>> -> memref<256xf32, #tpu.memory_space<vmem>>
      %dma_wait3A_580 = arith.constant 0 : i32
      %dma_wait3A_581 = tpu.memref_slice %arg7[%dma_wait3A_580] : memref<3584xi32, #tpu.memory_space<vmem>> -> memref<256xi32, #tpu.memory_space<vmem>>
      %dma_wait3A_582 = arith.constant 0 : i32
      %dma_wait3A_583 = tpu.memref_slice %arg19[%dma_wait3A_573, %dma_wait3A_582] : memref<9x50000xf32, #tpu.memory_space<vmem_shared>> -> memref<1x50000xf32, #tpu.memory_space<vmem_shared>>
      %dma_wait3A_584 = tpu.memref_squeeze %dma_wait3A_583 : memref<1x50000xf32, #tpu.memory_space<vmem_shared>> -> memref<50000xf32, #tpu.memory_space<vmem_shared>>
      %dma_wait3A_585 = arith.constant 0 : i32
      %dma_wait3A_586 = tpu.memref_slice %dma_wait3A_584[%dma_wait3A_585] : memref<50000xf32, #tpu.memory_space<vmem_shared>> -> memref<50000xf32, #tpu.memory_space<vmem_shared>>
      %dma_wait3A_587 = tpu.memref_slice %arg20[%dma_wait3A_575, %dma_wait3A_576] : memref<2x9x!tpu.dma_semaphore, #tpu.memory_space<semaphore_mem>> -> memref<1x1x!tpu.dma_semaphore, #tpu.memory_space<semaphore_mem>>
      %dma_wait3A_588 = tpu.memref_squeeze %dma_wait3A_587 : memref<1x1x!tpu.dma_semaphore, #tpu.memory_space<semaphore_mem>> -> memref<!tpu.dma_semaphore, #tpu.memory_space<semaphore_mem>>
      tpu.wait_indirect_dma semaphore(%dma_wait3A_588 : memref<!tpu.dma_semaphore, #tpu.memory_space<semaphore_mem>>) src(%dma_wait3A_586 : memref<50000xf32, #tpu.memory_space<vmem_shared>>) dst(%dma_wait3A_579 : memref<256xf32, #tpu.memory_space<vmem>>)
      %dma_wait3A_589 = arith.constant 6 : i32
      %dma_wait3A_590 = arith.constant 6 : i32
      %dma_wait3A_591 = arith.constant 0 : i32
      %dma_wait3A_592 = arith.constant 6 : i32
      %dma_wait3A_593 = arith.constant 0 : i32
      %dma_wait3A_594 = tpu.memref_slice %arg16[%dma_wait3A_590, %dma_wait3A_593] : memref<9x256xf32, #tpu.memory_space<vmem>> -> memref<1x256xf32, #tpu.memory_space<vmem>>
      %dma_wait3A_595 = tpu.memref_squeeze %dma_wait3A_594 : memref<1x256xf32, #tpu.memory_space<vmem>> -> memref<256xf32, #tpu.memory_space<vmem>>
      %dma_wait3A_596 = arith.constant 0 : i32
      %dma_wait3A_597 = tpu.memref_slice %arg7[%dma_wait3A_596] : memref<3584xi32, #tpu.memory_space<vmem>> -> memref<256xi32, #tpu.memory_space<vmem>>
      %dma_wait3A_598 = arith.constant 0 : i32
      %dma_wait3A_599 = tpu.memref_slice %arg19[%dma_wait3A_589, %dma_wait3A_598] : memref<9x50000xf32, #tpu.memory_space<vmem_shared>> -> memref<1x50000xf32, #tpu.memory_space<vmem_shared>>
      %dma_wait3A_600 = tpu.memref_squeeze %dma_wait3A_599 : memref<1x50000xf32, #tpu.memory_space<vmem_shared>> -> memref<50000xf32, #tpu.memory_space<vmem_shared>>
      %dma_wait3A_601 = arith.constant 0 : i32
      %dma_wait3A_602 = tpu.memref_slice %dma_wait3A_600[%dma_wait3A_601] : memref<50000xf32, #tpu.memory_space<vmem_shared>> -> memref<50000xf32, #tpu.memory_space<vmem_shared>>
      %dma_wait3A_603 = tpu.memref_slice %arg20[%dma_wait3A_591, %dma_wait3A_592] : memref<2x9x!tpu.dma_semaphore, #tpu.memory_space<semaphore_mem>> -> memref<1x1x!tpu.dma_semaphore, #tpu.memory_space<semaphore_mem>>
      %dma_wait3A_604 = tpu.memref_squeeze %dma_wait3A_603 : memref<1x1x!tpu.dma_semaphore, #tpu.memory_space<semaphore_mem>> -> memref<!tpu.dma_semaphore, #tpu.memory_space<semaphore_mem>>
      tpu.wait_indirect_dma semaphore(%dma_wait3A_604 : memref<!tpu.dma_semaphore, #tpu.memory_space<semaphore_mem>>) src(%dma_wait3A_602 : memref<50000xf32, #tpu.memory_space<vmem_shared>>) dst(%dma_wait3A_595 : memref<256xf32, #tpu.memory_space<vmem>>)
      %dma_wait3A_605 = arith.constant 7 : i32
      %dma_wait3A_606 = arith.constant 7 : i32
      %dma_wait3A_607 = arith.constant 0 : i32
      %dma_wait3A_608 = arith.constant 7 : i32
      %dma_wait3A_609 = arith.constant 0 : i32
      %dma_wait3A_610 = tpu.memref_slice %arg16[%dma_wait3A_606, %dma_wait3A_609] : memref<9x256xf32, #tpu.memory_space<vmem>> -> memref<1x256xf32, #tpu.memory_space<vmem>>
      %dma_wait3A_611 = tpu.memref_squeeze %dma_wait3A_610 : memref<1x256xf32, #tpu.memory_space<vmem>> -> memref<256xf32, #tpu.memory_space<vmem>>
      %dma_wait3A_612 = arith.constant 0 : i32
      %dma_wait3A_613 = tpu.memref_slice %arg7[%dma_wait3A_612] : memref<3584xi32, #tpu.memory_space<vmem>> -> memref<256xi32, #tpu.memory_space<vmem>>
      %dma_wait3A_614 = arith.constant 0 : i32
      %dma_wait3A_615 = tpu.memref_slice %arg19[%dma_wait3A_605, %dma_wait3A_614] : memref<9x50000xf32, #tpu.memory_space<vmem_shared>> -> memref<1x50000xf32, #tpu.memory_space<vmem_shared>>
      %dma_wait3A_616 = tpu.memref_squeeze %dma_wait3A_615 : memref<1x50000xf32, #tpu.memory_space<vmem_shared>> -> memref<50000xf32, #tpu.memory_space<vmem_shared>>
      %dma_wait3A_617 = arith.constant 0 : i32
      %dma_wait3A_618 = tpu.memref_slice %dma_wait3A_616[%dma_wait3A_617] : memref<50000xf32, #tpu.memory_space<vmem_shared>> -> memref<50000xf32, #tpu.memory_space<vmem_shared>>
      %dma_wait3A_619 = tpu.memref_slice %arg20[%dma_wait3A_607, %dma_wait3A_608] : memref<2x9x!tpu.dma_semaphore, #tpu.memory_space<semaphore_mem>> -> memref<1x1x!tpu.dma_semaphore, #tpu.memory_space<semaphore_mem>>
      %dma_wait3A_620 = tpu.memref_squeeze %dma_wait3A_619 : memref<1x1x!tpu.dma_semaphore, #tpu.memory_space<semaphore_mem>> -> memref<!tpu.dma_semaphore, #tpu.memory_space<semaphore_mem>>
      tpu.wait_indirect_dma semaphore(%dma_wait3A_620 : memref<!tpu.dma_semaphore, #tpu.memory_space<semaphore_mem>>) src(%dma_wait3A_618 : memref<50000xf32, #tpu.memory_space<vmem_shared>>) dst(%dma_wait3A_611 : memref<256xf32, #tpu.memory_space<vmem>>)
      %dma_wait3A_621 = arith.constant 8 : i32
      %dma_wait3A_622 = arith.constant 8 : i32
      %dma_wait3A_623 = arith.constant 0 : i32
      %dma_wait3A_624 = arith.constant 8 : i32
      %dma_wait3A_625 = arith.constant 0 : i32
      %dma_wait3A_626 = tpu.memref_slice %arg16[%dma_wait3A_622, %dma_wait3A_625] : memref<9x256xf32, #tpu.memory_space<vmem>> -> memref<1x256xf32, #tpu.memory_space<vmem>>
      %dma_wait3A_627 = tpu.memref_squeeze %dma_wait3A_626 : memref<1x256xf32, #tpu.memory_space<vmem>> -> memref<256xf32, #tpu.memory_space<vmem>>
      %dma_wait3A_628 = arith.constant 0 : i32
      %dma_wait3A_629 = tpu.memref_slice %arg7[%dma_wait3A_628] : memref<3584xi32, #tpu.memory_space<vmem>> -> memref<256xi32, #tpu.memory_space<vmem>>
      %dma_wait3A_630 = arith.constant 0 : i32
      %dma_wait3A_631 = tpu.memref_slice %arg19[%dma_wait3A_621, %dma_wait3A_630] : memref<9x50000xf32, #tpu.memory_space<vmem_shared>> -> memref<1x50000xf32, #tpu.memory_space<vmem_shared>>
      %dma_wait3A_632 = tpu.memref_squeeze %dma_wait3A_631 : memref<1x50000xf32, #tpu.memory_space<vmem_shared>> -> memref<50000xf32, #tpu.memory_space<vmem_shared>>
      %dma_wait3A_633 = arith.constant 0 : i32
      %dma_wait3A_634 = tpu.memref_slice %dma_wait3A_632[%dma_wait3A_633] : memref<50000xf32, #tpu.memory_space<vmem_shared>> -> memref<50000xf32, #tpu.memory_space<vmem_shared>>
      %dma_wait3A_635 = tpu.memref_slice %arg20[%dma_wait3A_623, %dma_wait3A_624] : memref<2x9x!tpu.dma_semaphore, #tpu.memory_space<semaphore_mem>> -> memref<1x1x!tpu.dma_semaphore, #tpu.memory_space<semaphore_mem>>
      %dma_wait3A_636 = tpu.memref_squeeze %dma_wait3A_635 : memref<1x1x!tpu.dma_semaphore, #tpu.memory_space<semaphore_mem>> -> memref<!tpu.dma_semaphore, #tpu.memory_space<semaphore_mem>>
      tpu.wait_indirect_dma semaphore(%dma_wait3A_636 : memref<!tpu.dma_semaphore, #tpu.memory_space<semaphore_mem>>) src(%dma_wait3A_634 : memref<50000xf32, #tpu.memory_space<vmem_shared>>) dst(%dma_wait3A_627 : memref<256xf32, #tpu.memory_space<vmem>>)
      %mul3A_637 = arith.constant 256 : i32
      %mul3A_638 = arith.muli %mul3A_352, %mul3A_637 : i32
      %multiple_of3A_639 = tpu.assume_multiple %mul3A_638, 256 : i32
      %get3A = arith.constant 0 : i32
      %get3A_640 = arith.index_cast %get3A : i32 to index
      %get3A_641 = arith.constant 0 : index
      %get3A_642 = tpu.vector_load %arg16[%get3A_640, %get3A_641] {strides = array<i32>} : memref<9x256xf32, #tpu.memory_space<vmem>>, vector<16xf32>,
      %get3A_643 = arith.constant 3 : i32
      %get3A_644 = arith.index_cast %get3A_643 : i32 to index
      %get3A_645 = arith.constant 0 : index
      %get3A_646 = tpu.vector_load %arg16[%get3A_644, %get3A_645] {strides = array<i32>} : memref<9x256xf32, #tpu.memory_space<vmem>>, vector<16xf32>,
      %add3A_647 = arith.addf %get3A_642, %get3A_646 : vector<16xf32>
      %get3A_648 = arith.constant 6 : i32
      %get3A_649 = arith.index_cast %get3A_648 : i32 to index
      %get3A_650 = arith.constant 0 : index
      %get3A_651 = tpu.vector_load %arg16[%get3A_649, %get3A_650] {strides = array<i32>} : memref<9x256xf32, #tpu.memory_space<vmem>>, vector<16xf32>,
      %add3A_652 = arith.addf %add3A_647, %get3A_651 : vector<16xf32>
      %add3A_653 = arith.constant 0 : i32
      %add3A_654 = arith.addi %multiple_of3A_639, %add3A_653 : i32
      %get3A_655 = arith.index_cast %add3A_654 : i32 to index
      %get3A_656 = tpu.vector_load %arg10[%get3A_655] {strides = array<i32>} : memref<3584xf32, #tpu.memory_space<vmem>>, vector<16xf32>,
      %add3A_657 = arith.constant 0 : i32
      %add3A_658 = arith.addi %multiple_of3A_639, %add3A_657 : i32
      %get3A_659 = arith.index_cast %add3A_658 : i32 to index
      %get3A_660 = tpu.vector_load %arg13[%get3A_659] {strides = array<i32>} : memref<3584xf32, #tpu.memory_space<vmem>>, vector<16xf32>,
      %mul3A_661 = arith.mulf %get3A_660, %add3A_652 : vector<16xf32>
      %add3A_662 = arith.addf %get3A_656, %mul3A_661 : vector<16xf32>
      %add3A_663 = arith.constant 0 : i32
      %add3A_664 = arith.addi %multiple_of3A_639, %add3A_663 : i32
      %get3A_665 = arith.index_cast %add3A_664 : i32 to index
      %get3A_666 = tpu.vector_load %arg7[%get3A_665] {strides = array<i32>} : memref<3584xi32, #tpu.memory_space<vmem>>, vector<16xi32>,
      tpu.vector_store_idx %arg18[%get3A_666], %add3A_662 {add = true} : memref<50176xf32, #tpu.memory_space<vmem>>[vector<16xi32>], vector<16xf32>,
      %get3A_667 = arith.constant 1 : i32
      %get3A_668 = arith.index_cast %get3A_667 : i32 to index
      %get3A_669 = arith.constant 0 : index
      %get3A_670 = tpu.vector_load %arg16[%get3A_668, %get3A_669] {strides = array<i32>} : memref<9x256xf32, #tpu.memory_space<vmem>>, vector<16xf32>,
      %get3A_671 = arith.constant 4 : i32
      %get3A_672 = arith.index_cast %get3A_671 : i32 to index
      %get3A_673 = arith.constant 0 : index
      %get3A_674 = tpu.vector_load %arg16[%get3A_672, %get3A_673] {strides = array<i32>} : memref<9x256xf32, #tpu.memory_space<vmem>>, vector<16xf32>,
      %add3A_675 = arith.addf %get3A_670, %get3A_674 : vector<16xf32>
      %get3A_676 = arith.constant 7 : i32
      %get3A_677 = arith.index_cast %get3A_676 : i32 to index
      %get3A_678 = arith.constant 0 : index
      %get3A_679 = tpu.vector_load %arg16[%get3A_677, %get3A_678] {strides = array<i32>} : memref<9x256xf32, #tpu.memory_space<vmem>>, vector<16xf32>,
      %add3A_680 = arith.addf %add3A_675, %get3A_679 : vector<16xf32>
      %add3A_681 = arith.constant 0 : i32
      %add3A_682 = arith.addi %multiple_of3A_639, %add3A_681 : i32
      %get3A_683 = arith.index_cast %add3A_682 : i32 to index
      %get3A_684 = tpu.vector_load %arg11[%get3A_683] {strides = array<i32>} : memref<3584xf32, #tpu.memory_space<vmem>>, vector<16xf32>,
      %add3A_685 = arith.constant 0 : i32
      %add3A_686 = arith.addi %multiple_of3A_639, %add3A_685 : i32
      %get3A_687 = arith.index_cast %add3A_686 : i32 to index
      %get3A_688 = tpu.vector_load %arg14[%get3A_687] {strides = array<i32>} : memref<3584xf32, #tpu.memory_space<vmem>>, vector<16xf32>,
      %mul3A_689 = arith.mulf %get3A_688, %add3A_680 : vector<16xf32>
      %add3A_690 = arith.addf %get3A_684, %mul3A_689 : vector<16xf32>
      %add3A_691 = arith.constant 0 : i32
      %add3A_692 = arith.addi %multiple_of3A_639, %add3A_691 : i32
      %get3A_693 = arith.index_cast %add3A_692 : i32 to index
      %get3A_694 = tpu.vector_load %arg8[%get3A_693] {strides = array<i32>} : memref<3584xi32, #tpu.memory_space<vmem>>, vector<16xi32>,
      tpu.vector_store_idx %arg18[%get3A_694], %add3A_690 {add = true} : memref<50176xf32, #tpu.memory_space<vmem>>[vector<16xi32>], vector<16xf32>,
      %get3A_695 = arith.constant 2 : i32
      %get3A_696 = arith.index_cast %get3A_695 : i32 to index
      %get3A_697 = arith.constant 0 : index
      %get3A_698 = tpu.vector_load %arg16[%get3A_696, %get3A_697] {strides = array<i32>} : memref<9x256xf32, #tpu.memory_space<vmem>>, vector<16xf32>,
      %get3A_699 = arith.constant 5 : i32
      %get3A_700 = arith.index_cast %get3A_699 : i32 to index
      %get3A_701 = arith.constant 0 : index
      %get3A_702 = tpu.vector_load %arg16[%get3A_700, %get3A_701] {strides = array<i32>} : memref<9x256xf32, #tpu.memory_space<vmem>>, vector<16xf32>,
      %add3A_703 = arith.addf %get3A_698, %get3A_702 : vector<16xf32>
      %get3A_704 = arith.constant 8 : i32
      %get3A_705 = arith.index_cast %get3A_704 : i32 to index
      %get3A_706 = arith.constant 0 : index
      %get3A_707 = tpu.vector_load %arg16[%get3A_705, %get3A_706] {strides = array<i32>} : memref<9x256xf32, #tpu.memory_space<vmem>>, vector<16xf32>,
      %add3A_708 = arith.addf %add3A_703, %get3A_707 : vector<16xf32>
      %add3A_709 = arith.constant 0 : i32
      %add3A_710 = arith.addi %multiple_of3A_639, %add3A_709 : i32
      %get3A_711 = arith.index_cast %add3A_710 : i32 to index
      %get3A_712 = tpu.vector_load %arg12[%get3A_711] {strides = array<i32>} : memref<3584xf32, #tpu.memory_space<vmem>>, vector<16xf32>,
      %add3A_713 = arith.constant 0 : i32
      %add3A_714 = arith.addi %multiple_of3A_639, %add3A_713 : i32
      %get3A_715 = arith.index_cast %add3A_714 : i32 to index
      %get3A_716 = tpu.vector_load %arg15[%get3A_715] {strides = array<i32>} : memref<3584xf32, #tpu.memory_space<vmem>>, vector<16xf32>,
      %mul3A_717 = arith.mulf %get3A_716, %add3A_708 : vector<16xf32>
      %add3A_718 = arith.addf %get3A_712, %mul3A_717 : vector<16xf32>
      %add3A_719 = arith.constant 0 : i32
      %add3A_720 = arith.addi %multiple_of3A_639, %add3A_719 : i32
      %get3A_721 = arith.index_cast %add3A_720 : i32 to index
      %get3A_722 = tpu.vector_load %arg9[%get3A_721] {strides = array<i32>} : memref<3584xi32, #tpu.memory_space<vmem>>, vector<16xi32>,
      tpu.vector_store_idx %arg18[%get3A_722], %add3A_718 {add = true} : memref<50176xf32, #tpu.memory_space<vmem>>[vector<16xi32>], vector<16xf32>,
      %get3A_723 = arith.constant 0 : i32
      %get3A_724 = arith.index_cast %get3A_723 : i32 to index
      %get3A_725 = arith.constant 16 : index
      %get3A_726 = tpu.vector_load %arg16[%get3A_724, %get3A_725] {strides = array<i32>} : memref<9x256xf32, #tpu.memory_space<vmem>>, vector<16xf32>,
      %get3A_727 = arith.constant 3 : i32
      %get3A_728 = arith.index_cast %get3A_727 : i32 to index
      %get3A_729 = arith.constant 16 : index
      %get3A_730 = tpu.vector_load %arg16[%get3A_728, %get3A_729] {strides = array<i32>} : memref<9x256xf32, #tpu.memory_space<vmem>>, vector<16xf32>,
      %add3A_731 = arith.addf %get3A_726, %get3A_730 : vector<16xf32>
      %get3A_732 = arith.constant 6 : i32
      %get3A_733 = arith.index_cast %get3A_732 : i32 to index
      %get3A_734 = arith.constant 16 : index
      %get3A_735 = tpu.vector_load %arg16[%get3A_733, %get3A_734] {strides = array<i32>} : memref<9x256xf32, #tpu.memory_space<vmem>>, vector<16xf32>,
      %add3A_736 = arith.addf %add3A_731, %get3A_735 : vector<16xf32>
      %add3A_737 = arith.constant 16 : i32
      %add3A_738 = arith.addi %multiple_of3A_639, %add3A_737 : i32
      %get3A_739 = arith.index_cast %add3A_738 : i32 to index
      %get3A_740 = tpu.vector_load %arg10[%get3A_739] {strides = array<i32>} : memref<3584xf32, #tpu.memory_space<vmem>>, vector<16xf32>,
      %add3A_741 = arith.constant 16 : i32
      %add3A_742 = arith.addi %multiple_of3A_639, %add3A_741 : i32
      %get3A_743 = arith.index_cast %add3A_742 : i32 to index
      %get3A_744 = tpu.vector_load %arg13[%get3A_743] {strides = array<i32>} : memref<3584xf32, #tpu.memory_space<vmem>>, vector<16xf32>,
      %mul3A_745 = arith.mulf %get3A_744, %add3A_736 : vector<16xf32>
      %add3A_746 = arith.addf %get3A_740, %mul3A_745 : vector<16xf32>
      %add3A_747 = arith.constant 16 : i32
      %add3A_748 = arith.addi %multiple_of3A_639, %add3A_747 : i32
      %get3A_749 = arith.index_cast %add3A_748 : i32 to index
      %get3A_750 = tpu.vector_load %arg7[%get3A_749] {strides = array<i32>} : memref<3584xi32, #tpu.memory_space<vmem>>, vector<16xi32>,
      tpu.vector_store_idx %arg18[%get3A_750], %add3A_746 {add = true} : memref<50176xf32, #tpu.memory_space<vmem>>[vector<16xi32>], vector<16xf32>,
      %get3A_751 = arith.constant 1 : i32
      %get3A_752 = arith.index_cast %get3A_751 : i32 to index
      %get3A_753 = arith.constant 16 : index
      %get3A_754 = tpu.vector_load %arg16[%get3A_752, %get3A_753] {strides = array<i32>} : memref<9x256xf32, #tpu.memory_space<vmem>>, vector<16xf32>,
      %get3A_755 = arith.constant 4 : i32
      %get3A_756 = arith.index_cast %get3A_755 : i32 to index
      %get3A_757 = arith.constant 16 : index
      %get3A_758 = tpu.vector_load %arg16[%get3A_756, %get3A_757] {strides = array<i32>} : memref<9x256xf32, #tpu.memory_space<vmem>>, vector<16xf32>,
      %add3A_759 = arith.addf %get3A_754, %get3A_758 : vector<16xf32>
      %get3A_760 = arith.constant 7 : i32
      %get3A_761 = arith.index_cast %get3A_760 : i32 to index
      %get3A_762 = arith.constant 16 : index
      %get3A_763 = tpu.vector_load %arg16[%get3A_761, %get3A_762] {strides = array<i32>} : memref<9x256xf32, #tpu.memory_space<vmem>>, vector<16xf32>,
      %add3A_764 = arith.addf %add3A_759, %get3A_763 : vector<16xf32>
      %add3A_765 = arith.constant 16 : i32
      %add3A_766 = arith.addi %multiple_of3A_639, %add3A_765 : i32
      %get3A_767 = arith.index_cast %add3A_766 : i32 to index
      %get3A_768 = tpu.vector_load %arg11[%get3A_767] {strides = array<i32>} : memref<3584xf32, #tpu.memory_space<vmem>>, vector<16xf32>,
      %add3A_769 = arith.constant 16 : i32
      %add3A_770 = arith.addi %multiple_of3A_639, %add3A_769 : i32
      %get3A_771 = arith.index_cast %add3A_770 : i32 to index
      %get3A_772 = tpu.vector_load %arg14[%get3A_771] {strides = array<i32>} : memref<3584xf32, #tpu.memory_space<vmem>>, vector<16xf32>,
      %mul3A_773 = arith.mulf %get3A_772, %add3A_764 : vector<16xf32>
      %add3A_774 = arith.addf %get3A_768, %mul3A_773 : vector<16xf32>
      %add3A_775 = arith.constant 16 : i32
      %add3A_776 = arith.addi %multiple_of3A_639, %add3A_775 : i32
      %get3A_777 = arith.index_cast %add3A_776 : i32 to index
      %get3A_778 = tpu.vector_load %arg8[%get3A_777] {strides = array<i32>} : memref<3584xi32, #tpu.memory_space<vmem>>, vector<16xi32>,
      tpu.vector_store_idx %arg18[%get3A_778], %add3A_774 {add = true} : memref<50176xf32, #tpu.memory_space<vmem>>[vector<16xi32>], vector<16xf32>,
      %get3A_779 = arith.constant 2 : i32
      %get3A_780 = arith.index_cast %get3A_779 : i32 to index
      %get3A_781 = arith.constant 16 : index
      %get3A_782 = tpu.vector_load %arg16[%get3A_780, %get3A_781] {strides = array<i32>} : memref<9x256xf32, #tpu.memory_space<vmem>>, vector<16xf32>,
      %get3A_783 = arith.constant 5 : i32
      %get3A_784 = arith.index_cast %get3A_783 : i32 to index
      %get3A_785 = arith.constant 16 : index
      %get3A_786 = tpu.vector_load %arg16[%get3A_784, %get3A_785] {strides = array<i32>} : memref<9x256xf32, #tpu.memory_space<vmem>>, vector<16xf32>,
      %add3A_787 = arith.addf %get3A_782, %get3A_786 : vector<16xf32>
      %get3A_788 = arith.constant 8 : i32
      %get3A_789 = arith.index_cast %get3A_788 : i32 to index
      %get3A_790 = arith.constant 16 : index
      %get3A_791 = tpu.vector_load %arg16[%get3A_789, %get3A_790] {strides = array<i32>} : memref<9x256xf32, #tpu.memory_space<vmem>>, vector<16xf32>,
      %add3A_792 = arith.addf %add3A_787, %get3A_791 : vector<16xf32>
      %add3A_793 = arith.constant 16 : i32
      %add3A_794 = arith.addi %multiple_of3A_639, %add3A_793 : i32
      %get3A_795 = arith.index_cast %add3A_794 : i32 to index
      %get3A_796 = tpu.vector_load %arg12[%get3A_795] {strides = array<i32>} : memref<3584xf32, #tpu.memory_space<vmem>>, vector<16xf32>,
      %add3A_797 = arith.constant 16 : i32
      %add3A_798 = arith.addi %multiple_of3A_639, %add3A_797 : i32
      %get3A_799 = arith.index_cast %add3A_798 : i32 to index
      %get3A_800 = tpu.vector_load %arg15[%get3A_799] {strides = array<i32>} : memref<3584xf32, #tpu.memory_space<vmem>>, vector<16xf32>,
      %mul3A_801 = arith.mulf %get3A_800, %add3A_792 : vector<16xf32>
      %add3A_802 = arith.addf %get3A_796, %mul3A_801 : vector<16xf32>
      %add3A_803 = arith.constant 16 : i32
      %add3A_804 = arith.addi %multiple_of3A_639, %add3A_803 : i32
      %get3A_805 = arith.index_cast %add3A_804 : i32 to index
      %get3A_806 = tpu.vector_load %arg9[%get3A_805] {strides = array<i32>} : memref<3584xi32, #tpu.memory_space<vmem>>, vector<16xi32>,
      tpu.vector_store_idx %arg18[%get3A_806], %add3A_802 {add = true} : memref<50176xf32, #tpu.memory_space<vmem>>[vector<16xi32>], vector<16xf32>,
      %get3A_807 = arith.constant 0 : i32
      %get3A_808 = arith.index_cast %get3A_807 : i32 to index
      %get3A_809 = arith.constant 32 : index
      %get3A_810 = tpu.vector_load %arg16[%get3A_808, %get3A_809] {strides = array<i32>} : memref<9x256xf32, #tpu.memory_space<vmem>>, vector<16xf32>,
      %get3A_811 = arith.constant 3 : i32
      %get3A_812 = arith.index_cast %get3A_811 : i32 to index
      %get3A_813 = arith.constant 32 : index
      %get3A_814 = tpu.vector_load %arg16[%get3A_812, %get3A_813] {strides = array<i32>} : memref<9x256xf32, #tpu.memory_space<vmem>>, vector<16xf32>,
      %add3A_815 = arith.addf %get3A_810, %get3A_814 : vector<16xf32>
      %get3A_816 = arith.constant 6 : i32
      %get3A_817 = arith.index_cast %get3A_816 : i32 to index
      %get3A_818 = arith.constant 32 : index
      %get3A_819 = tpu.vector_load %arg16[%get3A_817, %get3A_818] {strides = array<i32>} : memref<9x256xf32, #tpu.memory_space<vmem>>, vector<16xf32>,
      %add3A_820 = arith.addf %add3A_815, %get3A_819 : vector<16xf32>
      %add3A_821 = arith.constant 32 : i32
      %add3A_822 = arith.addi %multiple_of3A_639, %add3A_821 : i32
      %get3A_823 = arith.index_cast %add3A_822 : i32 to index
      %get3A_824 = tpu.vector_load %arg10[%get3A_823] {strides = array<i32>} : memref<3584xf32, #tpu.memory_space<vmem>>, vector<16xf32>,
      %add3A_825 = arith.constant 32 : i32
      %add3A_826 = arith.addi %multiple_of3A_639, %add3A_825 : i32
      %get3A_827 = arith.index_cast %add3A_826 : i32 to index
      %get3A_828 = tpu.vector_load %arg13[%get3A_827] {strides = array<i32>} : memref<3584xf32, #tpu.memory_space<vmem>>, vector<16xf32>,
      %mul3A_829 = arith.mulf %get3A_828, %add3A_820 : vector<16xf32>
      %add3A_830 = arith.addf %get3A_824, %mul3A_829 : vector<16xf32>
      %add3A_831 = arith.constant 32 : i32
      %add3A_832 = arith.addi %multiple_of3A_639, %add3A_831 : i32
      %get3A_833 = arith.index_cast %add3A_832 : i32 to index
      %get3A_834 = tpu.vector_load %arg7[%get3A_833] {strides = array<i32>} : memref<3584xi32, #tpu.memory_space<vmem>>, vector<16xi32>,
      tpu.vector_store_idx %arg18[%get3A_834], %add3A_830 {add = true} : memref<50176xf32, #tpu.memory_space<vmem>>[vector<16xi32>], vector<16xf32>,
      %get3A_835 = arith.constant 1 : i32
      %get3A_836 = arith.index_cast %get3A_835 : i32 to index
      %get3A_837 = arith.constant 32 : index
      %get3A_838 = tpu.vector_load %arg16[%get3A_836, %get3A_837] {strides = array<i32>} : memref<9x256xf32, #tpu.memory_space<vmem>>, vector<16xf32>,
      %get3A_839 = arith.constant 4 : i32
      %get3A_840 = arith.index_cast %get3A_839 : i32 to index
      %get3A_841 = arith.constant 32 : index
      %get3A_842 = tpu.vector_load %arg16[%get3A_840, %get3A_841] {strides = array<i32>} : memref<9x256xf32, #tpu.memory_space<vmem>>, vector<16xf32>,
      %add3A_843 = arith.addf %get3A_838, %get3A_842 : vector<16xf32>
      %get3A_844 = arith.constant 7 : i32
      %get3A_845 = arith.index_cast %get3A_844 : i32 to index
      %get3A_846 = arith.constant 32 : index
      %get3A_847 = tpu.vector_load %arg16[%get3A_845, %get3A_846] {strides = array<i32>} : memref<9x256xf32, #tpu.memory_space<vmem>>, vector<16xf32>,
      %add3A_848 = arith.addf %add3A_843, %get3A_847 : vector<16xf32>
      %add3A_849 = arith.constant 32 : i32
      %add3A_850 = arith.addi %multiple_of3A_639, %add3A_849 : i32
      %get3A_851 = arith.index_cast %add3A_850 : i32 to index
      %get3A_852 = tpu.vector_load %arg11[%get3A_851] {strides = array<i32>} : memref<3584xf32, #tpu.memory_space<vmem>>, vector<16xf32>,
      %add3A_853 = arith.constant 32 : i32
      %add3A_854 = arith.addi %multiple_of3A_639, %add3A_853 : i32
      %get3A_855 = arith.index_cast %add3A_854 : i32 to index
      %get3A_856 = tpu.vector_load %arg14[%get3A_855] {strides = array<i32>} : memref<3584xf32, #tpu.memory_space<vmem>>, vector<16xf32>,
      %mul3A_857 = arith.mulf %get3A_856, %add3A_848 : vector<16xf32>
      %add3A_858 = arith.addf %get3A_852, %mul3A_857 : vector<16xf32>
      %add3A_859 = arith.constant 32 : i32
      %add3A_860 = arith.addi %multiple_of3A_639, %add3A_859 : i32
      %get3A_861 = arith.index_cast %add3A_860 : i32 to index
      %get3A_862 = tpu.vector_load %arg8[%get3A_861] {strides = array<i32>} : memref<3584xi32, #tpu.memory_space<vmem>>, vector<16xi32>,
      tpu.vector_store_idx %arg18[%get3A_862], %add3A_858 {add = true} : memref<50176xf32, #tpu.memory_space<vmem>>[vector<16xi32>], vector<16xf32>,
      %get3A_863 = arith.constant 2 : i32
      %get3A_864 = arith.index_cast %get3A_863 : i32 to index
      %get3A_865 = arith.constant 32 : index
      %get3A_866 = tpu.vector_load %arg16[%get3A_864, %get3A_865] {strides = array<i32>} : memref<9x256xf32, #tpu.memory_space<vmem>>, vector<16xf32>,
      %get3A_867 = arith.constant 5 : i32
      %get3A_868 = arith.index_cast %get3A_867 : i32 to index
      %get3A_869 = arith.constant 32 : index
      %get3A_870 = tpu.vector_load %arg16[%get3A_868, %get3A_869] {strides = array<i32>} : memref<9x256xf32, #tpu.memory_space<vmem>>, vector<16xf32>,
      %add3A_871 = arith.addf %get3A_866, %get3A_870 : vector<16xf32>
      %get3A_872 = arith.constant 8 : i32
      %get3A_873 = arith.index_cast %get3A_872 : i32 to index
      %get3A_874 = arith.constant 32 : index
      %get3A_875 = tpu.vector_load %arg16[%get3A_873, %get3A_874] {strides = array<i32>} : memref<9x256xf32, #tpu.memory_space<vmem>>, vector<16xf32>,
      %add3A_876 = arith.addf %add3A_871, %get3A_875 : vector<16xf32>
      %add3A_877 = arith.constant 32 : i32
      %add3A_878 = arith.addi %multiple_of3A_639, %add3A_877 : i32
      %get3A_879 = arith.index_cast %add3A_878 : i32 to index
      %get3A_880 = tpu.vector_load %arg12[%get3A_879] {strides = array<i32>} : memref<3584xf32, #tpu.memory_space<vmem>>, vector<16xf32>,
      %add3A_881 = arith.constant 32 : i32
      %add3A_882 = arith.addi %multiple_of3A_639, %add3A_881 : i32
      %get3A_883 = arith.index_cast %add3A_882 : i32 to index
      %get3A_884 = tpu.vector_load %arg15[%get3A_883] {strides = array<i32>} : memref<3584xf32, #tpu.memory_space<vmem>>, vector<16xf32>,
      %mul3A_885 = arith.mulf %get3A_884, %add3A_876 : vector<16xf32>
      %add3A_886 = arith.addf %get3A_880, %mul3A_885 : vector<16xf32>
      %add3A_887 = arith.constant 32 : i32
      %add3A_888 = arith.addi %multiple_of3A_639, %add3A_887 : i32
      %get3A_889 = arith.index_cast %add3A_888 : i32 to index
      %get3A_890 = tpu.vector_load %arg9[%get3A_889] {strides = array<i32>} : memref<3584xi32, #tpu.memory_space<vmem>>, vector<16xi32>,
      tpu.vector_store_idx %arg18[%get3A_890], %add3A_886 {add = true} : memref<50176xf32, #tpu.memory_space<vmem>>[vector<16xi32>], vector<16xf32>,
      %get3A_891 = arith.constant 0 : i32
      %get3A_892 = arith.index_cast %get3A_891 : i32 to index
      %get3A_893 = arith.constant 48 : index
      %get3A_894 = tpu.vector_load %arg16[%get3A_892, %get3A_893] {strides = array<i32>} : memref<9x256xf32, #tpu.memory_space<vmem>>, vector<16xf32>,
      %get3A_895 = arith.constant 3 : i32
      %get3A_896 = arith.index_cast %get3A_895 : i32 to index
      %get3A_897 = arith.constant 48 : index
      %get3A_898 = tpu.vector_load %arg16[%get3A_896, %get3A_897] {strides = array<i32>} : memref<9x256xf32, #tpu.memory_space<vmem>>, vector<16xf32>,
      %add3A_899 = arith.addf %get3A_894, %get3A_898 : vector<16xf32>
      %get3A_900 = arith.constant 6 : i32
      %get3A_901 = arith.index_cast %get3A_900 : i32 to index
      %get3A_902 = arith.constant 48 : index
      %get3A_903 = tpu.vector_load %arg16[%get3A_901, %get3A_902] {strides = array<i32>} : memref<9x256xf32, #tpu.memory_space<vmem>>, vector<16xf32>,
      %add3A_904 = arith.addf %add3A_899, %get3A_903 : vector<16xf32>
      %add3A_905 = arith.constant 48 : i32
      %add3A_906 = arith.addi %multiple_of3A_639, %add3A_905 : i32
      %get3A_907 = arith.index_cast %add3A_906 : i32 to index
      %get3A_908 = tpu.vector_load %arg10[%get3A_907] {strides = array<i32>} : memref<3584xf32, #tpu.memory_space<vmem>>, vector<16xf32>,
      %add3A_909 = arith.constant 48 : i32
      %add3A_910 = arith.addi %multiple_of3A_639, %add3A_909 : i32
      %get3A_911 = arith.index_cast %add3A_910 : i32 to index
      %get3A_912 = tpu.vector_load %arg13[%get3A_911] {strides = array<i32>} : memref<3584xf32, #tpu.memory_space<vmem>>, vector<16xf32>,
      %mul3A_913 = arith.mulf %get3A_912, %add3A_904 : vector<16xf32>
      %add3A_914 = arith.addf %get3A_908, %mul3A_913 : vector<16xf32>
      %add3A_915 = arith.constant 48 : i32
      %add3A_916 = arith.addi %multiple_of3A_639, %add3A_915 : i32
      %get3A_917 = arith.index_cast %add3A_916 : i32 to index
      %get3A_918 = tpu.vector_load %arg7[%get3A_917] {strides = array<i32>} : memref<3584xi32, #tpu.memory_space<vmem>>, vector<16xi32>,
      tpu.vector_store_idx %arg18[%get3A_918], %add3A_914 {add = true} : memref<50176xf32, #tpu.memory_space<vmem>>[vector<16xi32>], vector<16xf32>,
      %get3A_919 = arith.constant 1 : i32
      %get3A_920 = arith.index_cast %get3A_919 : i32 to index
      %get3A_921 = arith.constant 48 : index
      %get3A_922 = tpu.vector_load %arg16[%get3A_920, %get3A_921] {strides = array<i32>} : memref<9x256xf32, #tpu.memory_space<vmem>>, vector<16xf32>,
      %get3A_923 = arith.constant 4 : i32
      %get3A_924 = arith.index_cast %get3A_923 : i32 to index
      %get3A_925 = arith.constant 48 : index
      %get3A_926 = tpu.vector_load %arg16[%get3A_924, %get3A_925] {strides = array<i32>} : memref<9x256xf32, #tpu.memory_space<vmem>>, vector<16xf32>,
      %add3A_927 = arith.addf %get3A_922, %get3A_926 : vector<16xf32>
      %get3A_928 = arith.constant 7 : i32
      %get3A_929 = arith.index_cast %get3A_928 : i32 to index
      %get3A_930 = arith.constant 48 : index
      %get3A_931 = tpu.vector_load %arg16[%get3A_929, %get3A_930] {strides = array<i32>} : memref<9x256xf32, #tpu.memory_space<vmem>>, vector<16xf32>,
      %add3A_932 = arith.addf %add3A_927, %get3A_931 : vector<16xf32>
      %add3A_933 = arith.constant 48 : i32
      %add3A_934 = arith.addi %multiple_of3A_639, %add3A_933 : i32
      %get3A_935 = arith.index_cast %add3A_934 : i32 to index
      %get3A_936 = tpu.vector_load %arg11[%get3A_935] {strides = array<i32>} : memref<3584xf32, #tpu.memory_space<vmem>>, vector<16xf32>,
      %add3A_937 = arith.constant 48 : i32
      %add3A_938 = arith.addi %multiple_of3A_639, %add3A_937 : i32
      %get3A_939 = arith.index_cast %add3A_938 : i32 to index
      %get3A_940 = tpu.vector_load %arg14[%get3A_939] {strides = array<i32>} : memref<3584xf32, #tpu.memory_space<vmem>>, vector<16xf32>,
      %mul3A_941 = arith.mulf %get3A_940, %add3A_932 : vector<16xf32>
      %add3A_942 = arith.addf %get3A_936, %mul3A_941 : vector<16xf32>
      %add3A_943 = arith.constant 48 : i32
      %add3A_944 = arith.addi %multiple_of3A_639, %add3A_943 : i32
      %get3A_945 = arith.index_cast %add3A_944 : i32 to index
      %get3A_946 = tpu.vector_load %arg8[%get3A_945] {strides = array<i32>} : memref<3584xi32, #tpu.memory_space<vmem>>, vector<16xi32>,
      tpu.vector_store_idx %arg18[%get3A_946], %add3A_942 {add = true} : memref<50176xf32, #tpu.memory_space<vmem>>[vector<16xi32>], vector<16xf32>,
      %get3A_947 = arith.constant 2 : i32
      %get3A_948 = arith.index_cast %get3A_947 : i32 to index
      %get3A_949 = arith.constant 48 : index
      %get3A_950 = tpu.vector_load %arg16[%get3A_948, %get3A_949] {strides = array<i32>} : memref<9x256xf32, #tpu.memory_space<vmem>>, vector<16xf32>,
      %get3A_951 = arith.constant 5 : i32
      %get3A_952 = arith.index_cast %get3A_951 : i32 to index
      %get3A_953 = arith.constant 48 : index
      %get3A_954 = tpu.vector_load %arg16[%get3A_952, %get3A_953] {strides = array<i32>} : memref<9x256xf32, #tpu.memory_space<vmem>>, vector<16xf32>,
      %add3A_955 = arith.addf %get3A_950, %get3A_954 : vector<16xf32>
      %get3A_956 = arith.constant 8 : i32
      %get3A_957 = arith.index_cast %get3A_956 : i32 to index
      %get3A_958 = arith.constant 48 : index
      %get3A_959 = tpu.vector_load %arg16[%get3A_957, %get3A_958] {strides = array<i32>} : memref<9x256xf32, #tpu.memory_space<vmem>>, vector<16xf32>,
      %add3A_960 = arith.addf %add3A_955, %get3A_959 : vector<16xf32>
      %add3A_961 = arith.constant 48 : i32
      %add3A_962 = arith.addi %multiple_of3A_639, %add3A_961 : i32
      %get3A_963 = arith.index_cast %add3A_962 : i32 to index
      %get3A_964 = tpu.vector_load %arg12[%get3A_963] {strides = array<i32>} : memref<3584xf32, #tpu.memory_space<vmem>>, vector<16xf32>,
      %add3A_965 = arith.constant 48 : i32
      %add3A_966 = arith.addi %multiple_of3A_639, %add3A_965 : i32
      %get3A_967 = arith.index_cast %add3A_966 : i32 to index
      %get3A_968 = tpu.vector_load %arg15[%get3A_967] {strides = array<i32>} : memref<3584xf32, #tpu.memory_space<vmem>>, vector<16xf32>,
      %mul3A_969 = arith.mulf %get3A_968, %add3A_960 : vector<16xf32>
      %add3A_970 = arith.addf %get3A_964, %mul3A_969 : vector<16xf32>
      %add3A_971 = arith.constant 48 : i32
      %add3A_972 = arith.addi %multiple_of3A_639, %add3A_971 : i32
      %get3A_973 = arith.index_cast %add3A_972 : i32 to index
      %get3A_974 = tpu.vector_load %arg9[%get3A_973] {strides = array<i32>} : memref<3584xi32, #tpu.memory_space<vmem>>, vector<16xi32>,
      tpu.vector_store_idx %arg18[%get3A_974], %add3A_970 {add = true} : memref<50176xf32, #tpu.memory_space<vmem>>[vector<16xi32>], vector<16xf32>,
      %get3A_975 = arith.constant 0 : i32
      %get3A_976 = arith.index_cast %get3A_975 : i32 to index
      %get3A_977 = arith.constant 64 : index
      %get3A_978 = tpu.vector_load %arg16[%get3A_976, %get3A_977] {strides = array<i32>} : memref<9x256xf32, #tpu.memory_space<vmem>>, vector<16xf32>,
      %get3A_979 = arith.constant 3 : i32
      %get3A_980 = arith.index_cast %get3A_979 : i32 to index
      %get3A_981 = arith.constant 64 : index
      %get3A_982 = tpu.vector_load %arg16[%get3A_980, %get3A_981] {strides = array<i32>} : memref<9x256xf32, #tpu.memory_space<vmem>>, vector<16xf32>,
      %add3A_983 = arith.addf %get3A_978, %get3A_982 : vector<16xf32>
      %get3A_984 = arith.constant 6 : i32
      %get3A_985 = arith.index_cast %get3A_984 : i32 to index
      %get3A_986 = arith.constant 64 : index
      %get3A_987 = tpu.vector_load %arg16[%get3A_985, %get3A_986] {strides = array<i32>} : memref<9x256xf32, #tpu.memory_space<vmem>>, vector<16xf32>,
      %add3A_988 = arith.addf %add3A_983, %get3A_987 : vector<16xf32>
      %add3A_989 = arith.constant 64 : i32
      %add3A_990 = arith.addi %multiple_of3A_639, %add3A_989 : i32
      %get3A_991 = arith.index_cast %add3A_990 : i32 to index
      %get3A_992 = tpu.vector_load %arg10[%get3A_991] {strides = array<i32>} : memref<3584xf32, #tpu.memory_space<vmem>>, vector<16xf32>,
      %add3A_993 = arith.constant 64 : i32
      %add3A_994 = arith.addi %multiple_of3A_639, %add3A_993 : i32
      %get3A_995 = arith.index_cast %add3A_994 : i32 to index
      %get3A_996 = tpu.vector_load %arg13[%get3A_995] {strides = array<i32>} : memref<3584xf32, #tpu.memory_space<vmem>>, vector<16xf32>,
      %mul3A_997 = arith.mulf %get3A_996, %add3A_988 : vector<16xf32>
      %add3A_998 = arith.addf %get3A_992, %mul3A_997 : vector<16xf32>
      %add3A_999 = arith.constant 64 : i32
      %add3A_1000 = arith.addi %multiple_of3A_639, %add3A_999 : i32
      %get3A_1001 = arith.index_cast %add3A_1000 : i32 to index
      %get3A_1002 = tpu.vector_load %arg7[%get3A_1001] {strides = array<i32>} : memref<3584xi32, #tpu.memory_space<vmem>>, vector<16xi32>,
      tpu.vector_store_idx %arg18[%get3A_1002], %add3A_998 {add = true} : memref<50176xf32, #tpu.memory_space<vmem>>[vector<16xi32>], vector<16xf32>,
      %get3A_1003 = arith.constant 1 : i32
      %get3A_1004 = arith.index_cast %get3A_1003 : i32 to index
      %get3A_1005 = arith.constant 64 : index
      %get3A_1006 = tpu.vector_load %arg16[%get3A_1004, %get3A_1005] {strides = array<i32>} : memref<9x256xf32, #tpu.memory_space<vmem>>, vector<16xf32>,
      %get3A_1007 = arith.constant 4 : i32
      %get3A_1008 = arith.index_cast %get3A_1007 : i32 to index
      %get3A_1009 = arith.constant 64 : index
      %get3A_1010 = tpu.vector_load %arg16[%get3A_1008, %get3A_1009] {strides = array<i32>} : memref<9x256xf32, #tpu.memory_space<vmem>>, vector<16xf32>,
      %add3A_1011 = arith.addf %get3A_1006, %get3A_1010 : vector<16xf32>
      %get3A_1012 = arith.constant 7 : i32
      %get3A_1013 = arith.index_cast %get3A_1012 : i32 to index
      %get3A_1014 = arith.constant 64 : index
      %get3A_1015 = tpu.vector_load %arg16[%get3A_1013, %get3A_1014] {strides = array<i32>} : memref<9x256xf32, #tpu.memory_space<vmem>>, vector<16xf32>,
      %add3A_1016 = arith.addf %add3A_1011, %get3A_1015 : vector<16xf32>
      %add3A_1017 = arith.constant 64 : i32
      %add3A_1018 = arith.addi %multiple_of3A_639, %add3A_1017 : i32
      %get3A_1019 = arith.index_cast %add3A_1018 : i32 to index
      %get3A_1020 = tpu.vector_load %arg11[%get3A_1019] {strides = array<i32>} : memref<3584xf32, #tpu.memory_space<vmem>>, vector<16xf32>,
      %add3A_1021 = arith.constant 64 : i32
      %add3A_1022 = arith.addi %multiple_of3A_639, %add3A_1021 : i32
      %get3A_1023 = arith.index_cast %add3A_1022 : i32 to index
      %get3A_1024 = tpu.vector_load %arg14[%get3A_1023] {strides = array<i32>} : memref<3584xf32, #tpu.memory_space<vmem>>, vector<16xf32>,
      %mul3A_1025 = arith.mulf %get3A_1024, %add3A_1016 : vector<16xf32>
      %add3A_1026 = arith.addf %get3A_1020, %mul3A_1025 : vector<16xf32>
      %add3A_1027 = arith.constant 64 : i32
      %add3A_1028 = arith.addi %multiple_of3A_639, %add3A_1027 : i32
      %get3A_1029 = arith.index_cast %add3A_1028 : i32 to index
      %get3A_1030 = tpu.vector_load %arg8[%get3A_1029] {strides = array<i32>} : memref<3584xi32, #tpu.memory_space<vmem>>, vector<16xi32>,
      tpu.vector_store_idx %arg18[%get3A_1030], %add3A_1026 {add = true} : memref<50176xf32, #tpu.memory_space<vmem>>[vector<16xi32>], vector<16xf32>,
      %get3A_1031 = arith.constant 2 : i32
      %get3A_1032 = arith.index_cast %get3A_1031 : i32 to index
      %get3A_1033 = arith.constant 64 : index
      %get3A_1034 = tpu.vector_load %arg16[%get3A_1032, %get3A_1033] {strides = array<i32>} : memref<9x256xf32, #tpu.memory_space<vmem>>, vector<16xf32>,
      %get3A_1035 = arith.constant 5 : i32
      %get3A_1036 = arith.index_cast %get3A_1035 : i32 to index
      %get3A_1037 = arith.constant 64 : index
      %get3A_1038 = tpu.vector_load %arg16[%get3A_1036, %get3A_1037] {strides = array<i32>} : memref<9x256xf32, #tpu.memory_space<vmem>>, vector<16xf32>,
      %add3A_1039 = arith.addf %get3A_1034, %get3A_1038 : vector<16xf32>
      %get3A_1040 = arith.constant 8 : i32
      %get3A_1041 = arith.index_cast %get3A_1040 : i32 to index
      %get3A_1042 = arith.constant 64 : index
      %get3A_1043 = tpu.vector_load %arg16[%get3A_1041, %get3A_1042] {strides = array<i32>} : memref<9x256xf32, #tpu.memory_space<vmem>>, vector<16xf32>,
      %add3A_1044 = arith.addf %add3A_1039, %get3A_1043 : vector<16xf32>
      %add3A_1045 = arith.constant 64 : i32
      %add3A_1046 = arith.addi %multiple_of3A_639, %add3A_1045 : i32
      %get3A_1047 = arith.index_cast %add3A_1046 : i32 to index
      %get3A_1048 = tpu.vector_load %arg12[%get3A_1047] {strides = array<i32>} : memref<3584xf32, #tpu.memory_space<vmem>>, vector<16xf32>,
      %add3A_1049 = arith.constant 64 : i32
      %add3A_1050 = arith.addi %multiple_of3A_639, %add3A_1049 : i32
      %get3A_1051 = arith.index_cast %add3A_1050 : i32 to index
      %get3A_1052 = tpu.vector_load %arg15[%get3A_1051] {strides = array<i32>} : memref<3584xf32, #tpu.memory_space<vmem>>, vector<16xf32>,
      %mul3A_1053 = arith.mulf %get3A_1052, %add3A_1044 : vector<16xf32>
      %add3A_1054 = arith.addf %get3A_1048, %mul3A_1053 : vector<16xf32>
      %add3A_1055 = arith.constant 64 : i32
      %add3A_1056 = arith.addi %multiple_of3A_639, %add3A_1055 : i32
      %get3A_1057 = arith.index_cast %add3A_1056 : i32 to index
      %get3A_1058 = tpu.vector_load %arg9[%get3A_1057] {strides = array<i32>} : memref<3584xi32, #tpu.memory_space<vmem>>, vector<16xi32>,
      tpu.vector_store_idx %arg18[%get3A_1058], %add3A_1054 {add = true} : memref<50176xf32, #tpu.memory_space<vmem>>[vector<16xi32>], vector<16xf32>,
      %get3A_1059 = arith.constant 0 : i32
      %get3A_1060 = arith.index_cast %get3A_1059 : i32 to index
      %get3A_1061 = arith.constant 80 : index
      %get3A_1062 = tpu.vector_load %arg16[%get3A_1060, %get3A_1061] {strides = array<i32>} : memref<9x256xf32, #tpu.memory_space<vmem>>, vector<16xf32>,
      %get3A_1063 = arith.constant 3 : i32
      %get3A_1064 = arith.index_cast %get3A_1063 : i32 to index
      %get3A_1065 = arith.constant 80 : index
      %get3A_1066 = tpu.vector_load %arg16[%get3A_1064, %get3A_1065] {strides = array<i32>} : memref<9x256xf32, #tpu.memory_space<vmem>>, vector<16xf32>,
      %add3A_1067 = arith.addf %get3A_1062, %get3A_1066 : vector<16xf32>
      %get3A_1068 = arith.constant 6 : i32
      %get3A_1069 = arith.index_cast %get3A_1068 : i32 to index
      %get3A_1070 = arith.constant 80 : index
      %get3A_1071 = tpu.vector_load %arg16[%get3A_1069, %get3A_1070] {strides = array<i32>} : memref<9x256xf32, #tpu.memory_space<vmem>>, vector<16xf32>,
      %add3A_1072 = arith.addf %add3A_1067, %get3A_1071 : vector<16xf32>
      %add3A_1073 = arith.constant 80 : i32
      %add3A_1074 = arith.addi %multiple_of3A_639, %add3A_1073 : i32
      %get3A_1075 = arith.index_cast %add3A_1074 : i32 to index
      %get3A_1076 = tpu.vector_load %arg10[%get3A_1075] {strides = array<i32>} : memref<3584xf32, #tpu.memory_space<vmem>>, vector<16xf32>,
      %add3A_1077 = arith.constant 80 : i32
      %add3A_1078 = arith.addi %multiple_of3A_639, %add3A_1077 : i32
      %get3A_1079 = arith.index_cast %add3A_1078 : i32 to index
      %get3A_1080 = tpu.vector_load %arg13[%get3A_1079] {strides = array<i32>} : memref<3584xf32, #tpu.memory_space<vmem>>, vector<16xf32>,
      %mul3A_1081 = arith.mulf %get3A_1080, %add3A_1072 : vector<16xf32>
      %add3A_1082 = arith.addf %get3A_1076, %mul3A_1081 : vector<16xf32>
      %add3A_1083 = arith.constant 80 : i32
      %add3A_1084 = arith.addi %multiple_of3A_639, %add3A_1083 : i32
      %get3A_1085 = arith.index_cast %add3A_1084 : i32 to index
      %get3A_1086 = tpu.vector_load %arg7[%get3A_1085] {strides = array<i32>} : memref<3584xi32, #tpu.memory_space<vmem>>, vector<16xi32>,
      tpu.vector_store_idx %arg18[%get3A_1086], %add3A_1082 {add = true} : memref<50176xf32, #tpu.memory_space<vmem>>[vector<16xi32>], vector<16xf32>,
      %get3A_1087 = arith.constant 1 : i32
      %get3A_1088 = arith.index_cast %get3A_1087 : i32 to index
      %get3A_1089 = arith.constant 80 : index
      %get3A_1090 = tpu.vector_load %arg16[%get3A_1088, %get3A_1089] {strides = array<i32>} : memref<9x256xf32, #tpu.memory_space<vmem>>, vector<16xf32>,
      %get3A_1091 = arith.constant 4 : i32
      %get3A_1092 = arith.index_cast %get3A_1091 : i32 to index
      %get3A_1093 = arith.constant 80 : index
      %get3A_1094 = tpu.vector_load %arg16[%get3A_1092, %get3A_1093] {strides = array<i32>} : memref<9x256xf32, #tpu.memory_space<vmem>>, vector<16xf32>,
      %add3A_1095 = arith.addf %get3A_1090, %get3A_1094 : vector<16xf32>
      %get3A_1096 = arith.constant 7 : i32
      %get3A_1097 = arith.index_cast %get3A_1096 : i32 to index
      %get3A_1098 = arith.constant 80 : index
      %get3A_1099 = tpu.vector_load %arg16[%get3A_1097, %get3A_1098] {strides = array<i32>} : memref<9x256xf32, #tpu.memory_space<vmem>>, vector<16xf32>,
      %add3A_1100 = arith.addf %add3A_1095, %get3A_1099 : vector<16xf32>
      %add3A_1101 = arith.constant 80 : i32
      %add3A_1102 = arith.addi %multiple_of3A_639, %add3A_1101 : i32
      %get3A_1103 = arith.index_cast %add3A_1102 : i32 to index
      %get3A_1104 = tpu.vector_load %arg11[%get3A_1103] {strides = array<i32>} : memref<3584xf32, #tpu.memory_space<vmem>>, vector<16xf32>,
      %add3A_1105 = arith.constant 80 : i32
      %add3A_1106 = arith.addi %multiple_of3A_639, %add3A_1105 : i32
      %get3A_1107 = arith.index_cast %add3A_1106 : i32 to index
      %get3A_1108 = tpu.vector_load %arg14[%get3A_1107] {strides = array<i32>} : memref<3584xf32, #tpu.memory_space<vmem>>, vector<16xf32>,
      %mul3A_1109 = arith.mulf %get3A_1108, %add3A_1100 : vector<16xf32>
      %add3A_1110 = arith.addf %get3A_1104, %mul3A_1109 : vector<16xf32>
      %add3A_1111 = arith.constant 80 : i32
      %add3A_1112 = arith.addi %multiple_of3A_639, %add3A_1111 : i32
      %get3A_1113 = arith.index_cast %add3A_1112 : i32 to index
      %get3A_1114 = tpu.vector_load %arg8[%get3A_1113] {strides = array<i32>} : memref<3584xi32, #tpu.memory_space<vmem>>, vector<16xi32>,
      tpu.vector_store_idx %arg18[%get3A_1114], %add3A_1110 {add = true} : memref<50176xf32, #tpu.memory_space<vmem>>[vector<16xi32>], vector<16xf32>,
      %get3A_1115 = arith.constant 2 : i32
      %get3A_1116 = arith.index_cast %get3A_1115 : i32 to index
      %get3A_1117 = arith.constant 80 : index
      %get3A_1118 = tpu.vector_load %arg16[%get3A_1116, %get3A_1117] {strides = array<i32>} : memref<9x256xf32, #tpu.memory_space<vmem>>, vector<16xf32>,
      %get3A_1119 = arith.constant 5 : i32
      %get3A_1120 = arith.index_cast %get3A_1119 : i32 to index
      %get3A_1121 = arith.constant 80 : index
      %get3A_1122 = tpu.vector_load %arg16[%get3A_1120, %get3A_1121] {strides = array<i32>} : memref<9x256xf32, #tpu.memory_space<vmem>>, vector<16xf32>,
      %add3A_1123 = arith.addf %get3A_1118, %get3A_1122 : vector<16xf32>
      %get3A_1124 = arith.constant 8 : i32
      %get3A_1125 = arith.index_cast %get3A_1124 : i32 to index
      %get3A_1126 = arith.constant 80 : index
      %get3A_1127 = tpu.vector_load %arg16[%get3A_1125, %get3A_1126] {strides = array<i32>} : memref<9x256xf32, #tpu.memory_space<vmem>>, vector<16xf32>,
      %add3A_1128 = arith.addf %add3A_1123, %get3A_1127 : vector<16xf32>
      %add3A_1129 = arith.constant 80 : i32
      %add3A_1130 = arith.addi %multiple_of3A_639, %add3A_1129 : i32
      %get3A_1131 = arith.index_cast %add3A_1130 : i32 to index
      %get3A_1132 = tpu.vector_load %arg12[%get3A_1131] {strides = array<i32>} : memref<3584xf32, #tpu.memory_space<vmem>>, vector<16xf32>,
      %add3A_1133 = arith.constant 80 : i32
      %add3A_1134 = arith.addi %multiple_of3A_639, %add3A_1133 : i32
      %get3A_1135 = arith.index_cast %add3A_1134 : i32 to index
      %get3A_1136 = tpu.vector_load %arg15[%get3A_1135] {strides = array<i32>} : memref<3584xf32, #tpu.memory_space<vmem>>, vector<16xf32>,
      %mul3A_1137 = arith.mulf %get3A_1136, %add3A_1128 : vector<16xf32>
      %add3A_1138 = arith.addf %get3A_1132, %mul3A_1137 : vector<16xf32>
      %add3A_1139 = arith.constant 80 : i32
      %add3A_1140 = arith.addi %multiple_of3A_639, %add3A_1139 : i32
      %get3A_1141 = arith.index_cast %add3A_1140 : i32 to index
      %get3A_1142 = tpu.vector_load %arg9[%get3A_1141] {strides = array<i32>} : memref<3584xi32, #tpu.memory_space<vmem>>, vector<16xi32>,
      tpu.vector_store_idx %arg18[%get3A_1142], %add3A_1138 {add = true} : memref<50176xf32, #tpu.memory_space<vmem>>[vector<16xi32>], vector<16xf32>,
      %get3A_1143 = arith.constant 0 : i32
      %get3A_1144 = arith.index_cast %get3A_1143 : i32 to index
      %get3A_1145 = arith.constant 96 : index
      %get3A_1146 = tpu.vector_load %arg16[%get3A_1144, %get3A_1145] {strides = array<i32>} : memref<9x256xf32, #tpu.memory_space<vmem>>, vector<16xf32>,
      %get3A_1147 = arith.constant 3 : i32
      %get3A_1148 = arith.index_cast %get3A_1147 : i32 to index
      %get3A_1149 = arith.constant 96 : index
      %get3A_1150 = tpu.vector_load %arg16[%get3A_1148, %get3A_1149] {strides = array<i32>} : memref<9x256xf32, #tpu.memory_space<vmem>>, vector<16xf32>,
      %add3A_1151 = arith.addf %get3A_1146, %get3A_1150 : vector<16xf32>
      %get3A_1152 = arith.constant 6 : i32
      %get3A_1153 = arith.index_cast %get3A_1152 : i32 to index
      %get3A_1154 = arith.constant 96 : index
      %get3A_1155 = tpu.vector_load %arg16[%get3A_1153, %get3A_1154] {strides = array<i32>} : memref<9x256xf32, #tpu.memory_space<vmem>>, vector<16xf32>,
      %add3A_1156 = arith.addf %add3A_1151, %get3A_1155 : vector<16xf32>
      %add3A_1157 = arith.constant 96 : i32
      %add3A_1158 = arith.addi %multiple_of3A_639, %add3A_1157 : i32
      %get3A_1159 = arith.index_cast %add3A_1158 : i32 to index
      %get3A_1160 = tpu.vector_load %arg10[%get3A_1159] {strides = array<i32>} : memref<3584xf32, #tpu.memory_space<vmem>>, vector<16xf32>,
      %add3A_1161 = arith.constant 96 : i32
      %add3A_1162 = arith.addi %multiple_of3A_639, %add3A_1161 : i32
      %get3A_1163 = arith.index_cast %add3A_1162 : i32 to index
      %get3A_1164 = tpu.vector_load %arg13[%get3A_1163] {strides = array<i32>} : memref<3584xf32, #tpu.memory_space<vmem>>, vector<16xf32>,
      %mul3A_1165 = arith.mulf %get3A_1164, %add3A_1156 : vector<16xf32>
      %add3A_1166 = arith.addf %get3A_1160, %mul3A_1165 : vector<16xf32>
      %add3A_1167 = arith.constant 96 : i32
      %add3A_1168 = arith.addi %multiple_of3A_639, %add3A_1167 : i32
      %get3A_1169 = arith.index_cast %add3A_1168 : i32 to index
      %get3A_1170 = tpu.vector_load %arg7[%get3A_1169] {strides = array<i32>} : memref<3584xi32, #tpu.memory_space<vmem>>, vector<16xi32>,
      tpu.vector_store_idx %arg18[%get3A_1170], %add3A_1166 {add = true} : memref<50176xf32, #tpu.memory_space<vmem>>[vector<16xi32>], vector<16xf32>,
      %get3A_1171 = arith.constant 1 : i32
      %get3A_1172 = arith.index_cast %get3A_1171 : i32 to index
      %get3A_1173 = arith.constant 96 : index
      %get3A_1174 = tpu.vector_load %arg16[%get3A_1172, %get3A_1173] {strides = array<i32>} : memref<9x256xf32, #tpu.memory_space<vmem>>, vector<16xf32>,
      %get3A_1175 = arith.constant 4 : i32
      %get3A_1176 = arith.index_cast %get3A_1175 : i32 to index
      %get3A_1177 = arith.constant 96 : index
      %get3A_1178 = tpu.vector_load %arg16[%get3A_1176, %get3A_1177] {strides = array<i32>} : memref<9x256xf32, #tpu.memory_space<vmem>>, vector<16xf32>,
      %add3A_1179 = arith.addf %get3A_1174, %get3A_1178 : vector<16xf32>
      %get3A_1180 = arith.constant 7 : i32
      %get3A_1181 = arith.index_cast %get3A_1180 : i32 to index
      %get3A_1182 = arith.constant 96 : index
      %get3A_1183 = tpu.vector_load %arg16[%get3A_1181, %get3A_1182] {strides = array<i32>} : memref<9x256xf32, #tpu.memory_space<vmem>>, vector<16xf32>,
      %add3A_1184 = arith.addf %add3A_1179, %get3A_1183 : vector<16xf32>
      %add3A_1185 = arith.constant 96 : i32
      %add3A_1186 = arith.addi %multiple_of3A_639, %add3A_1185 : i32
      %get3A_1187 = arith.index_cast %add3A_1186 : i32 to index
      %get3A_1188 = tpu.vector_load %arg11[%get3A_1187] {strides = array<i32>} : memref<3584xf32, #tpu.memory_space<vmem>>, vector<16xf32>,
      %add3A_1189 = arith.constant 96 : i32
      %add3A_1190 = arith.addi %multiple_of3A_639, %add3A_1189 : i32
      %get3A_1191 = arith.index_cast %add3A_1190 : i32 to index
      %get3A_1192 = tpu.vector_load %arg14[%get3A_1191] {strides = array<i32>} : memref<3584xf32, #tpu.memory_space<vmem>>, vector<16xf32>,
      %mul3A_1193 = arith.mulf %get3A_1192, %add3A_1184 : vector<16xf32>
      %add3A_1194 = arith.addf %get3A_1188, %mul3A_1193 : vector<16xf32>
      %add3A_1195 = arith.constant 96 : i32
      %add3A_1196 = arith.addi %multiple_of3A_639, %add3A_1195 : i32
      %get3A_1197 = arith.index_cast %add3A_1196 : i32 to index
      %get3A_1198 = tpu.vector_load %arg8[%get3A_1197] {strides = array<i32>} : memref<3584xi32, #tpu.memory_space<vmem>>, vector<16xi32>,
      tpu.vector_store_idx %arg18[%get3A_1198], %add3A_1194 {add = true} : memref<50176xf32, #tpu.memory_space<vmem>>[vector<16xi32>], vector<16xf32>,
      %get3A_1199 = arith.constant 2 : i32
      %get3A_1200 = arith.index_cast %get3A_1199 : i32 to index
      %get3A_1201 = arith.constant 96 : index
      %get3A_1202 = tpu.vector_load %arg16[%get3A_1200, %get3A_1201] {strides = array<i32>} : memref<9x256xf32, #tpu.memory_space<vmem>>, vector<16xf32>,
      %get3A_1203 = arith.constant 5 : i32
      %get3A_1204 = arith.index_cast %get3A_1203 : i32 to index
      %get3A_1205 = arith.constant 96 : index
      %get3A_1206 = tpu.vector_load %arg16[%get3A_1204, %get3A_1205] {strides = array<i32>} : memref<9x256xf32, #tpu.memory_space<vmem>>, vector<16xf32>,
      %add3A_1207 = arith.addf %get3A_1202, %get3A_1206 : vector<16xf32>
      %get3A_1208 = arith.constant 8 : i32
      %get3A_1209 = arith.index_cast %get3A_1208 : i32 to index
      %get3A_1210 = arith.constant 96 : index
      %get3A_1211 = tpu.vector_load %arg16[%get3A_1209, %get3A_1210] {strides = array<i32>} : memref<9x256xf32, #tpu.memory_space<vmem>>, vector<16xf32>,
      %add3A_1212 = arith.addf %add3A_1207, %get3A_1211 : vector<16xf32>
      %add3A_1213 = arith.constant 96 : i32
      %add3A_1214 = arith.addi %multiple_of3A_639, %add3A_1213 : i32
      %get3A_1215 = arith.index_cast %add3A_1214 : i32 to index
      %get3A_1216 = tpu.vector_load %arg12[%get3A_1215] {strides = array<i32>} : memref<3584xf32, #tpu.memory_space<vmem>>, vector<16xf32>,
      %add3A_1217 = arith.constant 96 : i32
      %add3A_1218 = arith.addi %multiple_of3A_639, %add3A_1217 : i32
      %get3A_1219 = arith.index_cast %add3A_1218 : i32 to index
      %get3A_1220 = tpu.vector_load %arg15[%get3A_1219] {strides = array<i32>} : memref<3584xf32, #tpu.memory_space<vmem>>, vector<16xf32>,
      %mul3A_1221 = arith.mulf %get3A_1220, %add3A_1212 : vector<16xf32>
      %add3A_1222 = arith.addf %get3A_1216, %mul3A_1221 : vector<16xf32>
      %add3A_1223 = arith.constant 96 : i32
      %add3A_1224 = arith.addi %multiple_of3A_639, %add3A_1223 : i32
      %get3A_1225 = arith.index_cast %add3A_1224 : i32 to index
      %get3A_1226 = tpu.vector_load %arg9[%get3A_1225] {strides = array<i32>} : memref<3584xi32, #tpu.memory_space<vmem>>, vector<16xi32>,
      tpu.vector_store_idx %arg18[%get3A_1226], %add3A_1222 {add = true} : memref<50176xf32, #tpu.memory_space<vmem>>[vector<16xi32>], vector<16xf32>,
      %get3A_1227 = arith.constant 0 : i32
      %get3A_1228 = arith.index_cast %get3A_1227 : i32 to index
      %get3A_1229 = arith.constant 112 : index
      %get3A_1230 = tpu.vector_load %arg16[%get3A_1228, %get3A_1229] {strides = array<i32>} : memref<9x256xf32, #tpu.memory_space<vmem>>, vector<16xf32>,
      %get3A_1231 = arith.constant 3 : i32
      %get3A_1232 = arith.index_cast %get3A_1231 : i32 to index
      %get3A_1233 = arith.constant 112 : index
      %get3A_1234 = tpu.vector_load %arg16[%get3A_1232, %get3A_1233] {strides = array<i32>} : memref<9x256xf32, #tpu.memory_space<vmem>>, vector<16xf32>,
      %add3A_1235 = arith.addf %get3A_1230, %get3A_1234 : vector<16xf32>
      %get3A_1236 = arith.constant 6 : i32
      %get3A_1237 = arith.index_cast %get3A_1236 : i32 to index
      %get3A_1238 = arith.constant 112 : index
      %get3A_1239 = tpu.vector_load %arg16[%get3A_1237, %get3A_1238] {strides = array<i32>} : memref<9x256xf32, #tpu.memory_space<vmem>>, vector<16xf32>,
      %add3A_1240 = arith.addf %add3A_1235, %get3A_1239 : vector<16xf32>
      %add3A_1241 = arith.constant 112 : i32
      %add3A_1242 = arith.addi %multiple_of3A_639, %add3A_1241 : i32
      %get3A_1243 = arith.index_cast %add3A_1242 : i32 to index
      %get3A_1244 = tpu.vector_load %arg10[%get3A_1243] {strides = array<i32>} : memref<3584xf32, #tpu.memory_space<vmem>>, vector<16xf32>,
      %add3A_1245 = arith.constant 112 : i32
      %add3A_1246 = arith.addi %multiple_of3A_639, %add3A_1245 : i32
      %get3A_1247 = arith.index_cast %add3A_1246 : i32 to index
      %get3A_1248 = tpu.vector_load %arg13[%get3A_1247] {strides = array<i32>} : memref<3584xf32, #tpu.memory_space<vmem>>, vector<16xf32>,
      %mul3A_1249 = arith.mulf %get3A_1248, %add3A_1240 : vector<16xf32>
      %add3A_1250 = arith.addf %get3A_1244, %mul3A_1249 : vector<16xf32>
      %add3A_1251 = arith.constant 112 : i32
      %add3A_1252 = arith.addi %multiple_of3A_639, %add3A_1251 : i32
      %get3A_1253 = arith.index_cast %add3A_1252 : i32 to index
      %get3A_1254 = tpu.vector_load %arg7[%get3A_1253] {strides = array<i32>} : memref<3584xi32, #tpu.memory_space<vmem>>, vector<16xi32>,
      tpu.vector_store_idx %arg18[%get3A_1254], %add3A_1250 {add = true} : memref<50176xf32, #tpu.memory_space<vmem>>[vector<16xi32>], vector<16xf32>,
      %get3A_1255 = arith.constant 1 : i32
      %get3A_1256 = arith.index_cast %get3A_1255 : i32 to index
      %get3A_1257 = arith.constant 112 : index
      %get3A_1258 = tpu.vector_load %arg16[%get3A_1256, %get3A_1257] {strides = array<i32>} : memref<9x256xf32, #tpu.memory_space<vmem>>, vector<16xf32>,
      %get3A_1259 = arith.constant 4 : i32
      %get3A_1260 = arith.index_cast %get3A_1259 : i32 to index
      %get3A_1261 = arith.constant 112 : index
      %get3A_1262 = tpu.vector_load %arg16[%get3A_1260, %get3A_1261] {strides = array<i32>} : memref<9x256xf32, #tpu.memory_space<vmem>>, vector<16xf32>,
      %add3A_1263 = arith.addf %get3A_1258, %get3A_1262 : vector<16xf32>
      %get3A_1264 = arith.constant 7 : i32
      %get3A_1265 = arith.index_cast %get3A_1264 : i32 to index
      %get3A_1266 = arith.constant 112 : index
      %get3A_1267 = tpu.vector_load %arg16[%get3A_1265, %get3A_1266] {strides = array<i32>} : memref<9x256xf32, #tpu.memory_space<vmem>>, vector<16xf32>,
      %add3A_1268 = arith.addf %add3A_1263, %get3A_1267 : vector<16xf32>
      %add3A_1269 = arith.constant 112 : i32
      %add3A_1270 = arith.addi %multiple_of3A_639, %add3A_1269 : i32
      %get3A_1271 = arith.index_cast %add3A_1270 : i32 to index
      %get3A_1272 = tpu.vector_load %arg11[%get3A_1271] {strides = array<i32>} : memref<3584xf32, #tpu.memory_space<vmem>>, vector<16xf32>,
      %add3A_1273 = arith.constant 112 : i32
      %add3A_1274 = arith.addi %multiple_of3A_639, %add3A_1273 : i32
      %get3A_1275 = arith.index_cast %add3A_1274 : i32 to index
      %get3A_1276 = tpu.vector_load %arg14[%get3A_1275] {strides = array<i32>} : memref<3584xf32, #tpu.memory_space<vmem>>, vector<16xf32>,
      %mul3A_1277 = arith.mulf %get3A_1276, %add3A_1268 : vector<16xf32>
      %add3A_1278 = arith.addf %get3A_1272, %mul3A_1277 : vector<16xf32>
      %add3A_1279 = arith.constant 112 : i32
      %add3A_1280 = arith.addi %multiple_of3A_639, %add3A_1279 : i32
      %get3A_1281 = arith.index_cast %add3A_1280 : i32 to index
      %get3A_1282 = tpu.vector_load %arg8[%get3A_1281] {strides = array<i32>} : memref<3584xi32, #tpu.memory_space<vmem>>, vector<16xi32>,
      tpu.vector_store_idx %arg18[%get3A_1282], %add3A_1278 {add = true} : memref<50176xf32, #tpu.memory_space<vmem>>[vector<16xi32>], vector<16xf32>,
      %get3A_1283 = arith.constant 2 : i32
      %get3A_1284 = arith.index_cast %get3A_1283 : i32 to index
      %get3A_1285 = arith.constant 112 : index
      %get3A_1286 = tpu.vector_load %arg16[%get3A_1284, %get3A_1285] {strides = array<i32>} : memref<9x256xf32, #tpu.memory_space<vmem>>, vector<16xf32>,
      %get3A_1287 = arith.constant 5 : i32
      %get3A_1288 = arith.index_cast %get3A_1287 : i32 to index
      %get3A_1289 = arith.constant 112 : index
      %get3A_1290 = tpu.vector_load %arg16[%get3A_1288, %get3A_1289] {strides = array<i32>} : memref<9x256xf32, #tpu.memory_space<vmem>>, vector<16xf32>,
      %add3A_1291 = arith.addf %get3A_1286, %get3A_1290 : vector<16xf32>
      %get3A_1292 = arith.constant 8 : i32
      %get3A_1293 = arith.index_cast %get3A_1292 : i32 to index
      %get3A_1294 = arith.constant 112 : index
      %get3A_1295 = tpu.vector_load %arg16[%get3A_1293, %get3A_1294] {strides = array<i32>} : memref<9x256xf32, #tpu.memory_space<vmem>>, vector<16xf32>,
      %add3A_1296 = arith.addf %add3A_1291, %get3A_1295 : vector<16xf32>
      %add3A_1297 = arith.constant 112 : i32
      %add3A_1298 = arith.addi %multiple_of3A_639, %add3A_1297 : i32
      %get3A_1299 = arith.index_cast %add3A_1298 : i32 to index
      %get3A_1300 = tpu.vector_load %arg12[%get3A_1299] {strides = array<i32>} : memref<3584xf32, #tpu.memory_space<vmem>>, vector<16xf32>,
      %add3A_1301 = arith.constant 112 : i32
      %add3A_1302 = arith.addi %multiple_of3A_639, %add3A_1301 : i32
      %get3A_1303 = arith.index_cast %add3A_1302 : i32 to index
      %get3A_1304 = tpu.vector_load %arg15[%get3A_1303] {strides = array<i32>} : memref<3584xf32, #tpu.memory_space<vmem>>, vector<16xf32>,
      %mul3A_1305 = arith.mulf %get3A_1304, %add3A_1296 : vector<16xf32>
      %add3A_1306 = arith.addf %get3A_1300, %mul3A_1305 : vector<16xf32>
      %add3A_1307 = arith.constant 112 : i32
      %add3A_1308 = arith.addi %multiple_of3A_639, %add3A_1307 : i32
      %get3A_1309 = arith.index_cast %add3A_1308 : i32 to index
      %get3A_1310 = tpu.vector_load %arg9[%get3A_1309] {strides = array<i32>} : memref<3584xi32, #tpu.memory_space<vmem>>, vector<16xi32>,
      tpu.vector_store_idx %arg18[%get3A_1310], %add3A_1306 {add = true} : memref<50176xf32, #tpu.memory_space<vmem>>[vector<16xi32>], vector<16xf32>,
      %get3A_1311 = arith.constant 0 : i32
      %get3A_1312 = arith.index_cast %get3A_1311 : i32 to index
      %get3A_1313 = arith.constant 128 : index
      %get3A_1314 = tpu.vector_load %arg16[%get3A_1312, %get3A_1313] {strides = array<i32>} : memref<9x256xf32, #tpu.memory_space<vmem>>, vector<16xf32>,
      %get3A_1315 = arith.constant 3 : i32
      %get3A_1316 = arith.index_cast %get3A_1315 : i32 to index
      %get3A_1317 = arith.constant 128 : index
      %get3A_1318 = tpu.vector_load %arg16[%get3A_1316, %get3A_1317] {strides = array<i32>} : memref<9x256xf32, #tpu.memory_space<vmem>>, vector<16xf32>,
      %add3A_1319 = arith.addf %get3A_1314, %get3A_1318 : vector<16xf32>
      %get3A_1320 = arith.constant 6 : i32
      %get3A_1321 = arith.index_cast %get3A_1320 : i32 to index
      %get3A_1322 = arith.constant 128 : index
      %get3A_1323 = tpu.vector_load %arg16[%get3A_1321, %get3A_1322] {strides = array<i32>} : memref<9x256xf32, #tpu.memory_space<vmem>>, vector<16xf32>,
      %add3A_1324 = arith.addf %add3A_1319, %get3A_1323 : vector<16xf32>
      %add3A_1325 = arith.constant 128 : i32
      %add3A_1326 = arith.addi %multiple_of3A_639, %add3A_1325 : i32
      %get3A_1327 = arith.index_cast %add3A_1326 : i32 to index
      %get3A_1328 = tpu.vector_load %arg10[%get3A_1327] {strides = array<i32>} : memref<3584xf32, #tpu.memory_space<vmem>>, vector<16xf32>,
      %add3A_1329 = arith.constant 128 : i32
      %add3A_1330 = arith.addi %multiple_of3A_639, %add3A_1329 : i32
      %get3A_1331 = arith.index_cast %add3A_1330 : i32 to index
      %get3A_1332 = tpu.vector_load %arg13[%get3A_1331] {strides = array<i32>} : memref<3584xf32, #tpu.memory_space<vmem>>, vector<16xf32>,
      %mul3A_1333 = arith.mulf %get3A_1332, %add3A_1324 : vector<16xf32>
      %add3A_1334 = arith.addf %get3A_1328, %mul3A_1333 : vector<16xf32>
      %add3A_1335 = arith.constant 128 : i32
      %add3A_1336 = arith.addi %multiple_of3A_639, %add3A_1335 : i32
      %get3A_1337 = arith.index_cast %add3A_1336 : i32 to index
      %get3A_1338 = tpu.vector_load %arg7[%get3A_1337] {strides = array<i32>} : memref<3584xi32, #tpu.memory_space<vmem>>, vector<16xi32>,
      tpu.vector_store_idx %arg18[%get3A_1338], %add3A_1334 {add = true} : memref<50176xf32, #tpu.memory_space<vmem>>[vector<16xi32>], vector<16xf32>,
      %get3A_1339 = arith.constant 1 : i32
      %get3A_1340 = arith.index_cast %get3A_1339 : i32 to index
      %get3A_1341 = arith.constant 128 : index
      %get3A_1342 = tpu.vector_load %arg16[%get3A_1340, %get3A_1341] {strides = array<i32>} : memref<9x256xf32, #tpu.memory_space<vmem>>, vector<16xf32>,
      %get3A_1343 = arith.constant 4 : i32
      %get3A_1344 = arith.index_cast %get3A_1343 : i32 to index
      %get3A_1345 = arith.constant 128 : index
      %get3A_1346 = tpu.vector_load %arg16[%get3A_1344, %get3A_1345] {strides = array<i32>} : memref<9x256xf32, #tpu.memory_space<vmem>>, vector<16xf32>,
      %add3A_1347 = arith.addf %get3A_1342, %get3A_1346 : vector<16xf32>
      %get3A_1348 = arith.constant 7 : i32
      %get3A_1349 = arith.index_cast %get3A_1348 : i32 to index
      %get3A_1350 = arith.constant 128 : index
      %get3A_1351 = tpu.vector_load %arg16[%get3A_1349, %get3A_1350] {strides = array<i32>} : memref<9x256xf32, #tpu.memory_space<vmem>>, vector<16xf32>,
      %add3A_1352 = arith.addf %add3A_1347, %get3A_1351 : vector<16xf32>
      %add3A_1353 = arith.constant 128 : i32
      %add3A_1354 = arith.addi %multiple_of3A_639, %add3A_1353 : i32
      %get3A_1355 = arith.index_cast %add3A_1354 : i32 to index
      %get3A_1356 = tpu.vector_load %arg11[%get3A_1355] {strides = array<i32>} : memref<3584xf32, #tpu.memory_space<vmem>>, vector<16xf32>,
      %add3A_1357 = arith.constant 128 : i32
      %add3A_1358 = arith.addi %multiple_of3A_639, %add3A_1357 : i32
      %get3A_1359 = arith.index_cast %add3A_1358 : i32 to index
      %get3A_1360 = tpu.vector_load %arg14[%get3A_1359] {strides = array<i32>} : memref<3584xf32, #tpu.memory_space<vmem>>, vector<16xf32>,
      %mul3A_1361 = arith.mulf %get3A_1360, %add3A_1352 : vector<16xf32>
      %add3A_1362 = arith.addf %get3A_1356, %mul3A_1361 : vector<16xf32>
      %add3A_1363 = arith.constant 128 : i32
      %add3A_1364 = arith.addi %multiple_of3A_639, %add3A_1363 : i32
      %get3A_1365 = arith.index_cast %add3A_1364 : i32 to index
      %get3A_1366 = tpu.vector_load %arg8[%get3A_1365] {strides = array<i32>} : memref<3584xi32, #tpu.memory_space<vmem>>, vector<16xi32>,
      tpu.vector_store_idx %arg18[%get3A_1366], %add3A_1362 {add = true} : memref<50176xf32, #tpu.memory_space<vmem>>[vector<16xi32>], vector<16xf32>,
      %get3A_1367 = arith.constant 2 : i32
      %get3A_1368 = arith.index_cast %get3A_1367 : i32 to index
      %get3A_1369 = arith.constant 128 : index
      %get3A_1370 = tpu.vector_load %arg16[%get3A_1368, %get3A_1369] {strides = array<i32>} : memref<9x256xf32, #tpu.memory_space<vmem>>, vector<16xf32>,
      %get3A_1371 = arith.constant 5 : i32
      %get3A_1372 = arith.index_cast %get3A_1371 : i32 to index
      %get3A_1373 = arith.constant 128 : index
      %get3A_1374 = tpu.vector_load %arg16[%get3A_1372, %get3A_1373] {strides = array<i32>} : memref<9x256xf32, #tpu.memory_space<vmem>>, vector<16xf32>,
      %add3A_1375 = arith.addf %get3A_1370, %get3A_1374 : vector<16xf32>
      %get3A_1376 = arith.constant 8 : i32
      %get3A_1377 = arith.index_cast %get3A_1376 : i32 to index
      %get3A_1378 = arith.constant 128 : index
      %get3A_1379 = tpu.vector_load %arg16[%get3A_1377, %get3A_1378] {strides = array<i32>} : memref<9x256xf32, #tpu.memory_space<vmem>>, vector<16xf32>,
      %add3A_1380 = arith.addf %add3A_1375, %get3A_1379 : vector<16xf32>
      %add3A_1381 = arith.constant 128 : i32
      %add3A_1382 = arith.addi %multiple_of3A_639, %add3A_1381 : i32
      %get3A_1383 = arith.index_cast %add3A_1382 : i32 to index
      %get3A_1384 = tpu.vector_load %arg12[%get3A_1383] {strides = array<i32>} : memref<3584xf32, #tpu.memory_space<vmem>>, vector<16xf32>,
      %add3A_1385 = arith.constant 128 : i32
      %add3A_1386 = arith.addi %multiple_of3A_639, %add3A_1385 : i32
      %get3A_1387 = arith.index_cast %add3A_1386 : i32 to index
      %get3A_1388 = tpu.vector_load %arg15[%get3A_1387] {strides = array<i32>} : memref<3584xf32, #tpu.memory_space<vmem>>, vector<16xf32>,
      %mul3A_1389 = arith.mulf %get3A_1388, %add3A_1380 : vector<16xf32>
      %add3A_1390 = arith.addf %get3A_1384, %mul3A_1389 : vector<16xf32>
      %add3A_1391 = arith.constant 128 : i32
      %add3A_1392 = arith.addi %multiple_of3A_639, %add3A_1391 : i32
      %get3A_1393 = arith.index_cast %add3A_1392 : i32 to index
      %get3A_1394 = tpu.vector_load %arg9[%get3A_1393] {strides = array<i32>} : memref<3584xi32, #tpu.memory_space<vmem>>, vector<16xi32>,
      tpu.vector_store_idx %arg18[%get3A_1394], %add3A_1390 {add = true} : memref<50176xf32, #tpu.memory_space<vmem>>[vector<16xi32>], vector<16xf32>,
      %get3A_1395 = arith.constant 0 : i32
      %get3A_1396 = arith.index_cast %get3A_1395 : i32 to index
      %get3A_1397 = arith.constant 144 : index
      %get3A_1398 = tpu.vector_load %arg16[%get3A_1396, %get3A_1397] {strides = array<i32>} : memref<9x256xf32, #tpu.memory_space<vmem>>, vector<16xf32>,
      %get3A_1399 = arith.constant 3 : i32
      %get3A_1400 = arith.index_cast %get3A_1399 : i32 to index
      %get3A_1401 = arith.constant 144 : index
      %get3A_1402 = tpu.vector_load %arg16[%get3A_1400, %get3A_1401] {strides = array<i32>} : memref<9x256xf32, #tpu.memory_space<vmem>>, vector<16xf32>,
      %add3A_1403 = arith.addf %get3A_1398, %get3A_1402 : vector<16xf32>
      %get3A_1404 = arith.constant 6 : i32
      %get3A_1405 = arith.index_cast %get3A_1404 : i32 to index
      %get3A_1406 = arith.constant 144 : index
      %get3A_1407 = tpu.vector_load %arg16[%get3A_1405, %get3A_1406] {strides = array<i32>} : memref<9x256xf32, #tpu.memory_space<vmem>>, vector<16xf32>,
      %add3A_1408 = arith.addf %add3A_1403, %get3A_1407 : vector<16xf32>
      %add3A_1409 = arith.constant 144 : i32
      %add3A_1410 = arith.addi %multiple_of3A_639, %add3A_1409 : i32
      %get3A_1411 = arith.index_cast %add3A_1410 : i32 to index
      %get3A_1412 = tpu.vector_load %arg10[%get3A_1411] {strides = array<i32>} : memref<3584xf32, #tpu.memory_space<vmem>>, vector<16xf32>,
      %add3A_1413 = arith.constant 144 : i32
      %add3A_1414 = arith.addi %multiple_of3A_639, %add3A_1413 : i32
      %get3A_1415 = arith.index_cast %add3A_1414 : i32 to index
      %get3A_1416 = tpu.vector_load %arg13[%get3A_1415] {strides = array<i32>} : memref<3584xf32, #tpu.memory_space<vmem>>, vector<16xf32>,
      %mul3A_1417 = arith.mulf %get3A_1416, %add3A_1408 : vector<16xf32>
      %add3A_1418 = arith.addf %get3A_1412, %mul3A_1417 : vector<16xf32>
      %add3A_1419 = arith.constant 144 : i32
      %add3A_1420 = arith.addi %multiple_of3A_639, %add3A_1419 : i32
      %get3A_1421 = arith.index_cast %add3A_1420 : i32 to index
      %get3A_1422 = tpu.vector_load %arg7[%get3A_1421] {strides = array<i32>} : memref<3584xi32, #tpu.memory_space<vmem>>, vector<16xi32>,
      tpu.vector_store_idx %arg18[%get3A_1422], %add3A_1418 {add = true} : memref<50176xf32, #tpu.memory_space<vmem>>[vector<16xi32>], vector<16xf32>,
      %get3A_1423 = arith.constant 1 : i32
      %get3A_1424 = arith.index_cast %get3A_1423 : i32 to index
      %get3A_1425 = arith.constant 144 : index
      %get3A_1426 = tpu.vector_load %arg16[%get3A_1424, %get3A_1425] {strides = array<i32>} : memref<9x256xf32, #tpu.memory_space<vmem>>, vector<16xf32>,
      %get3A_1427 = arith.constant 4 : i32
      %get3A_1428 = arith.index_cast %get3A_1427 : i32 to index
      %get3A_1429 = arith.constant 144 : index
      %get3A_1430 = tpu.vector_load %arg16[%get3A_1428, %get3A_1429] {strides = array<i32>} : memref<9x256xf32, #tpu.memory_space<vmem>>, vector<16xf32>,
      %add3A_1431 = arith.addf %get3A_1426, %get3A_1430 : vector<16xf32>
      %get3A_1432 = arith.constant 7 : i32
      %get3A_1433 = arith.index_cast %get3A_1432 : i32 to index
      %get3A_1434 = arith.constant 144 : index
      %get3A_1435 = tpu.vector_load %arg16[%get3A_1433, %get3A_1434] {strides = array<i32>} : memref<9x256xf32, #tpu.memory_space<vmem>>, vector<16xf32>,
      %add3A_1436 = arith.addf %add3A_1431, %get3A_1435 : vector<16xf32>
      %add3A_1437 = arith.constant 144 : i32
      %add3A_1438 = arith.addi %multiple_of3A_639, %add3A_1437 : i32
      %get3A_1439 = arith.index_cast %add3A_1438 : i32 to index
      %get3A_1440 = tpu.vector_load %arg11[%get3A_1439] {strides = array<i32>} : memref<3584xf32, #tpu.memory_space<vmem>>, vector<16xf32>,
      %add3A_1441 = arith.constant 144 : i32
      %add3A_1442 = arith.addi %multiple_of3A_639, %add3A_1441 : i32
      %get3A_1443 = arith.index_cast %add3A_1442 : i32 to index
      %get3A_1444 = tpu.vector_load %arg14[%get3A_1443] {strides = array<i32>} : memref<3584xf32, #tpu.memory_space<vmem>>, vector<16xf32>,
      %mul3A_1445 = arith.mulf %get3A_1444, %add3A_1436 : vector<16xf32>
      %add3A_1446 = arith.addf %get3A_1440, %mul3A_1445 : vector<16xf32>
      %add3A_1447 = arith.constant 144 : i32
      %add3A_1448 = arith.addi %multiple_of3A_639, %add3A_1447 : i32
      %get3A_1449 = arith.index_cast %add3A_1448 : i32 to index
      %get3A_1450 = tpu.vector_load %arg8[%get3A_1449] {strides = array<i32>} : memref<3584xi32, #tpu.memory_space<vmem>>, vector<16xi32>,
      tpu.vector_store_idx %arg18[%get3A_1450], %add3A_1446 {add = true} : memref<50176xf32, #tpu.memory_space<vmem>>[vector<16xi32>], vector<16xf32>,
      %get3A_1451 = arith.constant 2 : i32
      %get3A_1452 = arith.index_cast %get3A_1451 : i32 to index
      %get3A_1453 = arith.constant 144 : index
      %get3A_1454 = tpu.vector_load %arg16[%get3A_1452, %get3A_1453] {strides = array<i32>} : memref<9x256xf32, #tpu.memory_space<vmem>>, vector<16xf32>,
      %get3A_1455 = arith.constant 5 : i32
      %get3A_1456 = arith.index_cast %get3A_1455 : i32 to index
      %get3A_1457 = arith.constant 144 : index
      %get3A_1458 = tpu.vector_load %arg16[%get3A_1456, %get3A_1457] {strides = array<i32>} : memref<9x256xf32, #tpu.memory_space<vmem>>, vector<16xf32>,
      %add3A_1459 = arith.addf %get3A_1454, %get3A_1458 : vector<16xf32>
      %get3A_1460 = arith.constant 8 : i32
      %get3A_1461 = arith.index_cast %get3A_1460 : i32 to index
      %get3A_1462 = arith.constant 144 : index
      %get3A_1463 = tpu.vector_load %arg16[%get3A_1461, %get3A_1462] {strides = array<i32>} : memref<9x256xf32, #tpu.memory_space<vmem>>, vector<16xf32>,
      %add3A_1464 = arith.addf %add3A_1459, %get3A_1463 : vector<16xf32>
      %add3A_1465 = arith.constant 144 : i32
      %add3A_1466 = arith.addi %multiple_of3A_639, %add3A_1465 : i32
      %get3A_1467 = arith.index_cast %add3A_1466 : i32 to index
      %get3A_1468 = tpu.vector_load %arg12[%get3A_1467] {strides = array<i32>} : memref<3584xf32, #tpu.memory_space<vmem>>, vector<16xf32>,
      %add3A_1469 = arith.constant 144 : i32
      %add3A_1470 = arith.addi %multiple_of3A_639, %add3A_1469 : i32
      %get3A_1471 = arith.index_cast %add3A_1470 : i32 to index
      %get3A_1472 = tpu.vector_load %arg15[%get3A_1471] {strides = array<i32>} : memref<3584xf32, #tpu.memory_space<vmem>>, vector<16xf32>,
      %mul3A_1473 = arith.mulf %get3A_1472, %add3A_1464 : vector<16xf32>
      %add3A_1474 = arith.addf %get3A_1468, %mul3A_1473 : vector<16xf32>
      %add3A_1475 = arith.constant 144 : i32
      %add3A_1476 = arith.addi %multiple_of3A_639, %add3A_1475 : i32
      %get3A_1477 = arith.index_cast %add3A_1476 : i32 to index
      %get3A_1478 = tpu.vector_load %arg9[%get3A_1477] {strides = array<i32>} : memref<3584xi32, #tpu.memory_space<vmem>>, vector<16xi32>,
      tpu.vector_store_idx %arg18[%get3A_1478], %add3A_1474 {add = true} : memref<50176xf32, #tpu.memory_space<vmem>>[vector<16xi32>], vector<16xf32>,
      %get3A_1479 = arith.constant 0 : i32
      %get3A_1480 = arith.index_cast %get3A_1479 : i32 to index
      %get3A_1481 = arith.constant 160 : index
      %get3A_1482 = tpu.vector_load %arg16[%get3A_1480, %get3A_1481] {strides = array<i32>} : memref<9x256xf32, #tpu.memory_space<vmem>>, vector<16xf32>,
      %get3A_1483 = arith.constant 3 : i32
      %get3A_1484 = arith.index_cast %get3A_1483 : i32 to index
      %get3A_1485 = arith.constant 160 : index
      %get3A_1486 = tpu.vector_load %arg16[%get3A_1484, %get3A_1485] {strides = array<i32>} : memref<9x256xf32, #tpu.memory_space<vmem>>, vector<16xf32>,
      %add3A_1487 = arith.addf %get3A_1482, %get3A_1486 : vector<16xf32>
      %get3A_1488 = arith.constant 6 : i32
      %get3A_1489 = arith.index_cast %get3A_1488 : i32 to index
      %get3A_1490 = arith.constant 160 : index
      %get3A_1491 = tpu.vector_load %arg16[%get3A_1489, %get3A_1490] {strides = array<i32>} : memref<9x256xf32, #tpu.memory_space<vmem>>, vector<16xf32>,
      %add3A_1492 = arith.addf %add3A_1487, %get3A_1491 : vector<16xf32>
      %add3A_1493 = arith.constant 160 : i32
      %add3A_1494 = arith.addi %multiple_of3A_639, %add3A_1493 : i32
      %get3A_1495 = arith.index_cast %add3A_1494 : i32 to index
      %get3A_1496 = tpu.vector_load %arg10[%get3A_1495] {strides = array<i32>} : memref<3584xf32, #tpu.memory_space<vmem>>, vector<16xf32>,
      %add3A_1497 = arith.constant 160 : i32
      %add3A_1498 = arith.addi %multiple_of3A_639, %add3A_1497 : i32
      %get3A_1499 = arith.index_cast %add3A_1498 : i32 to index
      %get3A_1500 = tpu.vector_load %arg13[%get3A_1499] {strides = array<i32>} : memref<3584xf32, #tpu.memory_space<vmem>>, vector<16xf32>,
      %mul3A_1501 = arith.mulf %get3A_1500, %add3A_1492 : vector<16xf32>
      %add3A_1502 = arith.addf %get3A_1496, %mul3A_1501 : vector<16xf32>
      %add3A_1503 = arith.constant 160 : i32
      %add3A_1504 = arith.addi %multiple_of3A_639, %add3A_1503 : i32
      %get3A_1505 = arith.index_cast %add3A_1504 : i32 to index
      %get3A_1506 = tpu.vector_load %arg7[%get3A_1505] {strides = array<i32>} : memref<3584xi32, #tpu.memory_space<vmem>>, vector<16xi32>,
      tpu.vector_store_idx %arg18[%get3A_1506], %add3A_1502 {add = true} : memref<50176xf32, #tpu.memory_space<vmem>>[vector<16xi32>], vector<16xf32>,
      %get3A_1507 = arith.constant 1 : i32
      %get3A_1508 = arith.index_cast %get3A_1507 : i32 to index
      %get3A_1509 = arith.constant 160 : index
      %get3A_1510 = tpu.vector_load %arg16[%get3A_1508, %get3A_1509] {strides = array<i32>} : memref<9x256xf32, #tpu.memory_space<vmem>>, vector<16xf32>,
      %get3A_1511 = arith.constant 4 : i32
      %get3A_1512 = arith.index_cast %get3A_1511 : i32 to index
      %get3A_1513 = arith.constant 160 : index
      %get3A_1514 = tpu.vector_load %arg16[%get3A_1512, %get3A_1513] {strides = array<i32>} : memref<9x256xf32, #tpu.memory_space<vmem>>, vector<16xf32>,
      %add3A_1515 = arith.addf %get3A_1510, %get3A_1514 : vector<16xf32>
      %get3A_1516 = arith.constant 7 : i32
      %get3A_1517 = arith.index_cast %get3A_1516 : i32 to index
      %get3A_1518 = arith.constant 160 : index
      %get3A_1519 = tpu.vector_load %arg16[%get3A_1517, %get3A_1518] {strides = array<i32>} : memref<9x256xf32, #tpu.memory_space<vmem>>, vector<16xf32>,
      %add3A_1520 = arith.addf %add3A_1515, %get3A_1519 : vector<16xf32>
      %add3A_1521 = arith.constant 160 : i32
      %add3A_1522 = arith.addi %multiple_of3A_639, %add3A_1521 : i32
      %get3A_1523 = arith.index_cast %add3A_1522 : i32 to index
      %get3A_1524 = tpu.vector_load %arg11[%get3A_1523] {strides = array<i32>} : memref<3584xf32, #tpu.memory_space<vmem>>, vector<16xf32>,
      %add3A_1525 = arith.constant 160 : i32
      %add3A_1526 = arith.addi %multiple_of3A_639, %add3A_1525 : i32
      %get3A_1527 = arith.index_cast %add3A_1526 : i32 to index
      %get3A_1528 = tpu.vector_load %arg14[%get3A_1527] {strides = array<i32>} : memref<3584xf32, #tpu.memory_space<vmem>>, vector<16xf32>,
      %mul3A_1529 = arith.mulf %get3A_1528, %add3A_1520 : vector<16xf32>
      %add3A_1530 = arith.addf %get3A_1524, %mul3A_1529 : vector<16xf32>
      %add3A_1531 = arith.constant 160 : i32
      %add3A_1532 = arith.addi %multiple_of3A_639, %add3A_1531 : i32
      %get3A_1533 = arith.index_cast %add3A_1532 : i32 to index
      %get3A_1534 = tpu.vector_load %arg8[%get3A_1533] {strides = array<i32>} : memref<3584xi32, #tpu.memory_space<vmem>>, vector<16xi32>,
      tpu.vector_store_idx %arg18[%get3A_1534], %add3A_1530 {add = true} : memref<50176xf32, #tpu.memory_space<vmem>>[vector<16xi32>], vector<16xf32>,
      %get3A_1535 = arith.constant 2 : i32
      %get3A_1536 = arith.index_cast %get3A_1535 : i32 to index
      %get3A_1537 = arith.constant 160 : index
      %get3A_1538 = tpu.vector_load %arg16[%get3A_1536, %get3A_1537] {strides = array<i32>} : memref<9x256xf32, #tpu.memory_space<vmem>>, vector<16xf32>,
      %get3A_1539 = arith.constant 5 : i32
      %get3A_1540 = arith.index_cast %get3A_1539 : i32 to index
      %get3A_1541 = arith.constant 160 : index
      %get3A_1542 = tpu.vector_load %arg16[%get3A_1540, %get3A_1541] {strides = array<i32>} : memref<9x256xf32, #tpu.memory_space<vmem>>, vector<16xf32>,
      %add3A_1543 = arith.addf %get3A_1538, %get3A_1542 : vector<16xf32>
      %get3A_1544 = arith.constant 8 : i32
      %get3A_1545 = arith.index_cast %get3A_1544 : i32 to index
      %get3A_1546 = arith.constant 160 : index
      %get3A_1547 = tpu.vector_load %arg16[%get3A_1545, %get3A_1546] {strides = array<i32>} : memref<9x256xf32, #tpu.memory_space<vmem>>, vector<16xf32>,
      %add3A_1548 = arith.addf %add3A_1543, %get3A_1547 : vector<16xf32>
      %add3A_1549 = arith.constant 160 : i32
      %add3A_1550 = arith.addi %multiple_of3A_639, %add3A_1549 : i32
      %get3A_1551 = arith.index_cast %add3A_1550 : i32 to index
      %get3A_1552 = tpu.vector_load %arg12[%get3A_1551] {strides = array<i32>} : memref<3584xf32, #tpu.memory_space<vmem>>, vector<16xf32>,
      %add3A_1553 = arith.constant 160 : i32
      %add3A_1554 = arith.addi %multiple_of3A_639, %add3A_1553 : i32
      %get3A_1555 = arith.index_cast %add3A_1554 : i32 to index
      %get3A_1556 = tpu.vector_load %arg15[%get3A_1555] {strides = array<i32>} : memref<3584xf32, #tpu.memory_space<vmem>>, vector<16xf32>,
      %mul3A_1557 = arith.mulf %get3A_1556, %add3A_1548 : vector<16xf32>
      %add3A_1558 = arith.addf %get3A_1552, %mul3A_1557 : vector<16xf32>
      %add3A_1559 = arith.constant 160 : i32
      %add3A_1560 = arith.addi %multiple_of3A_639, %add3A_1559 : i32
      %get3A_1561 = arith.index_cast %add3A_1560 : i32 to index
      %get3A_1562 = tpu.vector_load %arg9[%get3A_1561] {strides = array<i32>} : memref<3584xi32, #tpu.memory_space<vmem>>, vector<16xi32>,
      tpu.vector_store_idx %arg18[%get3A_1562], %add3A_1558 {add = true} : memref<50176xf32, #tpu.memory_space<vmem>>[vector<16xi32>], vector<16xf32>,
      %get3A_1563 = arith.constant 0 : i32
      %get3A_1564 = arith.index_cast %get3A_1563 : i32 to index
      %get3A_1565 = arith.constant 176 : index
      %get3A_1566 = tpu.vector_load %arg16[%get3A_1564, %get3A_1565] {strides = array<i32>} : memref<9x256xf32, #tpu.memory_space<vmem>>, vector<16xf32>,
      %get3A_1567 = arith.constant 3 : i32
      %get3A_1568 = arith.index_cast %get3A_1567 : i32 to index
      %get3A_1569 = arith.constant 176 : index
      %get3A_1570 = tpu.vector_load %arg16[%get3A_1568, %get3A_1569] {strides = array<i32>} : memref<9x256xf32, #tpu.memory_space<vmem>>, vector<16xf32>,
      %add3A_1571 = arith.addf %get3A_1566, %get3A_1570 : vector<16xf32>
      %get3A_1572 = arith.constant 6 : i32
      %get3A_1573 = arith.index_cast %get3A_1572 : i32 to index
      %get3A_1574 = arith.constant 176 : index
      %get3A_1575 = tpu.vector_load %arg16[%get3A_1573, %get3A_1574] {strides = array<i32>} : memref<9x256xf32, #tpu.memory_space<vmem>>, vector<16xf32>,
      %add3A_1576 = arith.addf %add3A_1571, %get3A_1575 : vector<16xf32>
      %add3A_1577 = arith.constant 176 : i32
      %add3A_1578 = arith.addi %multiple_of3A_639, %add3A_1577 : i32
      %get3A_1579 = arith.index_cast %add3A_1578 : i32 to index
      %get3A_1580 = tpu.vector_load %arg10[%get3A_1579] {strides = array<i32>} : memref<3584xf32, #tpu.memory_space<vmem>>, vector<16xf32>,
      %add3A_1581 = arith.constant 176 : i32
      %add3A_1582 = arith.addi %multiple_of3A_639, %add3A_1581 : i32
      %get3A_1583 = arith.index_cast %add3A_1582 : i32 to index
      %get3A_1584 = tpu.vector_load %arg13[%get3A_1583] {strides = array<i32>} : memref<3584xf32, #tpu.memory_space<vmem>>, vector<16xf32>,
      %mul3A_1585 = arith.mulf %get3A_1584, %add3A_1576 : vector<16xf32>
      %add3A_1586 = arith.addf %get3A_1580, %mul3A_1585 : vector<16xf32>
      %add3A_1587 = arith.constant 176 : i32
      %add3A_1588 = arith.addi %multiple_of3A_639, %add3A_1587 : i32
      %get3A_1589 = arith.index_cast %add3A_1588 : i32 to index
      %get3A_1590 = tpu.vector_load %arg7[%get3A_1589] {strides = array<i32>} : memref<3584xi32, #tpu.memory_space<vmem>>, vector<16xi32>,
      tpu.vector_store_idx %arg18[%get3A_1590], %add3A_1586 {add = true} : memref<50176xf32, #tpu.memory_space<vmem>>[vector<16xi32>], vector<16xf32>,
      %get3A_1591 = arith.constant 1 : i32
      %get3A_1592 = arith.index_cast %get3A_1591 : i32 to index
      %get3A_1593 = arith.constant 176 : index
      %get3A_1594 = tpu.vector_load %arg16[%get3A_1592, %get3A_1593] {strides = array<i32>} : memref<9x256xf32, #tpu.memory_space<vmem>>, vector<16xf32>,
      %get3A_1595 = arith.constant 4 : i32
      %get3A_1596 = arith.index_cast %get3A_1595 : i32 to index
      %get3A_1597 = arith.constant 176 : index
      %get3A_1598 = tpu.vector_load %arg16[%get3A_1596, %get3A_1597] {strides = array<i32>} : memref<9x256xf32, #tpu.memory_space<vmem>>, vector<16xf32>,
      %add3A_1599 = arith.addf %get3A_1594, %get3A_1598 : vector<16xf32>
      %get3A_1600 = arith.constant 7 : i32
      %get3A_1601 = arith.index_cast %get3A_1600 : i32 to index
      %get3A_1602 = arith.constant 176 : index
      %get3A_1603 = tpu.vector_load %arg16[%get3A_1601, %get3A_1602] {strides = array<i32>} : memref<9x256xf32, #tpu.memory_space<vmem>>, vector<16xf32>,
      %add3A_1604 = arith.addf %add3A_1599, %get3A_1603 : vector<16xf32>
      %add3A_1605 = arith.constant 176 : i32
      %add3A_1606 = arith.addi %multiple_of3A_639, %add3A_1605 : i32
      %get3A_1607 = arith.index_cast %add3A_1606 : i32 to index
      %get3A_1608 = tpu.vector_load %arg11[%get3A_1607] {strides = array<i32>} : memref<3584xf32, #tpu.memory_space<vmem>>, vector<16xf32>,
      %add3A_1609 = arith.constant 176 : i32
      %add3A_1610 = arith.addi %multiple_of3A_639, %add3A_1609 : i32
      %get3A_1611 = arith.index_cast %add3A_1610 : i32 to index
      %get3A_1612 = tpu.vector_load %arg14[%get3A_1611] {strides = array<i32>} : memref<3584xf32, #tpu.memory_space<vmem>>, vector<16xf32>,
      %mul3A_1613 = arith.mulf %get3A_1612, %add3A_1604 : vector<16xf32>
      %add3A_1614 = arith.addf %get3A_1608, %mul3A_1613 : vector<16xf32>
      %add3A_1615 = arith.constant 176 : i32
      %add3A_1616 = arith.addi %multiple_of3A_639, %add3A_1615 : i32
      %get3A_1617 = arith.index_cast %add3A_1616 : i32 to index
      %get3A_1618 = tpu.vector_load %arg8[%get3A_1617] {strides = array<i32>} : memref<3584xi32, #tpu.memory_space<vmem>>, vector<16xi32>,
      tpu.vector_store_idx %arg18[%get3A_1618], %add3A_1614 {add = true} : memref<50176xf32, #tpu.memory_space<vmem>>[vector<16xi32>], vector<16xf32>,
      %get3A_1619 = arith.constant 2 : i32
      %get3A_1620 = arith.index_cast %get3A_1619 : i32 to index
      %get3A_1621 = arith.constant 176 : index
      %get3A_1622 = tpu.vector_load %arg16[%get3A_1620, %get3A_1621] {strides = array<i32>} : memref<9x256xf32, #tpu.memory_space<vmem>>, vector<16xf32>,
      %get3A_1623 = arith.constant 5 : i32
      %get3A_1624 = arith.index_cast %get3A_1623 : i32 to index
      %get3A_1625 = arith.constant 176 : index
      %get3A_1626 = tpu.vector_load %arg16[%get3A_1624, %get3A_1625] {strides = array<i32>} : memref<9x256xf32, #tpu.memory_space<vmem>>, vector<16xf32>,
      %add3A_1627 = arith.addf %get3A_1622, %get3A_1626 : vector<16xf32>
      %get3A_1628 = arith.constant 8 : i32
      %get3A_1629 = arith.index_cast %get3A_1628 : i32 to index
      %get3A_1630 = arith.constant 176 : index
      %get3A_1631 = tpu.vector_load %arg16[%get3A_1629, %get3A_1630] {strides = array<i32>} : memref<9x256xf32, #tpu.memory_space<vmem>>, vector<16xf32>,
      %add3A_1632 = arith.addf %add3A_1627, %get3A_1631 : vector<16xf32>
      %add3A_1633 = arith.constant 176 : i32
      %add3A_1634 = arith.addi %multiple_of3A_639, %add3A_1633 : i32
      %get3A_1635 = arith.index_cast %add3A_1634 : i32 to index
      %get3A_1636 = tpu.vector_load %arg12[%get3A_1635] {strides = array<i32>} : memref<3584xf32, #tpu.memory_space<vmem>>, vector<16xf32>,
      %add3A_1637 = arith.constant 176 : i32
      %add3A_1638 = arith.addi %multiple_of3A_639, %add3A_1637 : i32
      %get3A_1639 = arith.index_cast %add3A_1638 : i32 to index
      %get3A_1640 = tpu.vector_load %arg15[%get3A_1639] {strides = array<i32>} : memref<3584xf32, #tpu.memory_space<vmem>>, vector<16xf32>,
      %mul3A_1641 = arith.mulf %get3A_1640, %add3A_1632 : vector<16xf32>
      %add3A_1642 = arith.addf %get3A_1636, %mul3A_1641 : vector<16xf32>
      %add3A_1643 = arith.constant 176 : i32
      %add3A_1644 = arith.addi %multiple_of3A_639, %add3A_1643 : i32
      %get3A_1645 = arith.index_cast %add3A_1644 : i32 to index
      %get3A_1646 = tpu.vector_load %arg9[%get3A_1645] {strides = array<i32>} : memref<3584xi32, #tpu.memory_space<vmem>>, vector<16xi32>,
      tpu.vector_store_idx %arg18[%get3A_1646], %add3A_1642 {add = true} : memref<50176xf32, #tpu.memory_space<vmem>>[vector<16xi32>], vector<16xf32>,
      %get3A_1647 = arith.constant 0 : i32
      %get3A_1648 = arith.index_cast %get3A_1647 : i32 to index
      %get3A_1649 = arith.constant 192 : index
      %get3A_1650 = tpu.vector_load %arg16[%get3A_1648, %get3A_1649] {strides = array<i32>} : memref<9x256xf32, #tpu.memory_space<vmem>>, vector<16xf32>,
      %get3A_1651 = arith.constant 3 : i32
      %get3A_1652 = arith.index_cast %get3A_1651 : i32 to index
      %get3A_1653 = arith.constant 192 : index
      %get3A_1654 = tpu.vector_load %arg16[%get3A_1652, %get3A_1653] {strides = array<i32>} : memref<9x256xf32, #tpu.memory_space<vmem>>, vector<16xf32>,
      %add3A_1655 = arith.addf %get3A_1650, %get3A_1654 : vector<16xf32>
      %get3A_1656 = arith.constant 6 : i32
      %get3A_1657 = arith.index_cast %get3A_1656 : i32 to index
      %get3A_1658 = arith.constant 192 : index
      %get3A_1659 = tpu.vector_load %arg16[%get3A_1657, %get3A_1658] {strides = array<i32>} : memref<9x256xf32, #tpu.memory_space<vmem>>, vector<16xf32>,
      %add3A_1660 = arith.addf %add3A_1655, %get3A_1659 : vector<16xf32>
      %add3A_1661 = arith.constant 192 : i32
      %add3A_1662 = arith.addi %multiple_of3A_639, %add3A_1661 : i32
      %get3A_1663 = arith.index_cast %add3A_1662 : i32 to index
      %get3A_1664 = tpu.vector_load %arg10[%get3A_1663] {strides = array<i32>} : memref<3584xf32, #tpu.memory_space<vmem>>, vector<16xf32>,
      %add3A_1665 = arith.constant 192 : i32
      %add3A_1666 = arith.addi %multiple_of3A_639, %add3A_1665 : i32
      %get3A_1667 = arith.index_cast %add3A_1666 : i32 to index
      %get3A_1668 = tpu.vector_load %arg13[%get3A_1667] {strides = array<i32>} : memref<3584xf32, #tpu.memory_space<vmem>>, vector<16xf32>,
      %mul3A_1669 = arith.mulf %get3A_1668, %add3A_1660 : vector<16xf32>
      %add3A_1670 = arith.addf %get3A_1664, %mul3A_1669 : vector<16xf32>
      %add3A_1671 = arith.constant 192 : i32
      %add3A_1672 = arith.addi %multiple_of3A_639, %add3A_1671 : i32
      %get3A_1673 = arith.index_cast %add3A_1672 : i32 to index
      %get3A_1674 = tpu.vector_load %arg7[%get3A_1673] {strides = array<i32>} : memref<3584xi32, #tpu.memory_space<vmem>>, vector<16xi32>,
      tpu.vector_store_idx %arg18[%get3A_1674], %add3A_1670 {add = true} : memref<50176xf32, #tpu.memory_space<vmem>>[vector<16xi32>], vector<16xf32>,
      %get3A_1675 = arith.constant 1 : i32
      %get3A_1676 = arith.index_cast %get3A_1675 : i32 to index
      %get3A_1677 = arith.constant 192 : index
      %get3A_1678 = tpu.vector_load %arg16[%get3A_1676, %get3A_1677] {strides = array<i32>} : memref<9x256xf32, #tpu.memory_space<vmem>>, vector<16xf32>,
      %get3A_1679 = arith.constant 4 : i32
      %get3A_1680 = arith.index_cast %get3A_1679 : i32 to index
      %get3A_1681 = arith.constant 192 : index
      %get3A_1682 = tpu.vector_load %arg16[%get3A_1680, %get3A_1681] {strides = array<i32>} : memref<9x256xf32, #tpu.memory_space<vmem>>, vector<16xf32>,
      %add3A_1683 = arith.addf %get3A_1678, %get3A_1682 : vector<16xf32>
      %get3A_1684 = arith.constant 7 : i32
      %get3A_1685 = arith.index_cast %get3A_1684 : i32 to index
      %get3A_1686 = arith.constant 192 : index
      %get3A_1687 = tpu.vector_load %arg16[%get3A_1685, %get3A_1686] {strides = array<i32>} : memref<9x256xf32, #tpu.memory_space<vmem>>, vector<16xf32>,
      %add3A_1688 = arith.addf %add3A_1683, %get3A_1687 : vector<16xf32>
      %add3A_1689 = arith.constant 192 : i32
      %add3A_1690 = arith.addi %multiple_of3A_639, %add3A_1689 : i32
      %get3A_1691 = arith.index_cast %add3A_1690 : i32 to index
      %get3A_1692 = tpu.vector_load %arg11[%get3A_1691] {strides = array<i32>} : memref<3584xf32, #tpu.memory_space<vmem>>, vector<16xf32>,
      %add3A_1693 = arith.constant 192 : i32
      %add3A_1694 = arith.addi %multiple_of3A_639, %add3A_1693 : i32
      %get3A_1695 = arith.index_cast %add3A_1694 : i32 to index
      %get3A_1696 = tpu.vector_load %arg14[%get3A_1695] {strides = array<i32>} : memref<3584xf32, #tpu.memory_space<vmem>>, vector<16xf32>,
      %mul3A_1697 = arith.mulf %get3A_1696, %add3A_1688 : vector<16xf32>
      %add3A_1698 = arith.addf %get3A_1692, %mul3A_1697 : vector<16xf32>
      %add3A_1699 = arith.constant 192 : i32
      %add3A_1700 = arith.addi %multiple_of3A_639, %add3A_1699 : i32
      %get3A_1701 = arith.index_cast %add3A_1700 : i32 to index
      %get3A_1702 = tpu.vector_load %arg8[%get3A_1701] {strides = array<i32>} : memref<3584xi32, #tpu.memory_space<vmem>>, vector<16xi32>,
      tpu.vector_store_idx %arg18[%get3A_1702], %add3A_1698 {add = true} : memref<50176xf32, #tpu.memory_space<vmem>>[vector<16xi32>], vector<16xf32>,
      %get3A_1703 = arith.constant 2 : i32
      %get3A_1704 = arith.index_cast %get3A_1703 : i32 to index
      %get3A_1705 = arith.constant 192 : index
      %get3A_1706 = tpu.vector_load %arg16[%get3A_1704, %get3A_1705] {strides = array<i32>} : memref<9x256xf32, #tpu.memory_space<vmem>>, vector<16xf32>,
      %get3A_1707 = arith.constant 5 : i32
      %get3A_1708 = arith.index_cast %get3A_1707 : i32 to index
      %get3A_1709 = arith.constant 192 : index
      %get3A_1710 = tpu.vector_load %arg16[%get3A_1708, %get3A_1709] {strides = array<i32>} : memref<9x256xf32, #tpu.memory_space<vmem>>, vector<16xf32>,
      %add3A_1711 = arith.addf %get3A_1706, %get3A_1710 : vector<16xf32>
      %get3A_1712 = arith.constant 8 : i32
      %get3A_1713 = arith.index_cast %get3A_1712 : i32 to index
      %get3A_1714 = arith.constant 192 : index
      %get3A_1715 = tpu.vector_load %arg16[%get3A_1713, %get3A_1714] {strides = array<i32>} : memref<9x256xf32, #tpu.memory_space<vmem>>, vector<16xf32>,
      %add3A_1716 = arith.addf %add3A_1711, %get3A_1715 : vector<16xf32>
      %add3A_1717 = arith.constant 192 : i32
      %add3A_1718 = arith.addi %multiple_of3A_639, %add3A_1717 : i32
      %get3A_1719 = arith.index_cast %add3A_1718 : i32 to index
      %get3A_1720 = tpu.vector_load %arg12[%get3A_1719] {strides = array<i32>} : memref<3584xf32, #tpu.memory_space<vmem>>, vector<16xf32>,
      %add3A_1721 = arith.constant 192 : i32
      %add3A_1722 = arith.addi %multiple_of3A_639, %add3A_1721 : i32
      %get3A_1723 = arith.index_cast %add3A_1722 : i32 to index
      %get3A_1724 = tpu.vector_load %arg15[%get3A_1723] {strides = array<i32>} : memref<3584xf32, #tpu.memory_space<vmem>>, vector<16xf32>,
      %mul3A_1725 = arith.mulf %get3A_1724, %add3A_1716 : vector<16xf32>
      %add3A_1726 = arith.addf %get3A_1720, %mul3A_1725 : vector<16xf32>
      %add3A_1727 = arith.constant 192 : i32
      %add3A_1728 = arith.addi %multiple_of3A_639, %add3A_1727 : i32
      %get3A_1729 = arith.index_cast %add3A_1728 : i32 to index
      %get3A_1730 = tpu.vector_load %arg9[%get3A_1729] {strides = array<i32>} : memref<3584xi32, #tpu.memory_space<vmem>>, vector<16xi32>,
      tpu.vector_store_idx %arg18[%get3A_1730], %add3A_1726 {add = true} : memref<50176xf32, #tpu.memory_space<vmem>>[vector<16xi32>], vector<16xf32>,
      %get3A_1731 = arith.constant 0 : i32
      %get3A_1732 = arith.index_cast %get3A_1731 : i32 to index
      %get3A_1733 = arith.constant 208 : index
      %get3A_1734 = tpu.vector_load %arg16[%get3A_1732, %get3A_1733] {strides = array<i32>} : memref<9x256xf32, #tpu.memory_space<vmem>>, vector<16xf32>,
      %get3A_1735 = arith.constant 3 : i32
      %get3A_1736 = arith.index_cast %get3A_1735 : i32 to index
      %get3A_1737 = arith.constant 208 : index
      %get3A_1738 = tpu.vector_load %arg16[%get3A_1736, %get3A_1737] {strides = array<i32>} : memref<9x256xf32, #tpu.memory_space<vmem>>, vector<16xf32>,
      %add3A_1739 = arith.addf %get3A_1734, %get3A_1738 : vector<16xf32>
      %get3A_1740 = arith.constant 6 : i32
      %get3A_1741 = arith.index_cast %get3A_1740 : i32 to index
      %get3A_1742 = arith.constant 208 : index
      %get3A_1743 = tpu.vector_load %arg16[%get3A_1741, %get3A_1742] {strides = array<i32>} : memref<9x256xf32, #tpu.memory_space<vmem>>, vector<16xf32>,
      %add3A_1744 = arith.addf %add3A_1739, %get3A_1743 : vector<16xf32>
      %add3A_1745 = arith.constant 208 : i32
      %add3A_1746 = arith.addi %multiple_of3A_639, %add3A_1745 : i32
      %get3A_1747 = arith.index_cast %add3A_1746 : i32 to index
      %get3A_1748 = tpu.vector_load %arg10[%get3A_1747] {strides = array<i32>} : memref<3584xf32, #tpu.memory_space<vmem>>, vector<16xf32>,
      %add3A_1749 = arith.constant 208 : i32
      %add3A_1750 = arith.addi %multiple_of3A_639, %add3A_1749 : i32
      %get3A_1751 = arith.index_cast %add3A_1750 : i32 to index
      %get3A_1752 = tpu.vector_load %arg13[%get3A_1751] {strides = array<i32>} : memref<3584xf32, #tpu.memory_space<vmem>>, vector<16xf32>,
      %mul3A_1753 = arith.mulf %get3A_1752, %add3A_1744 : vector<16xf32>
      %add3A_1754 = arith.addf %get3A_1748, %mul3A_1753 : vector<16xf32>
      %add3A_1755 = arith.constant 208 : i32
      %add3A_1756 = arith.addi %multiple_of3A_639, %add3A_1755 : i32
      %get3A_1757 = arith.index_cast %add3A_1756 : i32 to index
      %get3A_1758 = tpu.vector_load %arg7[%get3A_1757] {strides = array<i32>} : memref<3584xi32, #tpu.memory_space<vmem>>, vector<16xi32>,
      tpu.vector_store_idx %arg18[%get3A_1758], %add3A_1754 {add = true} : memref<50176xf32, #tpu.memory_space<vmem>>[vector<16xi32>], vector<16xf32>,
      %get3A_1759 = arith.constant 1 : i32
      %get3A_1760 = arith.index_cast %get3A_1759 : i32 to index
      %get3A_1761 = arith.constant 208 : index
      %get3A_1762 = tpu.vector_load %arg16[%get3A_1760, %get3A_1761] {strides = array<i32>} : memref<9x256xf32, #tpu.memory_space<vmem>>, vector<16xf32>,
      %get3A_1763 = arith.constant 4 : i32
      %get3A_1764 = arith.index_cast %get3A_1763 : i32 to index
      %get3A_1765 = arith.constant 208 : index
      %get3A_1766 = tpu.vector_load %arg16[%get3A_1764, %get3A_1765] {strides = array<i32>} : memref<9x256xf32, #tpu.memory_space<vmem>>, vector<16xf32>,
      %add3A_1767 = arith.addf %get3A_1762, %get3A_1766 : vector<16xf32>
      %get3A_1768 = arith.constant 7 : i32
      %get3A_1769 = arith.index_cast %get3A_1768 : i32 to index
      %get3A_1770 = arith.constant 208 : index
      %get3A_1771 = tpu.vector_load %arg16[%get3A_1769, %get3A_1770] {strides = array<i32>} : memref<9x256xf32, #tpu.memory_space<vmem>>, vector<16xf32>,
      %add3A_1772 = arith.addf %add3A_1767, %get3A_1771 : vector<16xf32>
      %add3A_1773 = arith.constant 208 : i32
      %add3A_1774 = arith.addi %multiple_of3A_639, %add3A_1773 : i32
      %get3A_1775 = arith.index_cast %add3A_1774 : i32 to index
      %get3A_1776 = tpu.vector_load %arg11[%get3A_1775] {strides = array<i32>} : memref<3584xf32, #tpu.memory_space<vmem>>, vector<16xf32>,
      %add3A_1777 = arith.constant 208 : i32
      %add3A_1778 = arith.addi %multiple_of3A_639, %add3A_1777 : i32
      %get3A_1779 = arith.index_cast %add3A_1778 : i32 to index
      %get3A_1780 = tpu.vector_load %arg14[%get3A_1779] {strides = array<i32>} : memref<3584xf32, #tpu.memory_space<vmem>>, vector<16xf32>,
      %mul3A_1781 = arith.mulf %get3A_1780, %add3A_1772 : vector<16xf32>
      %add3A_1782 = arith.addf %get3A_1776, %mul3A_1781 : vector<16xf32>
      %add3A_1783 = arith.constant 208 : i32
      %add3A_1784 = arith.addi %multiple_of3A_639, %add3A_1783 : i32
      %get3A_1785 = arith.index_cast %add3A_1784 : i32 to index
      %get3A_1786 = tpu.vector_load %arg8[%get3A_1785] {strides = array<i32>} : memref<3584xi32, #tpu.memory_space<vmem>>, vector<16xi32>,
      tpu.vector_store_idx %arg18[%get3A_1786], %add3A_1782 {add = true} : memref<50176xf32, #tpu.memory_space<vmem>>[vector<16xi32>], vector<16xf32>,
      %get3A_1787 = arith.constant 2 : i32
      %get3A_1788 = arith.index_cast %get3A_1787 : i32 to index
      %get3A_1789 = arith.constant 208 : index
      %get3A_1790 = tpu.vector_load %arg16[%get3A_1788, %get3A_1789] {strides = array<i32>} : memref<9x256xf32, #tpu.memory_space<vmem>>, vector<16xf32>,
      %get3A_1791 = arith.constant 5 : i32
      %get3A_1792 = arith.index_cast %get3A_1791 : i32 to index
      %get3A_1793 = arith.constant 208 : index
      %get3A_1794 = tpu.vector_load %arg16[%get3A_1792, %get3A_1793] {strides = array<i32>} : memref<9x256xf32, #tpu.memory_space<vmem>>, vector<16xf32>,
      %add3A_1795 = arith.addf %get3A_1790, %get3A_1794 : vector<16xf32>
      %get3A_1796 = arith.constant 8 : i32
      %get3A_1797 = arith.index_cast %get3A_1796 : i32 to index
      %get3A_1798 = arith.constant 208 : index
      %get3A_1799 = tpu.vector_load %arg16[%get3A_1797, %get3A_1798] {strides = array<i32>} : memref<9x256xf32, #tpu.memory_space<vmem>>, vector<16xf32>,
      %add3A_1800 = arith.addf %add3A_1795, %get3A_1799 : vector<16xf32>
      %add3A_1801 = arith.constant 208 : i32
      %add3A_1802 = arith.addi %multiple_of3A_639, %add3A_1801 : i32
      %get3A_1803 = arith.index_cast %add3A_1802 : i32 to index
      %get3A_1804 = tpu.vector_load %arg12[%get3A_1803] {strides = array<i32>} : memref<3584xf32, #tpu.memory_space<vmem>>, vector<16xf32>,
      %add3A_1805 = arith.constant 208 : i32
      %add3A_1806 = arith.addi %multiple_of3A_639, %add3A_1805 : i32
      %get3A_1807 = arith.index_cast %add3A_1806 : i32 to index
      %get3A_1808 = tpu.vector_load %arg15[%get3A_1807] {strides = array<i32>} : memref<3584xf32, #tpu.memory_space<vmem>>, vector<16xf32>,
      %mul3A_1809 = arith.mulf %get3A_1808, %add3A_1800 : vector<16xf32>
      %add3A_1810 = arith.addf %get3A_1804, %mul3A_1809 : vector<16xf32>
      %add3A_1811 = arith.constant 208 : i32
      %add3A_1812 = arith.addi %multiple_of3A_639, %add3A_1811 : i32
      %get3A_1813 = arith.index_cast %add3A_1812 : i32 to index
      %get3A_1814 = tpu.vector_load %arg9[%get3A_1813] {strides = array<i32>} : memref<3584xi32, #tpu.memory_space<vmem>>, vector<16xi32>,
      tpu.vector_store_idx %arg18[%get3A_1814], %add3A_1810 {add = true} : memref<50176xf32, #tpu.memory_space<vmem>>[vector<16xi32>], vector<16xf32>,
      %get3A_1815 = arith.constant 0 : i32
      %get3A_1816 = arith.index_cast %get3A_1815 : i32 to index
      %get3A_1817 = arith.constant 224 : index
      %get3A_1818 = tpu.vector_load %arg16[%get3A_1816, %get3A_1817] {strides = array<i32>} : memref<9x256xf32, #tpu.memory_space<vmem>>, vector<16xf32>,
      %get3A_1819 = arith.constant 3 : i32
      %get3A_1820 = arith.index_cast %get3A_1819 : i32 to index
      %get3A_1821 = arith.constant 224 : index
      %get3A_1822 = tpu.vector_load %arg16[%get3A_1820, %get3A_1821] {strides = array<i32>} : memref<9x256xf32, #tpu.memory_space<vmem>>, vector<16xf32>,
      %add3A_1823 = arith.addf %get3A_1818, %get3A_1822 : vector<16xf32>
      %get3A_1824 = arith.constant 6 : i32
      %get3A_1825 = arith.index_cast %get3A_1824 : i32 to index
      %get3A_1826 = arith.constant 224 : index
      %get3A_1827 = tpu.vector_load %arg16[%get3A_1825, %get3A_1826] {strides = array<i32>} : memref<9x256xf32, #tpu.memory_space<vmem>>, vector<16xf32>,
      %add3A_1828 = arith.addf %add3A_1823, %get3A_1827 : vector<16xf32>
      %add3A_1829 = arith.constant 224 : i32
      %add3A_1830 = arith.addi %multiple_of3A_639, %add3A_1829 : i32
      %get3A_1831 = arith.index_cast %add3A_1830 : i32 to index
      %get3A_1832 = tpu.vector_load %arg10[%get3A_1831] {strides = array<i32>} : memref<3584xf32, #tpu.memory_space<vmem>>, vector<16xf32>,
      %add3A_1833 = arith.constant 224 : i32
      %add3A_1834 = arith.addi %multiple_of3A_639, %add3A_1833 : i32
      %get3A_1835 = arith.index_cast %add3A_1834 : i32 to index
      %get3A_1836 = tpu.vector_load %arg13[%get3A_1835] {strides = array<i32>} : memref<3584xf32, #tpu.memory_space<vmem>>, vector<16xf32>,
      %mul3A_1837 = arith.mulf %get3A_1836, %add3A_1828 : vector<16xf32>
      %add3A_1838 = arith.addf %get3A_1832, %mul3A_1837 : vector<16xf32>
      %add3A_1839 = arith.constant 224 : i32
      %add3A_1840 = arith.addi %multiple_of3A_639, %add3A_1839 : i32
      %get3A_1841 = arith.index_cast %add3A_1840 : i32 to index
      %get3A_1842 = tpu.vector_load %arg7[%get3A_1841] {strides = array<i32>} : memref<3584xi32, #tpu.memory_space<vmem>>, vector<16xi32>,
      tpu.vector_store_idx %arg18[%get3A_1842], %add3A_1838 {add = true} : memref<50176xf32, #tpu.memory_space<vmem>>[vector<16xi32>], vector<16xf32>,
      %get3A_1843 = arith.constant 1 : i32
      %get3A_1844 = arith.index_cast %get3A_1843 : i32 to index
      %get3A_1845 = arith.constant 224 : index
      %get3A_1846 = tpu.vector_load %arg16[%get3A_1844, %get3A_1845] {strides = array<i32>} : memref<9x256xf32, #tpu.memory_space<vmem>>, vector<16xf32>,
      %get3A_1847 = arith.constant 4 : i32
      %get3A_1848 = arith.index_cast %get3A_1847 : i32 to index
      %get3A_1849 = arith.constant 224 : index
      %get3A_1850 = tpu.vector_load %arg16[%get3A_1848, %get3A_1849] {strides = array<i32>} : memref<9x256xf32, #tpu.memory_space<vmem>>, vector<16xf32>,
      %add3A_1851 = arith.addf %get3A_1846, %get3A_1850 : vector<16xf32>
      %get3A_1852 = arith.constant 7 : i32
      %get3A_1853 = arith.index_cast %get3A_1852 : i32 to index
      %get3A_1854 = arith.constant 224 : index
      %get3A_1855 = tpu.vector_load %arg16[%get3A_1853, %get3A_1854] {strides = array<i32>} : memref<9x256xf32, #tpu.memory_space<vmem>>, vector<16xf32>,
      %add3A_1856 = arith.addf %add3A_1851, %get3A_1855 : vector<16xf32>
      %add3A_1857 = arith.constant 224 : i32
      %add3A_1858 = arith.addi %multiple_of3A_639, %add3A_1857 : i32
      %get3A_1859 = arith.index_cast %add3A_1858 : i32 to index
      %get3A_1860 = tpu.vector_load %arg11[%get3A_1859] {strides = array<i32>} : memref<3584xf32, #tpu.memory_space<vmem>>, vector<16xf32>,
      %add3A_1861 = arith.constant 224 : i32
      %add3A_1862 = arith.addi %multiple_of3A_639, %add3A_1861 : i32
      %get3A_1863 = arith.index_cast %add3A_1862 : i32 to index
      %get3A_1864 = tpu.vector_load %arg14[%get3A_1863] {strides = array<i32>} : memref<3584xf32, #tpu.memory_space<vmem>>, vector<16xf32>,
      %mul3A_1865 = arith.mulf %get3A_1864, %add3A_1856 : vector<16xf32>
      %add3A_1866 = arith.addf %get3A_1860, %mul3A_1865 : vector<16xf32>
      %add3A_1867 = arith.constant 224 : i32
      %add3A_1868 = arith.addi %multiple_of3A_639, %add3A_1867 : i32
      %get3A_1869 = arith.index_cast %add3A_1868 : i32 to index
      %get3A_1870 = tpu.vector_load %arg8[%get3A_1869] {strides = array<i32>} : memref<3584xi32, #tpu.memory_space<vmem>>, vector<16xi32>,
      tpu.vector_store_idx %arg18[%get3A_1870], %add3A_1866 {add = true} : memref<50176xf32, #tpu.memory_space<vmem>>[vector<16xi32>], vector<16xf32>,
      %get3A_1871 = arith.constant 2 : i32
      %get3A_1872 = arith.index_cast %get3A_1871 : i32 to index
      %get3A_1873 = arith.constant 224 : index
      %get3A_1874 = tpu.vector_load %arg16[%get3A_1872, %get3A_1873] {strides = array<i32>} : memref<9x256xf32, #tpu.memory_space<vmem>>, vector<16xf32>,
      %get3A_1875 = arith.constant 5 : i32
      %get3A_1876 = arith.index_cast %get3A_1875 : i32 to index
      %get3A_1877 = arith.constant 224 : index
      %get3A_1878 = tpu.vector_load %arg16[%get3A_1876, %get3A_1877] {strides = array<i32>} : memref<9x256xf32, #tpu.memory_space<vmem>>, vector<16xf32>,
      %add3A_1879 = arith.addf %get3A_1874, %get3A_1878 : vector<16xf32>
      %get3A_1880 = arith.constant 8 : i32
      %get3A_1881 = arith.index_cast %get3A_1880 : i32 to index
      %get3A_1882 = arith.constant 224 : index
      %get3A_1883 = tpu.vector_load %arg16[%get3A_1881, %get3A_1882] {strides = array<i32>} : memref<9x256xf32, #tpu.memory_space<vmem>>, vector<16xf32>,
      %add3A_1884 = arith.addf %add3A_1879, %get3A_1883 : vector<16xf32>
      %add3A_1885 = arith.constant 224 : i32
      %add3A_1886 = arith.addi %multiple_of3A_639, %add3A_1885 : i32
      %get3A_1887 = arith.index_cast %add3A_1886 : i32 to index
      %get3A_1888 = tpu.vector_load %arg12[%get3A_1887] {strides = array<i32>} : memref<3584xf32, #tpu.memory_space<vmem>>, vector<16xf32>,
      %add3A_1889 = arith.constant 224 : i32
      %add3A_1890 = arith.addi %multiple_of3A_639, %add3A_1889 : i32
      %get3A_1891 = arith.index_cast %add3A_1890 : i32 to index
      %get3A_1892 = tpu.vector_load %arg15[%get3A_1891] {strides = array<i32>} : memref<3584xf32, #tpu.memory_space<vmem>>, vector<16xf32>,
      %mul3A_1893 = arith.mulf %get3A_1892, %add3A_1884 : vector<16xf32>
      %add3A_1894 = arith.addf %get3A_1888, %mul3A_1893 : vector<16xf32>
      %add3A_1895 = arith.constant 224 : i32
      %add3A_1896 = arith.addi %multiple_of3A_639, %add3A_1895 : i32
      %get3A_1897 = arith.index_cast %add3A_1896 : i32 to index
      %get3A_1898 = tpu.vector_load %arg9[%get3A_1897] {strides = array<i32>} : memref<3584xi32, #tpu.memory_space<vmem>>, vector<16xi32>,
      tpu.vector_store_idx %arg18[%get3A_1898], %add3A_1894 {add = true} : memref<50176xf32, #tpu.memory_space<vmem>>[vector<16xi32>], vector<16xf32>,
      %get3A_1899 = arith.constant 0 : i32
      %get3A_1900 = arith.index_cast %get3A_1899 : i32 to index
      %get3A_1901 = arith.constant 240 : index
      %get3A_1902 = tpu.vector_load %arg16[%get3A_1900, %get3A_1901] {strides = array<i32>} : memref<9x256xf32, #tpu.memory_space<vmem>>, vector<16xf32>,
      %get3A_1903 = arith.constant 3 : i32
      %get3A_1904 = arith.index_cast %get3A_1903 : i32 to index
      %get3A_1905 = arith.constant 240 : index
      %get3A_1906 = tpu.vector_load %arg16[%get3A_1904, %get3A_1905] {strides = array<i32>} : memref<9x256xf32, #tpu.memory_space<vmem>>, vector<16xf32>,
      %add3A_1907 = arith.addf %get3A_1902, %get3A_1906 : vector<16xf32>
      %get3A_1908 = arith.constant 6 : i32
      %get3A_1909 = arith.index_cast %get3A_1908 : i32 to index
      %get3A_1910 = arith.constant 240 : index
      %get3A_1911 = tpu.vector_load %arg16[%get3A_1909, %get3A_1910] {strides = array<i32>} : memref<9x256xf32, #tpu.memory_space<vmem>>, vector<16xf32>,
      %add3A_1912 = arith.addf %add3A_1907, %get3A_1911 : vector<16xf32>
      %add3A_1913 = arith.constant 240 : i32
      %add3A_1914 = arith.addi %multiple_of3A_639, %add3A_1913 : i32
      %get3A_1915 = arith.index_cast %add3A_1914 : i32 to index
      %get3A_1916 = tpu.vector_load %arg10[%get3A_1915] {strides = array<i32>} : memref<3584xf32, #tpu.memory_space<vmem>>, vector<16xf32>,
      %add3A_1917 = arith.constant 240 : i32
      %add3A_1918 = arith.addi %multiple_of3A_639, %add3A_1917 : i32
      %get3A_1919 = arith.index_cast %add3A_1918 : i32 to index
      %get3A_1920 = tpu.vector_load %arg13[%get3A_1919] {strides = array<i32>} : memref<3584xf32, #tpu.memory_space<vmem>>, vector<16xf32>,
      %mul3A_1921 = arith.mulf %get3A_1920, %add3A_1912 : vector<16xf32>
      %add3A_1922 = arith.addf %get3A_1916, %mul3A_1921 : vector<16xf32>
      %add3A_1923 = arith.constant 240 : i32
      %add3A_1924 = arith.addi %multiple_of3A_639, %add3A_1923 : i32
      %get3A_1925 = arith.index_cast %add3A_1924 : i32 to index
      %get3A_1926 = tpu.vector_load %arg7[%get3A_1925] {strides = array<i32>} : memref<3584xi32, #tpu.memory_space<vmem>>, vector<16xi32>,
      tpu.vector_store_idx %arg18[%get3A_1926], %add3A_1922 {add = true} : memref<50176xf32, #tpu.memory_space<vmem>>[vector<16xi32>], vector<16xf32>,
      %get3A_1927 = arith.constant 1 : i32
      %get3A_1928 = arith.index_cast %get3A_1927 : i32 to index
      %get3A_1929 = arith.constant 240 : index
      %get3A_1930 = tpu.vector_load %arg16[%get3A_1928, %get3A_1929] {strides = array<i32>} : memref<9x256xf32, #tpu.memory_space<vmem>>, vector<16xf32>,
      %get3A_1931 = arith.constant 4 : i32
      %get3A_1932 = arith.index_cast %get3A_1931 : i32 to index
      %get3A_1933 = arith.constant 240 : index
      %get3A_1934 = tpu.vector_load %arg16[%get3A_1932, %get3A_1933] {strides = array<i32>} : memref<9x256xf32, #tpu.memory_space<vmem>>, vector<16xf32>,
      %add3A_1935 = arith.addf %get3A_1930, %get3A_1934 : vector<16xf32>
      %get3A_1936 = arith.constant 7 : i32
      %get3A_1937 = arith.index_cast %get3A_1936 : i32 to index
      %get3A_1938 = arith.constant 240 : index
      %get3A_1939 = tpu.vector_load %arg16[%get3A_1937, %get3A_1938] {strides = array<i32>} : memref<9x256xf32, #tpu.memory_space<vmem>>, vector<16xf32>,
      %add3A_1940 = arith.addf %add3A_1935, %get3A_1939 : vector<16xf32>
      %add3A_1941 = arith.constant 240 : i32
      %add3A_1942 = arith.addi %multiple_of3A_639, %add3A_1941 : i32
      %get3A_1943 = arith.index_cast %add3A_1942 : i32 to index
      %get3A_1944 = tpu.vector_load %arg11[%get3A_1943] {strides = array<i32>} : memref<3584xf32, #tpu.memory_space<vmem>>, vector<16xf32>,
      %add3A_1945 = arith.constant 240 : i32
      %add3A_1946 = arith.addi %multiple_of3A_639, %add3A_1945 : i32
      %get3A_1947 = arith.index_cast %add3A_1946 : i32 to index
      %get3A_1948 = tpu.vector_load %arg14[%get3A_1947] {strides = array<i32>} : memref<3584xf32, #tpu.memory_space<vmem>>, vector<16xf32>,
      %mul3A_1949 = arith.mulf %get3A_1948, %add3A_1940 : vector<16xf32>
      %add3A_1950 = arith.addf %get3A_1944, %mul3A_1949 : vector<16xf32>
      %add3A_1951 = arith.constant 240 : i32
      %add3A_1952 = arith.addi %multiple_of3A_639, %add3A_1951 : i32
      %get3A_1953 = arith.index_cast %add3A_1952 : i32 to index
      %get3A_1954 = tpu.vector_load %arg8[%get3A_1953] {strides = array<i32>} : memref<3584xi32, #tpu.memory_space<vmem>>, vector<16xi32>,
      tpu.vector_store_idx %arg18[%get3A_1954], %add3A_1950 {add = true} : memref<50176xf32, #tpu.memory_space<vmem>>[vector<16xi32>], vector<16xf32>,
      %get3A_1955 = arith.constant 2 : i32
      %get3A_1956 = arith.index_cast %get3A_1955 : i32 to index
      %get3A_1957 = arith.constant 240 : index
      %get3A_1958 = tpu.vector_load %arg16[%get3A_1956, %get3A_1957] {strides = array<i32>} : memref<9x256xf32, #tpu.memory_space<vmem>>, vector<16xf32>,
      %get3A_1959 = arith.constant 5 : i32
      %get3A_1960 = arith.index_cast %get3A_1959 : i32 to index
      %get3A_1961 = arith.constant 240 : index
      %get3A_1962 = tpu.vector_load %arg16[%get3A_1960, %get3A_1961] {strides = array<i32>} : memref<9x256xf32, #tpu.memory_space<vmem>>, vector<16xf32>,
      %add3A_1963 = arith.addf %get3A_1958, %get3A_1962 : vector<16xf32>
      %get3A_1964 = arith.constant 8 : i32
      %get3A_1965 = arith.index_cast %get3A_1964 : i32 to index
      %get3A_1966 = arith.constant 240 : index
      %get3A_1967 = tpu.vector_load %arg16[%get3A_1965, %get3A_1966] {strides = array<i32>} : memref<9x256xf32, #tpu.memory_space<vmem>>, vector<16xf32>,
      %add3A_1968 = arith.addf %add3A_1963, %get3A_1967 : vector<16xf32>
      %add3A_1969 = arith.constant 240 : i32
      %add3A_1970 = arith.addi %multiple_of3A_639, %add3A_1969 : i32
      %get3A_1971 = arith.index_cast %add3A_1970 : i32 to index
      %get3A_1972 = tpu.vector_load %arg12[%get3A_1971] {strides = array<i32>} : memref<3584xf32, #tpu.memory_space<vmem>>, vector<16xf32>,
      %add3A_1973 = arith.constant 240 : i32
      %add3A_1974 = arith.addi %multiple_of3A_639, %add3A_1973 : i32
      %get3A_1975 = arith.index_cast %add3A_1974 : i32 to index
      %get3A_1976 = tpu.vector_load %arg15[%get3A_1975] {strides = array<i32>} : memref<3584xf32, #tpu.memory_space<vmem>>, vector<16xf32>,
      %mul3A_1977 = arith.mulf %get3A_1976, %add3A_1968 : vector<16xf32>
      %add3A_1978 = arith.addf %get3A_1972, %mul3A_1977 : vector<16xf32>
      %add3A_1979 = arith.constant 240 : i32
      %add3A_1980 = arith.addi %multiple_of3A_639, %add3A_1979 : i32
      %get3A_1981 = arith.index_cast %add3A_1980 : i32 to index
      %get3A_1982 = tpu.vector_load %arg9[%get3A_1981] {strides = array<i32>} : memref<3584xi32, #tpu.memory_space<vmem>>, vector<16xi32>,
      tpu.vector_store_idx %arg18[%get3A_1982], %add3A_1978 {add = true} : memref<50176xf32, #tpu.memory_space<vmem>>[vector<16xi32>], vector<16xf32>,
      %lt3A = arith.constant 6 : i32
      %lt3A_1983 = arith.cmpi slt, %scan3A_349, %lt3A : i32
      %convert_element_type3A_1984 = arith.extui %lt3A_1983 : i1 to i32
      %cond3A_1985 = arith.constant 0 : i32
      %cond3A_1986 = arith.cmpi ne, %convert_element_type3A_1984, %cond3A_1985 : i32
      scf.if %cond3A_1986 {
        %add3A_3481 = arith.constant 2 : i32
        %add3A_3482 = arith.addi %mul3A_352, %add3A_3481 : i32
        %mul3A_3483 = arith.constant 256 : i32
        %mul3A_3484 = arith.muli %add3A_3482, %mul3A_3483 : i32
        %multiple_of3A_3485 = tpu.assume_multiple %mul3A_3484, 256 : i32
        %dma_start3A_3486 = arith.constant 0 : i32
        %dma_start3A_3487 = arith.constant 0 : i32
        %dma_start3A_3488 = arith.constant 0 : i32
        %dma_start3A_3489 = arith.constant 0 : i32
        %dma_start3A_3490 = arith.constant 0 : i32
        %dma_start3A_3491 = tpu.memref_slice %arg16[%dma_start3A_3487, %dma_start3A_3490] : memref<9x256xf32, #tpu.memory_space<vmem>> -> memref<1x256xf32, #tpu.memory_space<vmem>>
        %dma_start3A_3492 = tpu.memref_squeeze %dma_start3A_3491 : memref<1x256xf32, #tpu.memory_space<vmem>> -> memref<256xf32, #tpu.memory_space<vmem>>
        %dma_start3A_3493 = tpu.memref_slice %arg7[%multiple_of3A_3485] : memref<3584xi32, #tpu.memory_space<vmem>> -> memref<256xi32, #tpu.memory_space<vmem>>
        %dma_start3A_3494 = arith.constant 0 : i32
        %dma_start3A_3495 = tpu.memref_slice %arg19[%dma_start3A_3486, %dma_start3A_3494] : memref<9x50000xf32, #tpu.memory_space<vmem_shared>> -> memref<1x50000xf32, #tpu.memory_space<vmem_shared>>
        %dma_start3A_3496 = tpu.memref_squeeze %dma_start3A_3495 : memref<1x50000xf32, #tpu.memory_space<vmem_shared>> -> memref<50000xf32, #tpu.memory_space<vmem_shared>>
        %dma_start3A_3497 = arith.constant 0 : i32
        %dma_start3A_3498 = tpu.memref_slice %dma_start3A_3496[%dma_start3A_3497] : memref<50000xf32, #tpu.memory_space<vmem_shared>> -> memref<50000xf32, #tpu.memory_space<vmem_shared>>
        %dma_start3A_3499 = tpu.memref_slice %arg20[%dma_start3A_3488, %dma_start3A_3489] : memref<2x9x!tpu.dma_semaphore, #tpu.memory_space<semaphore_mem>> -> memref<1x1x!tpu.dma_semaphore, #tpu.memory_space<semaphore_mem>>
        %dma_start3A_3500 = tpu.memref_squeeze %dma_start3A_3499 : memref<1x1x!tpu.dma_semaphore, #tpu.memory_space<semaphore_mem>> -> memref<!tpu.dma_semaphore, #tpu.memory_space<semaphore_mem>>
        tpu.enqueue_indirect_dma source(%dma_start3A_3498 : memref<50000xf32, #tpu.memory_space<vmem_shared>>) target(%dma_start3A_3492 : memref<256xf32, #tpu.memory_space<vmem>>) offsets(%dma_start3A_3493 : memref<256xi32, #tpu.memory_space<vmem>>) semaphore(%dma_start3A_3500 : memref<!tpu.dma_semaphore, #tpu.memory_space<semaphore_mem>>)
        %dma_start3A_3501 = arith.constant 1 : i32
        %dma_start3A_3502 = arith.constant 1 : i32
        %dma_start3A_3503 = arith.constant 0 : i32
        %dma_start3A_3504 = arith.constant 1 : i32
        %dma_start3A_3505 = arith.constant 0 : i32
        %dma_start3A_3506 = tpu.memref_slice %arg16[%dma_start3A_3502, %dma_start3A_3505] : memref<9x256xf32, #tpu.memory_space<vmem>> -> memref<1x256xf32, #tpu.memory_space<vmem>>
        %dma_start3A_3507 = tpu.memref_squeeze %dma_start3A_3506 : memref<1x256xf32, #tpu.memory_space<vmem>> -> memref<256xf32, #tpu.memory_space<vmem>>
        %dma_start3A_3508 = tpu.memref_slice %arg7[%multiple_of3A_3485] : memref<3584xi32, #tpu.memory_space<vmem>> -> memref<256xi32, #tpu.memory_space<vmem>>
        %dma_start3A_3509 = arith.constant 0 : i32
        %dma_start3A_3510 = tpu.memref_slice %arg19[%dma_start3A_3501, %dma_start3A_3509] : memref<9x50000xf32, #tpu.memory_space<vmem_shared>> -> memref<1x50000xf32, #tpu.memory_space<vmem_shared>>
        %dma_start3A_3511 = tpu.memref_squeeze %dma_start3A_3510 : memref<1x50000xf32, #tpu.memory_space<vmem_shared>> -> memref<50000xf32, #tpu.memory_space<vmem_shared>>
        %dma_start3A_3512 = arith.constant 0 : i32
        %dma_start3A_3513 = tpu.memref_slice %dma_start3A_3511[%dma_start3A_3512] : memref<50000xf32, #tpu.memory_space<vmem_shared>> -> memref<50000xf32, #tpu.memory_space<vmem_shared>>
        %dma_start3A_3514 = tpu.memref_slice %arg20[%dma_start3A_3503, %dma_start3A_3504] : memref<2x9x!tpu.dma_semaphore, #tpu.memory_space<semaphore_mem>> -> memref<1x1x!tpu.dma_semaphore, #tpu.memory_space<semaphore_mem>>
        %dma_start3A_3515 = tpu.memref_squeeze %dma_start3A_3514 : memref<1x1x!tpu.dma_semaphore, #tpu.memory_space<semaphore_mem>> -> memref<!tpu.dma_semaphore, #tpu.memory_space<semaphore_mem>>
        tpu.enqueue_indirect_dma source(%dma_start3A_3513 : memref<50000xf32, #tpu.memory_space<vmem_shared>>) target(%dma_start3A_3507 : memref<256xf32, #tpu.memory_space<vmem>>) offsets(%dma_start3A_3508 : memref<256xi32, #tpu.memory_space<vmem>>) semaphore(%dma_start3A_3515 : memref<!tpu.dma_semaphore, #tpu.memory_space<semaphore_mem>>)
        %dma_start3A_3516 = arith.constant 2 : i32
        %dma_start3A_3517 = arith.constant 2 : i32
        %dma_start3A_3518 = arith.constant 0 : i32
        %dma_start3A_3519 = arith.constant 2 : i32
        %dma_start3A_3520 = arith.constant 0 : i32
        %dma_start3A_3521 = tpu.memref_slice %arg16[%dma_start3A_3517, %dma_start3A_3520] : memref<9x256xf32, #tpu.memory_space<vmem>> -> memref<1x256xf32, #tpu.memory_space<vmem>>
        %dma_start3A_3522 = tpu.memref_squeeze %dma_start3A_3521 : memref<1x256xf32, #tpu.memory_space<vmem>> -> memref<256xf32, #tpu.memory_space<vmem>>
        %dma_start3A_3523 = tpu.memref_slice %arg7[%multiple_of3A_3485] : memref<3584xi32, #tpu.memory_space<vmem>> -> memref<256xi32, #tpu.memory_space<vmem>>
        %dma_start3A_3524 = arith.constant 0 : i32
        %dma_start3A_3525 = tpu.memref_slice %arg19[%dma_start3A_3516, %dma_start3A_3524] : memref<9x50000xf32, #tpu.memory_space<vmem_shared>> -> memref<1x50000xf32, #tpu.memory_space<vmem_shared>>
        %dma_start3A_3526 = tpu.memref_squeeze %dma_start3A_3525 : memref<1x50000xf32, #tpu.memory_space<vmem_shared>> -> memref<50000xf32, #tpu.memory_space<vmem_shared>>
        %dma_start3A_3527 = arith.constant 0 : i32
        %dma_start3A_3528 = tpu.memref_slice %dma_start3A_3526[%dma_start3A_3527] : memref<50000xf32, #tpu.memory_space<vmem_shared>> -> memref<50000xf32, #tpu.memory_space<vmem_shared>>
        %dma_start3A_3529 = tpu.memref_slice %arg20[%dma_start3A_3518, %dma_start3A_3519] : memref<2x9x!tpu.dma_semaphore, #tpu.memory_space<semaphore_mem>> -> memref<1x1x!tpu.dma_semaphore, #tpu.memory_space<semaphore_mem>>
        %dma_start3A_3530 = tpu.memref_squeeze %dma_start3A_3529 : memref<1x1x!tpu.dma_semaphore, #tpu.memory_space<semaphore_mem>> -> memref<!tpu.dma_semaphore, #tpu.memory_space<semaphore_mem>>
        tpu.enqueue_indirect_dma source(%dma_start3A_3528 : memref<50000xf32, #tpu.memory_space<vmem_shared>>) target(%dma_start3A_3522 : memref<256xf32, #tpu.memory_space<vmem>>) offsets(%dma_start3A_3523 : memref<256xi32, #tpu.memory_space<vmem>>) semaphore(%dma_start3A_3530 : memref<!tpu.dma_semaphore, #tpu.memory_space<semaphore_mem>>)
        %dma_start3A_3531 = arith.constant 3 : i32
        %dma_start3A_3532 = arith.constant 3 : i32
        %dma_start3A_3533 = arith.constant 0 : i32
        %dma_start3A_3534 = arith.constant 3 : i32
        %dma_start3A_3535 = arith.constant 0 : i32
        %dma_start3A_3536 = tpu.memref_slice %arg16[%dma_start3A_3532, %dma_start3A_3535] : memref<9x256xf32, #tpu.memory_space<vmem>> -> memref<1x256xf32, #tpu.memory_space<vmem>>
        %dma_start3A_3537 = tpu.memref_squeeze %dma_start3A_3536 : memref<1x256xf32, #tpu.memory_space<vmem>> -> memref<256xf32, #tpu.memory_space<vmem>>
        %dma_start3A_3538 = tpu.memref_slice %arg8[%multiple_of3A_3485] : memref<3584xi32, #tpu.memory_space<vmem>> -> memref<256xi32, #tpu.memory_space<vmem>>
        %dma_start3A_3539 = arith.constant 0 : i32
        %dma_start3A_3540 = tpu.memref_slice %arg19[%dma_start3A_3531, %dma_start3A_3539] : memref<9x50000xf32, #tpu.memory_space<vmem_shared>> -> memref<1x50000xf32, #tpu.memory_space<vmem_shared>>
        %dma_start3A_3541 = tpu.memref_squeeze %dma_start3A_3540 : memref<1x50000xf32, #tpu.memory_space<vmem_shared>> -> memref<50000xf32, #tpu.memory_space<vmem_shared>>
        %dma_start3A_3542 = arith.constant 0 : i32
        %dma_start3A_3543 = tpu.memref_slice %dma_start3A_3541[%dma_start3A_3542] : memref<50000xf32, #tpu.memory_space<vmem_shared>> -> memref<50000xf32, #tpu.memory_space<vmem_shared>>
        %dma_start3A_3544 = tpu.memref_slice %arg20[%dma_start3A_3533, %dma_start3A_3534] : memref<2x9x!tpu.dma_semaphore, #tpu.memory_space<semaphore_mem>> -> memref<1x1x!tpu.dma_semaphore, #tpu.memory_space<semaphore_mem>>
        %dma_start3A_3545 = tpu.memref_squeeze %dma_start3A_3544 : memref<1x1x!tpu.dma_semaphore, #tpu.memory_space<semaphore_mem>> -> memref<!tpu.dma_semaphore, #tpu.memory_space<semaphore_mem>>
        tpu.enqueue_indirect_dma source(%dma_start3A_3543 : memref<50000xf32, #tpu.memory_space<vmem_shared>>) target(%dma_start3A_3537 : memref<256xf32, #tpu.memory_space<vmem>>) offsets(%dma_start3A_3538 : memref<256xi32, #tpu.memory_space<vmem>>) semaphore(%dma_start3A_3545 : memref<!tpu.dma_semaphore, #tpu.memory_space<semaphore_mem>>)
        %dma_start3A_3546 = arith.constant 4 : i32
        %dma_start3A_3547 = arith.constant 4 : i32
        %dma_start3A_3548 = arith.constant 0 : i32
        %dma_start3A_3549 = arith.constant 4 : i32
        %dma_start3A_3550 = arith.constant 0 : i32
        %dma_start3A_3551 = tpu.memref_slice %arg16[%dma_start3A_3547, %dma_start3A_3550] : memref<9x256xf32, #tpu.memory_space<vmem>> -> memref<1x256xf32, #tpu.memory_space<vmem>>
        %dma_start3A_3552 = tpu.memref_squeeze %dma_start3A_3551 : memref<1x256xf32, #tpu.memory_space<vmem>> -> memref<256xf32, #tpu.memory_space<vmem>>
        %dma_start3A_3553 = tpu.memref_slice %arg8[%multiple_of3A_3485] : memref<3584xi32, #tpu.memory_space<vmem>> -> memref<256xi32, #tpu.memory_space<vmem>>
        %dma_start3A_3554 = arith.constant 0 : i32
        %dma_start3A_3555 = tpu.memref_slice %arg19[%dma_start3A_3546, %dma_start3A_3554] : memref<9x50000xf32, #tpu.memory_space<vmem_shared>> -> memref<1x50000xf32, #tpu.memory_space<vmem_shared>>
        %dma_start3A_3556 = tpu.memref_squeeze %dma_start3A_3555 : memref<1x50000xf32, #tpu.memory_space<vmem_shared>> -> memref<50000xf32, #tpu.memory_space<vmem_shared>>
        %dma_start3A_3557 = arith.constant 0 : i32
        %dma_start3A_3558 = tpu.memref_slice %dma_start3A_3556[%dma_start3A_3557] : memref<50000xf32, #tpu.memory_space<vmem_shared>> -> memref<50000xf32, #tpu.memory_space<vmem_shared>>
        %dma_start3A_3559 = tpu.memref_slice %arg20[%dma_start3A_3548, %dma_start3A_3549] : memref<2x9x!tpu.dma_semaphore, #tpu.memory_space<semaphore_mem>> -> memref<1x1x!tpu.dma_semaphore, #tpu.memory_space<semaphore_mem>>
        %dma_start3A_3560 = tpu.memref_squeeze %dma_start3A_3559 : memref<1x1x!tpu.dma_semaphore, #tpu.memory_space<semaphore_mem>> -> memref<!tpu.dma_semaphore, #tpu.memory_space<semaphore_mem>>
        tpu.enqueue_indirect_dma source(%dma_start3A_3558 : memref<50000xf32, #tpu.memory_space<vmem_shared>>) target(%dma_start3A_3552 : memref<256xf32, #tpu.memory_space<vmem>>) offsets(%dma_start3A_3553 : memref<256xi32, #tpu.memory_space<vmem>>) semaphore(%dma_start3A_3560 : memref<!tpu.dma_semaphore, #tpu.memory_space<semaphore_mem>>)
        %dma_start3A_3561 = arith.constant 5 : i32
        %dma_start3A_3562 = arith.constant 5 : i32
        %dma_start3A_3563 = arith.constant 0 : i32
        %dma_start3A_3564 = arith.constant 5 : i32
        %dma_start3A_3565 = arith.constant 0 : i32
        %dma_start3A_3566 = tpu.memref_slice %arg16[%dma_start3A_3562, %dma_start3A_3565] : memref<9x256xf32, #tpu.memory_space<vmem>> -> memref<1x256xf32, #tpu.memory_space<vmem>>
        %dma_start3A_3567 = tpu.memref_squeeze %dma_start3A_3566 : memref<1x256xf32, #tpu.memory_space<vmem>> -> memref<256xf32, #tpu.memory_space<vmem>>
        %dma_start3A_3568 = tpu.memref_slice %arg8[%multiple_of3A_3485] : memref<3584xi32, #tpu.memory_space<vmem>> -> memref<256xi32, #tpu.memory_space<vmem>>
        %dma_start3A_3569 = arith.constant 0 : i32
        %dma_start3A_3570 = tpu.memref_slice %arg19[%dma_start3A_3561, %dma_start3A_3569] : memref<9x50000xf32, #tpu.memory_space<vmem_shared>> -> memref<1x50000xf32, #tpu.memory_space<vmem_shared>>
        %dma_start3A_3571 = tpu.memref_squeeze %dma_start3A_3570 : memref<1x50000xf32, #tpu.memory_space<vmem_shared>> -> memref<50000xf32, #tpu.memory_space<vmem_shared>>
        %dma_start3A_3572 = arith.constant 0 : i32
        %dma_start3A_3573 = tpu.memref_slice %dma_start3A_3571[%dma_start3A_3572] : memref<50000xf32, #tpu.memory_space<vmem_shared>> -> memref<50000xf32, #tpu.memory_space<vmem_shared>>
        %dma_start3A_3574 = tpu.memref_slice %arg20[%dma_start3A_3563, %dma_start3A_3564] : memref<2x9x!tpu.dma_semaphore, #tpu.memory_space<semaphore_mem>> -> memref<1x1x!tpu.dma_semaphore, #tpu.memory_space<semaphore_mem>>
        %dma_start3A_3575 = tpu.memref_squeeze %dma_start3A_3574 : memref<1x1x!tpu.dma_semaphore, #tpu.memory_space<semaphore_mem>> -> memref<!tpu.dma_semaphore, #tpu.memory_space<semaphore_mem>>
        tpu.enqueue_indirect_dma source(%dma_start3A_3573 : memref<50000xf32, #tpu.memory_space<vmem_shared>>) target(%dma_start3A_3567 : memref<256xf32, #tpu.memory_space<vmem>>) offsets(%dma_start3A_3568 : memref<256xi32, #tpu.memory_space<vmem>>) semaphore(%dma_start3A_3575 : memref<!tpu.dma_semaphore, #tpu.memory_space<semaphore_mem>>)
        %dma_start3A_3576 = arith.constant 6 : i32
        %dma_start3A_3577 = arith.constant 6 : i32
        %dma_start3A_3578 = arith.constant 0 : i32
        %dma_start3A_3579 = arith.constant 6 : i32
        %dma_start3A_3580 = arith.constant 0 : i32
        %dma_start3A_3581 = tpu.memref_slice %arg16[%dma_start3A_3577, %dma_start3A_3580] : memref<9x256xf32, #tpu.memory_space<vmem>> -> memref<1x256xf32, #tpu.memory_space<vmem>>
        %dma_start3A_3582 = tpu.memref_squeeze %dma_start3A_3581 : memref<1x256xf32, #tpu.memory_space<vmem>> -> memref<256xf32, #tpu.memory_space<vmem>>
        %dma_start3A_3583 = tpu.memref_slice %arg9[%multiple_of3A_3485] : memref<3584xi32, #tpu.memory_space<vmem>> -> memref<256xi32, #tpu.memory_space<vmem>>
        %dma_start3A_3584 = arith.constant 0 : i32
        %dma_start3A_3585 = tpu.memref_slice %arg19[%dma_start3A_3576, %dma_start3A_3584] : memref<9x50000xf32, #tpu.memory_space<vmem_shared>> -> memref<1x50000xf32, #tpu.memory_space<vmem_shared>>
        %dma_start3A_3586 = tpu.memref_squeeze %dma_start3A_3585 : memref<1x50000xf32, #tpu.memory_space<vmem_shared>> -> memref<50000xf32, #tpu.memory_space<vmem_shared>>
        %dma_start3A_3587 = arith.constant 0 : i32
        %dma_start3A_3588 = tpu.memref_slice %dma_start3A_3586[%dma_start3A_3587] : memref<50000xf32, #tpu.memory_space<vmem_shared>> -> memref<50000xf32, #tpu.memory_space<vmem_shared>>
        %dma_start3A_3589 = tpu.memref_slice %arg20[%dma_start3A_3578, %dma_start3A_3579] : memref<2x9x!tpu.dma_semaphore, #tpu.memory_space<semaphore_mem>> -> memref<1x1x!tpu.dma_semaphore, #tpu.memory_space<semaphore_mem>>
        %dma_start3A_3590 = tpu.memref_squeeze %dma_start3A_3589 : memref<1x1x!tpu.dma_semaphore, #tpu.memory_space<semaphore_mem>> -> memref<!tpu.dma_semaphore, #tpu.memory_space<semaphore_mem>>
        tpu.enqueue_indirect_dma source(%dma_start3A_3588 : memref<50000xf32, #tpu.memory_space<vmem_shared>>) target(%dma_start3A_3582 : memref<256xf32, #tpu.memory_space<vmem>>) offsets(%dma_start3A_3583 : memref<256xi32, #tpu.memory_space<vmem>>) semaphore(%dma_start3A_3590 : memref<!tpu.dma_semaphore, #tpu.memory_space<semaphore_mem>>)
        %dma_start3A_3591 = arith.constant 7 : i32
        %dma_start3A_3592 = arith.constant 7 : i32
        %dma_start3A_3593 = arith.constant 0 : i32
        %dma_start3A_3594 = arith.constant 7 : i32
        %dma_start3A_3595 = arith.constant 0 : i32
        %dma_start3A_3596 = tpu.memref_slice %arg16[%dma_start3A_3592, %dma_start3A_3595] : memref<9x256xf32, #tpu.memory_space<vmem>> -> memref<1x256xf32, #tpu.memory_space<vmem>>
        %dma_start3A_3597 = tpu.memref_squeeze %dma_start3A_3596 : memref<1x256xf32, #tpu.memory_space<vmem>> -> memref<256xf32, #tpu.memory_space<vmem>>
        %dma_start3A_3598 = tpu.memref_slice %arg9[%multiple_of3A_3485] : memref<3584xi32, #tpu.memory_space<vmem>> -> memref<256xi32, #tpu.memory_space<vmem>>
        %dma_start3A_3599 = arith.constant 0 : i32
        %dma_start3A_3600 = tpu.memref_slice %arg19[%dma_start3A_3591, %dma_start3A_3599] : memref<9x50000xf32, #tpu.memory_space<vmem_shared>> -> memref<1x50000xf32, #tpu.memory_space<vmem_shared>>
        %dma_start3A_3601 = tpu.memref_squeeze %dma_start3A_3600 : memref<1x50000xf32, #tpu.memory_space<vmem_shared>> -> memref<50000xf32, #tpu.memory_space<vmem_shared>>
        %dma_start3A_3602 = arith.constant 0 : i32
        %dma_start3A_3603 = tpu.memref_slice %dma_start3A_3601[%dma_start3A_3602] : memref<50000xf32, #tpu.memory_space<vmem_shared>> -> memref<50000xf32, #tpu.memory_space<vmem_shared>>
        %dma_start3A_3604 = tpu.memref_slice %arg20[%dma_start3A_3593, %dma_start3A_3594] : memref<2x9x!tpu.dma_semaphore, #tpu.memory_space<semaphore_mem>> -> memref<1x1x!tpu.dma_semaphore, #tpu.memory_space<semaphore_mem>>
        %dma_start3A_3605 = tpu.memref_squeeze %dma_start3A_3604 : memref<1x1x!tpu.dma_semaphore, #tpu.memory_space<semaphore_mem>> -> memref<!tpu.dma_semaphore, #tpu.memory_space<semaphore_mem>>
        tpu.enqueue_indirect_dma source(%dma_start3A_3603 : memref<50000xf32, #tpu.memory_space<vmem_shared>>) target(%dma_start3A_3597 : memref<256xf32, #tpu.memory_space<vmem>>) offsets(%dma_start3A_3598 : memref<256xi32, #tpu.memory_space<vmem>>) semaphore(%dma_start3A_3605 : memref<!tpu.dma_semaphore, #tpu.memory_space<semaphore_mem>>)
        %dma_start3A_3606 = arith.constant 8 : i32
        %dma_start3A_3607 = arith.constant 8 : i32
        %dma_start3A_3608 = arith.constant 0 : i32
        %dma_start3A_3609 = arith.constant 8 : i32
        %dma_start3A_3610 = arith.constant 0 : i32
        %dma_start3A_3611 = tpu.memref_slice %arg16[%dma_start3A_3607, %dma_start3A_3610] : memref<9x256xf32, #tpu.memory_space<vmem>> -> memref<1x256xf32, #tpu.memory_space<vmem>>
        %dma_start3A_3612 = tpu.memref_squeeze %dma_start3A_3611 : memref<1x256xf32, #tpu.memory_space<vmem>> -> memref<256xf32, #tpu.memory_space<vmem>>
        %dma_start3A_3613 = tpu.memref_slice %arg9[%multiple_of3A_3485] : memref<3584xi32, #tpu.memory_space<vmem>> -> memref<256xi32, #tpu.memory_space<vmem>>
        %dma_start3A_3614 = arith.constant 0 : i32
        %dma_start3A_3615 = tpu.memref_slice %arg19[%dma_start3A_3606, %dma_start3A_3614] : memref<9x50000xf32, #tpu.memory_space<vmem_shared>> -> memref<1x50000xf32, #tpu.memory_space<vmem_shared>>
        %dma_start3A_3616 = tpu.memref_squeeze %dma_start3A_3615 : memref<1x50000xf32, #tpu.memory_space<vmem_shared>> -> memref<50000xf32, #tpu.memory_space<vmem_shared>>
        %dma_start3A_3617 = arith.constant 0 : i32
        %dma_start3A_3618 = tpu.memref_slice %dma_start3A_3616[%dma_start3A_3617] : memref<50000xf32, #tpu.memory_space<vmem_shared>> -> memref<50000xf32, #tpu.memory_space<vmem_shared>>
        %dma_start3A_3619 = tpu.memref_slice %arg20[%dma_start3A_3608, %dma_start3A_3609] : memref<2x9x!tpu.dma_semaphore, #tpu.memory_space<semaphore_mem>> -> memref<1x1x!tpu.dma_semaphore, #tpu.memory_space<semaphore_mem>>
        %dma_start3A_3620 = tpu.memref_squeeze %dma_start3A_3619 : memref<1x1x!tpu.dma_semaphore, #tpu.memory_space<semaphore_mem>> -> memref<!tpu.dma_semaphore, #tpu.memory_space<semaphore_mem>>
        tpu.enqueue_indirect_dma source(%dma_start3A_3618 : memref<50000xf32, #tpu.memory_space<vmem_shared>>) target(%dma_start3A_3612 : memref<256xf32, #tpu.memory_space<vmem>>) offsets(%dma_start3A_3613 : memref<256xi32, #tpu.memory_space<vmem>>) semaphore(%dma_start3A_3620 : memref<!tpu.dma_semaphore, #tpu.memory_space<semaphore_mem>>)
      } else {
      }
      %dma_wait3A_1987 = arith.constant 0 : i32
      %dma_wait3A_1988 = arith.constant 0 : i32
      %dma_wait3A_1989 = arith.constant 1 : i32
      %dma_wait3A_1990 = arith.constant 0 : i32
      %dma_wait3A_1991 = arith.constant 0 : i32
      %dma_wait3A_1992 = tpu.memref_slice %arg17[%dma_wait3A_1988, %dma_wait3A_1991] : memref<9x256xf32, #tpu.memory_space<vmem>> -> memref<1x256xf32, #tpu.memory_space<vmem>>
      %dma_wait3A_1993 = tpu.memref_squeeze %dma_wait3A_1992 : memref<1x256xf32, #tpu.memory_space<vmem>> -> memref<256xf32, #tpu.memory_space<vmem>>
      %dma_wait3A_1994 = arith.constant 0 : i32
      %dma_wait3A_1995 = tpu.memref_slice %arg7[%dma_wait3A_1994] : memref<3584xi32, #tpu.memory_space<vmem>> -> memref<256xi32, #tpu.memory_space<vmem>>
      %dma_wait3A_1996 = arith.constant 0 : i32
      %dma_wait3A_1997 = tpu.memref_slice %arg19[%dma_wait3A_1987, %dma_wait3A_1996] : memref<9x50000xf32, #tpu.memory_space<vmem_shared>> -> memref<1x50000xf32, #tpu.memory_space<vmem_shared>>
      %dma_wait3A_1998 = tpu.memref_squeeze %dma_wait3A_1997 : memref<1x50000xf32, #tpu.memory_space<vmem_shared>> -> memref<50000xf32, #tpu.memory_space<vmem_shared>>
      %dma_wait3A_1999 = arith.constant 0 : i32
      %dma_wait3A_2000 = tpu.memref_slice %dma_wait3A_1998[%dma_wait3A_1999] : memref<50000xf32, #tpu.memory_space<vmem_shared>> -> memref<50000xf32, #tpu.memory_space<vmem_shared>>
      %dma_wait3A_2001 = tpu.memref_slice %arg20[%dma_wait3A_1989, %dma_wait3A_1990] : memref<2x9x!tpu.dma_semaphore, #tpu.memory_space<semaphore_mem>> -> memref<1x1x!tpu.dma_semaphore, #tpu.memory_space<semaphore_mem>>
      %dma_wait3A_2002 = tpu.memref_squeeze %dma_wait3A_2001 : memref<1x1x!tpu.dma_semaphore, #tpu.memory_space<semaphore_mem>> -> memref<!tpu.dma_semaphore, #tpu.memory_space<semaphore_mem>>
      tpu.wait_indirect_dma semaphore(%dma_wait3A_2002 : memref<!tpu.dma_semaphore, #tpu.memory_space<semaphore_mem>>) src(%dma_wait3A_2000 : memref<50000xf32, #tpu.memory_space<vmem_shared>>) dst(%dma_wait3A_1993 : memref<256xf32, #tpu.memory_space<vmem>>)
      %dma_wait3A_2003 = arith.constant 1 : i32
      %dma_wait3A_2004 = arith.constant 1 : i32
      %dma_wait3A_2005 = arith.constant 1 : i32
      %dma_wait3A_2006 = arith.constant 1 : i32
      %dma_wait3A_2007 = arith.constant 0 : i32
      %dma_wait3A_2008 = tpu.memref_slice %arg17[%dma_wait3A_2004, %dma_wait3A_2007] : memref<9x256xf32, #tpu.memory_space<vmem>> -> memref<1x256xf32, #tpu.memory_space<vmem>>
      %dma_wait3A_2009 = tpu.memref_squeeze %dma_wait3A_2008 : memref<1x256xf32, #tpu.memory_space<vmem>> -> memref<256xf32, #tpu.memory_space<vmem>>
      %dma_wait3A_2010 = arith.constant 0 : i32
      %dma_wait3A_2011 = tpu.memref_slice %arg7[%dma_wait3A_2010] : memref<3584xi32, #tpu.memory_space<vmem>> -> memref<256xi32, #tpu.memory_space<vmem>>
      %dma_wait3A_2012 = arith.constant 0 : i32
      %dma_wait3A_2013 = tpu.memref_slice %arg19[%dma_wait3A_2003, %dma_wait3A_2012] : memref<9x50000xf32, #tpu.memory_space<vmem_shared>> -> memref<1x50000xf32, #tpu.memory_space<vmem_shared>>
      %dma_wait3A_2014 = tpu.memref_squeeze %dma_wait3A_2013 : memref<1x50000xf32, #tpu.memory_space<vmem_shared>> -> memref<50000xf32, #tpu.memory_space<vmem_shared>>
      %dma_wait3A_2015 = arith.constant 0 : i32
      %dma_wait3A_2016 = tpu.memref_slice %dma_wait3A_2014[%dma_wait3A_2015] : memref<50000xf32, #tpu.memory_space<vmem_shared>> -> memref<50000xf32, #tpu.memory_space<vmem_shared>>
      %dma_wait3A_2017 = tpu.memref_slice %arg20[%dma_wait3A_2005, %dma_wait3A_2006] : memref<2x9x!tpu.dma_semaphore, #tpu.memory_space<semaphore_mem>> -> memref<1x1x!tpu.dma_semaphore, #tpu.memory_space<semaphore_mem>>
      %dma_wait3A_2018 = tpu.memref_squeeze %dma_wait3A_2017 : memref<1x1x!tpu.dma_semaphore, #tpu.memory_space<semaphore_mem>> -> memref<!tpu.dma_semaphore, #tpu.memory_space<semaphore_mem>>
      tpu.wait_indirect_dma semaphore(%dma_wait3A_2018 : memref<!tpu.dma_semaphore, #tpu.memory_space<semaphore_mem>>) src(%dma_wait3A_2016 : memref<50000xf32, #tpu.memory_space<vmem_shared>>) dst(%dma_wait3A_2009 : memref<256xf32, #tpu.memory_space<vmem>>)
      %dma_wait3A_2019 = arith.constant 2 : i32
      %dma_wait3A_2020 = arith.constant 2 : i32
      %dma_wait3A_2021 = arith.constant 1 : i32
      %dma_wait3A_2022 = arith.constant 2 : i32
      %dma_wait3A_2023 = arith.constant 0 : i32
      %dma_wait3A_2024 = tpu.memref_slice %arg17[%dma_wait3A_2020, %dma_wait3A_2023] : memref<9x256xf32, #tpu.memory_space<vmem>> -> memref<1x256xf32, #tpu.memory_space<vmem>>
      %dma_wait3A_2025 = tpu.memref_squeeze %dma_wait3A_2024 : memref<1x256xf32, #tpu.memory_space<vmem>> -> memref<256xf32, #tpu.memory_space<vmem>>
      %dma_wait3A_2026 = arith.constant 0 : i32
      %dma_wait3A_2027 = tpu.memref_slice %arg7[%dma_wait3A_2026] : memref<3584xi32, #tpu.memory_space<vmem>> -> memref<256xi32, #tpu.memory_space<vmem>>
      %dma_wait3A_2028 = arith.constant 0 : i32
      %dma_wait3A_2029 = tpu.memref_slice %arg19[%dma_wait3A_2019, %dma_wait3A_2028] : memref<9x50000xf32, #tpu.memory_space<vmem_shared>> -> memref<1x50000xf32, #tpu.memory_space<vmem_shared>>
      %dma_wait3A_2030 = tpu.memref_squeeze %dma_wait3A_2029 : memref<1x50000xf32, #tpu.memory_space<vmem_shared>> -> memref<50000xf32, #tpu.memory_space<vmem_shared>>
      %dma_wait3A_2031 = arith.constant 0 : i32
      %dma_wait3A_2032 = tpu.memref_slice %dma_wait3A_2030[%dma_wait3A_2031] : memref<50000xf32, #tpu.memory_space<vmem_shared>> -> memref<50000xf32, #tpu.memory_space<vmem_shared>>
      %dma_wait3A_2033 = tpu.memref_slice %arg20[%dma_wait3A_2021, %dma_wait3A_2022] : memref<2x9x!tpu.dma_semaphore, #tpu.memory_space<semaphore_mem>> -> memref<1x1x!tpu.dma_semaphore, #tpu.memory_space<semaphore_mem>>
      %dma_wait3A_2034 = tpu.memref_squeeze %dma_wait3A_2033 : memref<1x1x!tpu.dma_semaphore, #tpu.memory_space<semaphore_mem>> -> memref<!tpu.dma_semaphore, #tpu.memory_space<semaphore_mem>>
      tpu.wait_indirect_dma semaphore(%dma_wait3A_2034 : memref<!tpu.dma_semaphore, #tpu.memory_space<semaphore_mem>>) src(%dma_wait3A_2032 : memref<50000xf32, #tpu.memory_space<vmem_shared>>) dst(%dma_wait3A_2025 : memref<256xf32, #tpu.memory_space<vmem>>)
      %dma_wait3A_2035 = arith.constant 3 : i32
      %dma_wait3A_2036 = arith.constant 3 : i32
      %dma_wait3A_2037 = arith.constant 1 : i32
      %dma_wait3A_2038 = arith.constant 3 : i32
      %dma_wait3A_2039 = arith.constant 0 : i32
      %dma_wait3A_2040 = tpu.memref_slice %arg17[%dma_wait3A_2036, %dma_wait3A_2039] : memref<9x256xf32, #tpu.memory_space<vmem>> -> memref<1x256xf32, #tpu.memory_space<vmem>>
      %dma_wait3A_2041 = tpu.memref_squeeze %dma_wait3A_2040 : memref<1x256xf32, #tpu.memory_space<vmem>> -> memref<256xf32, #tpu.memory_space<vmem>>
      %dma_wait3A_2042 = arith.constant 0 : i32
      %dma_wait3A_2043 = tpu.memref_slice %arg7[%dma_wait3A_2042] : memref<3584xi32, #tpu.memory_space<vmem>> -> memref<256xi32, #tpu.memory_space<vmem>>
      %dma_wait3A_2044 = arith.constant 0 : i32
      %dma_wait3A_2045 = tpu.memref_slice %arg19[%dma_wait3A_2035, %dma_wait3A_2044] : memref<9x50000xf32, #tpu.memory_space<vmem_shared>> -> memref<1x50000xf32, #tpu.memory_space<vmem_shared>>
      %dma_wait3A_2046 = tpu.memref_squeeze %dma_wait3A_2045 : memref<1x50000xf32, #tpu.memory_space<vmem_shared>> -> memref<50000xf32, #tpu.memory_space<vmem_shared>>
      %dma_wait3A_2047 = arith.constant 0 : i32
      %dma_wait3A_2048 = tpu.memref_slice %dma_wait3A_2046[%dma_wait3A_2047] : memref<50000xf32, #tpu.memory_space<vmem_shared>> -> memref<50000xf32, #tpu.memory_space<vmem_shared>>
      %dma_wait3A_2049 = tpu.memref_slice %arg20[%dma_wait3A_2037, %dma_wait3A_2038] : memref<2x9x!tpu.dma_semaphore, #tpu.memory_space<semaphore_mem>> -> memref<1x1x!tpu.dma_semaphore, #tpu.memory_space<semaphore_mem>>
      %dma_wait3A_2050 = tpu.memref_squeeze %dma_wait3A_2049 : memref<1x1x!tpu.dma_semaphore, #tpu.memory_space<semaphore_mem>> -> memref<!tpu.dma_semaphore, #tpu.memory_space<semaphore_mem>>
      tpu.wait_indirect_dma semaphore(%dma_wait3A_2050 : memref<!tpu.dma_semaphore, #tpu.memory_space<semaphore_mem>>) src(%dma_wait3A_2048 : memref<50000xf32, #tpu.memory_space<vmem_shared>>) dst(%dma_wait3A_2041 : memref<256xf32, #tpu.memory_space<vmem>>)
      %dma_wait3A_2051 = arith.constant 4 : i32
      %dma_wait3A_2052 = arith.constant 4 : i32
      %dma_wait3A_2053 = arith.constant 1 : i32
      %dma_wait3A_2054 = arith.constant 4 : i32
      %dma_wait3A_2055 = arith.constant 0 : i32
      %dma_wait3A_2056 = tpu.memref_slice %arg17[%dma_wait3A_2052, %dma_wait3A_2055] : memref<9x256xf32, #tpu.memory_space<vmem>> -> memref<1x256xf32, #tpu.memory_space<vmem>>
      %dma_wait3A_2057 = tpu.memref_squeeze %dma_wait3A_2056 : memref<1x256xf32, #tpu.memory_space<vmem>> -> memref<256xf32, #tpu.memory_space<vmem>>
      %dma_wait3A_2058 = arith.constant 0 : i32
      %dma_wait3A_2059 = tpu.memref_slice %arg7[%dma_wait3A_2058] : memref<3584xi32, #tpu.memory_space<vmem>> -> memref<256xi32, #tpu.memory_space<vmem>>
      %dma_wait3A_2060 = arith.constant 0 : i32
      %dma_wait3A_2061 = tpu.memref_slice %arg19[%dma_wait3A_2051, %dma_wait3A_2060] : memref<9x50000xf32, #tpu.memory_space<vmem_shared>> -> memref<1x50000xf32, #tpu.memory_space<vmem_shared>>
      %dma_wait3A_2062 = tpu.memref_squeeze %dma_wait3A_2061 : memref<1x50000xf32, #tpu.memory_space<vmem_shared>> -> memref<50000xf32, #tpu.memory_space<vmem_shared>>
      %dma_wait3A_2063 = arith.constant 0 : i32
      %dma_wait3A_2064 = tpu.memref_slice %dma_wait3A_2062[%dma_wait3A_2063] : memref<50000xf32, #tpu.memory_space<vmem_shared>> -> memref<50000xf32, #tpu.memory_space<vmem_shared>>
      %dma_wait3A_2065 = tpu.memref_slice %arg20[%dma_wait3A_2053, %dma_wait3A_2054] : memref<2x9x!tpu.dma_semaphore, #tpu.memory_space<semaphore_mem>> -> memref<1x1x!tpu.dma_semaphore, #tpu.memory_space<semaphore_mem>>
      %dma_wait3A_2066 = tpu.memref_squeeze %dma_wait3A_2065 : memref<1x1x!tpu.dma_semaphore, #tpu.memory_space<semaphore_mem>> -> memref<!tpu.dma_semaphore, #tpu.memory_space<semaphore_mem>>
      tpu.wait_indirect_dma semaphore(%dma_wait3A_2066 : memref<!tpu.dma_semaphore, #tpu.memory_space<semaphore_mem>>) src(%dma_wait3A_2064 : memref<50000xf32, #tpu.memory_space<vmem_shared>>) dst(%dma_wait3A_2057 : memref<256xf32, #tpu.memory_space<vmem>>)
      %dma_wait3A_2067 = arith.constant 5 : i32
      %dma_wait3A_2068 = arith.constant 5 : i32
      %dma_wait3A_2069 = arith.constant 1 : i32
      %dma_wait3A_2070 = arith.constant 5 : i32
      %dma_wait3A_2071 = arith.constant 0 : i32
      %dma_wait3A_2072 = tpu.memref_slice %arg17[%dma_wait3A_2068, %dma_wait3A_2071] : memref<9x256xf32, #tpu.memory_space<vmem>> -> memref<1x256xf32, #tpu.memory_space<vmem>>
      %dma_wait3A_2073 = tpu.memref_squeeze %dma_wait3A_2072 : memref<1x256xf32, #tpu.memory_space<vmem>> -> memref<256xf32, #tpu.memory_space<vmem>>
      %dma_wait3A_2074 = arith.constant 0 : i32
      %dma_wait3A_2075 = tpu.memref_slice %arg7[%dma_wait3A_2074] : memref<3584xi32, #tpu.memory_space<vmem>> -> memref<256xi32, #tpu.memory_space<vmem>>
      %dma_wait3A_2076 = arith.constant 0 : i32
      %dma_wait3A_2077 = tpu.memref_slice %arg19[%dma_wait3A_2067, %dma_wait3A_2076] : memref<9x50000xf32, #tpu.memory_space<vmem_shared>> -> memref<1x50000xf32, #tpu.memory_space<vmem_shared>>
      %dma_wait3A_2078 = tpu.memref_squeeze %dma_wait3A_2077 : memref<1x50000xf32, #tpu.memory_space<vmem_shared>> -> memref<50000xf32, #tpu.memory_space<vmem_shared>>
      %dma_wait3A_2079 = arith.constant 0 : i32
      %dma_wait3A_2080 = tpu.memref_slice %dma_wait3A_2078[%dma_wait3A_2079] : memref<50000xf32, #tpu.memory_space<vmem_shared>> -> memref<50000xf32, #tpu.memory_space<vmem_shared>>
      %dma_wait3A_2081 = tpu.memref_slice %arg20[%dma_wait3A_2069, %dma_wait3A_2070] : memref<2x9x!tpu.dma_semaphore, #tpu.memory_space<semaphore_mem>> -> memref<1x1x!tpu.dma_semaphore, #tpu.memory_space<semaphore_mem>>
      %dma_wait3A_2082 = tpu.memref_squeeze %dma_wait3A_2081 : memref<1x1x!tpu.dma_semaphore, #tpu.memory_space<semaphore_mem>> -> memref<!tpu.dma_semaphore, #tpu.memory_space<semaphore_mem>>
      tpu.wait_indirect_dma semaphore(%dma_wait3A_2082 : memref<!tpu.dma_semaphore, #tpu.memory_space<semaphore_mem>>) src(%dma_wait3A_2080 : memref<50000xf32, #tpu.memory_space<vmem_shared>>) dst(%dma_wait3A_2073 : memref<256xf32, #tpu.memory_space<vmem>>)
      %dma_wait3A_2083 = arith.constant 6 : i32
      %dma_wait3A_2084 = arith.constant 6 : i32
      %dma_wait3A_2085 = arith.constant 1 : i32
      %dma_wait3A_2086 = arith.constant 6 : i32
      %dma_wait3A_2087 = arith.constant 0 : i32
      %dma_wait3A_2088 = tpu.memref_slice %arg17[%dma_wait3A_2084, %dma_wait3A_2087] : memref<9x256xf32, #tpu.memory_space<vmem>> -> memref<1x256xf32, #tpu.memory_space<vmem>>
      %dma_wait3A_2089 = tpu.memref_squeeze %dma_wait3A_2088 : memref<1x256xf32, #tpu.memory_space<vmem>> -> memref<256xf32, #tpu.memory_space<vmem>>
      %dma_wait3A_2090 = arith.constant 0 : i32
      %dma_wait3A_2091 = tpu.memref_slice %arg7[%dma_wait3A_2090] : memref<3584xi32, #tpu.memory_space<vmem>> -> memref<256xi32, #tpu.memory_space<vmem>>
      %dma_wait3A_2092 = arith.constant 0 : i32
      %dma_wait3A_2093 = tpu.memref_slice %arg19[%dma_wait3A_2083, %dma_wait3A_2092] : memref<9x50000xf32, #tpu.memory_space<vmem_shared>> -> memref<1x50000xf32, #tpu.memory_space<vmem_shared>>
      %dma_wait3A_2094 = tpu.memref_squeeze %dma_wait3A_2093 : memref<1x50000xf32, #tpu.memory_space<vmem_shared>> -> memref<50000xf32, #tpu.memory_space<vmem_shared>>
      %dma_wait3A_2095 = arith.constant 0 : i32
      %dma_wait3A_2096 = tpu.memref_slice %dma_wait3A_2094[%dma_wait3A_2095] : memref<50000xf32, #tpu.memory_space<vmem_shared>> -> memref<50000xf32, #tpu.memory_space<vmem_shared>>
      %dma_wait3A_2097 = tpu.memref_slice %arg20[%dma_wait3A_2085, %dma_wait3A_2086] : memref<2x9x!tpu.dma_semaphore, #tpu.memory_space<semaphore_mem>> -> memref<1x1x!tpu.dma_semaphore, #tpu.memory_space<semaphore_mem>>
      %dma_wait3A_2098 = tpu.memref_squeeze %dma_wait3A_2097 : memref<1x1x!tpu.dma_semaphore, #tpu.memory_space<semaphore_mem>> -> memref<!tpu.dma_semaphore, #tpu.memory_space<semaphore_mem>>
      tpu.wait_indirect_dma semaphore(%dma_wait3A_2098 : memref<!tpu.dma_semaphore, #tpu.memory_space<semaphore_mem>>) src(%dma_wait3A_2096 : memref<50000xf32, #tpu.memory_space<vmem_shared>>) dst(%dma_wait3A_2089 : memref<256xf32, #tpu.memory_space<vmem>>)
      %dma_wait3A_2099 = arith.constant 7 : i32
      %dma_wait3A_2100 = arith.constant 7 : i32
      %dma_wait3A_2101 = arith.constant 1 : i32
      %dma_wait3A_2102 = arith.constant 7 : i32
      %dma_wait3A_2103 = arith.constant 0 : i32
      %dma_wait3A_2104 = tpu.memref_slice %arg17[%dma_wait3A_2100, %dma_wait3A_2103] : memref<9x256xf32, #tpu.memory_space<vmem>> -> memref<1x256xf32, #tpu.memory_space<vmem>>
      %dma_wait3A_2105 = tpu.memref_squeeze %dma_wait3A_2104 : memref<1x256xf32, #tpu.memory_space<vmem>> -> memref<256xf32, #tpu.memory_space<vmem>>
      %dma_wait3A_2106 = arith.constant 0 : i32
      %dma_wait3A_2107 = tpu.memref_slice %arg7[%dma_wait3A_2106] : memref<3584xi32, #tpu.memory_space<vmem>> -> memref<256xi32, #tpu.memory_space<vmem>>
      %dma_wait3A_2108 = arith.constant 0 : i32
      %dma_wait3A_2109 = tpu.memref_slice %arg19[%dma_wait3A_2099, %dma_wait3A_2108] : memref<9x50000xf32, #tpu.memory_space<vmem_shared>> -> memref<1x50000xf32, #tpu.memory_space<vmem_shared>>
      %dma_wait3A_2110 = tpu.memref_squeeze %dma_wait3A_2109 : memref<1x50000xf32, #tpu.memory_space<vmem_shared>> -> memref<50000xf32, #tpu.memory_space<vmem_shared>>
      %dma_wait3A_2111 = arith.constant 0 : i32
      %dma_wait3A_2112 = tpu.memref_slice %dma_wait3A_2110[%dma_wait3A_2111] : memref<50000xf32, #tpu.memory_space<vmem_shared>> -> memref<50000xf32, #tpu.memory_space<vmem_shared>>
      %dma_wait3A_2113 = tpu.memref_slice %arg20[%dma_wait3A_2101, %dma_wait3A_2102] : memref<2x9x!tpu.dma_semaphore, #tpu.memory_space<semaphore_mem>> -> memref<1x1x!tpu.dma_semaphore, #tpu.memory_space<semaphore_mem>>
      %dma_wait3A_2114 = tpu.memref_squeeze %dma_wait3A_2113 : memref<1x1x!tpu.dma_semaphore, #tpu.memory_space<semaphore_mem>> -> memref<!tpu.dma_semaphore, #tpu.memory_space<semaphore_mem>>
      tpu.wait_indirect_dma semaphore(%dma_wait3A_2114 : memref<!tpu.dma_semaphore, #tpu.memory_space<semaphore_mem>>) src(%dma_wait3A_2112 : memref<50000xf32, #tpu.memory_space<vmem_shared>>) dst(%dma_wait3A_2105 : memref<256xf32, #tpu.memory_space<vmem>>)
      %dma_wait3A_2115 = arith.constant 8 : i32
      %dma_wait3A_2116 = arith.constant 8 : i32
      %dma_wait3A_2117 = arith.constant 1 : i32
      %dma_wait3A_2118 = arith.constant 8 : i32
      %dma_wait3A_2119 = arith.constant 0 : i32
      %dma_wait3A_2120 = tpu.memref_slice %arg17[%dma_wait3A_2116, %dma_wait3A_2119] : memref<9x256xf32, #tpu.memory_space<vmem>> -> memref<1x256xf32, #tpu.memory_space<vmem>>
      %dma_wait3A_2121 = tpu.memref_squeeze %dma_wait3A_2120 : memref<1x256xf32, #tpu.memory_space<vmem>> -> memref<256xf32, #tpu.memory_space<vmem>>
      %dma_wait3A_2122 = arith.constant 0 : i32
      %dma_wait3A_2123 = tpu.memref_slice %arg7[%dma_wait3A_2122] : memref<3584xi32, #tpu.memory_space<vmem>> -> memref<256xi32, #tpu.memory_space<vmem>>
      %dma_wait3A_2124 = arith.constant 0 : i32
      %dma_wait3A_2125 = tpu.memref_slice %arg19[%dma_wait3A_2115, %dma_wait3A_2124] : memref<9x50000xf32, #tpu.memory_space<vmem_shared>> -> memref<1x50000xf32, #tpu.memory_space<vmem_shared>>
      %dma_wait3A_2126 = tpu.memref_squeeze %dma_wait3A_2125 : memref<1x50000xf32, #tpu.memory_space<vmem_shared>> -> memref<50000xf32, #tpu.memory_space<vmem_shared>>
      %dma_wait3A_2127 = arith.constant 0 : i32
      %dma_wait3A_2128 = tpu.memref_slice %dma_wait3A_2126[%dma_wait3A_2127] : memref<50000xf32, #tpu.memory_space<vmem_shared>> -> memref<50000xf32, #tpu.memory_space<vmem_shared>>
      %dma_wait3A_2129 = tpu.memref_slice %arg20[%dma_wait3A_2117, %dma_wait3A_2118] : memref<2x9x!tpu.dma_semaphore, #tpu.memory_space<semaphore_mem>> -> memref<1x1x!tpu.dma_semaphore, #tpu.memory_space<semaphore_mem>>
      %dma_wait3A_2130 = tpu.memref_squeeze %dma_wait3A_2129 : memref<1x1x!tpu.dma_semaphore, #tpu.memory_space<semaphore_mem>> -> memref<!tpu.dma_semaphore, #tpu.memory_space<semaphore_mem>>
      tpu.wait_indirect_dma semaphore(%dma_wait3A_2130 : memref<!tpu.dma_semaphore, #tpu.memory_space<semaphore_mem>>) src(%dma_wait3A_2128 : memref<50000xf32, #tpu.memory_space<vmem_shared>>) dst(%dma_wait3A_2121 : memref<256xf32, #tpu.memory_space<vmem>>)
      %add3A_2131 = arith.constant 1 : i32
      %add3A_2132 = arith.addi %mul3A_352, %add3A_2131 : i32
      %mul3A_2133 = arith.constant 256 : i32
      %mul3A_2134 = arith.muli %add3A_2132, %mul3A_2133 : i32
      %multiple_of3A_2135 = tpu.assume_multiple %mul3A_2134, 256 : i32
      %get3A_2136 = arith.constant 0 : i32
      %get3A_2137 = arith.index_cast %get3A_2136 : i32 to index
      %get3A_2138 = arith.constant 0 : index
      %get3A_2139 = tpu.vector_load %arg17[%get3A_2137, %get3A_2138] {strides = array<i32>} : memref<9x256xf32, #tpu.memory_space<vmem>>, vector<16xf32>,
      %get3A_2140 = arith.constant 3 : i32
      %get3A_2141 = arith.index_cast %get3A_2140 : i32 to index
      %get3A_2142 = arith.constant 0 : index
      %get3A_2143 = tpu.vector_load %arg17[%get3A_2141, %get3A_2142] {strides = array<i32>} : memref<9x256xf32, #tpu.memory_space<vmem>>, vector<16xf32>,
      %add3A_2144 = arith.addf %get3A_2139, %get3A_2143 : vector<16xf32>
      %get3A_2145 = arith.constant 6 : i32
      %get3A_2146 = arith.index_cast %get3A_2145 : i32 to index
      %get3A_2147 = arith.constant 0 : index
      %get3A_2148 = tpu.vector_load %arg17[%get3A_2146, %get3A_2147] {strides = array<i32>} : memref<9x256xf32, #tpu.memory_space<vmem>>, vector<16xf32>,
      %add3A_2149 = arith.addf %add3A_2144, %get3A_2148 : vector<16xf32>
      %add3A_2150 = arith.constant 0 : i32
      %add3A_2151 = arith.addi %multiple_of3A_2135, %add3A_2150 : i32
      %get3A_2152 = arith.index_cast %add3A_2151 : i32 to index
      %get3A_2153 = tpu.vector_load %arg10[%get3A_2152] {strides = array<i32>} : memref<3584xf32, #tpu.memory_space<vmem>>, vector<16xf32>,
      %add3A_2154 = arith.constant 0 : i32
      %add3A_2155 = arith.addi %multiple_of3A_2135, %add3A_2154 : i32
      %get3A_2156 = arith.index_cast %add3A_2155 : i32 to index
      %get3A_2157 = tpu.vector_load %arg13[%get3A_2156] {strides = array<i32>} : memref<3584xf32, #tpu.memory_space<vmem>>, vector<16xf32>,
      %mul3A_2158 = arith.mulf %get3A_2157, %add3A_2149 : vector<16xf32>
      %add3A_2159 = arith.addf %get3A_2153, %mul3A_2158 : vector<16xf32>
      %add3A_2160 = arith.constant 0 : i32
      %add3A_2161 = arith.addi %multiple_of3A_2135, %add3A_2160 : i32
      %get3A_2162 = arith.index_cast %add3A_2161 : i32 to index
      %get3A_2163 = tpu.vector_load %arg7[%get3A_2162] {strides = array<i32>} : memref<3584xi32, #tpu.memory_space<vmem>>, vector<16xi32>,
      tpu.vector_store_idx %arg18[%get3A_2163], %add3A_2159 {add = true} : memref<50176xf32, #tpu.memory_space<vmem>>[vector<16xi32>], vector<16xf32>,
      %get3A_2164 = arith.constant 1 : i32
      %get3A_2165 = arith.index_cast %get3A_2164 : i32 to index
      %get3A_2166 = arith.constant 0 : index
      %get3A_2167 = tpu.vector_load %arg17[%get3A_2165, %get3A_2166] {strides = array<i32>} : memref<9x256xf32, #tpu.memory_space<vmem>>, vector<16xf32>,
      %get3A_2168 = arith.constant 4 : i32
      %get3A_2169 = arith.index_cast %get3A_2168 : i32 to index
      %get3A_2170 = arith.constant 0 : index
      %get3A_2171 = tpu.vector_load %arg17[%get3A_2169, %get3A_2170] {strides = array<i32>} : memref<9x256xf32, #tpu.memory_space<vmem>>, vector<16xf32>,
      %add3A_2172 = arith.addf %get3A_2167, %get3A_2171 : vector<16xf32>
      %get3A_2173 = arith.constant 7 : i32
      %get3A_2174 = arith.index_cast %get3A_2173 : i32 to index
      %get3A_2175 = arith.constant 0 : index
      %get3A_2176 = tpu.vector_load %arg17[%get3A_2174, %get3A_2175] {strides = array<i32>} : memref<9x256xf32, #tpu.memory_space<vmem>>, vector<16xf32>,
      %add3A_2177 = arith.addf %add3A_2172, %get3A_2176 : vector<16xf32>
      %add3A_2178 = arith.constant 0 : i32
      %add3A_2179 = arith.addi %multiple_of3A_2135, %add3A_2178 : i32
      %get3A_2180 = arith.index_cast %add3A_2179 : i32 to index
      %get3A_2181 = tpu.vector_load %arg11[%get3A_2180] {strides = array<i32>} : memref<3584xf32, #tpu.memory_space<vmem>>, vector<16xf32>,
      %add3A_2182 = arith.constant 0 : i32
      %add3A_2183 = arith.addi %multiple_of3A_2135, %add3A_2182 : i32
      %get3A_2184 = arith.index_cast %add3A_2183 : i32 to index
      %get3A_2185 = tpu.vector_load %arg14[%get3A_2184] {strides = array<i32>} : memref<3584xf32, #tpu.memory_space<vmem>>, vector<16xf32>,
      %mul3A_2186 = arith.mulf %get3A_2185, %add3A_2177 : vector<16xf32>
      %add3A_2187 = arith.addf %get3A_2181, %mul3A_2186 : vector<16xf32>
      %add3A_2188 = arith.constant 0 : i32
      %add3A_2189 = arith.addi %multiple_of3A_2135, %add3A_2188 : i32
      %get3A_2190 = arith.index_cast %add3A_2189 : i32 to index
      %get3A_2191 = tpu.vector_load %arg8[%get3A_2190] {strides = array<i32>} : memref<3584xi32, #tpu.memory_space<vmem>>, vector<16xi32>,
      tpu.vector_store_idx %arg18[%get3A_2191], %add3A_2187 {add = true} : memref<50176xf32, #tpu.memory_space<vmem>>[vector<16xi32>], vector<16xf32>,
      %get3A_2192 = arith.constant 2 : i32
      %get3A_2193 = arith.index_cast %get3A_2192 : i32 to index
      %get3A_2194 = arith.constant 0 : index
      %get3A_2195 = tpu.vector_load %arg17[%get3A_2193, %get3A_2194] {strides = array<i32>} : memref<9x256xf32, #tpu.memory_space<vmem>>, vector<16xf32>,
      %get3A_2196 = arith.constant 5 : i32
      %get3A_2197 = arith.index_cast %get3A_2196 : i32 to index
      %get3A_2198 = arith.constant 0 : index
      %get3A_2199 = tpu.vector_load %arg17[%get3A_2197, %get3A_2198] {strides = array<i32>} : memref<9x256xf32, #tpu.memory_space<vmem>>, vector<16xf32>,
      %add3A_2200 = arith.addf %get3A_2195, %get3A_2199 : vector<16xf32>
      %get3A_2201 = arith.constant 8 : i32
      %get3A_2202 = arith.index_cast %get3A_2201 : i32 to index
      %get3A_2203 = arith.constant 0 : index
      %get3A_2204 = tpu.vector_load %arg17[%get3A_2202, %get3A_2203] {strides = array<i32>} : memref<9x256xf32, #tpu.memory_space<vmem>>, vector<16xf32>,
      %add3A_2205 = arith.addf %add3A_2200, %get3A_2204 : vector<16xf32>
      %add3A_2206 = arith.constant 0 : i32
      %add3A_2207 = arith.addi %multiple_of3A_2135, %add3A_2206 : i32
      %get3A_2208 = arith.index_cast %add3A_2207 : i32 to index
      %get3A_2209 = tpu.vector_load %arg12[%get3A_2208] {strides = array<i32>} : memref<3584xf32, #tpu.memory_space<vmem>>, vector<16xf32>,
      %add3A_2210 = arith.constant 0 : i32
      %add3A_2211 = arith.addi %multiple_of3A_2135, %add3A_2210 : i32
      %get3A_2212 = arith.index_cast %add3A_2211 : i32 to index
      %get3A_2213 = tpu.vector_load %arg15[%get3A_2212] {strides = array<i32>} : memref<3584xf32, #tpu.memory_space<vmem>>, vector<16xf32>,
      %mul3A_2214 = arith.mulf %get3A_2213, %add3A_2205 : vector<16xf32>
      %add3A_2215 = arith.addf %get3A_2209, %mul3A_2214 : vector<16xf32>
      %add3A_2216 = arith.constant 0 : i32
      %add3A_2217 = arith.addi %multiple_of3A_2135, %add3A_2216 : i32
      %get3A_2218 = arith.index_cast %add3A_2217 : i32 to index
      %get3A_2219 = tpu.vector_load %arg9[%get3A_2218] {strides = array<i32>} : memref<3584xi32, #tpu.memory_space<vmem>>, vector<16xi32>,
      tpu.vector_store_idx %arg18[%get3A_2219], %add3A_2215 {add = true} : memref<50176xf32, #tpu.memory_space<vmem>>[vector<16xi32>], vector<16xf32>,
      %get3A_2220 = arith.constant 0 : i32
      %get3A_2221 = arith.index_cast %get3A_2220 : i32 to index
      %get3A_2222 = arith.constant 16 : index
      %get3A_2223 = tpu.vector_load %arg17[%get3A_2221, %get3A_2222] {strides = array<i32>} : memref<9x256xf32, #tpu.memory_space<vmem>>, vector<16xf32>,
      %get3A_2224 = arith.constant 3 : i32
      %get3A_2225 = arith.index_cast %get3A_2224 : i32 to index
      %get3A_2226 = arith.constant 16 : index
      %get3A_2227 = tpu.vector_load %arg17[%get3A_2225, %get3A_2226] {strides = array<i32>} : memref<9x256xf32, #tpu.memory_space<vmem>>, vector<16xf32>,
      %add3A_2228 = arith.addf %get3A_2223, %get3A_2227 : vector<16xf32>
      %get3A_2229 = arith.constant 6 : i32
      %get3A_2230 = arith.index_cast %get3A_2229 : i32 to index
      %get3A_2231 = arith.constant 16 : index
      %get3A_2232 = tpu.vector_load %arg17[%get3A_2230, %get3A_2231] {strides = array<i32>} : memref<9x256xf32, #tpu.memory_space<vmem>>, vector<16xf32>,
      %add3A_2233 = arith.addf %add3A_2228, %get3A_2232 : vector<16xf32>
      %add3A_2234 = arith.constant 16 : i32
      %add3A_2235 = arith.addi %multiple_of3A_2135, %add3A_2234 : i32
      %get3A_2236 = arith.index_cast %add3A_2235 : i32 to index
      %get3A_2237 = tpu.vector_load %arg10[%get3A_2236] {strides = array<i32>} : memref<3584xf32, #tpu.memory_space<vmem>>, vector<16xf32>,
      %add3A_2238 = arith.constant 16 : i32
      %add3A_2239 = arith.addi %multiple_of3A_2135, %add3A_2238 : i32
      %get3A_2240 = arith.index_cast %add3A_2239 : i32 to index
      %get3A_2241 = tpu.vector_load %arg13[%get3A_2240] {strides = array<i32>} : memref<3584xf32, #tpu.memory_space<vmem>>, vector<16xf32>,
      %mul3A_2242 = arith.mulf %get3A_2241, %add3A_2233 : vector<16xf32>
      %add3A_2243 = arith.addf %get3A_2237, %mul3A_2242 : vector<16xf32>
      %add3A_2244 = arith.constant 16 : i32
      %add3A_2245 = arith.addi %multiple_of3A_2135, %add3A_2244 : i32
      %get3A_2246 = arith.index_cast %add3A_2245 : i32 to index
      %get3A_2247 = tpu.vector_load %arg7[%get3A_2246] {strides = array<i32>} : memref<3584xi32, #tpu.memory_space<vmem>>, vector<16xi32>,
      tpu.vector_store_idx %arg18[%get3A_2247], %add3A_2243 {add = true} : memref<50176xf32, #tpu.memory_space<vmem>>[vector<16xi32>], vector<16xf32>,
      %get3A_2248 = arith.constant 1 : i32
      %get3A_2249 = arith.index_cast %get3A_2248 : i32 to index
      %get3A_2250 = arith.constant 16 : index
      %get3A_2251 = tpu.vector_load %arg17[%get3A_2249, %get3A_2250] {strides = array<i32>} : memref<9x256xf32, #tpu.memory_space<vmem>>, vector<16xf32>,
      %get3A_2252 = arith.constant 4 : i32
      %get3A_2253 = arith.index_cast %get3A_2252 : i32 to index
      %get3A_2254 = arith.constant 16 : index
      %get3A_2255 = tpu.vector_load %arg17[%get3A_2253, %get3A_2254] {strides = array<i32>} : memref<9x256xf32, #tpu.memory_space<vmem>>, vector<16xf32>,
      %add3A_2256 = arith.addf %get3A_2251, %get3A_2255 : vector<16xf32>
      %get3A_2257 = arith.constant 7 : i32
      %get3A_2258 = arith.index_cast %get3A_2257 : i32 to index
      %get3A_2259 = arith.constant 16 : index
      %get3A_2260 = tpu.vector_load %arg17[%get3A_2258, %get3A_2259] {strides = array<i32>} : memref<9x256xf32, #tpu.memory_space<vmem>>, vector<16xf32>,
      %add3A_2261 = arith.addf %add3A_2256, %get3A_2260 : vector<16xf32>
      %add3A_2262 = arith.constant 16 : i32
      %add3A_2263 = arith.addi %multiple_of3A_2135, %add3A_2262 : i32
      %get3A_2264 = arith.index_cast %add3A_2263 : i32 to index
      %get3A_2265 = tpu.vector_load %arg11[%get3A_2264] {strides = array<i32>} : memref<3584xf32, #tpu.memory_space<vmem>>, vector<16xf32>,
      %add3A_2266 = arith.constant 16 : i32
      %add3A_2267 = arith.addi %multiple_of3A_2135, %add3A_2266 : i32
      %get3A_2268 = arith.index_cast %add3A_2267 : i32 to index
      %get3A_2269 = tpu.vector_load %arg14[%get3A_2268] {strides = array<i32>} : memref<3584xf32, #tpu.memory_space<vmem>>, vector<16xf32>,
      %mul3A_2270 = arith.mulf %get3A_2269, %add3A_2261 : vector<16xf32>
      %add3A_2271 = arith.addf %get3A_2265, %mul3A_2270 : vector<16xf32>
      %add3A_2272 = arith.constant 16 : i32
      %add3A_2273 = arith.addi %multiple_of3A_2135, %add3A_2272 : i32
      %get3A_2274 = arith.index_cast %add3A_2273 : i32 to index
      %get3A_2275 = tpu.vector_load %arg8[%get3A_2274] {strides = array<i32>} : memref<3584xi32, #tpu.memory_space<vmem>>, vector<16xi32>,
      tpu.vector_store_idx %arg18[%get3A_2275], %add3A_2271 {add = true} : memref<50176xf32, #tpu.memory_space<vmem>>[vector<16xi32>], vector<16xf32>,
      %get3A_2276 = arith.constant 2 : i32
      %get3A_2277 = arith.index_cast %get3A_2276 : i32 to index
      %get3A_2278 = arith.constant 16 : index
      %get3A_2279 = tpu.vector_load %arg17[%get3A_2277, %get3A_2278] {strides = array<i32>} : memref<9x256xf32, #tpu.memory_space<vmem>>, vector<16xf32>,
      %get3A_2280 = arith.constant 5 : i32
      %get3A_2281 = arith.index_cast %get3A_2280 : i32 to index
      %get3A_2282 = arith.constant 16 : index
      %get3A_2283 = tpu.vector_load %arg17[%get3A_2281, %get3A_2282] {strides = array<i32>} : memref<9x256xf32, #tpu.memory_space<vmem>>, vector<16xf32>,
      %add3A_2284 = arith.addf %get3A_2279, %get3A_2283 : vector<16xf32>
      %get3A_2285 = arith.constant 8 : i32
      %get3A_2286 = arith.index_cast %get3A_2285 : i32 to index
      %get3A_2287 = arith.constant 16 : index
      %get3A_2288 = tpu.vector_load %arg17[%get3A_2286, %get3A_2287] {strides = array<i32>} : memref<9x256xf32, #tpu.memory_space<vmem>>, vector<16xf32>,
      %add3A_2289 = arith.addf %add3A_2284, %get3A_2288 : vector<16xf32>
      %add3A_2290 = arith.constant 16 : i32
      %add3A_2291 = arith.addi %multiple_of3A_2135, %add3A_2290 : i32
      %get3A_2292 = arith.index_cast %add3A_2291 : i32 to index
      %get3A_2293 = tpu.vector_load %arg12[%get3A_2292] {strides = array<i32>} : memref<3584xf32, #tpu.memory_space<vmem>>, vector<16xf32>,
      %add3A_2294 = arith.constant 16 : i32
      %add3A_2295 = arith.addi %multiple_of3A_2135, %add3A_2294 : i32
      %get3A_2296 = arith.index_cast %add3A_2295 : i32 to index
      %get3A_2297 = tpu.vector_load %arg15[%get3A_2296] {strides = array<i32>} : memref<3584xf32, #tpu.memory_space<vmem>>, vector<16xf32>,
      %mul3A_2298 = arith.mulf %get3A_2297, %add3A_2289 : vector<16xf32>
      %add3A_2299 = arith.addf %get3A_2293, %mul3A_2298 : vector<16xf32>
      %add3A_2300 = arith.constant 16 : i32
      %add3A_2301 = arith.addi %multiple_of3A_2135, %add3A_2300 : i32
      %get3A_2302 = arith.index_cast %add3A_2301 : i32 to index
      %get3A_2303 = tpu.vector_load %arg9[%get3A_2302] {strides = array<i32>} : memref<3584xi32, #tpu.memory_space<vmem>>, vector<16xi32>,
      tpu.vector_store_idx %arg18[%get3A_2303], %add3A_2299 {add = true} : memref<50176xf32, #tpu.memory_space<vmem>>[vector<16xi32>], vector<16xf32>,
      %get3A_2304 = arith.constant 0 : i32
      %get3A_2305 = arith.index_cast %get3A_2304 : i32 to index
      %get3A_2306 = arith.constant 32 : index
      %get3A_2307 = tpu.vector_load %arg17[%get3A_2305, %get3A_2306] {strides = array<i32>} : memref<9x256xf32, #tpu.memory_space<vmem>>, vector<16xf32>,
      %get3A_2308 = arith.constant 3 : i32
      %get3A_2309 = arith.index_cast %get3A_2308 : i32 to index
      %get3A_2310 = arith.constant 32 : index
      %get3A_2311 = tpu.vector_load %arg17[%get3A_2309, %get3A_2310] {strides = array<i32>} : memref<9x256xf32, #tpu.memory_space<vmem>>, vector<16xf32>,
      %add3A_2312 = arith.addf %get3A_2307, %get3A_2311 : vector<16xf32>
      %get3A_2313 = arith.constant 6 : i32
      %get3A_2314 = arith.index_cast %get3A_2313 : i32 to index
      %get3A_2315 = arith.constant 32 : index
      %get3A_2316 = tpu.vector_load %arg17[%get3A_2314, %get3A_2315] {strides = array<i32>} : memref<9x256xf32, #tpu.memory_space<vmem>>, vector<16xf32>,
      %add3A_2317 = arith.addf %add3A_2312, %get3A_2316 : vector<16xf32>
      %add3A_2318 = arith.constant 32 : i32
      %add3A_2319 = arith.addi %multiple_of3A_2135, %add3A_2318 : i32
      %get3A_2320 = arith.index_cast %add3A_2319 : i32 to index
      %get3A_2321 = tpu.vector_load %arg10[%get3A_2320] {strides = array<i32>} : memref<3584xf32, #tpu.memory_space<vmem>>, vector<16xf32>,
      %add3A_2322 = arith.constant 32 : i32
      %add3A_2323 = arith.addi %multiple_of3A_2135, %add3A_2322 : i32
      %get3A_2324 = arith.index_cast %add3A_2323 : i32 to index
      %get3A_2325 = tpu.vector_load %arg13[%get3A_2324] {strides = array<i32>} : memref<3584xf32, #tpu.memory_space<vmem>>, vector<16xf32>,
      %mul3A_2326 = arith.mulf %get3A_2325, %add3A_2317 : vector<16xf32>
      %add3A_2327 = arith.addf %get3A_2321, %mul3A_2326 : vector<16xf32>
      %add3A_2328 = arith.constant 32 : i32
      %add3A_2329 = arith.addi %multiple_of3A_2135, %add3A_2328 : i32
      %get3A_2330 = arith.index_cast %add3A_2329 : i32 to index
      %get3A_2331 = tpu.vector_load %arg7[%get3A_2330] {strides = array<i32>} : memref<3584xi32, #tpu.memory_space<vmem>>, vector<16xi32>,
      tpu.vector_store_idx %arg18[%get3A_2331], %add3A_2327 {add = true} : memref<50176xf32, #tpu.memory_space<vmem>>[vector<16xi32>], vector<16xf32>,
      %get3A_2332 = arith.constant 1 : i32
      %get3A_2333 = arith.index_cast %get3A_2332 : i32 to index
      %get3A_2334 = arith.constant 32 : index
      %get3A_2335 = tpu.vector_load %arg17[%get3A_2333, %get3A_2334] {strides = array<i32>} : memref<9x256xf32, #tpu.memory_space<vmem>>, vector<16xf32>,
      %get3A_2336 = arith.constant 4 : i32
      %get3A_2337 = arith.index_cast %get3A_2336 : i32 to index
      %get3A_2338 = arith.constant 32 : index
      %get3A_2339 = tpu.vector_load %arg17[%get3A_2337, %get3A_2338] {strides = array<i32>} : memref<9x256xf32, #tpu.memory_space<vmem>>, vector<16xf32>,
      %add3A_2340 = arith.addf %get3A_2335, %get3A_2339 : vector<16xf32>
      %get3A_2341 = arith.constant 7 : i32
      %get3A_2342 = arith.index_cast %get3A_2341 : i32 to index
      %get3A_2343 = arith.constant 32 : index
      %get3A_2344 = tpu.vector_load %arg17[%get3A_2342, %get3A_2343] {strides = array<i32>} : memref<9x256xf32, #tpu.memory_space<vmem>>, vector<16xf32>,
      %add3A_2345 = arith.addf %add3A_2340, %get3A_2344 : vector<16xf32>
      %add3A_2346 = arith.constant 32 : i32
      %add3A_2347 = arith.addi %multiple_of3A_2135, %add3A_2346 : i32
      %get3A_2348 = arith.index_cast %add3A_2347 : i32 to index
      %get3A_2349 = tpu.vector_load %arg11[%get3A_2348] {strides = array<i32>} : memref<3584xf32, #tpu.memory_space<vmem>>, vector<16xf32>,
      %add3A_2350 = arith.constant 32 : i32
      %add3A_2351 = arith.addi %multiple_of3A_2135, %add3A_2350 : i32
      %get3A_2352 = arith.index_cast %add3A_2351 : i32 to index
      %get3A_2353 = tpu.vector_load %arg14[%get3A_2352] {strides = array<i32>} : memref<3584xf32, #tpu.memory_space<vmem>>, vector<16xf32>,
      %mul3A_2354 = arith.mulf %get3A_2353, %add3A_2345 : vector<16xf32>
      %add3A_2355 = arith.addf %get3A_2349, %mul3A_2354 : vector<16xf32>
      %add3A_2356 = arith.constant 32 : i32
      %add3A_2357 = arith.addi %multiple_of3A_2135, %add3A_2356 : i32
      %get3A_2358 = arith.index_cast %add3A_2357 : i32 to index
      %get3A_2359 = tpu.vector_load %arg8[%get3A_2358] {strides = array<i32>} : memref<3584xi32, #tpu.memory_space<vmem>>, vector<16xi32>,
      tpu.vector_store_idx %arg18[%get3A_2359], %add3A_2355 {add = true} : memref<50176xf32, #tpu.memory_space<vmem>>[vector<16xi32>], vector<16xf32>,
      %get3A_2360 = arith.constant 2 : i32
      %get3A_2361 = arith.index_cast %get3A_2360 : i32 to index
      %get3A_2362 = arith.constant 32 : index
      %get3A_2363 = tpu.vector_load %arg17[%get3A_2361, %get3A_2362] {strides = array<i32>} : memref<9x256xf32, #tpu.memory_space<vmem>>, vector<16xf32>,
      %get3A_2364 = arith.constant 5 : i32
      %get3A_2365 = arith.index_cast %get3A_2364 : i32 to index
      %get3A_2366 = arith.constant 32 : index
      %get3A_2367 = tpu.vector_load %arg17[%get3A_2365, %get3A_2366] {strides = array<i32>} : memref<9x256xf32, #tpu.memory_space<vmem>>, vector<16xf32>,
      %add3A_2368 = arith.addf %get3A_2363, %get3A_2367 : vector<16xf32>
      %get3A_2369 = arith.constant 8 : i32
      %get3A_2370 = arith.index_cast %get3A_2369 : i32 to index
      %get3A_2371 = arith.constant 32 : index
      %get3A_2372 = tpu.vector_load %arg17[%get3A_2370, %get3A_2371] {strides = array<i32>} : memref<9x256xf32, #tpu.memory_space<vmem>>, vector<16xf32>,
      %add3A_2373 = arith.addf %add3A_2368, %get3A_2372 : vector<16xf32>
      %add3A_2374 = arith.constant 32 : i32
      %add3A_2375 = arith.addi %multiple_of3A_2135, %add3A_2374 : i32
      %get3A_2376 = arith.index_cast %add3A_2375 : i32 to index
      %get3A_2377 = tpu.vector_load %arg12[%get3A_2376] {strides = array<i32>} : memref<3584xf32, #tpu.memory_space<vmem>>, vector<16xf32>,
      %add3A_2378 = arith.constant 32 : i32
      %add3A_2379 = arith.addi %multiple_of3A_2135, %add3A_2378 : i32
      %get3A_2380 = arith.index_cast %add3A_2379 : i32 to index
      %get3A_2381 = tpu.vector_load %arg15[%get3A_2380] {strides = array<i32>} : memref<3584xf32, #tpu.memory_space<vmem>>, vector<16xf32>,
      %mul3A_2382 = arith.mulf %get3A_2381, %add3A_2373 : vector<16xf32>
      %add3A_2383 = arith.addf %get3A_2377, %mul3A_2382 : vector<16xf32>
      %add3A_2384 = arith.constant 32 : i32
      %add3A_2385 = arith.addi %multiple_of3A_2135, %add3A_2384 : i32
      %get3A_2386 = arith.index_cast %add3A_2385 : i32 to index
      %get3A_2387 = tpu.vector_load %arg9[%get3A_2386] {strides = array<i32>} : memref<3584xi32, #tpu.memory_space<vmem>>, vector<16xi32>,
      tpu.vector_store_idx %arg18[%get3A_2387], %add3A_2383 {add = true} : memref<50176xf32, #tpu.memory_space<vmem>>[vector<16xi32>], vector<16xf32>,
      %get3A_2388 = arith.constant 0 : i32
      %get3A_2389 = arith.index_cast %get3A_2388 : i32 to index
      %get3A_2390 = arith.constant 48 : index
      %get3A_2391 = tpu.vector_load %arg17[%get3A_2389, %get3A_2390] {strides = array<i32>} : memref<9x256xf32, #tpu.memory_space<vmem>>, vector<16xf32>,
      %get3A_2392 = arith.constant 3 : i32
      %get3A_2393 = arith.index_cast %get3A_2392 : i32 to index
      %get3A_2394 = arith.constant 48 : index
      %get3A_2395 = tpu.vector_load %arg17[%get3A_2393, %get3A_2394] {strides = array<i32>} : memref<9x256xf32, #tpu.memory_space<vmem>>, vector<16xf32>,
      %add3A_2396 = arith.addf %get3A_2391, %get3A_2395 : vector<16xf32>
      %get3A_2397 = arith.constant 6 : i32
      %get3A_2398 = arith.index_cast %get3A_2397 : i32 to index
      %get3A_2399 = arith.constant 48 : index
      %get3A_2400 = tpu.vector_load %arg17[%get3A_2398, %get3A_2399] {strides = array<i32>} : memref<9x256xf32, #tpu.memory_space<vmem>>, vector<16xf32>,
      %add3A_2401 = arith.addf %add3A_2396, %get3A_2400 : vector<16xf32>
      %add3A_2402 = arith.constant 48 : i32
      %add3A_2403 = arith.addi %multiple_of3A_2135, %add3A_2402 : i32
      %get3A_2404 = arith.index_cast %add3A_2403 : i32 to index
      %get3A_2405 = tpu.vector_load %arg10[%get3A_2404] {strides = array<i32>} : memref<3584xf32, #tpu.memory_space<vmem>>, vector<16xf32>,
      %add3A_2406 = arith.constant 48 : i32
      %add3A_2407 = arith.addi %multiple_of3A_2135, %add3A_2406 : i32
      %get3A_2408 = arith.index_cast %add3A_2407 : i32 to index
      %get3A_2409 = tpu.vector_load %arg13[%get3A_2408] {strides = array<i32>} : memref<3584xf32, #tpu.memory_space<vmem>>, vector<16xf32>,
      %mul3A_2410 = arith.mulf %get3A_2409, %add3A_2401 : vector<16xf32>
      %add3A_2411 = arith.addf %get3A_2405, %mul3A_2410 : vector<16xf32>
      %add3A_2412 = arith.constant 48 : i32
      %add3A_2413 = arith.addi %multiple_of3A_2135, %add3A_2412 : i32
      %get3A_2414 = arith.index_cast %add3A_2413 : i32 to index
      %get3A_2415 = tpu.vector_load %arg7[%get3A_2414] {strides = array<i32>} : memref<3584xi32, #tpu.memory_space<vmem>>, vector<16xi32>,
      tpu.vector_store_idx %arg18[%get3A_2415], %add3A_2411 {add = true} : memref<50176xf32, #tpu.memory_space<vmem>>[vector<16xi32>], vector<16xf32>,
      %get3A_2416 = arith.constant 1 : i32
      %get3A_2417 = arith.index_cast %get3A_2416 : i32 to index
      %get3A_2418 = arith.constant 48 : index
      %get3A_2419 = tpu.vector_load %arg17[%get3A_2417, %get3A_2418] {strides = array<i32>} : memref<9x256xf32, #tpu.memory_space<vmem>>, vector<16xf32>,
      %get3A_2420 = arith.constant 4 : i32
      %get3A_2421 = arith.index_cast %get3A_2420 : i32 to index
      %get3A_2422 = arith.constant 48 : index
      %get3A_2423 = tpu.vector_load %arg17[%get3A_2421, %get3A_2422] {strides = array<i32>} : memref<9x256xf32, #tpu.memory_space<vmem>>, vector<16xf32>,
      %add3A_2424 = arith.addf %get3A_2419, %get3A_2423 : vector<16xf32>
      %get3A_2425 = arith.constant 7 : i32
      %get3A_2426 = arith.index_cast %get3A_2425 : i32 to index
      %get3A_2427 = arith.constant 48 : index
      %get3A_2428 = tpu.vector_load %arg17[%get3A_2426, %get3A_2427] {strides = array<i32>} : memref<9x256xf32, #tpu.memory_space<vmem>>, vector<16xf32>,
      %add3A_2429 = arith.addf %add3A_2424, %get3A_2428 : vector<16xf32>
      %add3A_2430 = arith.constant 48 : i32
      %add3A_2431 = arith.addi %multiple_of3A_2135, %add3A_2430 : i32
      %get3A_2432 = arith.index_cast %add3A_2431 : i32 to index
      %get3A_2433 = tpu.vector_load %arg11[%get3A_2432] {strides = array<i32>} : memref<3584xf32, #tpu.memory_space<vmem>>, vector<16xf32>,
      %add3A_2434 = arith.constant 48 : i32
      %add3A_2435 = arith.addi %multiple_of3A_2135, %add3A_2434 : i32
      %get3A_2436 = arith.index_cast %add3A_2435 : i32 to index
      %get3A_2437 = tpu.vector_load %arg14[%get3A_2436] {strides = array<i32>} : memref<3584xf32, #tpu.memory_space<vmem>>, vector<16xf32>,
      %mul3A_2438 = arith.mulf %get3A_2437, %add3A_2429 : vector<16xf32>
      %add3A_2439 = arith.addf %get3A_2433, %mul3A_2438 : vector<16xf32>
      %add3A_2440 = arith.constant 48 : i32
      %add3A_2441 = arith.addi %multiple_of3A_2135, %add3A_2440 : i32
      %get3A_2442 = arith.index_cast %add3A_2441 : i32 to index
      %get3A_2443 = tpu.vector_load %arg8[%get3A_2442] {strides = array<i32>} : memref<3584xi32, #tpu.memory_space<vmem>>, vector<16xi32>,
      tpu.vector_store_idx %arg18[%get3A_2443], %add3A_2439 {add = true} : memref<50176xf32, #tpu.memory_space<vmem>>[vector<16xi32>], vector<16xf32>,
      %get3A_2444 = arith.constant 2 : i32
      %get3A_2445 = arith.index_cast %get3A_2444 : i32 to index
      %get3A_2446 = arith.constant 48 : index
      %get3A_2447 = tpu.vector_load %arg17[%get3A_2445, %get3A_2446] {strides = array<i32>} : memref<9x256xf32, #tpu.memory_space<vmem>>, vector<16xf32>,
      %get3A_2448 = arith.constant 5 : i32
      %get3A_2449 = arith.index_cast %get3A_2448 : i32 to index
      %get3A_2450 = arith.constant 48 : index
      %get3A_2451 = tpu.vector_load %arg17[%get3A_2449, %get3A_2450] {strides = array<i32>} : memref<9x256xf32, #tpu.memory_space<vmem>>, vector<16xf32>,
      %add3A_2452 = arith.addf %get3A_2447, %get3A_2451 : vector<16xf32>
      %get3A_2453 = arith.constant 8 : i32
      %get3A_2454 = arith.index_cast %get3A_2453 : i32 to index
      %get3A_2455 = arith.constant 48 : index
      %get3A_2456 = tpu.vector_load %arg17[%get3A_2454, %get3A_2455] {strides = array<i32>} : memref<9x256xf32, #tpu.memory_space<vmem>>, vector<16xf32>,
      %add3A_2457 = arith.addf %add3A_2452, %get3A_2456 : vector<16xf32>
      %add3A_2458 = arith.constant 48 : i32
      %add3A_2459 = arith.addi %multiple_of3A_2135, %add3A_2458 : i32
      %get3A_2460 = arith.index_cast %add3A_2459 : i32 to index
      %get3A_2461 = tpu.vector_load %arg12[%get3A_2460] {strides = array<i32>} : memref<3584xf32, #tpu.memory_space<vmem>>, vector<16xf32>,
      %add3A_2462 = arith.constant 48 : i32
      %add3A_2463 = arith.addi %multiple_of3A_2135, %add3A_2462 : i32
      %get3A_2464 = arith.index_cast %add3A_2463 : i32 to index
      %get3A_2465 = tpu.vector_load %arg15[%get3A_2464] {strides = array<i32>} : memref<3584xf32, #tpu.memory_space<vmem>>, vector<16xf32>,
      %mul3A_2466 = arith.mulf %get3A_2465, %add3A_2457 : vector<16xf32>
      %add3A_2467 = arith.addf %get3A_2461, %mul3A_2466 : vector<16xf32>
      %add3A_2468 = arith.constant 48 : i32
      %add3A_2469 = arith.addi %multiple_of3A_2135, %add3A_2468 : i32
      %get3A_2470 = arith.index_cast %add3A_2469 : i32 to index
      %get3A_2471 = tpu.vector_load %arg9[%get3A_2470] {strides = array<i32>} : memref<3584xi32, #tpu.memory_space<vmem>>, vector<16xi32>,
      tpu.vector_store_idx %arg18[%get3A_2471], %add3A_2467 {add = true} : memref<50176xf32, #tpu.memory_space<vmem>>[vector<16xi32>], vector<16xf32>,
      %get3A_2472 = arith.constant 0 : i32
      %get3A_2473 = arith.index_cast %get3A_2472 : i32 to index
      %get3A_2474 = arith.constant 64 : index
      %get3A_2475 = tpu.vector_load %arg17[%get3A_2473, %get3A_2474] {strides = array<i32>} : memref<9x256xf32, #tpu.memory_space<vmem>>, vector<16xf32>,
      %get3A_2476 = arith.constant 3 : i32
      %get3A_2477 = arith.index_cast %get3A_2476 : i32 to index
      %get3A_2478 = arith.constant 64 : index
      %get3A_2479 = tpu.vector_load %arg17[%get3A_2477, %get3A_2478] {strides = array<i32>} : memref<9x256xf32, #tpu.memory_space<vmem>>, vector<16xf32>,
      %add3A_2480 = arith.addf %get3A_2475, %get3A_2479 : vector<16xf32>
      %get3A_2481 = arith.constant 6 : i32
      %get3A_2482 = arith.index_cast %get3A_2481 : i32 to index
      %get3A_2483 = arith.constant 64 : index
      %get3A_2484 = tpu.vector_load %arg17[%get3A_2482, %get3A_2483] {strides = array<i32>} : memref<9x256xf32, #tpu.memory_space<vmem>>, vector<16xf32>,
      %add3A_2485 = arith.addf %add3A_2480, %get3A_2484 : vector<16xf32>
      %add3A_2486 = arith.constant 64 : i32
      %add3A_2487 = arith.addi %multiple_of3A_2135, %add3A_2486 : i32
      %get3A_2488 = arith.index_cast %add3A_2487 : i32 to index
      %get3A_2489 = tpu.vector_load %arg10[%get3A_2488] {strides = array<i32>} : memref<3584xf32, #tpu.memory_space<vmem>>, vector<16xf32>,
      %add3A_2490 = arith.constant 64 : i32
      %add3A_2491 = arith.addi %multiple_of3A_2135, %add3A_2490 : i32
      %get3A_2492 = arith.index_cast %add3A_2491 : i32 to index
      %get3A_2493 = tpu.vector_load %arg13[%get3A_2492] {strides = array<i32>} : memref<3584xf32, #tpu.memory_space<vmem>>, vector<16xf32>,
      %mul3A_2494 = arith.mulf %get3A_2493, %add3A_2485 : vector<16xf32>
      %add3A_2495 = arith.addf %get3A_2489, %mul3A_2494 : vector<16xf32>
      %add3A_2496 = arith.constant 64 : i32
      %add3A_2497 = arith.addi %multiple_of3A_2135, %add3A_2496 : i32
      %get3A_2498 = arith.index_cast %add3A_2497 : i32 to index
      %get3A_2499 = tpu.vector_load %arg7[%get3A_2498] {strides = array<i32>} : memref<3584xi32, #tpu.memory_space<vmem>>, vector<16xi32>,
      tpu.vector_store_idx %arg18[%get3A_2499], %add3A_2495 {add = true} : memref<50176xf32, #tpu.memory_space<vmem>>[vector<16xi32>], vector<16xf32>,
      %get3A_2500 = arith.constant 1 : i32
      %get3A_2501 = arith.index_cast %get3A_2500 : i32 to index
      %get3A_2502 = arith.constant 64 : index
      %get3A_2503 = tpu.vector_load %arg17[%get3A_2501, %get3A_2502] {strides = array<i32>} : memref<9x256xf32, #tpu.memory_space<vmem>>, vector<16xf32>,
      %get3A_2504 = arith.constant 4 : i32
      %get3A_2505 = arith.index_cast %get3A_2504 : i32 to index
      %get3A_2506 = arith.constant 64 : index
      %get3A_2507 = tpu.vector_load %arg17[%get3A_2505, %get3A_2506] {strides = array<i32>} : memref<9x256xf32, #tpu.memory_space<vmem>>, vector<16xf32>,
      %add3A_2508 = arith.addf %get3A_2503, %get3A_2507 : vector<16xf32>
      %get3A_2509 = arith.constant 7 : i32
      %get3A_2510 = arith.index_cast %get3A_2509 : i32 to index
      %get3A_2511 = arith.constant 64 : index
      %get3A_2512 = tpu.vector_load %arg17[%get3A_2510, %get3A_2511] {strides = array<i32>} : memref<9x256xf32, #tpu.memory_space<vmem>>, vector<16xf32>,
      %add3A_2513 = arith.addf %add3A_2508, %get3A_2512 : vector<16xf32>
      %add3A_2514 = arith.constant 64 : i32
      %add3A_2515 = arith.addi %multiple_of3A_2135, %add3A_2514 : i32
      %get3A_2516 = arith.index_cast %add3A_2515 : i32 to index
      %get3A_2517 = tpu.vector_load %arg11[%get3A_2516] {strides = array<i32>} : memref<3584xf32, #tpu.memory_space<vmem>>, vector<16xf32>,
      %add3A_2518 = arith.constant 64 : i32
      %add3A_2519 = arith.addi %multiple_of3A_2135, %add3A_2518 : i32
      %get3A_2520 = arith.index_cast %add3A_2519 : i32 to index
      %get3A_2521 = tpu.vector_load %arg14[%get3A_2520] {strides = array<i32>} : memref<3584xf32, #tpu.memory_space<vmem>>, vector<16xf32>,
      %mul3A_2522 = arith.mulf %get3A_2521, %add3A_2513 : vector<16xf32>
      %add3A_2523 = arith.addf %get3A_2517, %mul3A_2522 : vector<16xf32>
      %add3A_2524 = arith.constant 64 : i32
      %add3A_2525 = arith.addi %multiple_of3A_2135, %add3A_2524 : i32
      %get3A_2526 = arith.index_cast %add3A_2525 : i32 to index
      %get3A_2527 = tpu.vector_load %arg8[%get3A_2526] {strides = array<i32>} : memref<3584xi32, #tpu.memory_space<vmem>>, vector<16xi32>,
      tpu.vector_store_idx %arg18[%get3A_2527], %add3A_2523 {add = true} : memref<50176xf32, #tpu.memory_space<vmem>>[vector<16xi32>], vector<16xf32>,
      %get3A_2528 = arith.constant 2 : i32
      %get3A_2529 = arith.index_cast %get3A_2528 : i32 to index
      %get3A_2530 = arith.constant 64 : index
      %get3A_2531 = tpu.vector_load %arg17[%get3A_2529, %get3A_2530] {strides = array<i32>} : memref<9x256xf32, #tpu.memory_space<vmem>>, vector<16xf32>,
      %get3A_2532 = arith.constant 5 : i32
      %get3A_2533 = arith.index_cast %get3A_2532 : i32 to index
      %get3A_2534 = arith.constant 64 : index
      %get3A_2535 = tpu.vector_load %arg17[%get3A_2533, %get3A_2534] {strides = array<i32>} : memref<9x256xf32, #tpu.memory_space<vmem>>, vector<16xf32>,
      %add3A_2536 = arith.addf %get3A_2531, %get3A_2535 : vector<16xf32>
      %get3A_2537 = arith.constant 8 : i32
      %get3A_2538 = arith.index_cast %get3A_2537 : i32 to index
      %get3A_2539 = arith.constant 64 : index
      %get3A_2540 = tpu.vector_load %arg17[%get3A_2538, %get3A_2539] {strides = array<i32>} : memref<9x256xf32, #tpu.memory_space<vmem>>, vector<16xf32>,
      %add3A_2541 = arith.addf %add3A_2536, %get3A_2540 : vector<16xf32>
      %add3A_2542 = arith.constant 64 : i32
      %add3A_2543 = arith.addi %multiple_of3A_2135, %add3A_2542 : i32
      %get3A_2544 = arith.index_cast %add3A_2543 : i32 to index
      %get3A_2545 = tpu.vector_load %arg12[%get3A_2544] {strides = array<i32>} : memref<3584xf32, #tpu.memory_space<vmem>>, vector<16xf32>,
      %add3A_2546 = arith.constant 64 : i32
      %add3A_2547 = arith.addi %multiple_of3A_2135, %add3A_2546 : i32
      %get3A_2548 = arith.index_cast %add3A_2547 : i32 to index
      %get3A_2549 = tpu.vector_load %arg15[%get3A_2548] {strides = array<i32>} : memref<3584xf32, #tpu.memory_space<vmem>>, vector<16xf32>,
      %mul3A_2550 = arith.mulf %get3A_2549, %add3A_2541 : vector<16xf32>
      %add3A_2551 = arith.addf %get3A_2545, %mul3A_2550 : vector<16xf32>
      %add3A_2552 = arith.constant 64 : i32
      %add3A_2553 = arith.addi %multiple_of3A_2135, %add3A_2552 : i32
      %get3A_2554 = arith.index_cast %add3A_2553 : i32 to index
      %get3A_2555 = tpu.vector_load %arg9[%get3A_2554] {strides = array<i32>} : memref<3584xi32, #tpu.memory_space<vmem>>, vector<16xi32>,
      tpu.vector_store_idx %arg18[%get3A_2555], %add3A_2551 {add = true} : memref<50176xf32, #tpu.memory_space<vmem>>[vector<16xi32>], vector<16xf32>,
      %get3A_2556 = arith.constant 0 : i32
      %get3A_2557 = arith.index_cast %get3A_2556 : i32 to index
      %get3A_2558 = arith.constant 80 : index
      %get3A_2559 = tpu.vector_load %arg17[%get3A_2557, %get3A_2558] {strides = array<i32>} : memref<9x256xf32, #tpu.memory_space<vmem>>, vector<16xf32>,
      %get3A_2560 = arith.constant 3 : i32
      %get3A_2561 = arith.index_cast %get3A_2560 : i32 to index
      %get3A_2562 = arith.constant 80 : index
      %get3A_2563 = tpu.vector_load %arg17[%get3A_2561, %get3A_2562] {strides = array<i32>} : memref<9x256xf32, #tpu.memory_space<vmem>>, vector<16xf32>,
      %add3A_2564 = arith.addf %get3A_2559, %get3A_2563 : vector<16xf32>
      %get3A_2565 = arith.constant 6 : i32
      %get3A_2566 = arith.index_cast %get3A_2565 : i32 to index
      %get3A_2567 = arith.constant 80 : index
      %get3A_2568 = tpu.vector_load %arg17[%get3A_2566, %get3A_2567] {strides = array<i32>} : memref<9x256xf32, #tpu.memory_space<vmem>>, vector<16xf32>,
      %add3A_2569 = arith.addf %add3A_2564, %get3A_2568 : vector<16xf32>
      %add3A_2570 = arith.constant 80 : i32
      %add3A_2571 = arith.addi %multiple_of3A_2135, %add3A_2570 : i32
      %get3A_2572 = arith.index_cast %add3A_2571 : i32 to index
      %get3A_2573 = tpu.vector_load %arg10[%get3A_2572] {strides = array<i32>} : memref<3584xf32, #tpu.memory_space<vmem>>, vector<16xf32>,
      %add3A_2574 = arith.constant 80 : i32
      %add3A_2575 = arith.addi %multiple_of3A_2135, %add3A_2574 : i32
      %get3A_2576 = arith.index_cast %add3A_2575 : i32 to index
      %get3A_2577 = tpu.vector_load %arg13[%get3A_2576] {strides = array<i32>} : memref<3584xf32, #tpu.memory_space<vmem>>, vector<16xf32>,
      %mul3A_2578 = arith.mulf %get3A_2577, %add3A_2569 : vector<16xf32>
      %add3A_2579 = arith.addf %get3A_2573, %mul3A_2578 : vector<16xf32>
      %add3A_2580 = arith.constant 80 : i32
      %add3A_2581 = arith.addi %multiple_of3A_2135, %add3A_2580 : i32
      %get3A_2582 = arith.index_cast %add3A_2581 : i32 to index
      %get3A_2583 = tpu.vector_load %arg7[%get3A_2582] {strides = array<i32>} : memref<3584xi32, #tpu.memory_space<vmem>>, vector<16xi32>,
      tpu.vector_store_idx %arg18[%get3A_2583], %add3A_2579 {add = true} : memref<50176xf32, #tpu.memory_space<vmem>>[vector<16xi32>], vector<16xf32>,
      %get3A_2584 = arith.constant 1 : i32
      %get3A_2585 = arith.index_cast %get3A_2584 : i32 to index
      %get3A_2586 = arith.constant 80 : index
      %get3A_2587 = tpu.vector_load %arg17[%get3A_2585, %get3A_2586] {strides = array<i32>} : memref<9x256xf32, #tpu.memory_space<vmem>>, vector<16xf32>,
      %get3A_2588 = arith.constant 4 : i32
      %get3A_2589 = arith.index_cast %get3A_2588 : i32 to index
      %get3A_2590 = arith.constant 80 : index
      %get3A_2591 = tpu.vector_load %arg17[%get3A_2589, %get3A_2590] {strides = array<i32>} : memref<9x256xf32, #tpu.memory_space<vmem>>, vector<16xf32>,
      %add3A_2592 = arith.addf %get3A_2587, %get3A_2591 : vector<16xf32>
      %get3A_2593 = arith.constant 7 : i32
      %get3A_2594 = arith.index_cast %get3A_2593 : i32 to index
      %get3A_2595 = arith.constant 80 : index
      %get3A_2596 = tpu.vector_load %arg17[%get3A_2594, %get3A_2595] {strides = array<i32>} : memref<9x256xf32, #tpu.memory_space<vmem>>, vector<16xf32>,
      %add3A_2597 = arith.addf %add3A_2592, %get3A_2596 : vector<16xf32>
      %add3A_2598 = arith.constant 80 : i32
      %add3A_2599 = arith.addi %multiple_of3A_2135, %add3A_2598 : i32
      %get3A_2600 = arith.index_cast %add3A_2599 : i32 to index
      %get3A_2601 = tpu.vector_load %arg11[%get3A_2600] {strides = array<i32>} : memref<3584xf32, #tpu.memory_space<vmem>>, vector<16xf32>,
      %add3A_2602 = arith.constant 80 : i32
      %add3A_2603 = arith.addi %multiple_of3A_2135, %add3A_2602 : i32
      %get3A_2604 = arith.index_cast %add3A_2603 : i32 to index
      %get3A_2605 = tpu.vector_load %arg14[%get3A_2604] {strides = array<i32>} : memref<3584xf32, #tpu.memory_space<vmem>>, vector<16xf32>,
      %mul3A_2606 = arith.mulf %get3A_2605, %add3A_2597 : vector<16xf32>
      %add3A_2607 = arith.addf %get3A_2601, %mul3A_2606 : vector<16xf32>
      %add3A_2608 = arith.constant 80 : i32
      %add3A_2609 = arith.addi %multiple_of3A_2135, %add3A_2608 : i32
      %get3A_2610 = arith.index_cast %add3A_2609 : i32 to index
      %get3A_2611 = tpu.vector_load %arg8[%get3A_2610] {strides = array<i32>} : memref<3584xi32, #tpu.memory_space<vmem>>, vector<16xi32>,
      tpu.vector_store_idx %arg18[%get3A_2611], %add3A_2607 {add = true} : memref<50176xf32, #tpu.memory_space<vmem>>[vector<16xi32>], vector<16xf32>,
      %get3A_2612 = arith.constant 2 : i32
      %get3A_2613 = arith.index_cast %get3A_2612 : i32 to index
      %get3A_2614 = arith.constant 80 : index
      %get3A_2615 = tpu.vector_load %arg17[%get3A_2613, %get3A_2614] {strides = array<i32>} : memref<9x256xf32, #tpu.memory_space<vmem>>, vector<16xf32>,
      %get3A_2616 = arith.constant 5 : i32
      %get3A_2617 = arith.index_cast %get3A_2616 : i32 to index
      %get3A_2618 = arith.constant 80 : index
      %get3A_2619 = tpu.vector_load %arg17[%get3A_2617, %get3A_2618] {strides = array<i32>} : memref<9x256xf32, #tpu.memory_space<vmem>>, vector<16xf32>,
      %add3A_2620 = arith.addf %get3A_2615, %get3A_2619 : vector<16xf32>
      %get3A_2621 = arith.constant 8 : i32
      %get3A_2622 = arith.index_cast %get3A_2621 : i32 to index
      %get3A_2623 = arith.constant 80 : index
      %get3A_2624 = tpu.vector_load %arg17[%get3A_2622, %get3A_2623] {strides = array<i32>} : memref<9x256xf32, #tpu.memory_space<vmem>>, vector<16xf32>,
      %add3A_2625 = arith.addf %add3A_2620, %get3A_2624 : vector<16xf32>
      %add3A_2626 = arith.constant 80 : i32
      %add3A_2627 = arith.addi %multiple_of3A_2135, %add3A_2626 : i32
      %get3A_2628 = arith.index_cast %add3A_2627 : i32 to index
      %get3A_2629 = tpu.vector_load %arg12[%get3A_2628] {strides = array<i32>} : memref<3584xf32, #tpu.memory_space<vmem>>, vector<16xf32>,
      %add3A_2630 = arith.constant 80 : i32
      %add3A_2631 = arith.addi %multiple_of3A_2135, %add3A_2630 : i32
      %get3A_2632 = arith.index_cast %add3A_2631 : i32 to index
      %get3A_2633 = tpu.vector_load %arg15[%get3A_2632] {strides = array<i32>} : memref<3584xf32, #tpu.memory_space<vmem>>, vector<16xf32>,
      %mul3A_2634 = arith.mulf %get3A_2633, %add3A_2625 : vector<16xf32>
      %add3A_2635 = arith.addf %get3A_2629, %mul3A_2634 : vector<16xf32>
      %add3A_2636 = arith.constant 80 : i32
      %add3A_2637 = arith.addi %multiple_of3A_2135, %add3A_2636 : i32
      %get3A_2638 = arith.index_cast %add3A_2637 : i32 to index
      %get3A_2639 = tpu.vector_load %arg9[%get3A_2638] {strides = array<i32>} : memref<3584xi32, #tpu.memory_space<vmem>>, vector<16xi32>,
      tpu.vector_store_idx %arg18[%get3A_2639], %add3A_2635 {add = true} : memref<50176xf32, #tpu.memory_space<vmem>>[vector<16xi32>], vector<16xf32>,
      %get3A_2640 = arith.constant 0 : i32
      %get3A_2641 = arith.index_cast %get3A_2640 : i32 to index
      %get3A_2642 = arith.constant 96 : index
      %get3A_2643 = tpu.vector_load %arg17[%get3A_2641, %get3A_2642] {strides = array<i32>} : memref<9x256xf32, #tpu.memory_space<vmem>>, vector<16xf32>,
      %get3A_2644 = arith.constant 3 : i32
      %get3A_2645 = arith.index_cast %get3A_2644 : i32 to index
      %get3A_2646 = arith.constant 96 : index
      %get3A_2647 = tpu.vector_load %arg17[%get3A_2645, %get3A_2646] {strides = array<i32>} : memref<9x256xf32, #tpu.memory_space<vmem>>, vector<16xf32>,
      %add3A_2648 = arith.addf %get3A_2643, %get3A_2647 : vector<16xf32>
      %get3A_2649 = arith.constant 6 : i32
      %get3A_2650 = arith.index_cast %get3A_2649 : i32 to index
      %get3A_2651 = arith.constant 96 : index
      %get3A_2652 = tpu.vector_load %arg17[%get3A_2650, %get3A_2651] {strides = array<i32>} : memref<9x256xf32, #tpu.memory_space<vmem>>, vector<16xf32>,
      %add3A_2653 = arith.addf %add3A_2648, %get3A_2652 : vector<16xf32>
      %add3A_2654 = arith.constant 96 : i32
      %add3A_2655 = arith.addi %multiple_of3A_2135, %add3A_2654 : i32
      %get3A_2656 = arith.index_cast %add3A_2655 : i32 to index
      %get3A_2657 = tpu.vector_load %arg10[%get3A_2656] {strides = array<i32>} : memref<3584xf32, #tpu.memory_space<vmem>>, vector<16xf32>,
      %add3A_2658 = arith.constant 96 : i32
      %add3A_2659 = arith.addi %multiple_of3A_2135, %add3A_2658 : i32
      %get3A_2660 = arith.index_cast %add3A_2659 : i32 to index
      %get3A_2661 = tpu.vector_load %arg13[%get3A_2660] {strides = array<i32>} : memref<3584xf32, #tpu.memory_space<vmem>>, vector<16xf32>,
      %mul3A_2662 = arith.mulf %get3A_2661, %add3A_2653 : vector<16xf32>
      %add3A_2663 = arith.addf %get3A_2657, %mul3A_2662 : vector<16xf32>
      %add3A_2664 = arith.constant 96 : i32
      %add3A_2665 = arith.addi %multiple_of3A_2135, %add3A_2664 : i32
      %get3A_2666 = arith.index_cast %add3A_2665 : i32 to index
      %get3A_2667 = tpu.vector_load %arg7[%get3A_2666] {strides = array<i32>} : memref<3584xi32, #tpu.memory_space<vmem>>, vector<16xi32>,
      tpu.vector_store_idx %arg18[%get3A_2667], %add3A_2663 {add = true} : memref<50176xf32, #tpu.memory_space<vmem>>[vector<16xi32>], vector<16xf32>,
      %get3A_2668 = arith.constant 1 : i32
      %get3A_2669 = arith.index_cast %get3A_2668 : i32 to index
      %get3A_2670 = arith.constant 96 : index
      %get3A_2671 = tpu.vector_load %arg17[%get3A_2669, %get3A_2670] {strides = array<i32>} : memref<9x256xf32, #tpu.memory_space<vmem>>, vector<16xf32>,
      %get3A_2672 = arith.constant 4 : i32
      %get3A_2673 = arith.index_cast %get3A_2672 : i32 to index
      %get3A_2674 = arith.constant 96 : index
      %get3A_2675 = tpu.vector_load %arg17[%get3A_2673, %get3A_2674] {strides = array<i32>} : memref<9x256xf32, #tpu.memory_space<vmem>>, vector<16xf32>,
      %add3A_2676 = arith.addf %get3A_2671, %get3A_2675 : vector<16xf32>
      %get3A_2677 = arith.constant 7 : i32
      %get3A_2678 = arith.index_cast %get3A_2677 : i32 to index
      %get3A_2679 = arith.constant 96 : index
      %get3A_2680 = tpu.vector_load %arg17[%get3A_2678, %get3A_2679] {strides = array<i32>} : memref<9x256xf32, #tpu.memory_space<vmem>>, vector<16xf32>,
      %add3A_2681 = arith.addf %add3A_2676, %get3A_2680 : vector<16xf32>
      %add3A_2682 = arith.constant 96 : i32
      %add3A_2683 = arith.addi %multiple_of3A_2135, %add3A_2682 : i32
      %get3A_2684 = arith.index_cast %add3A_2683 : i32 to index
      %get3A_2685 = tpu.vector_load %arg11[%get3A_2684] {strides = array<i32>} : memref<3584xf32, #tpu.memory_space<vmem>>, vector<16xf32>,
      %add3A_2686 = arith.constant 96 : i32
      %add3A_2687 = arith.addi %multiple_of3A_2135, %add3A_2686 : i32
      %get3A_2688 = arith.index_cast %add3A_2687 : i32 to index
      %get3A_2689 = tpu.vector_load %arg14[%get3A_2688] {strides = array<i32>} : memref<3584xf32, #tpu.memory_space<vmem>>, vector<16xf32>,
      %mul3A_2690 = arith.mulf %get3A_2689, %add3A_2681 : vector<16xf32>
      %add3A_2691 = arith.addf %get3A_2685, %mul3A_2690 : vector<16xf32>
      %add3A_2692 = arith.constant 96 : i32
      %add3A_2693 = arith.addi %multiple_of3A_2135, %add3A_2692 : i32
      %get3A_2694 = arith.index_cast %add3A_2693 : i32 to index
      %get3A_2695 = tpu.vector_load %arg8[%get3A_2694] {strides = array<i32>} : memref<3584xi32, #tpu.memory_space<vmem>>, vector<16xi32>,
      tpu.vector_store_idx %arg18[%get3A_2695], %add3A_2691 {add = true} : memref<50176xf32, #tpu.memory_space<vmem>>[vector<16xi32>], vector<16xf32>,
      %get3A_2696 = arith.constant 2 : i32
      %get3A_2697 = arith.index_cast %get3A_2696 : i32 to index
      %get3A_2698 = arith.constant 96 : index
      %get3A_2699 = tpu.vector_load %arg17[%get3A_2697, %get3A_2698] {strides = array<i32>} : memref<9x256xf32, #tpu.memory_space<vmem>>, vector<16xf32>,
      %get3A_2700 = arith.constant 5 : i32
      %get3A_2701 = arith.index_cast %get3A_2700 : i32 to index
      %get3A_2702 = arith.constant 96 : index
      %get3A_2703 = tpu.vector_load %arg17[%get3A_2701, %get3A_2702] {strides = array<i32>} : memref<9x256xf32, #tpu.memory_space<vmem>>, vector<16xf32>,
      %add3A_2704 = arith.addf %get3A_2699, %get3A_2703 : vector<16xf32>
      %get3A_2705 = arith.constant 8 : i32
      %get3A_2706 = arith.index_cast %get3A_2705 : i32 to index
      %get3A_2707 = arith.constant 96 : index
      %get3A_2708 = tpu.vector_load %arg17[%get3A_2706, %get3A_2707] {strides = array<i32>} : memref<9x256xf32, #tpu.memory_space<vmem>>, vector<16xf32>,
      %add3A_2709 = arith.addf %add3A_2704, %get3A_2708 : vector<16xf32>
      %add3A_2710 = arith.constant 96 : i32
      %add3A_2711 = arith.addi %multiple_of3A_2135, %add3A_2710 : i32
      %get3A_2712 = arith.index_cast %add3A_2711 : i32 to index
      %get3A_2713 = tpu.vector_load %arg12[%get3A_2712] {strides = array<i32>} : memref<3584xf32, #tpu.memory_space<vmem>>, vector<16xf32>,
      %add3A_2714 = arith.constant 96 : i32
      %add3A_2715 = arith.addi %multiple_of3A_2135, %add3A_2714 : i32
      %get3A_2716 = arith.index_cast %add3A_2715 : i32 to index
      %get3A_2717 = tpu.vector_load %arg15[%get3A_2716] {strides = array<i32>} : memref<3584xf32, #tpu.memory_space<vmem>>, vector<16xf32>,
      %mul3A_2718 = arith.mulf %get3A_2717, %add3A_2709 : vector<16xf32>
      %add3A_2719 = arith.addf %get3A_2713, %mul3A_2718 : vector<16xf32>
      %add3A_2720 = arith.constant 96 : i32
      %add3A_2721 = arith.addi %multiple_of3A_2135, %add3A_2720 : i32
      %get3A_2722 = arith.index_cast %add3A_2721 : i32 to index
      %get3A_2723 = tpu.vector_load %arg9[%get3A_2722] {strides = array<i32>} : memref<3584xi32, #tpu.memory_space<vmem>>, vector<16xi32>,
      tpu.vector_store_idx %arg18[%get3A_2723], %add3A_2719 {add = true} : memref<50176xf32, #tpu.memory_space<vmem>>[vector<16xi32>], vector<16xf32>,
      %get3A_2724 = arith.constant 0 : i32
      %get3A_2725 = arith.index_cast %get3A_2724 : i32 to index
      %get3A_2726 = arith.constant 112 : index
      %get3A_2727 = tpu.vector_load %arg17[%get3A_2725, %get3A_2726] {strides = array<i32>} : memref<9x256xf32, #tpu.memory_space<vmem>>, vector<16xf32>,
      %get3A_2728 = arith.constant 3 : i32
      %get3A_2729 = arith.index_cast %get3A_2728 : i32 to index
      %get3A_2730 = arith.constant 112 : index
      %get3A_2731 = tpu.vector_load %arg17[%get3A_2729, %get3A_2730] {strides = array<i32>} : memref<9x256xf32, #tpu.memory_space<vmem>>, vector<16xf32>,
      %add3A_2732 = arith.addf %get3A_2727, %get3A_2731 : vector<16xf32>
      %get3A_2733 = arith.constant 6 : i32
      %get3A_2734 = arith.index_cast %get3A_2733 : i32 to index
      %get3A_2735 = arith.constant 112 : index
      %get3A_2736 = tpu.vector_load %arg17[%get3A_2734, %get3A_2735] {strides = array<i32>} : memref<9x256xf32, #tpu.memory_space<vmem>>, vector<16xf32>,
      %add3A_2737 = arith.addf %add3A_2732, %get3A_2736 : vector<16xf32>
      %add3A_2738 = arith.constant 112 : i32
      %add3A_2739 = arith.addi %multiple_of3A_2135, %add3A_2738 : i32
      %get3A_2740 = arith.index_cast %add3A_2739 : i32 to index
      %get3A_2741 = tpu.vector_load %arg10[%get3A_2740] {strides = array<i32>} : memref<3584xf32, #tpu.memory_space<vmem>>, vector<16xf32>,
      %add3A_2742 = arith.constant 112 : i32
      %add3A_2743 = arith.addi %multiple_of3A_2135, %add3A_2742 : i32
      %get3A_2744 = arith.index_cast %add3A_2743 : i32 to index
      %get3A_2745 = tpu.vector_load %arg13[%get3A_2744] {strides = array<i32>} : memref<3584xf32, #tpu.memory_space<vmem>>, vector<16xf32>,
      %mul3A_2746 = arith.mulf %get3A_2745, %add3A_2737 : vector<16xf32>
      %add3A_2747 = arith.addf %get3A_2741, %mul3A_2746 : vector<16xf32>
      %add3A_2748 = arith.constant 112 : i32
      %add3A_2749 = arith.addi %multiple_of3A_2135, %add3A_2748 : i32
      %get3A_2750 = arith.index_cast %add3A_2749 : i32 to index
      %get3A_2751 = tpu.vector_load %arg7[%get3A_2750] {strides = array<i32>} : memref<3584xi32, #tpu.memory_space<vmem>>, vector<16xi32>,
      tpu.vector_store_idx %arg18[%get3A_2751], %add3A_2747 {add = true} : memref<50176xf32, #tpu.memory_space<vmem>>[vector<16xi32>], vector<16xf32>,
      %get3A_2752 = arith.constant 1 : i32
      %get3A_2753 = arith.index_cast %get3A_2752 : i32 to index
      %get3A_2754 = arith.constant 112 : index
      %get3A_2755 = tpu.vector_load %arg17[%get3A_2753, %get3A_2754] {strides = array<i32>} : memref<9x256xf32, #tpu.memory_space<vmem>>, vector<16xf32>,
      %get3A_2756 = arith.constant 4 : i32
      %get3A_2757 = arith.index_cast %get3A_2756 : i32 to index
      %get3A_2758 = arith.constant 112 : index
      %get3A_2759 = tpu.vector_load %arg17[%get3A_2757, %get3A_2758] {strides = array<i32>} : memref<9x256xf32, #tpu.memory_space<vmem>>, vector<16xf32>,
      %add3A_2760 = arith.addf %get3A_2755, %get3A_2759 : vector<16xf32>
      %get3A_2761 = arith.constant 7 : i32
      %get3A_2762 = arith.index_cast %get3A_2761 : i32 to index
      %get3A_2763 = arith.constant 112 : index
      %get3A_2764 = tpu.vector_load %arg17[%get3A_2762, %get3A_2763] {strides = array<i32>} : memref<9x256xf32, #tpu.memory_space<vmem>>, vector<16xf32>,
      %add3A_2765 = arith.addf %add3A_2760, %get3A_2764 : vector<16xf32>
      %add3A_2766 = arith.constant 112 : i32
      %add3A_2767 = arith.addi %multiple_of3A_2135, %add3A_2766 : i32
      %get3A_2768 = arith.index_cast %add3A_2767 : i32 to index
      %get3A_2769 = tpu.vector_load %arg11[%get3A_2768] {strides = array<i32>} : memref<3584xf32, #tpu.memory_space<vmem>>, vector<16xf32>,
      %add3A_2770 = arith.constant 112 : i32
      %add3A_2771 = arith.addi %multiple_of3A_2135, %add3A_2770 : i32
      %get3A_2772 = arith.index_cast %add3A_2771 : i32 to index
      %get3A_2773 = tpu.vector_load %arg14[%get3A_2772] {strides = array<i32>} : memref<3584xf32, #tpu.memory_space<vmem>>, vector<16xf32>,
      %mul3A_2774 = arith.mulf %get3A_2773, %add3A_2765 : vector<16xf32>
      %add3A_2775 = arith.addf %get3A_2769, %mul3A_2774 : vector<16xf32>
      %add3A_2776 = arith.constant 112 : i32
      %add3A_2777 = arith.addi %multiple_of3A_2135, %add3A_2776 : i32
      %get3A_2778 = arith.index_cast %add3A_2777 : i32 to index
      %get3A_2779 = tpu.vector_load %arg8[%get3A_2778] {strides = array<i32>} : memref<3584xi32, #tpu.memory_space<vmem>>, vector<16xi32>,
      tpu.vector_store_idx %arg18[%get3A_2779], %add3A_2775 {add = true} : memref<50176xf32, #tpu.memory_space<vmem>>[vector<16xi32>], vector<16xf32>,
      %get3A_2780 = arith.constant 2 : i32
      %get3A_2781 = arith.index_cast %get3A_2780 : i32 to index
      %get3A_2782 = arith.constant 112 : index
      %get3A_2783 = tpu.vector_load %arg17[%get3A_2781, %get3A_2782] {strides = array<i32>} : memref<9x256xf32, #tpu.memory_space<vmem>>, vector<16xf32>,
      %get3A_2784 = arith.constant 5 : i32
      %get3A_2785 = arith.index_cast %get3A_2784 : i32 to index
      %get3A_2786 = arith.constant 112 : index
      %get3A_2787 = tpu.vector_load %arg17[%get3A_2785, %get3A_2786] {strides = array<i32>} : memref<9x256xf32, #tpu.memory_space<vmem>>, vector<16xf32>,
      %add3A_2788 = arith.addf %get3A_2783, %get3A_2787 : vector<16xf32>
      %get3A_2789 = arith.constant 8 : i32
      %get3A_2790 = arith.index_cast %get3A_2789 : i32 to index
      %get3A_2791 = arith.constant 112 : index
      %get3A_2792 = tpu.vector_load %arg17[%get3A_2790, %get3A_2791] {strides = array<i32>} : memref<9x256xf32, #tpu.memory_space<vmem>>, vector<16xf32>,
      %add3A_2793 = arith.addf %add3A_2788, %get3A_2792 : vector<16xf32>
      %add3A_2794 = arith.constant 112 : i32
      %add3A_2795 = arith.addi %multiple_of3A_2135, %add3A_2794 : i32
      %get3A_2796 = arith.index_cast %add3A_2795 : i32 to index
      %get3A_2797 = tpu.vector_load %arg12[%get3A_2796] {strides = array<i32>} : memref<3584xf32, #tpu.memory_space<vmem>>, vector<16xf32>,
      %add3A_2798 = arith.constant 112 : i32
      %add3A_2799 = arith.addi %multiple_of3A_2135, %add3A_2798 : i32
      %get3A_2800 = arith.index_cast %add3A_2799 : i32 to index
      %get3A_2801 = tpu.vector_load %arg15[%get3A_2800] {strides = array<i32>} : memref<3584xf32, #tpu.memory_space<vmem>>, vector<16xf32>,
      %mul3A_2802 = arith.mulf %get3A_2801, %add3A_2793 : vector<16xf32>
      %add3A_2803 = arith.addf %get3A_2797, %mul3A_2802 : vector<16xf32>
      %add3A_2804 = arith.constant 112 : i32
      %add3A_2805 = arith.addi %multiple_of3A_2135, %add3A_2804 : i32
      %get3A_2806 = arith.index_cast %add3A_2805 : i32 to index
      %get3A_2807 = tpu.vector_load %arg9[%get3A_2806] {strides = array<i32>} : memref<3584xi32, #tpu.memory_space<vmem>>, vector<16xi32>,
      tpu.vector_store_idx %arg18[%get3A_2807], %add3A_2803 {add = true} : memref<50176xf32, #tpu.memory_space<vmem>>[vector<16xi32>], vector<16xf32>,
      %get3A_2808 = arith.constant 0 : i32
      %get3A_2809 = arith.index_cast %get3A_2808 : i32 to index
      %get3A_2810 = arith.constant 128 : index
      %get3A_2811 = tpu.vector_load %arg17[%get3A_2809, %get3A_2810] {strides = array<i32>} : memref<9x256xf32, #tpu.memory_space<vmem>>, vector<16xf32>,
      %get3A_2812 = arith.constant 3 : i32
      %get3A_2813 = arith.index_cast %get3A_2812 : i32 to index
      %get3A_2814 = arith.constant 128 : index
      %get3A_2815 = tpu.vector_load %arg17[%get3A_2813, %get3A_2814] {strides = array<i32>} : memref<9x256xf32, #tpu.memory_space<vmem>>, vector<16xf32>,
      %add3A_2816 = arith.addf %get3A_2811, %get3A_2815 : vector<16xf32>
      %get3A_2817 = arith.constant 6 : i32
      %get3A_2818 = arith.index_cast %get3A_2817 : i32 to index
      %get3A_2819 = arith.constant 128 : index
      %get3A_2820 = tpu.vector_load %arg17[%get3A_2818, %get3A_2819] {strides = array<i32>} : memref<9x256xf32, #tpu.memory_space<vmem>>, vector<16xf32>,
      %add3A_2821 = arith.addf %add3A_2816, %get3A_2820 : vector<16xf32>
      %add3A_2822 = arith.constant 128 : i32
      %add3A_2823 = arith.addi %multiple_of3A_2135, %add3A_2822 : i32
      %get3A_2824 = arith.index_cast %add3A_2823 : i32 to index
      %get3A_2825 = tpu.vector_load %arg10[%get3A_2824] {strides = array<i32>} : memref<3584xf32, #tpu.memory_space<vmem>>, vector<16xf32>,
      %add3A_2826 = arith.constant 128 : i32
      %add3A_2827 = arith.addi %multiple_of3A_2135, %add3A_2826 : i32
      %get3A_2828 = arith.index_cast %add3A_2827 : i32 to index
      %get3A_2829 = tpu.vector_load %arg13[%get3A_2828] {strides = array<i32>} : memref<3584xf32, #tpu.memory_space<vmem>>, vector<16xf32>,
      %mul3A_2830 = arith.mulf %get3A_2829, %add3A_2821 : vector<16xf32>
      %add3A_2831 = arith.addf %get3A_2825, %mul3A_2830 : vector<16xf32>
      %add3A_2832 = arith.constant 128 : i32
      %add3A_2833 = arith.addi %multiple_of3A_2135, %add3A_2832 : i32
      %get3A_2834 = arith.index_cast %add3A_2833 : i32 to index
      %get3A_2835 = tpu.vector_load %arg7[%get3A_2834] {strides = array<i32>} : memref<3584xi32, #tpu.memory_space<vmem>>, vector<16xi32>,
      tpu.vector_store_idx %arg18[%get3A_2835], %add3A_2831 {add = true} : memref<50176xf32, #tpu.memory_space<vmem>>[vector<16xi32>], vector<16xf32>,
      %get3A_2836 = arith.constant 1 : i32
      %get3A_2837 = arith.index_cast %get3A_2836 : i32 to index
      %get3A_2838 = arith.constant 128 : index
      %get3A_2839 = tpu.vector_load %arg17[%get3A_2837, %get3A_2838] {strides = array<i32>} : memref<9x256xf32, #tpu.memory_space<vmem>>, vector<16xf32>,
      %get3A_2840 = arith.constant 4 : i32
      %get3A_2841 = arith.index_cast %get3A_2840 : i32 to index
      %get3A_2842 = arith.constant 128 : index
      %get3A_2843 = tpu.vector_load %arg17[%get3A_2841, %get3A_2842] {strides = array<i32>} : memref<9x256xf32, #tpu.memory_space<vmem>>, vector<16xf32>,
      %add3A_2844 = arith.addf %get3A_2839, %get3A_2843 : vector<16xf32>
      %get3A_2845 = arith.constant 7 : i32
      %get3A_2846 = arith.index_cast %get3A_2845 : i32 to index
      %get3A_2847 = arith.constant 128 : index
      %get3A_2848 = tpu.vector_load %arg17[%get3A_2846, %get3A_2847] {strides = array<i32>} : memref<9x256xf32, #tpu.memory_space<vmem>>, vector<16xf32>,
      %add3A_2849 = arith.addf %add3A_2844, %get3A_2848 : vector<16xf32>
      %add3A_2850 = arith.constant 128 : i32
      %add3A_2851 = arith.addi %multiple_of3A_2135, %add3A_2850 : i32
      %get3A_2852 = arith.index_cast %add3A_2851 : i32 to index
      %get3A_2853 = tpu.vector_load %arg11[%get3A_2852] {strides = array<i32>} : memref<3584xf32, #tpu.memory_space<vmem>>, vector<16xf32>,
      %add3A_2854 = arith.constant 128 : i32
      %add3A_2855 = arith.addi %multiple_of3A_2135, %add3A_2854 : i32
      %get3A_2856 = arith.index_cast %add3A_2855 : i32 to index
      %get3A_2857 = tpu.vector_load %arg14[%get3A_2856] {strides = array<i32>} : memref<3584xf32, #tpu.memory_space<vmem>>, vector<16xf32>,
      %mul3A_2858 = arith.mulf %get3A_2857, %add3A_2849 : vector<16xf32>
      %add3A_2859 = arith.addf %get3A_2853, %mul3A_2858 : vector<16xf32>
      %add3A_2860 = arith.constant 128 : i32
      %add3A_2861 = arith.addi %multiple_of3A_2135, %add3A_2860 : i32
      %get3A_2862 = arith.index_cast %add3A_2861 : i32 to index
      %get3A_2863 = tpu.vector_load %arg8[%get3A_2862] {strides = array<i32>} : memref<3584xi32, #tpu.memory_space<vmem>>, vector<16xi32>,
      tpu.vector_store_idx %arg18[%get3A_2863], %add3A_2859 {add = true} : memref<50176xf32, #tpu.memory_space<vmem>>[vector<16xi32>], vector<16xf32>,
      %get3A_2864 = arith.constant 2 : i32
      %get3A_2865 = arith.index_cast %get3A_2864 : i32 to index
      %get3A_2866 = arith.constant 128 : index
      %get3A_2867 = tpu.vector_load %arg17[%get3A_2865, %get3A_2866] {strides = array<i32>} : memref<9x256xf32, #tpu.memory_space<vmem>>, vector<16xf32>,
      %get3A_2868 = arith.constant 5 : i32
      %get3A_2869 = arith.index_cast %get3A_2868 : i32 to index
      %get3A_2870 = arith.constant 128 : index
      %get3A_2871 = tpu.vector_load %arg17[%get3A_2869, %get3A_2870] {strides = array<i32>} : memref<9x256xf32, #tpu.memory_space<vmem>>, vector<16xf32>,
      %add3A_2872 = arith.addf %get3A_2867, %get3A_2871 : vector<16xf32>
      %get3A_2873 = arith.constant 8 : i32
      %get3A_2874 = arith.index_cast %get3A_2873 : i32 to index
      %get3A_2875 = arith.constant 128 : index
      %get3A_2876 = tpu.vector_load %arg17[%get3A_2874, %get3A_2875] {strides = array<i32>} : memref<9x256xf32, #tpu.memory_space<vmem>>, vector<16xf32>,
      %add3A_2877 = arith.addf %add3A_2872, %get3A_2876 : vector<16xf32>
      %add3A_2878 = arith.constant 128 : i32
      %add3A_2879 = arith.addi %multiple_of3A_2135, %add3A_2878 : i32
      %get3A_2880 = arith.index_cast %add3A_2879 : i32 to index
      %get3A_2881 = tpu.vector_load %arg12[%get3A_2880] {strides = array<i32>} : memref<3584xf32, #tpu.memory_space<vmem>>, vector<16xf32>,
      %add3A_2882 = arith.constant 128 : i32
      %add3A_2883 = arith.addi %multiple_of3A_2135, %add3A_2882 : i32
      %get3A_2884 = arith.index_cast %add3A_2883 : i32 to index
      %get3A_2885 = tpu.vector_load %arg15[%get3A_2884] {strides = array<i32>} : memref<3584xf32, #tpu.memory_space<vmem>>, vector<16xf32>,
      %mul3A_2886 = arith.mulf %get3A_2885, %add3A_2877 : vector<16xf32>
      %add3A_2887 = arith.addf %get3A_2881, %mul3A_2886 : vector<16xf32>
      %add3A_2888 = arith.constant 128 : i32
      %add3A_2889 = arith.addi %multiple_of3A_2135, %add3A_2888 : i32
      %get3A_2890 = arith.index_cast %add3A_2889 : i32 to index
      %get3A_2891 = tpu.vector_load %arg9[%get3A_2890] {strides = array<i32>} : memref<3584xi32, #tpu.memory_space<vmem>>, vector<16xi32>,
      tpu.vector_store_idx %arg18[%get3A_2891], %add3A_2887 {add = true} : memref<50176xf32, #tpu.memory_space<vmem>>[vector<16xi32>], vector<16xf32>,
      %get3A_2892 = arith.constant 0 : i32
      %get3A_2893 = arith.index_cast %get3A_2892 : i32 to index
      %get3A_2894 = arith.constant 144 : index
      %get3A_2895 = tpu.vector_load %arg17[%get3A_2893, %get3A_2894] {strides = array<i32>} : memref<9x256xf32, #tpu.memory_space<vmem>>, vector<16xf32>,
      %get3A_2896 = arith.constant 3 : i32
      %get3A_2897 = arith.index_cast %get3A_2896 : i32 to index
      %get3A_2898 = arith.constant 144 : index
      %get3A_2899 = tpu.vector_load %arg17[%get3A_2897, %get3A_2898] {strides = array<i32>} : memref<9x256xf32, #tpu.memory_space<vmem>>, vector<16xf32>,
      %add3A_2900 = arith.addf %get3A_2895, %get3A_2899 : vector<16xf32>
      %get3A_2901 = arith.constant 6 : i32
      %get3A_2902 = arith.index_cast %get3A_2901 : i32 to index
      %get3A_2903 = arith.constant 144 : index
      %get3A_2904 = tpu.vector_load %arg17[%get3A_2902, %get3A_2903] {strides = array<i32>} : memref<9x256xf32, #tpu.memory_space<vmem>>, vector<16xf32>,
      %add3A_2905 = arith.addf %add3A_2900, %get3A_2904 : vector<16xf32>
      %add3A_2906 = arith.constant 144 : i32
      %add3A_2907 = arith.addi %multiple_of3A_2135, %add3A_2906 : i32
      %get3A_2908 = arith.index_cast %add3A_2907 : i32 to index
      %get3A_2909 = tpu.vector_load %arg10[%get3A_2908] {strides = array<i32>} : memref<3584xf32, #tpu.memory_space<vmem>>, vector<16xf32>,
      %add3A_2910 = arith.constant 144 : i32
      %add3A_2911 = arith.addi %multiple_of3A_2135, %add3A_2910 : i32
      %get3A_2912 = arith.index_cast %add3A_2911 : i32 to index
      %get3A_2913 = tpu.vector_load %arg13[%get3A_2912] {strides = array<i32>} : memref<3584xf32, #tpu.memory_space<vmem>>, vector<16xf32>,
      %mul3A_2914 = arith.mulf %get3A_2913, %add3A_2905 : vector<16xf32>
      %add3A_2915 = arith.addf %get3A_2909, %mul3A_2914 : vector<16xf32>
      %add3A_2916 = arith.constant 144 : i32
      %add3A_2917 = arith.addi %multiple_of3A_2135, %add3A_2916 : i32
      %get3A_2918 = arith.index_cast %add3A_2917 : i32 to index
      %get3A_2919 = tpu.vector_load %arg7[%get3A_2918] {strides = array<i32>} : memref<3584xi32, #tpu.memory_space<vmem>>, vector<16xi32>,
      tpu.vector_store_idx %arg18[%get3A_2919], %add3A_2915 {add = true} : memref<50176xf32, #tpu.memory_space<vmem>>[vector<16xi32>], vector<16xf32>,
      %get3A_2920 = arith.constant 1 : i32
      %get3A_2921 = arith.index_cast %get3A_2920 : i32 to index
      %get3A_2922 = arith.constant 144 : index
      %get3A_2923 = tpu.vector_load %arg17[%get3A_2921, %get3A_2922] {strides = array<i32>} : memref<9x256xf32, #tpu.memory_space<vmem>>, vector<16xf32>,
      %get3A_2924 = arith.constant 4 : i32
      %get3A_2925 = arith.index_cast %get3A_2924 : i32 to index
      %get3A_2926 = arith.constant 144 : index
      %get3A_2927 = tpu.vector_load %arg17[%get3A_2925, %get3A_2926] {strides = array<i32>} : memref<9x256xf32, #tpu.memory_space<vmem>>, vector<16xf32>,
      %add3A_2928 = arith.addf %get3A_2923, %get3A_2927 : vector<16xf32>
      %get3A_2929 = arith.constant 7 : i32
      %get3A_2930 = arith.index_cast %get3A_2929 : i32 to index
      %get3A_2931 = arith.constant 144 : index
      %get3A_2932 = tpu.vector_load %arg17[%get3A_2930, %get3A_2931] {strides = array<i32>} : memref<9x256xf32, #tpu.memory_space<vmem>>, vector<16xf32>,
      %add3A_2933 = arith.addf %add3A_2928, %get3A_2932 : vector<16xf32>
      %add3A_2934 = arith.constant 144 : i32
      %add3A_2935 = arith.addi %multiple_of3A_2135, %add3A_2934 : i32
      %get3A_2936 = arith.index_cast %add3A_2935 : i32 to index
      %get3A_2937 = tpu.vector_load %arg11[%get3A_2936] {strides = array<i32>} : memref<3584xf32, #tpu.memory_space<vmem>>, vector<16xf32>,
      %add3A_2938 = arith.constant 144 : i32
      %add3A_2939 = arith.addi %multiple_of3A_2135, %add3A_2938 : i32
      %get3A_2940 = arith.index_cast %add3A_2939 : i32 to index
      %get3A_2941 = tpu.vector_load %arg14[%get3A_2940] {strides = array<i32>} : memref<3584xf32, #tpu.memory_space<vmem>>, vector<16xf32>,
      %mul3A_2942 = arith.mulf %get3A_2941, %add3A_2933 : vector<16xf32>
      %add3A_2943 = arith.addf %get3A_2937, %mul3A_2942 : vector<16xf32>
      %add3A_2944 = arith.constant 144 : i32
      %add3A_2945 = arith.addi %multiple_of3A_2135, %add3A_2944 : i32
      %get3A_2946 = arith.index_cast %add3A_2945 : i32 to index
      %get3A_2947 = tpu.vector_load %arg8[%get3A_2946] {strides = array<i32>} : memref<3584xi32, #tpu.memory_space<vmem>>, vector<16xi32>,
      tpu.vector_store_idx %arg18[%get3A_2947], %add3A_2943 {add = true} : memref<50176xf32, #tpu.memory_space<vmem>>[vector<16xi32>], vector<16xf32>,
      %get3A_2948 = arith.constant 2 : i32
      %get3A_2949 = arith.index_cast %get3A_2948 : i32 to index
      %get3A_2950 = arith.constant 144 : index
      %get3A_2951 = tpu.vector_load %arg17[%get3A_2949, %get3A_2950] {strides = array<i32>} : memref<9x256xf32, #tpu.memory_space<vmem>>, vector<16xf32>,
      %get3A_2952 = arith.constant 5 : i32
      %get3A_2953 = arith.index_cast %get3A_2952 : i32 to index
      %get3A_2954 = arith.constant 144 : index
      %get3A_2955 = tpu.vector_load %arg17[%get3A_2953, %get3A_2954] {strides = array<i32>} : memref<9x256xf32, #tpu.memory_space<vmem>>, vector<16xf32>,
      %add3A_2956 = arith.addf %get3A_2951, %get3A_2955 : vector<16xf32>
      %get3A_2957 = arith.constant 8 : i32
      %get3A_2958 = arith.index_cast %get3A_2957 : i32 to index
      %get3A_2959 = arith.constant 144 : index
      %get3A_2960 = tpu.vector_load %arg17[%get3A_2958, %get3A_2959] {strides = array<i32>} : memref<9x256xf32, #tpu.memory_space<vmem>>, vector<16xf32>,
      %add3A_2961 = arith.addf %add3A_2956, %get3A_2960 : vector<16xf32>
      %add3A_2962 = arith.constant 144 : i32
      %add3A_2963 = arith.addi %multiple_of3A_2135, %add3A_2962 : i32
      %get3A_2964 = arith.index_cast %add3A_2963 : i32 to index
      %get3A_2965 = tpu.vector_load %arg12[%get3A_2964] {strides = array<i32>} : memref<3584xf32, #tpu.memory_space<vmem>>, vector<16xf32>,
      %add3A_2966 = arith.constant 144 : i32
      %add3A_2967 = arith.addi %multiple_of3A_2135, %add3A_2966 : i32
      %get3A_2968 = arith.index_cast %add3A_2967 : i32 to index
      %get3A_2969 = tpu.vector_load %arg15[%get3A_2968] {strides = array<i32>} : memref<3584xf32, #tpu.memory_space<vmem>>, vector<16xf32>,
      %mul3A_2970 = arith.mulf %get3A_2969, %add3A_2961 : vector<16xf32>
      %add3A_2971 = arith.addf %get3A_2965, %mul3A_2970 : vector<16xf32>
      %add3A_2972 = arith.constant 144 : i32
      %add3A_2973 = arith.addi %multiple_of3A_2135, %add3A_2972 : i32
      %get3A_2974 = arith.index_cast %add3A_2973 : i32 to index
      %get3A_2975 = tpu.vector_load %arg9[%get3A_2974] {strides = array<i32>} : memref<3584xi32, #tpu.memory_space<vmem>>, vector<16xi32>,
      tpu.vector_store_idx %arg18[%get3A_2975], %add3A_2971 {add = true} : memref<50176xf32, #tpu.memory_space<vmem>>[vector<16xi32>], vector<16xf32>,
      %get3A_2976 = arith.constant 0 : i32
      %get3A_2977 = arith.index_cast %get3A_2976 : i32 to index
      %get3A_2978 = arith.constant 160 : index
      %get3A_2979 = tpu.vector_load %arg17[%get3A_2977, %get3A_2978] {strides = array<i32>} : memref<9x256xf32, #tpu.memory_space<vmem>>, vector<16xf32>,
      %get3A_2980 = arith.constant 3 : i32
      %get3A_2981 = arith.index_cast %get3A_2980 : i32 to index
      %get3A_2982 = arith.constant 160 : index
      %get3A_2983 = tpu.vector_load %arg17[%get3A_2981, %get3A_2982] {strides = array<i32>} : memref<9x256xf32, #tpu.memory_space<vmem>>, vector<16xf32>,
      %add3A_2984 = arith.addf %get3A_2979, %get3A_2983 : vector<16xf32>
      %get3A_2985 = arith.constant 6 : i32
      %get3A_2986 = arith.index_cast %get3A_2985 : i32 to index
      %get3A_2987 = arith.constant 160 : index
      %get3A_2988 = tpu.vector_load %arg17[%get3A_2986, %get3A_2987] {strides = array<i32>} : memref<9x256xf32, #tpu.memory_space<vmem>>, vector<16xf32>,
      %add3A_2989 = arith.addf %add3A_2984, %get3A_2988 : vector<16xf32>
      %add3A_2990 = arith.constant 160 : i32
      %add3A_2991 = arith.addi %multiple_of3A_2135, %add3A_2990 : i32
      %get3A_2992 = arith.index_cast %add3A_2991 : i32 to index
      %get3A_2993 = tpu.vector_load %arg10[%get3A_2992] {strides = array<i32>} : memref<3584xf32, #tpu.memory_space<vmem>>, vector<16xf32>,
      %add3A_2994 = arith.constant 160 : i32
      %add3A_2995 = arith.addi %multiple_of3A_2135, %add3A_2994 : i32
      %get3A_2996 = arith.index_cast %add3A_2995 : i32 to index
      %get3A_2997 = tpu.vector_load %arg13[%get3A_2996] {strides = array<i32>} : memref<3584xf32, #tpu.memory_space<vmem>>, vector<16xf32>,
      %mul3A_2998 = arith.mulf %get3A_2997, %add3A_2989 : vector<16xf32>
      %add3A_2999 = arith.addf %get3A_2993, %mul3A_2998 : vector<16xf32>
      %add3A_3000 = arith.constant 160 : i32
      %add3A_3001 = arith.addi %multiple_of3A_2135, %add3A_3000 : i32
      %get3A_3002 = arith.index_cast %add3A_3001 : i32 to index
      %get3A_3003 = tpu.vector_load %arg7[%get3A_3002] {strides = array<i32>} : memref<3584xi32, #tpu.memory_space<vmem>>, vector<16xi32>,
      tpu.vector_store_idx %arg18[%get3A_3003], %add3A_2999 {add = true} : memref<50176xf32, #tpu.memory_space<vmem>>[vector<16xi32>], vector<16xf32>,
      %get3A_3004 = arith.constant 1 : i32
      %get3A_3005 = arith.index_cast %get3A_3004 : i32 to index
      %get3A_3006 = arith.constant 160 : index
      %get3A_3007 = tpu.vector_load %arg17[%get3A_3005, %get3A_3006] {strides = array<i32>} : memref<9x256xf32, #tpu.memory_space<vmem>>, vector<16xf32>,
      %get3A_3008 = arith.constant 4 : i32
      %get3A_3009 = arith.index_cast %get3A_3008 : i32 to index
      %get3A_3010 = arith.constant 160 : index
      %get3A_3011 = tpu.vector_load %arg17[%get3A_3009, %get3A_3010] {strides = array<i32>} : memref<9x256xf32, #tpu.memory_space<vmem>>, vector<16xf32>,
      %add3A_3012 = arith.addf %get3A_3007, %get3A_3011 : vector<16xf32>
      %get3A_3013 = arith.constant 7 : i32
      %get3A_3014 = arith.index_cast %get3A_3013 : i32 to index
      %get3A_3015 = arith.constant 160 : index
      %get3A_3016 = tpu.vector_load %arg17[%get3A_3014, %get3A_3015] {strides = array<i32>} : memref<9x256xf32, #tpu.memory_space<vmem>>, vector<16xf32>,
      %add3A_3017 = arith.addf %add3A_3012, %get3A_3016 : vector<16xf32>
      %add3A_3018 = arith.constant 160 : i32
      %add3A_3019 = arith.addi %multiple_of3A_2135, %add3A_3018 : i32
      %get3A_3020 = arith.index_cast %add3A_3019 : i32 to index
      %get3A_3021 = tpu.vector_load %arg11[%get3A_3020] {strides = array<i32>} : memref<3584xf32, #tpu.memory_space<vmem>>, vector<16xf32>,
      %add3A_3022 = arith.constant 160 : i32
      %add3A_3023 = arith.addi %multiple_of3A_2135, %add3A_3022 : i32
      %get3A_3024 = arith.index_cast %add3A_3023 : i32 to index
      %get3A_3025 = tpu.vector_load %arg14[%get3A_3024] {strides = array<i32>} : memref<3584xf32, #tpu.memory_space<vmem>>, vector<16xf32>,
      %mul3A_3026 = arith.mulf %get3A_3025, %add3A_3017 : vector<16xf32>
      %add3A_3027 = arith.addf %get3A_3021, %mul3A_3026 : vector<16xf32>
      %add3A_3028 = arith.constant 160 : i32
      %add3A_3029 = arith.addi %multiple_of3A_2135, %add3A_3028 : i32
      %get3A_3030 = arith.index_cast %add3A_3029 : i32 to index
      %get3A_3031 = tpu.vector_load %arg8[%get3A_3030] {strides = array<i32>} : memref<3584xi32, #tpu.memory_space<vmem>>, vector<16xi32>,
      tpu.vector_store_idx %arg18[%get3A_3031], %add3A_3027 {add = true} : memref<50176xf32, #tpu.memory_space<vmem>>[vector<16xi32>], vector<16xf32>,
      %get3A_3032 = arith.constant 2 : i32
      %get3A_3033 = arith.index_cast %get3A_3032 : i32 to index
      %get3A_3034 = arith.constant 160 : index
      %get3A_3035 = tpu.vector_load %arg17[%get3A_3033, %get3A_3034] {strides = array<i32>} : memref<9x256xf32, #tpu.memory_space<vmem>>, vector<16xf32>,
      %get3A_3036 = arith.constant 5 : i32
      %get3A_3037 = arith.index_cast %get3A_3036 : i32 to index
      %get3A_3038 = arith.constant 160 : index
      %get3A_3039 = tpu.vector_load %arg17[%get3A_3037, %get3A_3038] {strides = array<i32>} : memref<9x256xf32, #tpu.memory_space<vmem>>, vector<16xf32>,
      %add3A_3040 = arith.addf %get3A_3035, %get3A_3039 : vector<16xf32>
      %get3A_3041 = arith.constant 8 : i32
      %get3A_3042 = arith.index_cast %get3A_3041 : i32 to index
      %get3A_3043 = arith.constant 160 : index
      %get3A_3044 = tpu.vector_load %arg17[%get3A_3042, %get3A_3043] {strides = array<i32>} : memref<9x256xf32, #tpu.memory_space<vmem>>, vector<16xf32>,
      %add3A_3045 = arith.addf %add3A_3040, %get3A_3044 : vector<16xf32>
      %add3A_3046 = arith.constant 160 : i32
      %add3A_3047 = arith.addi %multiple_of3A_2135, %add3A_3046 : i32
      %get3A_3048 = arith.index_cast %add3A_3047 : i32 to index
      %get3A_3049 = tpu.vector_load %arg12[%get3A_3048] {strides = array<i32>} : memref<3584xf32, #tpu.memory_space<vmem>>, vector<16xf32>,
      %add3A_3050 = arith.constant 160 : i32
      %add3A_3051 = arith.addi %multiple_of3A_2135, %add3A_3050 : i32
      %get3A_3052 = arith.index_cast %add3A_3051 : i32 to index
      %get3A_3053 = tpu.vector_load %arg15[%get3A_3052] {strides = array<i32>} : memref<3584xf32, #tpu.memory_space<vmem>>, vector<16xf32>,
      %mul3A_3054 = arith.mulf %get3A_3053, %add3A_3045 : vector<16xf32>
      %add3A_3055 = arith.addf %get3A_3049, %mul3A_3054 : vector<16xf32>
      %add3A_3056 = arith.constant 160 : i32
      %add3A_3057 = arith.addi %multiple_of3A_2135, %add3A_3056 : i32
      %get3A_3058 = arith.index_cast %add3A_3057 : i32 to index
      %get3A_3059 = tpu.vector_load %arg9[%get3A_3058] {strides = array<i32>} : memref<3584xi32, #tpu.memory_space<vmem>>, vector<16xi32>,
      tpu.vector_store_idx %arg18[%get3A_3059], %add3A_3055 {add = true} : memref<50176xf32, #tpu.memory_space<vmem>>[vector<16xi32>], vector<16xf32>,
      %get3A_3060 = arith.constant 0 : i32
      %get3A_3061 = arith.index_cast %get3A_3060 : i32 to index
      %get3A_3062 = arith.constant 176 : index
      %get3A_3063 = tpu.vector_load %arg17[%get3A_3061, %get3A_3062] {strides = array<i32>} : memref<9x256xf32, #tpu.memory_space<vmem>>, vector<16xf32>,
      %get3A_3064 = arith.constant 3 : i32
      %get3A_3065 = arith.index_cast %get3A_3064 : i32 to index
      %get3A_3066 = arith.constant 176 : index
      %get3A_3067 = tpu.vector_load %arg17[%get3A_3065, %get3A_3066] {strides = array<i32>} : memref<9x256xf32, #tpu.memory_space<vmem>>, vector<16xf32>,
      %add3A_3068 = arith.addf %get3A_3063, %get3A_3067 : vector<16xf32>
      %get3A_3069 = arith.constant 6 : i32
      %get3A_3070 = arith.index_cast %get3A_3069 : i32 to index
      %get3A_3071 = arith.constant 176 : index
      %get3A_3072 = tpu.vector_load %arg17[%get3A_3070, %get3A_3071] {strides = array<i32>} : memref<9x256xf32, #tpu.memory_space<vmem>>, vector<16xf32>,
      %add3A_3073 = arith.addf %add3A_3068, %get3A_3072 : vector<16xf32>
      %add3A_3074 = arith.constant 176 : i32
      %add3A_3075 = arith.addi %multiple_of3A_2135, %add3A_3074 : i32
      %get3A_3076 = arith.index_cast %add3A_3075 : i32 to index
      %get3A_3077 = tpu.vector_load %arg10[%get3A_3076] {strides = array<i32>} : memref<3584xf32, #tpu.memory_space<vmem>>, vector<16xf32>,
      %add3A_3078 = arith.constant 176 : i32
      %add3A_3079 = arith.addi %multiple_of3A_2135, %add3A_3078 : i32
      %get3A_3080 = arith.index_cast %add3A_3079 : i32 to index
      %get3A_3081 = tpu.vector_load %arg13[%get3A_3080] {strides = array<i32>} : memref<3584xf32, #tpu.memory_space<vmem>>, vector<16xf32>,
      %mul3A_3082 = arith.mulf %get3A_3081, %add3A_3073 : vector<16xf32>
      %add3A_3083 = arith.addf %get3A_3077, %mul3A_3082 : vector<16xf32>
      %add3A_3084 = arith.constant 176 : i32
      %add3A_3085 = arith.addi %multiple_of3A_2135, %add3A_3084 : i32
      %get3A_3086 = arith.index_cast %add3A_3085 : i32 to index
      %get3A_3087 = tpu.vector_load %arg7[%get3A_3086] {strides = array<i32>} : memref<3584xi32, #tpu.memory_space<vmem>>, vector<16xi32>,
      tpu.vector_store_idx %arg18[%get3A_3087], %add3A_3083 {add = true} : memref<50176xf32, #tpu.memory_space<vmem>>[vector<16xi32>], vector<16xf32>,
      %get3A_3088 = arith.constant 1 : i32
      %get3A_3089 = arith.index_cast %get3A_3088 : i32 to index
      %get3A_3090 = arith.constant 176 : index
      %get3A_3091 = tpu.vector_load %arg17[%get3A_3089, %get3A_3090] {strides = array<i32>} : memref<9x256xf32, #tpu.memory_space<vmem>>, vector<16xf32>,
      %get3A_3092 = arith.constant 4 : i32
      %get3A_3093 = arith.index_cast %get3A_3092 : i32 to index
      %get3A_3094 = arith.constant 176 : index
      %get3A_3095 = tpu.vector_load %arg17[%get3A_3093, %get3A_3094] {strides = array<i32>} : memref<9x256xf32, #tpu.memory_space<vmem>>, vector<16xf32>,
      %add3A_3096 = arith.addf %get3A_3091, %get3A_3095 : vector<16xf32>
      %get3A_3097 = arith.constant 7 : i32
      %get3A_3098 = arith.index_cast %get3A_3097 : i32 to index
      %get3A_3099 = arith.constant 176 : index
      %get3A_3100 = tpu.vector_load %arg17[%get3A_3098, %get3A_3099] {strides = array<i32>} : memref<9x256xf32, #tpu.memory_space<vmem>>, vector<16xf32>,
      %add3A_3101 = arith.addf %add3A_3096, %get3A_3100 : vector<16xf32>
      %add3A_3102 = arith.constant 176 : i32
      %add3A_3103 = arith.addi %multiple_of3A_2135, %add3A_3102 : i32
      %get3A_3104 = arith.index_cast %add3A_3103 : i32 to index
      %get3A_3105 = tpu.vector_load %arg11[%get3A_3104] {strides = array<i32>} : memref<3584xf32, #tpu.memory_space<vmem>>, vector<16xf32>,
      %add3A_3106 = arith.constant 176 : i32
      %add3A_3107 = arith.addi %multiple_of3A_2135, %add3A_3106 : i32
      %get3A_3108 = arith.index_cast %add3A_3107 : i32 to index
      %get3A_3109 = tpu.vector_load %arg14[%get3A_3108] {strides = array<i32>} : memref<3584xf32, #tpu.memory_space<vmem>>, vector<16xf32>,
      %mul3A_3110 = arith.mulf %get3A_3109, %add3A_3101 : vector<16xf32>
      %add3A_3111 = arith.addf %get3A_3105, %mul3A_3110 : vector<16xf32>
      %add3A_3112 = arith.constant 176 : i32
      %add3A_3113 = arith.addi %multiple_of3A_2135, %add3A_3112 : i32
      %get3A_3114 = arith.index_cast %add3A_3113 : i32 to index
      %get3A_3115 = tpu.vector_load %arg8[%get3A_3114] {strides = array<i32>} : memref<3584xi32, #tpu.memory_space<vmem>>, vector<16xi32>,
      tpu.vector_store_idx %arg18[%get3A_3115], %add3A_3111 {add = true} : memref<50176xf32, #tpu.memory_space<vmem>>[vector<16xi32>], vector<16xf32>,
      %get3A_3116 = arith.constant 2 : i32
      %get3A_3117 = arith.index_cast %get3A_3116 : i32 to index
      %get3A_3118 = arith.constant 176 : index
      %get3A_3119 = tpu.vector_load %arg17[%get3A_3117, %get3A_3118] {strides = array<i32>} : memref<9x256xf32, #tpu.memory_space<vmem>>, vector<16xf32>,
      %get3A_3120 = arith.constant 5 : i32
      %get3A_3121 = arith.index_cast %get3A_3120 : i32 to index
      %get3A_3122 = arith.constant 176 : index
      %get3A_3123 = tpu.vector_load %arg17[%get3A_3121, %get3A_3122] {strides = array<i32>} : memref<9x256xf32, #tpu.memory_space<vmem>>, vector<16xf32>,
      %add3A_3124 = arith.addf %get3A_3119, %get3A_3123 : vector<16xf32>
      %get3A_3125 = arith.constant 8 : i32
      %get3A_3126 = arith.index_cast %get3A_3125 : i32 to index
      %get3A_3127 = arith.constant 176 : index
      %get3A_3128 = tpu.vector_load %arg17[%get3A_3126, %get3A_3127] {strides = array<i32>} : memref<9x256xf32, #tpu.memory_space<vmem>>, vector<16xf32>,
      %add3A_3129 = arith.addf %add3A_3124, %get3A_3128 : vector<16xf32>
      %add3A_3130 = arith.constant 176 : i32
      %add3A_3131 = arith.addi %multiple_of3A_2135, %add3A_3130 : i32
      %get3A_3132 = arith.index_cast %add3A_3131 : i32 to index
      %get3A_3133 = tpu.vector_load %arg12[%get3A_3132] {strides = array<i32>} : memref<3584xf32, #tpu.memory_space<vmem>>, vector<16xf32>,
      %add3A_3134 = arith.constant 176 : i32
      %add3A_3135 = arith.addi %multiple_of3A_2135, %add3A_3134 : i32
      %get3A_3136 = arith.index_cast %add3A_3135 : i32 to index
      %get3A_3137 = tpu.vector_load %arg15[%get3A_3136] {strides = array<i32>} : memref<3584xf32, #tpu.memory_space<vmem>>, vector<16xf32>,
      %mul3A_3138 = arith.mulf %get3A_3137, %add3A_3129 : vector<16xf32>
      %add3A_3139 = arith.addf %get3A_3133, %mul3A_3138 : vector<16xf32>
      %add3A_3140 = arith.constant 176 : i32
      %add3A_3141 = arith.addi %multiple_of3A_2135, %add3A_3140 : i32
      %get3A_3142 = arith.index_cast %add3A_3141 : i32 to index
      %get3A_3143 = tpu.vector_load %arg9[%get3A_3142] {strides = array<i32>} : memref<3584xi32, #tpu.memory_space<vmem>>, vector<16xi32>,
      tpu.vector_store_idx %arg18[%get3A_3143], %add3A_3139 {add = true} : memref<50176xf32, #tpu.memory_space<vmem>>[vector<16xi32>], vector<16xf32>,
      %get3A_3144 = arith.constant 0 : i32
      %get3A_3145 = arith.index_cast %get3A_3144 : i32 to index
      %get3A_3146 = arith.constant 192 : index
      %get3A_3147 = tpu.vector_load %arg17[%get3A_3145, %get3A_3146] {strides = array<i32>} : memref<9x256xf32, #tpu.memory_space<vmem>>, vector<16xf32>,
      %get3A_3148 = arith.constant 3 : i32
      %get3A_3149 = arith.index_cast %get3A_3148 : i32 to index
      %get3A_3150 = arith.constant 192 : index
      %get3A_3151 = tpu.vector_load %arg17[%get3A_3149, %get3A_3150] {strides = array<i32>} : memref<9x256xf32, #tpu.memory_space<vmem>>, vector<16xf32>,
      %add3A_3152 = arith.addf %get3A_3147, %get3A_3151 : vector<16xf32>
      %get3A_3153 = arith.constant 6 : i32
      %get3A_3154 = arith.index_cast %get3A_3153 : i32 to index
      %get3A_3155 = arith.constant 192 : index
      %get3A_3156 = tpu.vector_load %arg17[%get3A_3154, %get3A_3155] {strides = array<i32>} : memref<9x256xf32, #tpu.memory_space<vmem>>, vector<16xf32>,
      %add3A_3157 = arith.addf %add3A_3152, %get3A_3156 : vector<16xf32>
      %add3A_3158 = arith.constant 192 : i32
      %add3A_3159 = arith.addi %multiple_of3A_2135, %add3A_3158 : i32
      %get3A_3160 = arith.index_cast %add3A_3159 : i32 to index
      %get3A_3161 = tpu.vector_load %arg10[%get3A_3160] {strides = array<i32>} : memref<3584xf32, #tpu.memory_space<vmem>>, vector<16xf32>,
      %add3A_3162 = arith.constant 192 : i32
      %add3A_3163 = arith.addi %multiple_of3A_2135, %add3A_3162 : i32
      %get3A_3164 = arith.index_cast %add3A_3163 : i32 to index
      %get3A_3165 = tpu.vector_load %arg13[%get3A_3164] {strides = array<i32>} : memref<3584xf32, #tpu.memory_space<vmem>>, vector<16xf32>,
      %mul3A_3166 = arith.mulf %get3A_3165, %add3A_3157 : vector<16xf32>
      %add3A_3167 = arith.addf %get3A_3161, %mul3A_3166 : vector<16xf32>
      %add3A_3168 = arith.constant 192 : i32
      %add3A_3169 = arith.addi %multiple_of3A_2135, %add3A_3168 : i32
      %get3A_3170 = arith.index_cast %add3A_3169 : i32 to index
      %get3A_3171 = tpu.vector_load %arg7[%get3A_3170] {strides = array<i32>} : memref<3584xi32, #tpu.memory_space<vmem>>, vector<16xi32>,
      tpu.vector_store_idx %arg18[%get3A_3171], %add3A_3167 {add = true} : memref<50176xf32, #tpu.memory_space<vmem>>[vector<16xi32>], vector<16xf32>,
      %get3A_3172 = arith.constant 1 : i32
      %get3A_3173 = arith.index_cast %get3A_3172 : i32 to index
      %get3A_3174 = arith.constant 192 : index
      %get3A_3175 = tpu.vector_load %arg17[%get3A_3173, %get3A_3174] {strides = array<i32>} : memref<9x256xf32, #tpu.memory_space<vmem>>, vector<16xf32>,
      %get3A_3176 = arith.constant 4 : i32
      %get3A_3177 = arith.index_cast %get3A_3176 : i32 to index
      %get3A_3178 = arith.constant 192 : index
      %get3A_3179 = tpu.vector_load %arg17[%get3A_3177, %get3A_3178] {strides = array<i32>} : memref<9x256xf32, #tpu.memory_space<vmem>>, vector<16xf32>,
      %add3A_3180 = arith.addf %get3A_3175, %get3A_3179 : vector<16xf32>
      %get3A_3181 = arith.constant 7 : i32
      %get3A_3182 = arith.index_cast %get3A_3181 : i32 to index
      %get3A_3183 = arith.constant 192 : index
      %get3A_3184 = tpu.vector_load %arg17[%get3A_3182, %get3A_3183] {strides = array<i32>} : memref<9x256xf32, #tpu.memory_space<vmem>>, vector<16xf32>,
      %add3A_3185 = arith.addf %add3A_3180, %get3A_3184 : vector<16xf32>
      %add3A_3186 = arith.constant 192 : i32
      %add3A_3187 = arith.addi %multiple_of3A_2135, %add3A_3186 : i32
      %get3A_3188 = arith.index_cast %add3A_3187 : i32 to index
      %get3A_3189 = tpu.vector_load %arg11[%get3A_3188] {strides = array<i32>} : memref<3584xf32, #tpu.memory_space<vmem>>, vector<16xf32>,
      %add3A_3190 = arith.constant 192 : i32
      %add3A_3191 = arith.addi %multiple_of3A_2135, %add3A_3190 : i32
      %get3A_3192 = arith.index_cast %add3A_3191 : i32 to index
      %get3A_3193 = tpu.vector_load %arg14[%get3A_3192] {strides = array<i32>} : memref<3584xf32, #tpu.memory_space<vmem>>, vector<16xf32>,
      %mul3A_3194 = arith.mulf %get3A_3193, %add3A_3185 : vector<16xf32>
      %add3A_3195 = arith.addf %get3A_3189, %mul3A_3194 : vector<16xf32>
      %add3A_3196 = arith.constant 192 : i32
      %add3A_3197 = arith.addi %multiple_of3A_2135, %add3A_3196 : i32
      %get3A_3198 = arith.index_cast %add3A_3197 : i32 to index
      %get3A_3199 = tpu.vector_load %arg8[%get3A_3198] {strides = array<i32>} : memref<3584xi32, #tpu.memory_space<vmem>>, vector<16xi32>,
      tpu.vector_store_idx %arg18[%get3A_3199], %add3A_3195 {add = true} : memref<50176xf32, #tpu.memory_space<vmem>>[vector<16xi32>], vector<16xf32>,
      %get3A_3200 = arith.constant 2 : i32
      %get3A_3201 = arith.index_cast %get3A_3200 : i32 to index
      %get3A_3202 = arith.constant 192 : index
      %get3A_3203 = tpu.vector_load %arg17[%get3A_3201, %get3A_3202] {strides = array<i32>} : memref<9x256xf32, #tpu.memory_space<vmem>>, vector<16xf32>,
      %get3A_3204 = arith.constant 5 : i32
      %get3A_3205 = arith.index_cast %get3A_3204 : i32 to index
      %get3A_3206 = arith.constant 192 : index
      %get3A_3207 = tpu.vector_load %arg17[%get3A_3205, %get3A_3206] {strides = array<i32>} : memref<9x256xf32, #tpu.memory_space<vmem>>, vector<16xf32>,
      %add3A_3208 = arith.addf %get3A_3203, %get3A_3207 : vector<16xf32>
      %get3A_3209 = arith.constant 8 : i32
      %get3A_3210 = arith.index_cast %get3A_3209 : i32 to index
      %get3A_3211 = arith.constant 192 : index
      %get3A_3212 = tpu.vector_load %arg17[%get3A_3210, %get3A_3211] {strides = array<i32>} : memref<9x256xf32, #tpu.memory_space<vmem>>, vector<16xf32>,
      %add3A_3213 = arith.addf %add3A_3208, %get3A_3212 : vector<16xf32>
      %add3A_3214 = arith.constant 192 : i32
      %add3A_3215 = arith.addi %multiple_of3A_2135, %add3A_3214 : i32
      %get3A_3216 = arith.index_cast %add3A_3215 : i32 to index
      %get3A_3217 = tpu.vector_load %arg12[%get3A_3216] {strides = array<i32>} : memref<3584xf32, #tpu.memory_space<vmem>>, vector<16xf32>,
      %add3A_3218 = arith.constant 192 : i32
      %add3A_3219 = arith.addi %multiple_of3A_2135, %add3A_3218 : i32
      %get3A_3220 = arith.index_cast %add3A_3219 : i32 to index
      %get3A_3221 = tpu.vector_load %arg15[%get3A_3220] {strides = array<i32>} : memref<3584xf32, #tpu.memory_space<vmem>>, vector<16xf32>,
      %mul3A_3222 = arith.mulf %get3A_3221, %add3A_3213 : vector<16xf32>
      %add3A_3223 = arith.addf %get3A_3217, %mul3A_3222 : vector<16xf32>
      %add3A_3224 = arith.constant 192 : i32
      %add3A_3225 = arith.addi %multiple_of3A_2135, %add3A_3224 : i32
      %get3A_3226 = arith.index_cast %add3A_3225 : i32 to index
      %get3A_3227 = tpu.vector_load %arg9[%get3A_3226] {strides = array<i32>} : memref<3584xi32, #tpu.memory_space<vmem>>, vector<16xi32>,
      tpu.vector_store_idx %arg18[%get3A_3227], %add3A_3223 {add = true} : memref<50176xf32, #tpu.memory_space<vmem>>[vector<16xi32>], vector<16xf32>,
      %get3A_3228 = arith.constant 0 : i32
      %get3A_3229 = arith.index_cast %get3A_3228 : i32 to index
      %get3A_3230 = arith.constant 208 : index
      %get3A_3231 = tpu.vector_load %arg17[%get3A_3229, %get3A_3230] {strides = array<i32>} : memref<9x256xf32, #tpu.memory_space<vmem>>, vector<16xf32>,
      %get3A_3232 = arith.constant 3 : i32
      %get3A_3233 = arith.index_cast %get3A_3232 : i32 to index
      %get3A_3234 = arith.constant 208 : index
      %get3A_3235 = tpu.vector_load %arg17[%get3A_3233, %get3A_3234] {strides = array<i32>} : memref<9x256xf32, #tpu.memory_space<vmem>>, vector<16xf32>,
      %add3A_3236 = arith.addf %get3A_3231, %get3A_3235 : vector<16xf32>
      %get3A_3237 = arith.constant 6 : i32
      %get3A_3238 = arith.index_cast %get3A_3237 : i32 to index
      %get3A_3239 = arith.constant 208 : index
      %get3A_3240 = tpu.vector_load %arg17[%get3A_3238, %get3A_3239] {strides = array<i32>} : memref<9x256xf32, #tpu.memory_space<vmem>>, vector<16xf32>,
      %add3A_3241 = arith.addf %add3A_3236, %get3A_3240 : vector<16xf32>
      %add3A_3242 = arith.constant 208 : i32
      %add3A_3243 = arith.addi %multiple_of3A_2135, %add3A_3242 : i32
      %get3A_3244 = arith.index_cast %add3A_3243 : i32 to index
      %get3A_3245 = tpu.vector_load %arg10[%get3A_3244] {strides = array<i32>} : memref<3584xf32, #tpu.memory_space<vmem>>, vector<16xf32>,
      %add3A_3246 = arith.constant 208 : i32
      %add3A_3247 = arith.addi %multiple_of3A_2135, %add3A_3246 : i32
      %get3A_3248 = arith.index_cast %add3A_3247 : i32 to index
      %get3A_3249 = tpu.vector_load %arg13[%get3A_3248] {strides = array<i32>} : memref<3584xf32, #tpu.memory_space<vmem>>, vector<16xf32>,
      %mul3A_3250 = arith.mulf %get3A_3249, %add3A_3241 : vector<16xf32>
      %add3A_3251 = arith.addf %get3A_3245, %mul3A_3250 : vector<16xf32>
      %add3A_3252 = arith.constant 208 : i32
      %add3A_3253 = arith.addi %multiple_of3A_2135, %add3A_3252 : i32
      %get3A_3254 = arith.index_cast %add3A_3253 : i32 to index
      %get3A_3255 = tpu.vector_load %arg7[%get3A_3254] {strides = array<i32>} : memref<3584xi32, #tpu.memory_space<vmem>>, vector<16xi32>,
      tpu.vector_store_idx %arg18[%get3A_3255], %add3A_3251 {add = true} : memref<50176xf32, #tpu.memory_space<vmem>>[vector<16xi32>], vector<16xf32>,
      %get3A_3256 = arith.constant 1 : i32
      %get3A_3257 = arith.index_cast %get3A_3256 : i32 to index
      %get3A_3258 = arith.constant 208 : index
      %get3A_3259 = tpu.vector_load %arg17[%get3A_3257, %get3A_3258] {strides = array<i32>} : memref<9x256xf32, #tpu.memory_space<vmem>>, vector<16xf32>,
      %get3A_3260 = arith.constant 4 : i32
      %get3A_3261 = arith.index_cast %get3A_3260 : i32 to index
      %get3A_3262 = arith.constant 208 : index
      %get3A_3263 = tpu.vector_load %arg17[%get3A_3261, %get3A_3262] {strides = array<i32>} : memref<9x256xf32, #tpu.memory_space<vmem>>, vector<16xf32>,
      %add3A_3264 = arith.addf %get3A_3259, %get3A_3263 : vector<16xf32>
      %get3A_3265 = arith.constant 7 : i32
      %get3A_3266 = arith.index_cast %get3A_3265 : i32 to index
      %get3A_3267 = arith.constant 208 : index
      %get3A_3268 = tpu.vector_load %arg17[%get3A_3266, %get3A_3267] {strides = array<i32>} : memref<9x256xf32, #tpu.memory_space<vmem>>, vector<16xf32>,
      %add3A_3269 = arith.addf %add3A_3264, %get3A_3268 : vector<16xf32>
      %add3A_3270 = arith.constant 208 : i32
      %add3A_3271 = arith.addi %multiple_of3A_2135, %add3A_3270 : i32
      %get3A_3272 = arith.index_cast %add3A_3271 : i32 to index
      %get3A_3273 = tpu.vector_load %arg11[%get3A_3272] {strides = array<i32>} : memref<3584xf32, #tpu.memory_space<vmem>>, vector<16xf32>,
      %add3A_3274 = arith.constant 208 : i32
      %add3A_3275 = arith.addi %multiple_of3A_2135, %add3A_3274 : i32
      %get3A_3276 = arith.index_cast %add3A_3275 : i32 to index
      %get3A_3277 = tpu.vector_load %arg14[%get3A_3276] {strides = array<i32>} : memref<3584xf32, #tpu.memory_space<vmem>>, vector<16xf32>,
      %mul3A_3278 = arith.mulf %get3A_3277, %add3A_3269 : vector<16xf32>
      %add3A_3279 = arith.addf %get3A_3273, %mul3A_3278 : vector<16xf32>
      %add3A_3280 = arith.constant 208 : i32
      %add3A_3281 = arith.addi %multiple_of3A_2135, %add3A_3280 : i32
      %get3A_3282 = arith.index_cast %add3A_3281 : i32 to index
      %get3A_3283 = tpu.vector_load %arg8[%get3A_3282] {strides = array<i32>} : memref<3584xi32, #tpu.memory_space<vmem>>, vector<16xi32>,
      tpu.vector_store_idx %arg18[%get3A_3283], %add3A_3279 {add = true} : memref<50176xf32, #tpu.memory_space<vmem>>[vector<16xi32>], vector<16xf32>,
      %get3A_3284 = arith.constant 2 : i32
      %get3A_3285 = arith.index_cast %get3A_3284 : i32 to index
      %get3A_3286 = arith.constant 208 : index
      %get3A_3287 = tpu.vector_load %arg17[%get3A_3285, %get3A_3286] {strides = array<i32>} : memref<9x256xf32, #tpu.memory_space<vmem>>, vector<16xf32>,
      %get3A_3288 = arith.constant 5 : i32
      %get3A_3289 = arith.index_cast %get3A_3288 : i32 to index
      %get3A_3290 = arith.constant 208 : index
      %get3A_3291 = tpu.vector_load %arg17[%get3A_3289, %get3A_3290] {strides = array<i32>} : memref<9x256xf32, #tpu.memory_space<vmem>>, vector<16xf32>,
      %add3A_3292 = arith.addf %get3A_3287, %get3A_3291 : vector<16xf32>
      %get3A_3293 = arith.constant 8 : i32
      %get3A_3294 = arith.index_cast %get3A_3293 : i32 to index
      %get3A_3295 = arith.constant 208 : index
      %get3A_3296 = tpu.vector_load %arg17[%get3A_3294, %get3A_3295] {strides = array<i32>} : memref<9x256xf32, #tpu.memory_space<vmem>>, vector<16xf32>,
      %add3A_3297 = arith.addf %add3A_3292, %get3A_3296 : vector<16xf32>
      %add3A_3298 = arith.constant 208 : i32
      %add3A_3299 = arith.addi %multiple_of3A_2135, %add3A_3298 : i32
      %get3A_3300 = arith.index_cast %add3A_3299 : i32 to index
      %get3A_3301 = tpu.vector_load %arg12[%get3A_3300] {strides = array<i32>} : memref<3584xf32, #tpu.memory_space<vmem>>, vector<16xf32>,
      %add3A_3302 = arith.constant 208 : i32
      %add3A_3303 = arith.addi %multiple_of3A_2135, %add3A_3302 : i32
      %get3A_3304 = arith.index_cast %add3A_3303 : i32 to index
      %get3A_3305 = tpu.vector_load %arg15[%get3A_3304] {strides = array<i32>} : memref<3584xf32, #tpu.memory_space<vmem>>, vector<16xf32>,
      %mul3A_3306 = arith.mulf %get3A_3305, %add3A_3297 : vector<16xf32>
      %add3A_3307 = arith.addf %get3A_3301, %mul3A_3306 : vector<16xf32>
      %add3A_3308 = arith.constant 208 : i32
      %add3A_3309 = arith.addi %multiple_of3A_2135, %add3A_3308 : i32
      %get3A_3310 = arith.index_cast %add3A_3309 : i32 to index
      %get3A_3311 = tpu.vector_load %arg9[%get3A_3310] {strides = array<i32>} : memref<3584xi32, #tpu.memory_space<vmem>>, vector<16xi32>,
      tpu.vector_store_idx %arg18[%get3A_3311], %add3A_3307 {add = true} : memref<50176xf32, #tpu.memory_space<vmem>>[vector<16xi32>], vector<16xf32>,
      %get3A_3312 = arith.constant 0 : i32
      %get3A_3313 = arith.index_cast %get3A_3312 : i32 to index
      %get3A_3314 = arith.constant 224 : index
      %get3A_3315 = tpu.vector_load %arg17[%get3A_3313, %get3A_3314] {strides = array<i32>} : memref<9x256xf32, #tpu.memory_space<vmem>>, vector<16xf32>,
      %get3A_3316 = arith.constant 3 : i32
      %get3A_3317 = arith.index_cast %get3A_3316 : i32 to index
      %get3A_3318 = arith.constant 224 : index
      %get3A_3319 = tpu.vector_load %arg17[%get3A_3317, %get3A_3318] {strides = array<i32>} : memref<9x256xf32, #tpu.memory_space<vmem>>, vector<16xf32>,
      %add3A_3320 = arith.addf %get3A_3315, %get3A_3319 : vector<16xf32>
      %get3A_3321 = arith.constant 6 : i32
      %get3A_3322 = arith.index_cast %get3A_3321 : i32 to index
      %get3A_3323 = arith.constant 224 : index
      %get3A_3324 = tpu.vector_load %arg17[%get3A_3322, %get3A_3323] {strides = array<i32>} : memref<9x256xf32, #tpu.memory_space<vmem>>, vector<16xf32>,
      %add3A_3325 = arith.addf %add3A_3320, %get3A_3324 : vector<16xf32>
      %add3A_3326 = arith.constant 224 : i32
      %add3A_3327 = arith.addi %multiple_of3A_2135, %add3A_3326 : i32
      %get3A_3328 = arith.index_cast %add3A_3327 : i32 to index
      %get3A_3329 = tpu.vector_load %arg10[%get3A_3328] {strides = array<i32>} : memref<3584xf32, #tpu.memory_space<vmem>>, vector<16xf32>,
      %add3A_3330 = arith.constant 224 : i32
      %add3A_3331 = arith.addi %multiple_of3A_2135, %add3A_3330 : i32
      %get3A_3332 = arith.index_cast %add3A_3331 : i32 to index
      %get3A_3333 = tpu.vector_load %arg13[%get3A_3332] {strides = array<i32>} : memref<3584xf32, #tpu.memory_space<vmem>>, vector<16xf32>,
      %mul3A_3334 = arith.mulf %get3A_3333, %add3A_3325 : vector<16xf32>
      %add3A_3335 = arith.addf %get3A_3329, %mul3A_3334 : vector<16xf32>
      %add3A_3336 = arith.constant 224 : i32
      %add3A_3337 = arith.addi %multiple_of3A_2135, %add3A_3336 : i32
      %get3A_3338 = arith.index_cast %add3A_3337 : i32 to index
      %get3A_3339 = tpu.vector_load %arg7[%get3A_3338] {strides = array<i32>} : memref<3584xi32, #tpu.memory_space<vmem>>, vector<16xi32>,
      tpu.vector_store_idx %arg18[%get3A_3339], %add3A_3335 {add = true} : memref<50176xf32, #tpu.memory_space<vmem>>[vector<16xi32>], vector<16xf32>,
      %get3A_3340 = arith.constant 1 : i32
      %get3A_3341 = arith.index_cast %get3A_3340 : i32 to index
      %get3A_3342 = arith.constant 224 : index
      %get3A_3343 = tpu.vector_load %arg17[%get3A_3341, %get3A_3342] {strides = array<i32>} : memref<9x256xf32, #tpu.memory_space<vmem>>, vector<16xf32>,
      %get3A_3344 = arith.constant 4 : i32
      %get3A_3345 = arith.index_cast %get3A_3344 : i32 to index
      %get3A_3346 = arith.constant 224 : index
      %get3A_3347 = tpu.vector_load %arg17[%get3A_3345, %get3A_3346] {strides = array<i32>} : memref<9x256xf32, #tpu.memory_space<vmem>>, vector<16xf32>,
      %add3A_3348 = arith.addf %get3A_3343, %get3A_3347 : vector<16xf32>
      %get3A_3349 = arith.constant 7 : i32
      %get3A_3350 = arith.index_cast %get3A_3349 : i32 to index
      %get3A_3351 = arith.constant 224 : index
      %get3A_3352 = tpu.vector_load %arg17[%get3A_3350, %get3A_3351] {strides = array<i32>} : memref<9x256xf32, #tpu.memory_space<vmem>>, vector<16xf32>,
      %add3A_3353 = arith.addf %add3A_3348, %get3A_3352 : vector<16xf32>
      %add3A_3354 = arith.constant 224 : i32
      %add3A_3355 = arith.addi %multiple_of3A_2135, %add3A_3354 : i32
      %get3A_3356 = arith.index_cast %add3A_3355 : i32 to index
      %get3A_3357 = tpu.vector_load %arg11[%get3A_3356] {strides = array<i32>} : memref<3584xf32, #tpu.memory_space<vmem>>, vector<16xf32>,
      %add3A_3358 = arith.constant 224 : i32
      %add3A_3359 = arith.addi %multiple_of3A_2135, %add3A_3358 : i32
      %get3A_3360 = arith.index_cast %add3A_3359 : i32 to index
      %get3A_3361 = tpu.vector_load %arg14[%get3A_3360] {strides = array<i32>} : memref<3584xf32, #tpu.memory_space<vmem>>, vector<16xf32>,
      %mul3A_3362 = arith.mulf %get3A_3361, %add3A_3353 : vector<16xf32>
      %add3A_3363 = arith.addf %get3A_3357, %mul3A_3362 : vector<16xf32>
      %add3A_3364 = arith.constant 224 : i32
      %add3A_3365 = arith.addi %multiple_of3A_2135, %add3A_3364 : i32
      %get3A_3366 = arith.index_cast %add3A_3365 : i32 to index
      %get3A_3367 = tpu.vector_load %arg8[%get3A_3366] {strides = array<i32>} : memref<3584xi32, #tpu.memory_space<vmem>>, vector<16xi32>,
      tpu.vector_store_idx %arg18[%get3A_3367], %add3A_3363 {add = true} : memref<50176xf32, #tpu.memory_space<vmem>>[vector<16xi32>], vector<16xf32>,
      %get3A_3368 = arith.constant 2 : i32
      %get3A_3369 = arith.index_cast %get3A_3368 : i32 to index
      %get3A_3370 = arith.constant 224 : index
      %get3A_3371 = tpu.vector_load %arg17[%get3A_3369, %get3A_3370] {strides = array<i32>} : memref<9x256xf32, #tpu.memory_space<vmem>>, vector<16xf32>,
      %get3A_3372 = arith.constant 5 : i32
      %get3A_3373 = arith.index_cast %get3A_3372 : i32 to index
      %get3A_3374 = arith.constant 224 : index
      %get3A_3375 = tpu.vector_load %arg17[%get3A_3373, %get3A_3374] {strides = array<i32>} : memref<9x256xf32, #tpu.memory_space<vmem>>, vector<16xf32>,
      %add3A_3376 = arith.addf %get3A_3371, %get3A_3375 : vector<16xf32>
      %get3A_3377 = arith.constant 8 : i32
      %get3A_3378 = arith.index_cast %get3A_3377 : i32 to index
      %get3A_3379 = arith.constant 224 : index
      %get3A_3380 = tpu.vector_load %arg17[%get3A_3378, %get3A_3379] {strides = array<i32>} : memref<9x256xf32, #tpu.memory_space<vmem>>, vector<16xf32>,
      %add3A_3381 = arith.addf %add3A_3376, %get3A_3380 : vector<16xf32>
      %add3A_3382 = arith.constant 224 : i32
      %add3A_3383 = arith.addi %multiple_of3A_2135, %add3A_3382 : i32
      %get3A_3384 = arith.index_cast %add3A_3383 : i32 to index
      %get3A_3385 = tpu.vector_load %arg12[%get3A_3384] {strides = array<i32>} : memref<3584xf32, #tpu.memory_space<vmem>>, vector<16xf32>,
      %add3A_3386 = arith.constant 224 : i32
      %add3A_3387 = arith.addi %multiple_of3A_2135, %add3A_3386 : i32
      %get3A_3388 = arith.index_cast %add3A_3387 : i32 to index
      %get3A_3389 = tpu.vector_load %arg15[%get3A_3388] {strides = array<i32>} : memref<3584xf32, #tpu.memory_space<vmem>>, vector<16xf32>,
      %mul3A_3390 = arith.mulf %get3A_3389, %add3A_3381 : vector<16xf32>
      %add3A_3391 = arith.addf %get3A_3385, %mul3A_3390 : vector<16xf32>
      %add3A_3392 = arith.constant 224 : i32
      %add3A_3393 = arith.addi %multiple_of3A_2135, %add3A_3392 : i32
      %get3A_3394 = arith.index_cast %add3A_3393 : i32 to index
      %get3A_3395 = tpu.vector_load %arg9[%get3A_3394] {strides = array<i32>} : memref<3584xi32, #tpu.memory_space<vmem>>, vector<16xi32>,
      tpu.vector_store_idx %arg18[%get3A_3395], %add3A_3391 {add = true} : memref<50176xf32, #tpu.memory_space<vmem>>[vector<16xi32>], vector<16xf32>,
      %get3A_3396 = arith.constant 0 : i32
      %get3A_3397 = arith.index_cast %get3A_3396 : i32 to index
      %get3A_3398 = arith.constant 240 : index
      %get3A_3399 = tpu.vector_load %arg17[%get3A_3397, %get3A_3398] {strides = array<i32>} : memref<9x256xf32, #tpu.memory_space<vmem>>, vector<16xf32>,
      %get3A_3400 = arith.constant 3 : i32
      %get3A_3401 = arith.index_cast %get3A_3400 : i32 to index
      %get3A_3402 = arith.constant 240 : index
      %get3A_3403 = tpu.vector_load %arg17[%get3A_3401, %get3A_3402] {strides = array<i32>} : memref<9x256xf32, #tpu.memory_space<vmem>>, vector<16xf32>,
      %add3A_3404 = arith.addf %get3A_3399, %get3A_3403 : vector<16xf32>
      %get3A_3405 = arith.constant 6 : i32
      %get3A_3406 = arith.index_cast %get3A_3405 : i32 to index
      %get3A_3407 = arith.constant 240 : index
      %get3A_3408 = tpu.vector_load %arg17[%get3A_3406, %get3A_3407] {strides = array<i32>} : memref<9x256xf32, #tpu.memory_space<vmem>>, vector<16xf32>,
      %add3A_3409 = arith.addf %add3A_3404, %get3A_3408 : vector<16xf32>
      %add3A_3410 = arith.constant 240 : i32
      %add3A_3411 = arith.addi %multiple_of3A_2135, %add3A_3410 : i32
      %get3A_3412 = arith.index_cast %add3A_3411 : i32 to index
      %get3A_3413 = tpu.vector_load %arg10[%get3A_3412] {strides = array<i32>} : memref<3584xf32, #tpu.memory_space<vmem>>, vector<16xf32>,
      %add3A_3414 = arith.constant 240 : i32
      %add3A_3415 = arith.addi %multiple_of3A_2135, %add3A_3414 : i32
      %get3A_3416 = arith.index_cast %add3A_3415 : i32 to index
      %get3A_3417 = tpu.vector_load %arg13[%get3A_3416] {strides = array<i32>} : memref<3584xf32, #tpu.memory_space<vmem>>, vector<16xf32>,
      %mul3A_3418 = arith.mulf %get3A_3417, %add3A_3409 : vector<16xf32>
      %add3A_3419 = arith.addf %get3A_3413, %mul3A_3418 : vector<16xf32>
      %add3A_3420 = arith.constant 240 : i32
      %add3A_3421 = arith.addi %multiple_of3A_2135, %add3A_3420 : i32
      %get3A_3422 = arith.index_cast %add3A_3421 : i32 to index
      %get3A_3423 = tpu.vector_load %arg7[%get3A_3422] {strides = array<i32>} : memref<3584xi32, #tpu.memory_space<vmem>>, vector<16xi32>,
      tpu.vector_store_idx %arg18[%get3A_3423], %add3A_3419 {add = true} : memref<50176xf32, #tpu.memory_space<vmem>>[vector<16xi32>], vector<16xf32>,
      %get3A_3424 = arith.constant 1 : i32
      %get3A_3425 = arith.index_cast %get3A_3424 : i32 to index
      %get3A_3426 = arith.constant 240 : index
      %get3A_3427 = tpu.vector_load %arg17[%get3A_3425, %get3A_3426] {strides = array<i32>} : memref<9x256xf32, #tpu.memory_space<vmem>>, vector<16xf32>,
      %get3A_3428 = arith.constant 4 : i32
      %get3A_3429 = arith.index_cast %get3A_3428 : i32 to index
      %get3A_3430 = arith.constant 240 : index
      %get3A_3431 = tpu.vector_load %arg17[%get3A_3429, %get3A_3430] {strides = array<i32>} : memref<9x256xf32, #tpu.memory_space<vmem>>, vector<16xf32>,
      %add3A_3432 = arith.addf %get3A_3427, %get3A_3431 : vector<16xf32>
      %get3A_3433 = arith.constant 7 : i32
      %get3A_3434 = arith.index_cast %get3A_3433 : i32 to index
      %get3A_3435 = arith.constant 240 : index
      %get3A_3436 = tpu.vector_load %arg17[%get3A_3434, %get3A_3435] {strides = array<i32>} : memref<9x256xf32, #tpu.memory_space<vmem>>, vector<16xf32>,
      %add3A_3437 = arith.addf %add3A_3432, %get3A_3436 : vector<16xf32>
      %add3A_3438 = arith.constant 240 : i32
      %add3A_3439 = arith.addi %multiple_of3A_2135, %add3A_3438 : i32
      %get3A_3440 = arith.index_cast %add3A_3439 : i32 to index
      %get3A_3441 = tpu.vector_load %arg11[%get3A_3440] {strides = array<i32>} : memref<3584xf32, #tpu.memory_space<vmem>>, vector<16xf32>,
      %add3A_3442 = arith.constant 240 : i32
      %add3A_3443 = arith.addi %multiple_of3A_2135, %add3A_3442 : i32
      %get3A_3444 = arith.index_cast %add3A_3443 : i32 to index
      %get3A_3445 = tpu.vector_load %arg14[%get3A_3444] {strides = array<i32>} : memref<3584xf32, #tpu.memory_space<vmem>>, vector<16xf32>,
      %mul3A_3446 = arith.mulf %get3A_3445, %add3A_3437 : vector<16xf32>
      %add3A_3447 = arith.addf %get3A_3441, %mul3A_3446 : vector<16xf32>
      %add3A_3448 = arith.constant 240 : i32
      %add3A_3449 = arith.addi %multiple_of3A_2135, %add3A_3448 : i32
      %get3A_3450 = arith.index_cast %add3A_3449 : i32 to index
      %get3A_3451 = tpu.vector_load %arg8[%get3A_3450] {strides = array<i32>} : memref<3584xi32, #tpu.memory_space<vmem>>, vector<16xi32>,
      tpu.vector_store_idx %arg18[%get3A_3451], %add3A_3447 {add = true} : memref<50176xf32, #tpu.memory_space<vmem>>[vector<16xi32>], vector<16xf32>,
      %get3A_3452 = arith.constant 2 : i32
      %get3A_3453 = arith.index_cast %get3A_3452 : i32 to index
      %get3A_3454 = arith.constant 240 : index
      %get3A_3455 = tpu.vector_load %arg17[%get3A_3453, %get3A_3454] {strides = array<i32>} : memref<9x256xf32, #tpu.memory_space<vmem>>, vector<16xf32>,
      %get3A_3456 = arith.constant 5 : i32
      %get3A_3457 = arith.index_cast %get3A_3456 : i32 to index
      %get3A_3458 = arith.constant 240 : index
      %get3A_3459 = tpu.vector_load %arg17[%get3A_3457, %get3A_3458] {strides = array<i32>} : memref<9x256xf32, #tpu.memory_space<vmem>>, vector<16xf32>,
      %add3A_3460 = arith.addf %get3A_3455, %get3A_3459 : vector<16xf32>
      %get3A_3461 = arith.constant 8 : i32
      %get3A_3462 = arith.index_cast %get3A_3461 : i32 to index
      %get3A_3463 = arith.constant 240 : index
      %get3A_3464 = tpu.vector_load %arg17[%get3A_3462, %get3A_3463] {strides = array<i32>} : memref<9x256xf32, #tpu.memory_space<vmem>>, vector<16xf32>,
      %add3A_3465 = arith.addf %add3A_3460, %get3A_3464 : vector<16xf32>
      %add3A_3466 = arith.constant 240 : i32
      %add3A_3467 = arith.addi %multiple_of3A_2135, %add3A_3466 : i32
      %get3A_3468 = arith.index_cast %add3A_3467 : i32 to index
      %get3A_3469 = tpu.vector_load %arg12[%get3A_3468] {strides = array<i32>} : memref<3584xf32, #tpu.memory_space<vmem>>, vector<16xf32>,
      %add3A_3470 = arith.constant 240 : i32
      %add3A_3471 = arith.addi %multiple_of3A_2135, %add3A_3470 : i32
      %get3A_3472 = arith.index_cast %add3A_3471 : i32 to index
      %get3A_3473 = tpu.vector_load %arg15[%get3A_3472] {strides = array<i32>} : memref<3584xf32, #tpu.memory_space<vmem>>, vector<16xf32>,
      %mul3A_3474 = arith.mulf %get3A_3473, %add3A_3465 : vector<16xf32>
      %add3A_3475 = arith.addf %get3A_3469, %mul3A_3474 : vector<16xf32>
      %add3A_3476 = arith.constant 240 : i32
      %add3A_3477 = arith.addi %multiple_of3A_2135, %add3A_3476 : i32
      %get3A_3478 = arith.index_cast %add3A_3477 : i32 to index
      %get3A_3479 = tpu.vector_load %arg9[%get3A_3478] {strides = array<i32>} : memref<3584xi32, #tpu.memory_space<vmem>>, vector<16xi32>,
      tpu.vector_store_idx %arg18[%get3A_3479], %add3A_3475 {add = true} : memref<50176xf32, #tpu.memory_space<vmem>>[vector<16xi32>], vector<16xf32>,
      %scan3A_3480 = arith.constant 0 : i32
      scf.yield %scan3A_3480 : i32
    }
    %scan3A_348 = arith.constant 7 : i32
    "tpu.region"() ({
      %run_scoped3A = tpu.sem_alloc : memref<!tpu.dma_semaphore, #tpu.memory_space<semaphore_mem>>
      %dma_start3A_349 = arith.constant 0 : i32
      %dma_start3A_350 = tpu.memref_slice %arg18[%dma_start3A_349] : memref<50176xf32, #tpu.memory_space<vmem>> -> memref<50000xf32, #tpu.memory_space<vmem>>
      %dma_start3A_351 = arith.constant 0 : i32
      %dma_start3A_352 = tpu.memref_slice %arg6[%add3A, %dma_start3A_351] : memref<32x50000xf32, #tpu.memory_space<hbm>> -> memref<1x50000xf32, #tpu.memory_space<hbm>>
      %dma_start3A_353 = tpu.memref_squeeze %dma_start3A_352 : memref<1x50000xf32, #tpu.memory_space<hbm>> -> memref<50000xf32, #tpu.memory_space<hbm>>
      %dma_start3A_354 = arith.constant 0 : i32
      %dma_start3A_355 = tpu.memref_slice %arg6[%add3A, %dma_start3A_354] : memref<32x50000xf32, #tpu.memory_space<hbm>> -> memref<1x50000xf32, #tpu.memory_space<hbm>>
      %dma_start3A_356 = tpu.memref_squeeze %dma_start3A_355 : memref<1x50000xf32, #tpu.memory_space<hbm>> -> memref<50000xf32, #tpu.memory_space<hbm>>
      %dma_start3A_357 = arith.constant 0 : i32
      %dma_start3A_358 = tpu.memref_slice %arg18[%dma_start3A_357] : memref<50176xf32, #tpu.memory_space<vmem>> -> memref<50000xf32, #tpu.memory_space<vmem>>
      tpu.enqueue_dma source(%dma_start3A_358 : memref<50000xf32, #tpu.memory_space<vmem>>) target(%dma_start3A_356 : memref<50000xf32, #tpu.memory_space<hbm>>) target_semaphore(%run_scoped3A : memref<!tpu.dma_semaphore, #tpu.memory_space<semaphore_mem>>)
      %dma_wait3A_359 = arith.constant 0 : i32
      %dma_wait3A_360 = tpu.memref_slice %arg18[%dma_wait3A_359] : memref<50176xf32, #tpu.memory_space<vmem>> -> memref<50000xf32, #tpu.memory_space<vmem>>
      %dma_wait3A_361 = arith.constant 0 : i32
      %dma_wait3A_362 = tpu.memref_slice %arg6[%add3A, %dma_wait3A_361] : memref<32x50000xf32, #tpu.memory_space<hbm>> -> memref<1x50000xf32, #tpu.memory_space<hbm>>
      %dma_wait3A_363 = tpu.memref_squeeze %dma_wait3A_362 : memref<1x50000xf32, #tpu.memory_space<hbm>> -> memref<50000xf32, #tpu.memory_space<hbm>>
      %dma_wait3A_364 = arith.constant 0 : i32
      %dma_wait3A_365 = tpu.memref_slice %arg6[%add3A, %dma_wait3A_364] : memref<32x50000xf32, #tpu.memory_space<hbm>> -> memref<1x50000xf32, #tpu.memory_space<hbm>>
      %dma_wait3A_366 = tpu.memref_squeeze %dma_wait3A_365 : memref<1x50000xf32, #tpu.memory_space<hbm>> -> memref<50000xf32, #tpu.memory_space<hbm>>
      %dma_wait3A_367 = arith.constant 0 : i32
      %dma_wait3A_368 = tpu.memref_slice %arg18[%dma_wait3A_367] : memref<50176xf32, #tpu.memory_space<vmem>> -> memref<50000xf32, #tpu.memory_space<vmem>>
      tpu.wait_dma2 semaphore(%run_scoped3A : memref<!tpu.dma_semaphore, #tpu.memory_space<semaphore_mem>>) src(%dma_wait3A_368 : memref<50000xf32, #tpu.memory_space<vmem>>) dst(%dma_wait3A_366 : memref<50000xf32, #tpu.memory_space<hbm>>)
      tpu.yield
    }) : () -> ()
    return
  }
}

module attributes {stable_mosaic.version = 14 : i64} {
  func.func @_proj_body(%arg0: i32, %arg1: memref<8192x128xf32, #tpu.memory_space<vmem>>, %arg2: memref<128x9xf32, #tpu.memory_space<vmem>>, %arg3: memref<9x8192xf32, #tpu.memory_space<vmem>>) attributes {dimension_semantics = [#tpu.dimension_semantics<arbitrary>], iteration_bounds = array<i64: 7>, scalar_prefetch = 0 : i64, scratch_operands = 0 : i64, tpu.core_type = #tpu.core_type<tc>, window_params = [{transform_indices = @transform_0, window_bounds = array<i64: 8192, 128>}, {pipeline_mode = #tpu.pipeline_mode<synchronous>, transform_indices = @transform_1, window_bounds = array<i64: 128, 9>}, {transform_indices = @transform_2, window_bounds = array<i64: 9, 8192>}]} {
    %get3A = arith.constant 0 : index
    %get3A_0 = arith.constant 0 : index
    %get3A_1 = vector.load %arg2[%get3A, %get3A_0] : memref<128x9xf32, #tpu.memory_space<vmem>>, vector<128x9xf32>
    %get3A_2 = arith.constant 0 : index
    %get3A_3 = arith.constant 0 : index
    %get3A_4 = vector.load %arg1[%get3A_2, %get3A_3] : memref<8192x128xf32, #tpu.memory_space<vmem>>, vector<8192x128xf32>
    %dot_general3A = arith.constant dense<0.000000e+00> : vector<9x8192xf32>
    %dot_general3A_5 = tpu.matmul %get3A_1, %get3A_4, %dot_general3A {dimension_numbers = #tpu.dot_dimension_numbers<[0], [1], [1], [0], [0, 1, 1, 0], [], []>, transpose_lhs_hint = false} : vector<128x9xf32>, vector<8192x128xf32>, vector<9x8192xf32> -> vector<9x8192xf32>
    %swap3A = arith.constant 0 : index
    %swap3A_6 = arith.constant 0 : index
    %swap3A_7 = vector.load %arg3[%swap3A, %swap3A_6] : memref<9x8192xf32, #tpu.memory_space<vmem>>, vector<9x8192xf32>
    tpu.vector_store %arg3[%swap3A, %swap3A_6], %dot_general3A_5 {strides = array<i32>} : memref<9x8192xf32, #tpu.memory_space<vmem>>, vector<9x8192xf32>,
    return
  }
  func.func @transform_0(%arg0: i32) -> (i32, i32) {
    %c0_i32 = arith.constant 0 : i32
    %c0_i32_0 = arith.constant 0 : i32
    return %arg0, %c0_i32 : i32, i32
  }
  func.func @transform_1(%arg0: i32) -> (i32, i32) {
    %c0_i32 = arith.constant 0 : i32
    %c0_i32_0 = arith.constant 0 : i32
    %c0_i32_1 = arith.constant 0 : i32
    return %c0_i32, %c0_i32_0 : i32, i32
  }
  func.func @transform_2(%arg0: i32) -> (i32, i32) {
    %c0_i32 = arith.constant 0 : i32
    %c0_i32_0 = arith.constant 0 : i32
    return %c0_i32, %arg0 : i32, i32
  }
}

module attributes {stable_mosaic.version = 14 : i64} {
  func.func @_cbf_body(%arg0: i32, %arg1: memref<2x14336xf32, #tpu.memory_space<vmem>>, %arg2: memref<6x14336xf32, #tpu.memory_space<vmem>>, %arg3: memref<3x14336xf32, #tpu.memory_space<vmem>>, %arg4: memref<8x3xf32, #tpu.memory_space<vmem>>, %arg5: memref<1x1xf32, #tpu.memory_space<vmem>>, %arg6: memref<1x3xf32, #tpu.memory_space<vmem>>, %arg7: memref<1x3xf32, #tpu.memory_space<vmem>>, %arg8: memref<3x14336xf32, #tpu.memory_space<vmem>>) attributes {dimension_semantics = [#tpu.dimension_semantics<arbitrary>], iteration_bounds = array<i64: 8>, scalar_prefetch = 0 : i64, scratch_operands = 0 : i64, tpu.core_type = #tpu.core_type<tc>, window_params = [{transform_indices = @transform_0, window_bounds = array<i64: 2, 14336>}, {transform_indices = @transform_1, window_bounds = array<i64: 6, 14336>}, {transform_indices = @transform_2, window_bounds = array<i64: 3, 14336>}, {pipeline_mode = #tpu.pipeline_mode<synchronous>, transform_indices = @transform_3, window_bounds = array<i64: 8, 3>}, {pipeline_mode = #tpu.pipeline_mode<synchronous>, transform_indices = @transform_4, window_bounds = array<i64: 1, 1>}, {pipeline_mode = #tpu.pipeline_mode<synchronous>, transform_indices = @transform_5, window_bounds = array<i64: 1, 3>}, {pipeline_mode = #tpu.pipeline_mode<synchronous>, transform_indices = @transform_6, window_bounds = array<i64: 1, 3>}, {transform_indices = @transform_7, window_bounds = array<i64: 3, 14336>}]} {
    %get3A = arith.constant 0 : index
    %get3A_0 = arith.constant 0 : index
    %get3A_1 = vector.load %arg5[%get3A, %get3A_0] : memref<1x1xf32, #tpu.memory_space<vmem>>, vector<1x1xf32>
    %get3A_2 = vector.extract %get3A_1[0, 0] : f32 from vector<1x1xf32>
    %get3A_3 = arith.constant 0 : index
    %get3A_4 = arith.constant 0 : index
    %get3A_5 = vector.load %arg6[%get3A_3, %get3A_4] : memref<1x3xf32, #tpu.memory_space<vmem>>, vector<1x1xf32>
    %get3A_6 = vector.extract %get3A_5[0, 0] : f32 from vector<1x1xf32>
    %mul3A = arith.mulf %get3A_2, %get3A_6 : f32
    %get3A_7 = arith.constant 0 : index
    %get3A_8 = arith.constant 0 : index
    %get3A_9 = vector.load %arg7[%get3A_7, %get3A_8] : memref<1x3xf32, #tpu.memory_space<vmem>>, vector<1x1xf32>
    %get3A_10 = vector.extract %get3A_9[0, 0] : f32 from vector<1x1xf32>
    %add3A = arith.addf %mul3A, %get3A_10 : f32
    %broadcast_in_dim3A = vector.broadcast %add3A : f32 to vector<14336xf32>
    %broadcast_in_dim3A_11 = vector.shape_cast %broadcast_in_dim3A : vector<14336xf32> to vector<1x14336xf32>
    %get3A_12 = arith.constant 0 : index
    %get3A_13 = arith.constant 0 : index
    %get3A_14 = vector.load %arg4[%get3A_12, %get3A_13] : memref<8x3xf32, #tpu.memory_space<vmem>>, vector<1x1xf32>
    %get3A_15 = vector.extract %get3A_14[0, 0] : f32 from vector<1x1xf32>
    %get3A_16 = arith.constant 0 : index
    %get3A_17 = arith.constant 0 : index
    %get3A_18 = vector.load %arg1[%get3A_16, %get3A_17] : memref<2x14336xf32, #tpu.memory_space<vmem>>, vector<1x14336xf32>
    %mul3A_19 = vector.broadcast %get3A_15 : f32 to vector<1x14336xf32>
    %mul3A_20 = arith.mulf %mul3A_19, %get3A_18 : vector<1x14336xf32>
    %add3A_21 = arith.addf %broadcast_in_dim3A_11, %mul3A_20 : vector<1x14336xf32>
    %get3A_22 = arith.constant 1 : index
    %get3A_23 = arith.constant 0 : index
    %get3A_24 = vector.load %arg4[%get3A_22, %get3A_23] : memref<8x3xf32, #tpu.memory_space<vmem>>, vector<1x1xf32>
    %get3A_25 = vector.extract %get3A_24[0, 0] : f32 from vector<1x1xf32>
    %get3A_26 = arith.constant 1 : index
    %get3A_27 = arith.constant 0 : index
    %get3A_28 = vector.load %arg1[%get3A_26, %get3A_27] : memref<2x14336xf32, #tpu.memory_space<vmem>>, vector<1x14336xf32>
    %mul3A_29 = vector.broadcast %get3A_25 : f32 to vector<1x14336xf32>
    %mul3A_30 = arith.mulf %mul3A_29, %get3A_28 : vector<1x14336xf32>
    %add3A_31 = arith.addf %add3A_21, %mul3A_30 : vector<1x14336xf32>
    %get3A_32 = arith.constant 2 : index
    %get3A_33 = arith.constant 0 : index
    %get3A_34 = vector.load %arg4[%get3A_32, %get3A_33] : memref<8x3xf32, #tpu.memory_space<vmem>>, vector<1x1xf32>
    %get3A_35 = vector.extract %get3A_34[0, 0] : f32 from vector<1x1xf32>
    %get3A_36 = arith.constant 0 : index
    %get3A_37 = arith.constant 0 : index
    %get3A_38 = vector.load %arg2[%get3A_36, %get3A_37] : memref<6x14336xf32, #tpu.memory_space<vmem>>, vector<1x14336xf32>
    %mul3A_39 = vector.broadcast %get3A_35 : f32 to vector<1x14336xf32>
    %mul3A_40 = arith.mulf %mul3A_39, %get3A_38 : vector<1x14336xf32>
    %add3A_41 = arith.addf %add3A_31, %mul3A_40 : vector<1x14336xf32>
    %get3A_42 = arith.constant 3 : index
    %get3A_43 = arith.constant 0 : index
    %get3A_44 = vector.load %arg4[%get3A_42, %get3A_43] : memref<8x3xf32, #tpu.memory_space<vmem>>, vector<1x1xf32>
    %get3A_45 = vector.extract %get3A_44[0, 0] : f32 from vector<1x1xf32>
    %get3A_46 = arith.constant 1 : index
    %get3A_47 = arith.constant 0 : index
    %get3A_48 = vector.load %arg2[%get3A_46, %get3A_47] : memref<6x14336xf32, #tpu.memory_space<vmem>>, vector<1x14336xf32>
    %mul3A_49 = vector.broadcast %get3A_45 : f32 to vector<1x14336xf32>
    %mul3A_50 = arith.mulf %mul3A_49, %get3A_48 : vector<1x14336xf32>
    %add3A_51 = arith.addf %add3A_41, %mul3A_50 : vector<1x14336xf32>
    %get3A_52 = arith.constant 4 : index
    %get3A_53 = arith.constant 0 : index
    %get3A_54 = vector.load %arg4[%get3A_52, %get3A_53] : memref<8x3xf32, #tpu.memory_space<vmem>>, vector<1x1xf32>
    %get3A_55 = vector.extract %get3A_54[0, 0] : f32 from vector<1x1xf32>
    %get3A_56 = arith.constant 2 : index
    %get3A_57 = arith.constant 0 : index
    %get3A_58 = vector.load %arg2[%get3A_56, %get3A_57] : memref<6x14336xf32, #tpu.memory_space<vmem>>, vector<1x14336xf32>
    %mul3A_59 = vector.broadcast %get3A_55 : f32 to vector<1x14336xf32>
    %mul3A_60 = arith.mulf %mul3A_59, %get3A_58 : vector<1x14336xf32>
    %add3A_61 = arith.addf %add3A_51, %mul3A_60 : vector<1x14336xf32>
    %get3A_62 = arith.constant 5 : index
    %get3A_63 = arith.constant 0 : index
    %get3A_64 = vector.load %arg4[%get3A_62, %get3A_63] : memref<8x3xf32, #tpu.memory_space<vmem>>, vector<1x1xf32>
    %get3A_65 = vector.extract %get3A_64[0, 0] : f32 from vector<1x1xf32>
    %get3A_66 = arith.constant 3 : index
    %get3A_67 = arith.constant 0 : index
    %get3A_68 = vector.load %arg2[%get3A_66, %get3A_67] : memref<6x14336xf32, #tpu.memory_space<vmem>>, vector<1x14336xf32>
    %mul3A_69 = vector.broadcast %get3A_65 : f32 to vector<1x14336xf32>
    %mul3A_70 = arith.mulf %mul3A_69, %get3A_68 : vector<1x14336xf32>
    %add3A_71 = arith.addf %add3A_61, %mul3A_70 : vector<1x14336xf32>
    %get3A_72 = arith.constant 6 : index
    %get3A_73 = arith.constant 0 : index
    %get3A_74 = vector.load %arg4[%get3A_72, %get3A_73] : memref<8x3xf32, #tpu.memory_space<vmem>>, vector<1x1xf32>
    %get3A_75 = vector.extract %get3A_74[0, 0] : f32 from vector<1x1xf32>
    %get3A_76 = arith.constant 4 : index
    %get3A_77 = arith.constant 0 : index
    %get3A_78 = vector.load %arg2[%get3A_76, %get3A_77] : memref<6x14336xf32, #tpu.memory_space<vmem>>, vector<1x14336xf32>
    %mul3A_79 = vector.broadcast %get3A_75 : f32 to vector<1x14336xf32>
    %mul3A_80 = arith.mulf %mul3A_79, %get3A_78 : vector<1x14336xf32>
    %add3A_81 = arith.addf %add3A_71, %mul3A_80 : vector<1x14336xf32>
    %get3A_82 = arith.constant 7 : index
    %get3A_83 = arith.constant 0 : index
    %get3A_84 = vector.load %arg4[%get3A_82, %get3A_83] : memref<8x3xf32, #tpu.memory_space<vmem>>, vector<1x1xf32>
    %get3A_85 = vector.extract %get3A_84[0, 0] : f32 from vector<1x1xf32>
    %get3A_86 = arith.constant 5 : index
    %get3A_87 = arith.constant 0 : index
    %get3A_88 = vector.load %arg2[%get3A_86, %get3A_87] : memref<6x14336xf32, #tpu.memory_space<vmem>>, vector<1x14336xf32>
    %mul3A_89 = vector.broadcast %get3A_85 : f32 to vector<1x14336xf32>
    %mul3A_90 = arith.mulf %mul3A_89, %get3A_88 : vector<1x14336xf32>
    %add3A_91 = arith.addf %add3A_81, %mul3A_90 : vector<1x14336xf32>
    %get3A_92 = arith.constant 0 : index
    %get3A_93 = arith.constant 0 : index
    %get3A_94 = vector.load %arg3[%get3A_92, %get3A_93] : memref<3x14336xf32, #tpu.memory_space<vmem>>, vector<1x14336xf32>
    %mul3A_95 = arith.mulf %add3A_91, %get3A_94 : vector<1x14336xf32>
    %swap3A = arith.constant 0 : index
    %swap3A_96 = arith.constant 0 : index
    %swap3A_97 = vector.load %arg8[%swap3A, %swap3A_96] : memref<3x14336xf32, #tpu.memory_space<vmem>>, vector<1x14336xf32>
    tpu.vector_store %arg8[%swap3A, %swap3A_96], %mul3A_95 {strides = array<i32>} : memref<3x14336xf32, #tpu.memory_space<vmem>>, vector<1x14336xf32>,
    %get3A_98 = arith.constant 0 : index
    %get3A_99 = arith.constant 1 : index
    %get3A_100 = vector.load %arg6[%get3A_98, %get3A_99] : memref<1x3xf32, #tpu.memory_space<vmem>>, vector<1x1xf32>
    %get3A_101 = vector.extract %get3A_100[0, 0] : f32 from vector<1x1xf32>
    %mul3A_102 = arith.mulf %get3A_2, %get3A_101 : f32
    %get3A_103 = arith.constant 0 : index
    %get3A_104 = arith.constant 1 : index
    %get3A_105 = vector.load %arg7[%get3A_103, %get3A_104] : memref<1x3xf32, #tpu.memory_space<vmem>>, vector<1x1xf32>
    %get3A_106 = vector.extract %get3A_105[0, 0] : f32 from vector<1x1xf32>
    %add3A_107 = arith.addf %mul3A_102, %get3A_106 : f32
    %broadcast_in_dim3A_108 = vector.broadcast %add3A_107 : f32 to vector<14336xf32>
    %broadcast_in_dim3A_109 = vector.shape_cast %broadcast_in_dim3A_108 : vector<14336xf32> to vector<1x14336xf32>
    %get3A_110 = arith.constant 0 : index
    %get3A_111 = arith.constant 1 : index
    %get3A_112 = vector.load %arg4[%get3A_110, %get3A_111] : memref<8x3xf32, #tpu.memory_space<vmem>>, vector<1x1xf32>
    %get3A_113 = vector.extract %get3A_112[0, 0] : f32 from vector<1x1xf32>
    %get3A_114 = arith.constant 0 : index
    %get3A_115 = arith.constant 0 : index
    %get3A_116 = vector.load %arg1[%get3A_114, %get3A_115] : memref<2x14336xf32, #tpu.memory_space<vmem>>, vector<1x14336xf32>
    %mul3A_117 = vector.broadcast %get3A_113 : f32 to vector<1x14336xf32>
    %mul3A_118 = arith.mulf %mul3A_117, %get3A_116 : vector<1x14336xf32>
    %add3A_119 = arith.addf %broadcast_in_dim3A_109, %mul3A_118 : vector<1x14336xf32>
    %get3A_120 = arith.constant 1 : index
    %get3A_121 = arith.constant 1 : index
    %get3A_122 = vector.load %arg4[%get3A_120, %get3A_121] : memref<8x3xf32, #tpu.memory_space<vmem>>, vector<1x1xf32>
    %get3A_123 = vector.extract %get3A_122[0, 0] : f32 from vector<1x1xf32>
    %get3A_124 = arith.constant 1 : index
    %get3A_125 = arith.constant 0 : index
    %get3A_126 = vector.load %arg1[%get3A_124, %get3A_125] : memref<2x14336xf32, #tpu.memory_space<vmem>>, vector<1x14336xf32>
    %mul3A_127 = vector.broadcast %get3A_123 : f32 to vector<1x14336xf32>
    %mul3A_128 = arith.mulf %mul3A_127, %get3A_126 : vector<1x14336xf32>
    %add3A_129 = arith.addf %add3A_119, %mul3A_128 : vector<1x14336xf32>
    %get3A_130 = arith.constant 2 : index
    %get3A_131 = arith.constant 1 : index
    %get3A_132 = vector.load %arg4[%get3A_130, %get3A_131] : memref<8x3xf32, #tpu.memory_space<vmem>>, vector<1x1xf32>
    %get3A_133 = vector.extract %get3A_132[0, 0] : f32 from vector<1x1xf32>
    %get3A_134 = arith.constant 0 : index
    %get3A_135 = arith.constant 0 : index
    %get3A_136 = vector.load %arg2[%get3A_134, %get3A_135] : memref<6x14336xf32, #tpu.memory_space<vmem>>, vector<1x14336xf32>
    %mul3A_137 = vector.broadcast %get3A_133 : f32 to vector<1x14336xf32>
    %mul3A_138 = arith.mulf %mul3A_137, %get3A_136 : vector<1x14336xf32>
    %add3A_139 = arith.addf %add3A_129, %mul3A_138 : vector<1x14336xf32>
    %get3A_140 = arith.constant 3 : index
    %get3A_141 = arith.constant 1 : index
    %get3A_142 = vector.load %arg4[%get3A_140, %get3A_141] : memref<8x3xf32, #tpu.memory_space<vmem>>, vector<1x1xf32>
    %get3A_143 = vector.extract %get3A_142[0, 0] : f32 from vector<1x1xf32>
    %get3A_144 = arith.constant 1 : index
    %get3A_145 = arith.constant 0 : index
    %get3A_146 = vector.load %arg2[%get3A_144, %get3A_145] : memref<6x14336xf32, #tpu.memory_space<vmem>>, vector<1x14336xf32>
    %mul3A_147 = vector.broadcast %get3A_143 : f32 to vector<1x14336xf32>
    %mul3A_148 = arith.mulf %mul3A_147, %get3A_146 : vector<1x14336xf32>
    %add3A_149 = arith.addf %add3A_139, %mul3A_148 : vector<1x14336xf32>
    %get3A_150 = arith.constant 4 : index
    %get3A_151 = arith.constant 1 : index
    %get3A_152 = vector.load %arg4[%get3A_150, %get3A_151] : memref<8x3xf32, #tpu.memory_space<vmem>>, vector<1x1xf32>
    %get3A_153 = vector.extract %get3A_152[0, 0] : f32 from vector<1x1xf32>
    %get3A_154 = arith.constant 2 : index
    %get3A_155 = arith.constant 0 : index
    %get3A_156 = vector.load %arg2[%get3A_154, %get3A_155] : memref<6x14336xf32, #tpu.memory_space<vmem>>, vector<1x14336xf32>
    %mul3A_157 = vector.broadcast %get3A_153 : f32 to vector<1x14336xf32>
    %mul3A_158 = arith.mulf %mul3A_157, %get3A_156 : vector<1x14336xf32>
    %add3A_159 = arith.addf %add3A_149, %mul3A_158 : vector<1x14336xf32>
    %get3A_160 = arith.constant 5 : index
    %get3A_161 = arith.constant 1 : index
    %get3A_162 = vector.load %arg4[%get3A_160, %get3A_161] : memref<8x3xf32, #tpu.memory_space<vmem>>, vector<1x1xf32>
    %get3A_163 = vector.extract %get3A_162[0, 0] : f32 from vector<1x1xf32>
    %get3A_164 = arith.constant 3 : index
    %get3A_165 = arith.constant 0 : index
    %get3A_166 = vector.load %arg2[%get3A_164, %get3A_165] : memref<6x14336xf32, #tpu.memory_space<vmem>>, vector<1x14336xf32>
    %mul3A_167 = vector.broadcast %get3A_163 : f32 to vector<1x14336xf32>
    %mul3A_168 = arith.mulf %mul3A_167, %get3A_166 : vector<1x14336xf32>
    %add3A_169 = arith.addf %add3A_159, %mul3A_168 : vector<1x14336xf32>
    %get3A_170 = arith.constant 6 : index
    %get3A_171 = arith.constant 1 : index
    %get3A_172 = vector.load %arg4[%get3A_170, %get3A_171] : memref<8x3xf32, #tpu.memory_space<vmem>>, vector<1x1xf32>
    %get3A_173 = vector.extract %get3A_172[0, 0] : f32 from vector<1x1xf32>
    %get3A_174 = arith.constant 4 : index
    %get3A_175 = arith.constant 0 : index
    %get3A_176 = vector.load %arg2[%get3A_174, %get3A_175] : memref<6x14336xf32, #tpu.memory_space<vmem>>, vector<1x14336xf32>
    %mul3A_177 = vector.broadcast %get3A_173 : f32 to vector<1x14336xf32>
    %mul3A_178 = arith.mulf %mul3A_177, %get3A_176 : vector<1x14336xf32>
    %add3A_179 = arith.addf %add3A_169, %mul3A_178 : vector<1x14336xf32>
    %get3A_180 = arith.constant 7 : index
    %get3A_181 = arith.constant 1 : index
    %get3A_182 = vector.load %arg4[%get3A_180, %get3A_181] : memref<8x3xf32, #tpu.memory_space<vmem>>, vector<1x1xf32>
    %get3A_183 = vector.extract %get3A_182[0, 0] : f32 from vector<1x1xf32>
    %get3A_184 = arith.constant 5 : index
    %get3A_185 = arith.constant 0 : index
    %get3A_186 = vector.load %arg2[%get3A_184, %get3A_185] : memref<6x14336xf32, #tpu.memory_space<vmem>>, vector<1x14336xf32>
    %mul3A_187 = vector.broadcast %get3A_183 : f32 to vector<1x14336xf32>
    %mul3A_188 = arith.mulf %mul3A_187, %get3A_186 : vector<1x14336xf32>
    %add3A_189 = arith.addf %add3A_179, %mul3A_188 : vector<1x14336xf32>
    %get3A_190 = arith.constant 1 : index
    %get3A_191 = arith.constant 0 : index
    %get3A_192 = vector.load %arg3[%get3A_190, %get3A_191] : memref<3x14336xf32, #tpu.memory_space<vmem>>, vector<1x14336xf32>
    %mul3A_193 = arith.mulf %add3A_189, %get3A_192 : vector<1x14336xf32>
    %swap3A_194 = arith.constant 1 : index
    %swap3A_195 = arith.constant 0 : index
    %swap3A_196 = vector.load %arg8[%swap3A_194, %swap3A_195] : memref<3x14336xf32, #tpu.memory_space<vmem>>, vector<1x14336xf32>
    tpu.vector_store %arg8[%swap3A_194, %swap3A_195], %mul3A_193 {strides = array<i32>} : memref<3x14336xf32, #tpu.memory_space<vmem>>, vector<1x14336xf32>,
    %get3A_197 = arith.constant 0 : index
    %get3A_198 = arith.constant 2 : index
    %get3A_199 = vector.load %arg6[%get3A_197, %get3A_198] : memref<1x3xf32, #tpu.memory_space<vmem>>, vector<1x1xf32>
    %get3A_200 = vector.extract %get3A_199[0, 0] : f32 from vector<1x1xf32>
    %mul3A_201 = arith.mulf %get3A_2, %get3A_200 : f32
    %get3A_202 = arith.constant 0 : index
    %get3A_203 = arith.constant 2 : index
    %get3A_204 = vector.load %arg7[%get3A_202, %get3A_203] : memref<1x3xf32, #tpu.memory_space<vmem>>, vector<1x1xf32>
    %get3A_205 = vector.extract %get3A_204[0, 0] : f32 from vector<1x1xf32>
    %add3A_206 = arith.addf %mul3A_201, %get3A_205 : f32
    %broadcast_in_dim3A_207 = vector.broadcast %add3A_206 : f32 to vector<14336xf32>
    %broadcast_in_dim3A_208 = vector.shape_cast %broadcast_in_dim3A_207 : vector<14336xf32> to vector<1x14336xf32>
    %get3A_209 = arith.constant 0 : index
    %get3A_210 = arith.constant 2 : index
    %get3A_211 = vector.load %arg4[%get3A_209, %get3A_210] : memref<8x3xf32, #tpu.memory_space<vmem>>, vector<1x1xf32>
    %get3A_212 = vector.extract %get3A_211[0, 0] : f32 from vector<1x1xf32>
    %get3A_213 = arith.constant 0 : index
    %get3A_214 = arith.constant 0 : index
    %get3A_215 = vector.load %arg1[%get3A_213, %get3A_214] : memref<2x14336xf32, #tpu.memory_space<vmem>>, vector<1x14336xf32>
    %mul3A_216 = vector.broadcast %get3A_212 : f32 to vector<1x14336xf32>
    %mul3A_217 = arith.mulf %mul3A_216, %get3A_215 : vector<1x14336xf32>
    %add3A_218 = arith.addf %broadcast_in_dim3A_208, %mul3A_217 : vector<1x14336xf32>
    %get3A_219 = arith.constant 1 : index
    %get3A_220 = arith.constant 2 : index
    %get3A_221 = vector.load %arg4[%get3A_219, %get3A_220] : memref<8x3xf32, #tpu.memory_space<vmem>>, vector<1x1xf32>
    %get3A_222 = vector.extract %get3A_221[0, 0] : f32 from vector<1x1xf32>
    %get3A_223 = arith.constant 1 : index
    %get3A_224 = arith.constant 0 : index
    %get3A_225 = vector.load %arg1[%get3A_223, %get3A_224] : memref<2x14336xf32, #tpu.memory_space<vmem>>, vector<1x14336xf32>
    %mul3A_226 = vector.broadcast %get3A_222 : f32 to vector<1x14336xf32>
    %mul3A_227 = arith.mulf %mul3A_226, %get3A_225 : vector<1x14336xf32>
    %add3A_228 = arith.addf %add3A_218, %mul3A_227 : vector<1x14336xf32>
    %get3A_229 = arith.constant 2 : index
    %get3A_230 = arith.constant 2 : index
    %get3A_231 = vector.load %arg4[%get3A_229, %get3A_230] : memref<8x3xf32, #tpu.memory_space<vmem>>, vector<1x1xf32>
    %get3A_232 = vector.extract %get3A_231[0, 0] : f32 from vector<1x1xf32>
    %get3A_233 = arith.constant 0 : index
    %get3A_234 = arith.constant 0 : index
    %get3A_235 = vector.load %arg2[%get3A_233, %get3A_234] : memref<6x14336xf32, #tpu.memory_space<vmem>>, vector<1x14336xf32>
    %mul3A_236 = vector.broadcast %get3A_232 : f32 to vector<1x14336xf32>
    %mul3A_237 = arith.mulf %mul3A_236, %get3A_235 : vector<1x14336xf32>
    %add3A_238 = arith.addf %add3A_228, %mul3A_237 : vector<1x14336xf32>
    %get3A_239 = arith.constant 3 : index
    %get3A_240 = arith.constant 2 : index
    %get3A_241 = vector.load %arg4[%get3A_239, %get3A_240] : memref<8x3xf32, #tpu.memory_space<vmem>>, vector<1x1xf32>
    %get3A_242 = vector.extract %get3A_241[0, 0] : f32 from vector<1x1xf32>
    %get3A_243 = arith.constant 1 : index
    %get3A_244 = arith.constant 0 : index
    %get3A_245 = vector.load %arg2[%get3A_243, %get3A_244] : memref<6x14336xf32, #tpu.memory_space<vmem>>, vector<1x14336xf32>
    %mul3A_246 = vector.broadcast %get3A_242 : f32 to vector<1x14336xf32>
    %mul3A_247 = arith.mulf %mul3A_246, %get3A_245 : vector<1x14336xf32>
    %add3A_248 = arith.addf %add3A_238, %mul3A_247 : vector<1x14336xf32>
    %get3A_249 = arith.constant 4 : index
    %get3A_250 = arith.constant 2 : index
    %get3A_251 = vector.load %arg4[%get3A_249, %get3A_250] : memref<8x3xf32, #tpu.memory_space<vmem>>, vector<1x1xf32>
    %get3A_252 = vector.extract %get3A_251[0, 0] : f32 from vector<1x1xf32>
    %get3A_253 = arith.constant 2 : index
    %get3A_254 = arith.constant 0 : index
    %get3A_255 = vector.load %arg2[%get3A_253, %get3A_254] : memref<6x14336xf32, #tpu.memory_space<vmem>>, vector<1x14336xf32>
    %mul3A_256 = vector.broadcast %get3A_252 : f32 to vector<1x14336xf32>
    %mul3A_257 = arith.mulf %mul3A_256, %get3A_255 : vector<1x14336xf32>
    %add3A_258 = arith.addf %add3A_248, %mul3A_257 : vector<1x14336xf32>
    %get3A_259 = arith.constant 5 : index
    %get3A_260 = arith.constant 2 : index
    %get3A_261 = vector.load %arg4[%get3A_259, %get3A_260] : memref<8x3xf32, #tpu.memory_space<vmem>>, vector<1x1xf32>
    %get3A_262 = vector.extract %get3A_261[0, 0] : f32 from vector<1x1xf32>
    %get3A_263 = arith.constant 3 : index
    %get3A_264 = arith.constant 0 : index
    %get3A_265 = vector.load %arg2[%get3A_263, %get3A_264] : memref<6x14336xf32, #tpu.memory_space<vmem>>, vector<1x14336xf32>
    %mul3A_266 = vector.broadcast %get3A_262 : f32 to vector<1x14336xf32>
    %mul3A_267 = arith.mulf %mul3A_266, %get3A_265 : vector<1x14336xf32>
    %add3A_268 = arith.addf %add3A_258, %mul3A_267 : vector<1x14336xf32>
    %get3A_269 = arith.constant 6 : index
    %get3A_270 = arith.constant 2 : index
    %get3A_271 = vector.load %arg4[%get3A_269, %get3A_270] : memref<8x3xf32, #tpu.memory_space<vmem>>, vector<1x1xf32>
    %get3A_272 = vector.extract %get3A_271[0, 0] : f32 from vector<1x1xf32>
    %get3A_273 = arith.constant 4 : index
    %get3A_274 = arith.constant 0 : index
    %get3A_275 = vector.load %arg2[%get3A_273, %get3A_274] : memref<6x14336xf32, #tpu.memory_space<vmem>>, vector<1x14336xf32>
    %mul3A_276 = vector.broadcast %get3A_272 : f32 to vector<1x14336xf32>
    %mul3A_277 = arith.mulf %mul3A_276, %get3A_275 : vector<1x14336xf32>
    %add3A_278 = arith.addf %add3A_268, %mul3A_277 : vector<1x14336xf32>
    %get3A_279 = arith.constant 7 : index
    %get3A_280 = arith.constant 2 : index
    %get3A_281 = vector.load %arg4[%get3A_279, %get3A_280] : memref<8x3xf32, #tpu.memory_space<vmem>>, vector<1x1xf32>
    %get3A_282 = vector.extract %get3A_281[0, 0] : f32 from vector<1x1xf32>
    %get3A_283 = arith.constant 5 : index
    %get3A_284 = arith.constant 0 : index
    %get3A_285 = vector.load %arg2[%get3A_283, %get3A_284] : memref<6x14336xf32, #tpu.memory_space<vmem>>, vector<1x14336xf32>
    %mul3A_286 = vector.broadcast %get3A_282 : f32 to vector<1x14336xf32>
    %mul3A_287 = arith.mulf %mul3A_286, %get3A_285 : vector<1x14336xf32>
    %add3A_288 = arith.addf %add3A_278, %mul3A_287 : vector<1x14336xf32>
    %get3A_289 = arith.constant 2 : index
    %get3A_290 = arith.constant 0 : index
    %get3A_291 = vector.load %arg3[%get3A_289, %get3A_290] : memref<3x14336xf32, #tpu.memory_space<vmem>>, vector<1x14336xf32>
    %mul3A_292 = arith.mulf %add3A_288, %get3A_291 : vector<1x14336xf32>
    %swap3A_293 = arith.constant 2 : index
    %swap3A_294 = arith.constant 0 : index
    %swap3A_295 = vector.load %arg8[%swap3A_293, %swap3A_294] : memref<3x14336xf32, #tpu.memory_space<vmem>>, vector<1x14336xf32>
    tpu.vector_store %arg8[%swap3A_293, %swap3A_294], %mul3A_292 {strides = array<i32>} : memref<3x14336xf32, #tpu.memory_space<vmem>>, vector<1x14336xf32>,
    return
  }
  func.func @transform_0(%arg0: i32) -> (i32, i32) {
    %c0_i32 = arith.constant 0 : i32
    %c0_i32_0 = arith.constant 0 : i32
    return %c0_i32, %arg0 : i32, i32
  }
  func.func @transform_1(%arg0: i32) -> (i32, i32) {
    %c0_i32 = arith.constant 0 : i32
    %c0_i32_0 = arith.constant 0 : i32
    return %c0_i32, %arg0 : i32, i32
  }
  func.func @transform_2(%arg0: i32) -> (i32, i32) {
    %c0_i32 = arith.constant 0 : i32
    %c0_i32_0 = arith.constant 0 : i32
    return %c0_i32, %arg0 : i32, i32
  }
  func.func @transform_3(%arg0: i32) -> (i32, i32) {
    %c0_i32 = arith.constant 0 : i32
    %c0_i32_0 = arith.constant 0 : i32
    %c0_i32_1 = arith.constant 0 : i32
    return %c0_i32, %c0_i32_0 : i32, i32
  }
  func.func @transform_4(%arg0: i32) -> (i32, i32) {
    %c0_i32 = arith.constant 0 : i32
    %c0_i32_0 = arith.constant 0 : i32
    %c0_i32_1 = arith.constant 0 : i32
    return %c0_i32, %c0_i32_0 : i32, i32
  }
  func.func @transform_5(%arg0: i32) -> (i32, i32) {
    %c0_i32 = arith.constant 0 : i32
    %c0_i32_0 = arith.constant 0 : i32
    %c0_i32_1 = arith.constant 0 : i32
    return %c0_i32, %c0_i32_0 : i32, i32
  }
  func.func @transform_6(%arg0: i32) -> (i32, i32) {
    %c0_i32 = arith.constant 0 : i32
    %c0_i32_0 = arith.constant 0 : i32
    %c0_i32_1 = arith.constant 0 : i32
    return %c0_i32, %c0_i32_0 : i32, i32
  }
  func.func @transform_7(%arg0: i32) -> (i32, i32) {
    %c0_i32 = arith.constant 0 : i32
    %c0_i32_0 = arith.constant 0 : i32
    return %c0_i32, %arg0 : i32, i32
  }
}

module attributes {stable_mosaic.version = 14 : i64} {
  func.func @_combine_body(%arg0: memref<32x50000xf32, #tpu.memory_space<vmem>>, %arg1: memref<1x50000xf32, #tpu.memory_space<vmem>>, %arg2: memref<1x50000xf32, #tpu.memory_space<vmem>>) attributes {dimension_semantics = [], scalar_prefetch = 0 : i64, scratch_operands = 0 : i64, tpu.core_type = #tpu.core_type<tc>} {
    %get3A = arith.constant 0 : index
    %get3A_0 = arith.constant 0 : index
    %get3A_1 = vector.load %arg0[%get3A, %get3A_0] : memref<32x50000xf32, #tpu.memory_space<vmem>>, vector<32x50000xf32>
    %reduce_sum3A = arith.constant dense<0.000000e+00> : vector<50000xf32>
    %reduce_sum3A_2 = vector.multi_reduction <add>, %get3A_1, %reduce_sum3A [0] : vector<32x50000xf32> to vector<50000xf32>
    %broadcast_in_dim3A = vector.shape_cast %reduce_sum3A_2 : vector<50000xf32> to vector<1x50000xf32>
    %get3A_3 = arith.constant 0 : index
    %get3A_4 = arith.constant 0 : index
    %get3A_5 = vector.load %arg1[%get3A_3, %get3A_4] : memref<1x50000xf32, #tpu.memory_space<vmem>>, vector<1x50000xf32>
    %mul3A = arith.mulf %broadcast_in_dim3A, %get3A_5 : vector<1x50000xf32>
    %swap3A = arith.constant 0 : index
    %swap3A_6 = arith.constant 0 : index
    %swap3A_7 = vector.load %arg2[%swap3A, %swap3A_6] : memref<1x50000xf32, #tpu.memory_space<vmem>>, vector<1x50000xf32>
    tpu.vector_store %arg2[%swap3A, %swap3A_6], %mul3A {strides = array<i32>} : memref<1x50000xf32, #tpu.memory_space<vmem>>, vector<1x50000xf32>,
    return
  }
}

</mosaic_0001>

<sc_bundles>
// kernel: kernel.6.cloned.1.call-start
scs
__scs_entry_jumppad:
0x0: {  	(pc) =	sbr.rel $0x88, $3  }
0x1: {  	(tag) =	ssettag $0x0;
	lr =	simm.s32 $0x1  }
0x2: {  	[smem:$0x3F98] =	sst lr;
	_ =	strace $0xD0000000  }
0x3: {  	_ = 	snop  }
0x4: {  	_ = 	snop  }
0x5: {  	_ = 	snop  }
0x6: {  	_ = 	snop  }
0x7: {  	_ = 	snop  }
__scs_overlays_trampoline_lowered:
0x8: {  	[smem:$0x3FA7] =	sst s0  }
0x9: {  	[smem:$0x3FA8] =	sst s1  }
0xa: {  	[smem:$0x3FA9] =	sst s2  }
0xb: {  	[smem:$0x3FAA] =	sst s3  }
0xc: {  	[smem:$0x3FAB] =	sst s4  }
0xd: {  	[smem:$0x3FAC] =	sst s5  }
0xe: {  	[smem:$0x3FAD] =	sst s6  }
0xf: {  	[smem:$0x3FAE] =	sst s7  }
0x10: {  	[smem:$0x3FAF] =	sst s8  }
0x11: {  	[smem:$0x3FB0] =	sst s9;
	s0 =	simm.s32 @!p0 $0x0  }
0x12: {  	s1 =	sld [smem:$0x3F96];
	s0 =	simm.s32 @p0 $0x1  }
0x13: {  	[smem:$0x3FB1] =	sst s0;
	s0 =	simm.s32 @!p1 $0x0  }
0x14: {  	s2 =	sld [smem:$0x3F95];
	s0 =	simm.s32 @p1 $0x1  }
0x15: {  	[smem:$0x3FB2] =	sst s0;
	s0 =	simm.s32 @!p2 $0x0  }
0x16: {  	s3 =	sld [smem:$0x3FDB];
	s0 =	simm.s32 @p2 $0x1  }
0x17: {  	s4 =	simm.s32 $0x1BF5;
	[smem:$0x3FB4] =	sst s0  }
0x18: {  	s0 =	sld [smem:$0x3F97];
	_ =	swait.ge [sflag:s4], $0x0  }
0x19: {  	s7 =	sld [smem:$0x3F98]  }
0x1a: {  	s8 =	sadd.s32 $0xFFFFE003, lr  }
0x1b: {  	s9 =	sadd.s32 $0xFFFFFEF7, lr;
	s5 =	simm.s32 $0xFFFFFFFF;
	p2 =	slt.u32 s8, $0xFFFFF086  }
0x1c: {  	p1 =	slt.u32 s9, $0xF7A;
	s5 =	simm.s32 @!p2 $0x0  }
0x1d: {  	s5 =	simm.s32 @p1 $0x1;
	p0 =	seq.s32 s7, s2  }
0x1e: {  	s7 =	smul.u32 @!p0 $0xF7A, s2;
	p2 =	seq.s32 @!p0 s5, $0x0  }
0x1f: {  	s9 =	smul.u32 $0xF7A, s1;
	s8 =	simm.s32 @!p0 $0x1BF5;
	p2 =	por !p2, p0  }
0x20: {  	[sflag:s8] =	ssyncset.s32 @!p0 $0xFFFFF086;
	s6 =	sadd.s32 @!p0 s3, s7;
	s7 =	simm.s32 @!p0 $0x108  }
0x21: {  	s3 =	sadd.s32 s3, s9;
	s6 =	sadd.s32 @!p0 $0x88, s6;
	s7 =	simm.s32 @p2 $0x1082  }
0x22: {  	[simem:s7], [sflag:s8] =	dma.local @!p0 [hbm:s6], $0xF7A  }
0x23: {  	s9 =	sor.u32 $0xD0000000, s2;
	s6 =	simm.s32 $0x108;
	_ =	swait.ge @!p0 [sflag:s8], $0x0  }
0x24: {  	s3 =	sadd.s32 $0x88, s3;
	s6 =	simm.s32 @!p1 $0x1082;
	[sflag:s4] =	ssyncset.s32 $0xFFFFF086  }
0x25: {  	[simem:s6], [sflag:s4] =	dma.local [hbm:s3], $0xF7A  }
0x26: {  	[smem:$0x3F98] =	sst s1;
	(tag) =	ssettag s2;
	_ =	strace s9  }
0x27: {  	s1 =	sld [smem:$0x3FA8]  }
0x28: {  	s2 =	sld [smem:$0x3FA9]  }
0x29: {  	s4 =	sld [smem:$0x3FAB]  }
0x2a: {  	p0 =	seq.s32 s5, $0x0;
	s5 =	sld [smem:$0x3FAC]  }
0x2b: {  	s6 =	sld [smem:$0x3FAD]  }
0x2c: {  	s7 =	sld [smem:$0x3FAE]  }
0x2d: {  	s3 =	simm.s32 $0x108;
	s8 =	sld [smem:$0x3FAF]  }
0x2e: {  	s3 =	simm.s32 @!p0 $0x1082;
	s9 =	sld [smem:$0x3FB0]  }
0x2f: {  	lr =	sadd.s32 s0, s3;
	s0 =	sld [smem:$0x3FA7]  }
0x30: {  	s3 =	sld [smem:$0x3FAA]  }
0x31: {  	[smem:$0x3FB3] =	sst s10  }
0x32: {  	s10 =	sld [smem:$0x3FB1];
	_ =	sdelay $0x3  }
0x33: {  	p0 =	seq.s32 s10, $0x1;
	s10 =	sld [smem:$0x3FB3];
	_ =	sdelay $0x3  }
0x34: {  	[smem:$0x3FB3] =	sst s10  }
0x35: {  	s10 =	sld [smem:$0x3FB2];
	_ =	sdelay $0x3  }
0x36: {  	p1 =	seq.s32 s10, $0x1;
	s10 =	sld [smem:$0x3FB3];
	_ =	sdelay $0x3  }
0x37: {  	[smem:$0x3FB3] =	sst s10  }
0x38: {  	s10 =	sld [smem:$0x3FB4]  }
0x39: {  	_ = 	snop;
	(pc) =	sbr.ind lr, $3  }
0x3a: {  	_ = 	snop  }
0x3b: {  	_ = 	snop  }
0x3c: {  	p2 =	seq.s32 s10, $0x1;
	s10 =	sld [smem:$0x3FB3]  }
0x3d: {  	_ =	shalt  }
0x3e: {  	_ =	shalt  }
0x3f: {  	_ =	shalt  }
0x40: {  	_ =	shalt  }
0x41: {  	_ =	shalt  }
0x42: {  	_ =	shalt  }
0x43: {  	_ =	shalt  }
0x44: {  	_ =	shalt  }
0x45: {  	_ =	shalt  }
0x46: {  	_ =	shalt  }
0x47: {  	_ =	shalt  }
0x48: {  	_ =	shalt  }
0x49: {  	_ =	shalt  }
0x4a: {  	_ =	shalt  }
0x4b: {  	_ =	shalt  }
0x4c: {  	_ =	shalt  }
0x4d: {  	_ =	shalt  }
0x4e: {  	_ =	shalt  }
0x4f: {  	_ =	shalt  }
0x50: {  	_ =	shalt  }
0x51: {  	_ =	shalt  }
0x52: {  	_ =	shalt  }
0x53: {  	_ =	shalt  }
0x54: {  	_ =	shalt  }
0x55: {  	_ =	shalt  }
0x56: {  	_ =	shalt  }
0x57: {  	_ =	shalt  }
0x58: {  	_ =	shalt  }
0x59: {  	_ =	shalt  }
0x5a: {  	_ =	shalt  }
0x5b: {  	_ =	shalt  }
0x5c: {  	_ =	shalt  }
0x5d: {  	_ =	shalt  }
0x5e: {  	_ =	shalt  }
0x5f: {  	_ =	shalt  }
0x60: {  	_ =	shalt  }
0x61: {  	_ =	shalt  }
0x62: {  	_ =	shalt  }
0x63: {  	_ =	shalt  }
0x64: {  	_ =	shalt  }
0x65: {  	_ =	shalt  }
0x66: {  	_ =	shalt  }
0x67: {  	_ =	shalt  }
0x68: {  	_ =	shalt  }
0x69: {  	_ =	shalt  }
0x6a: {  	_ =	shalt  }
0x6b: {  	_ =	shalt  }
0x6c: {  	_ =	shalt  }
0x6d: {  	_ =	shalt  }
0x6e: {  	_ =	shalt  }
0x6f: {  	_ =	shalt  }
0x70: {  	_ =	shalt  }
0x71: {  	_ =	shalt  }
0x72: {  	_ =	shalt  }
0x73: {  	_ =	shalt  }
0x74: {  	_ =	shalt  }
0x75: {  	_ =	shalt  }
0x76: {  	_ =	shalt  }
0x77: {  	_ =	shalt  }
0x78: {  	_ =	shalt  }
0x79: {  	_ =	shalt  }
0x7a: {  	_ =	shalt  }
0x7b: {  	_ =	shalt  }
0x7c: {  	_ =	shalt  }
0x7d: {  	_ =	shalt  }
0x7e: {  	_ =	shalt  }
0x7f: {  	_ =	shalt  }
0x80: {  	_ =	shalt  }
0x81: {  	_ =	shalt  }
0x82: {  	_ =	shalt  }
0x83: {  	_ =	shalt  }
0x84: {  	_ =	shalt  }
0x85: {  	_ =	shalt  }
0x86: {  	_ =	shalt  }
0x87: {  	_ =	shalt  }
.Lfunc_end0:
.L_simem_size_0:
called_computation_lowered:
.L_overlay_start_0:
0x88: {  	s2 =	sld [smem:$0x3FD9]  }
0x89: {  	s3 =	sld [smem:$0x3FFE];
	_ =	sdelay $0x1  }
0x8a: {  	s1 =	srdreg.scid  }
0x8b: {  	s0 =	sand.u32 $0x1, s1  }
0x8c: {  	s16 =	sshll.u32 s0, $0xA;
	s2 =	sadd.s32 s3, s2  }
0x8d: {  	s2 =	sadd.s32 s2, s16  }
0x8e: {  	[smem:$0x3FBF] =	sst s2  }
0x8f: {  	_ = 	snop  }
0x90: {  	(tm) =	ssettm $0x1  }
0x91: {  	s17 =	sld [smem:$0x3FFB];
	_ =	sdelay $0x3  }
0x92: {  	_ =	strace s17  }
0x93: {  	s2 =	sld [smem:$0x3FFC];
	_ =	sdelay $0x3  }
0x94: {  	_ =	strace s2  }
0x95: {  	s2 =	sld [smem:$0x3FFD];
	_ =	sdelay $0x3  }
0x96: {  	_ =	strace s2  }
0x97: {  	_ =	strace $0x8FFFFFFF  }
0x98: {  	s18 =	sld [smem:$0x3FDB];
	_ =	sdelay $0x1  }
0x99: {  	s19 =	simm.s32 $_scs_section_size  }
0x9a: {  	s4 =	simm.s32 $_size__tile_overlayer_lowered;
	s5 =	simm.s32 $_tile_overlayer_lowered  }
0x9b: {  	s22 =	simm.s32 $0x1BFF;
	s21 =	sshll.u32 s5, $0x1;
	s2 =	sadd.s32 s19, s18  }
0x9c: {  	s6 =	simm.s32 $0x0;
	s20 =	sshll.u32 s4, $0x1;
	s4 =	sadd.s32 s21, s2  }
0x9d: {  	[timem:s6], [sflag:s22] =	dma.local [hbm:s4], s20  }
0x9e: {  	_ =	swait.ge [sflag:s22], s20  }
0x9f: {  	s3 =	ssub.s32 $0x0, s20;
	[sflag:s22] =	ssyncset.done $0x0  }
0xa0: {  	[sflag:s22] =	ssyncadd.s32 s3;
	_ =	sdelay $0x1  }
0xa1: {  	s23 =	simm.s32 $0x1B8B  }
0xa2: {  	_ =	swait.ge [sflag:s23], $0x1  }
0xa3: {  	[sflag:s23] =	ssyncset.done $0x0  }
0xa4: {  	s25 =	simm.s32 $0x1B8E;
	s24 =	sld [smem:$0x3FFE];
	[sflag:s23] =	ssyncadd.s32 $0xFFFFFFFF  }
0xa5: {  	s26 =	simm.s32 $execute0_lowered;
	[smem:$0x3FD2] =	sst s25  }
0xa6: {  	s4 =	sshll.u32 s26, $0x1;
	_ =	strace $0x80000046;
	[dreg:$0x1] =	wrdreg $0xFFFFFFFF  }
0xa7: {  	s28 =	simm.s32 $_size_execute0_lowered;
	s2 =	sadd.s32 s2, s4;
	[dreg:$0x0] =	wrdreg $0x0  }
0xa8: {  	s4 =	sshll.u32 s28, $0x1;
	[dreg:$0x2] =	wrdreg s2  }
0xa9: {  	[dreg:$0x3] =	wrdreg s4  }
0xaa: {  	[dreg:$0x4] =	wrdreg $0xC0  }
0xab: {  	_ =	task [dreg:s6], $0x5FFFF  }
0xac: {  	[dreg:$0x1] =	wrdreg $0xFFFFFFFF  }
0xad: {  	[dreg:$0x0] =	wrdreg $0x60  }
0xae: {  	[dreg:$0x2] =	wrdreg s24  }
0xaf: {  	[dreg:$0x3] =	wrdreg $0x154000  }
0xb0: {  	[dreg:$0x4] =	wrdreg $0x9  }
0xb1: {  	_ =	task.clear_ibuf [dreg:s6], $0x5FFFF;
	_ =	strace $0x90000046  }
0xb2: {  	s29 =	simm.s32 $0x9;
	_ =	strace $0x80000048  }
0xb3: {  	_ =	swait.ge [sflag:s29], $0x1  }
0xb4: {  	[sflag:s29] =	ssyncadd.s32 $0xFFFFFFFF  }
0xb5: {  	_ =	strace $0x90000048  }
0xb6: {  	_ =	sfence  }
0xb7: {  	s30 =	sld [smem:$0x0];
	_ =	sdelay $0x2  }
0xb8: {  	s31 =	sshll.u32 s1, $0xD;
	s1 =	sshrl.u32 s1, $0x2  }
0xb9: {  	s3 =	sand.u32 $0x4000, s31;
	s1 =	sadd.s32 s1, s30  }
0xba: {  	s0 =	sor.u32 s3, s0;
	s1 =	sshll.u32 s1, $0x11  }
0xbb: {  	s0 =	sor.u32 s1, s0  }
0xbc: {  	s0 =	sadd.s32 $0x8F2B, s0  }
0xbd: {  	[sflag:s0] =	ssyncadd.remote.s32 $0x1  }
0xbe: {  	_ =	sfence.sel $0xFFFF  }
0xbf: {  	[dreg:$0x0] =	wrdreg $0xFFFFFFFF;
	(pc) =	sbr.abs _section_cstart, $3  }
0xc0: {  	[dreg:$0x1] =	wrdreg $0xFFFFFFFF  }
0xc1: {  	_ =	task.clear_ibuf [dreg:s6], $0x2FFFF;
	_ =	strace $0x9FFFFFFF  }
0xc2: {  	(tm) =	ssettm $0x7FFFFFFF  }
0xc3: {  	_ =	shalt  }
tec
execute0_lowered:
.L_overlay_start_1:
0x0: {  	(tag) =	ssettag $0x1  }
0x1: {  	s0 =	rddreg [dreg:$0x0]  }
0x2: {  	s9 =	rddreg [dreg:$0x1];
	s1 =	srdreg.scid;
	s29 =	simm.s32 $0x0  }
0x3: {  	s2 =	stileid.u32;
	s18 =	simm.s32 $0x8700;
	s19 =	simm.s32 $0x8800  }
0x4: {  	s20 =	simm.s32 $0x8900;
	s21 =	simm.s32 $0x8A00;
	s22 =	simm.s32 $0x8B00  }
0x5: {  	s23 =	simm.s32 $0x8C00;
	[smem:$0x7FF] =	sst s29;
	s4 =	sadd.s32 $0x1600, s0  }
0x6: {  	s24 =	simm.s32 $0x8D00;
	_ =	strace $0x80000047;
	[dreg:$0xc] =	wrdreg s4  }
0x7: {  	s25 =	simm.s32 $0x8E00;
	s28 =	simm.s32 $0x9;
	[dreg:$0x3] =	wrdreg s18  }
0x8: {  	s30 =	simm.s32 $0xA;
	s31 =	simm.s32 $0xB;
	[dreg:$0x4] =	wrdreg s19  }
0x9: {  	s1 =	sand.u32 $0x1, s1;
	s26 =	sadd.s32 $0x24200, s0;
	[dreg:$0x5] =	wrdreg s20  }
0xa: {  	s6 =	sadd.s32 $0x19A00, s0;
	s7 =	sadd.s32 $0xF200, s0;
	[dreg:$0x6] =	wrdreg s21  }
0xb: {  	p0 =	sne.s32 s2, $0x0;
	s3 =	sshll.u32 s1, $0x4;
	[dreg:$0x7] =	wrdreg s22  }
0xc: {  	s1 =	ssub.s32 $0x2, s1;
	s18 =	sadd.s32 $0x493E0, s9;
	[dreg:$0x8] =	wrdreg s23  }
0xd: {  	s19 =	sadd.s32 $0x55730, s9;
	s20 =	sadd.s32 $0x61A80, s9;
	[dreg:$0x9] =	wrdreg s24  }
0xe: {  	[dreg:$0xa] =	wrdreg s25;
	s22 =	simm.s32 $0x5;
	s3 =	sor.u32 s2, s3  }
0xf: {  	s23 =	simm.s32 $0x6;
	s24 =	simm.s32 $0x7;
	s5 =	smul.u32 $0xE00, s3  }
0x10: {  	s4 =	simm.s32 $0xD;
	s8 =	sshrl.u32 s1, $0x1;
	s3 =	smul.u32 $0x186A, s3  }
0x11: {  	s25 =	simm.s32 $0xE;
	s21 =	simm.s32 $0x12;
	s1 =	ssub.s32 s1, s8  }
0x12: {  	s1 =	smax.u32 s1, $0x1;
	s5 =	sshrl.u32 s5, $0x3;
	s0 =	sadd.s32 s3, s0  }
0x13: {  	[dreg:$0x17] =	wrdreg s1;
	s8 =	sadd.s32 s26, s5;
	s10 =	sadd.s32 s6, s5  }
0x14: {  	s11 =	sadd.s32 s7, s5;
	s12 =	sadd.s32 $0x3800, s5;
	[dreg:$0xd] =	wrdreg s8  }
0x15: {  	s5 =	sadd.s32 $0x7000, s5;
	s0 =	sadd.s32 $0x2EA00, s0;
	[dreg:$0xe] =	wrdreg s10  }
0x16: {  	[dreg:$0xf] =	wrdreg s11;
	s13 =	sadd.s32 s26, s12;
	s14 =	sadd.s32 s6, s12  }
0x17: {  	s3 =	sadd.s32 s7, s12;
	s15 =	sadd.s32 s26, s5;
	[dreg:$0x16] =	wrdreg s0  }
0x18: {  	s16 =	sadd.s32 s6, s5;
	s17 =	sadd.s32 s7, s5;
	[dreg:$0x10] =	wrdreg s13  }
0x19: {  	s26 =	simm.s32 $0x8F00;
	s7 =	simm.s32 $0xE00;
	[dreg:$0x11] =	wrdreg s14  }
0x1a: {  	s8 =	simm.s32 $0x1C00;
	s5 =	simm.s32 $0x100;
	[dreg:$0x12] =	wrdreg s3  }
0x1b: {  	s0 =	simm.s32 $0x9000;
	s10 =	simm.s32 $0xF;
	[dreg:$0x13] =	wrdreg s15  }
0x1c: {  	s11 =	simm.s32 $0x10;
	s12 =	simm.s32 $0x11;
	[dreg:$0x14] =	wrdreg s16  }
0x1d: {  	[dreg:$0x15] =	wrdreg s17;
	s13 =	sadd.s32 $0xC350, s9;
	s14 =	sadd.s32 $0x186A0, s9  }
0x1e: {  	s15 =	sadd.s32 $0x249F0, s9;
	s16 =	sadd.s32 $0x30D40, s9;
	s17 =	sadd.s32 $0x3D090, s9  }
0x1f: {  	v0 =	vimm.f32 $0.0e+00;
	[dreg:$0xb] =	wrdreg s26;
	s3 =	simm.s32 $0x0;
	s26 =	simm.s32 $0x8  }
.LBB2_1:
0x20: {  	[dreg:$0x18] =	wrdreg s3  }
0x21: {  	s1 =	rddreg [dreg:$0xd]  }
0x22: {  	[tilespmem:s29], [sflag:$0x13] =	stream.linear.gather [hbm4b:s1+s29], $0xE00, $0x38;
	[tilespmem:$0x1C1E0] =	vst v63  }
0x23: {  	s6 =	rddreg [dreg:$0xe];
	s2 =	simm.s32 $0x2A00  }
0x24: {  	[tilespmem:s2], [sflag:$0x16] =	stream.linear.gather [hbm4b:s6+s29], $0xE00, $0x38;
	[tilespmem:$0x1C1E0] =	vst v63  }
0x25: {  	s3 =	rddreg [dreg:$0xf];
	s6 =	simm.s32 $0x5400  }
0x26: {  	[tilespmem:s6], [sflag:$0x19] =	stream.linear.gather [hbm4b:s3+s29], $0xE00, $0x38;
	[tilespmem:$0x1C1E0] =	vst v63  }
0x27: {  	s2 =	rddreg [dreg:$0x10]  }
0x28: {  	[tilespmem:s7], [sflag:$0x14] =	stream.linear.gather [hbm4b:s2+s29], $0xE00, $0x38;
	[tilespmem:$0x1C1E0] =	vst v63  }
0x29: {  	s3 =	rddreg [dreg:$0x11];
	s6 =	simm.s32 $0x3800  }
0x2a: {  	[tilespmem:s6], [sflag:$0x17] =	stream.linear.gather [hbm4b:s3+s29], $0xE00, $0x38;
	[tilespmem:$0x1C1E0] =	vst v63  }
0x2b: {  	s3 =	rddreg [dreg:$0x12];
	s6 =	simm.s32 $0x6200  }
0x2c: {  	[tilespmem:s6], [sflag:$0x1A] =	stream.linear.gather [hbm4b:s3+s29], $0xE00, $0x38;
	[tilespmem:$0x1C1E0] =	vst v63  }
0x2d: {  	s2 =	rddreg [dreg:$0x13]  }
0x2e: {  	[tilespmem:s8], [sflag:$0x15] =	stream.linear.gather [hbm4b:s2+s29], $0xE00, $0x38;
	[tilespmem:$0x1C1E0] =	vst v63  }
0x2f: {  	s3 =	rddreg [dreg:$0x14];
	s6 =	simm.s32 $0x4600  }
0x30: {  	[tilespmem:s6], [sflag:$0x18] =	stream.linear.gather [hbm4b:s3+s29], $0xE00, $0x38;
	[tilespmem:$0x1C1E0] =	vst v63  }
0x31: {  	s3 =	rddreg [dreg:$0x15];
	s6 =	simm.s32 $0x7000  }
0x32: {  	[tilespmem:s6], [sflag:$0x1B] =	stream.linear.gather [hbm4b:s3+s29], $0xE00, $0x38;
	[tilespmem:$0x1C1E0] =	vst v63  }
0x33: {  	s1 =	sshrl.u32 @!p0 s9, $0x3;
	s2 =	simm.s32 @!p0 $0x1C1C;
	s6 =	rddreg [dreg:$0xc]  }
0x34: {  	[spmem:s1], [sflag:s2] =	dma.local @!p0 [hbm:s6], $0xDBBA  }
0x35: {  	s1 =	simm.s32 @!p0 $0x1C  }
0x36: {  	_ =	swait.ge @!p0 [sflag:s1], $0xDBBA  }
0x37: {  	[sflag:s1] =	ssyncset.done @!p0 $0x0  }
0x38: {  	s2 =	simm.s32 $0x400;
	[sflag:s1] =	ssyncadd.s32 @!p0 $0xFFFF2446;
	s1 =	simm.s32 $0x0  }
.LBB2_2:
0x39: {  	p1 =	sne.s32 s2, $0x30C00;
	[tilespmem:s1+$0x90F0] =	vst v0  }
0x3a: {  	[tilespmem:s1+$0x9000] =	vst v0  }
0x3b: {  	[tilespmem:s1+$0x9010] =	vst v0  }
0x3c: {  	[tilespmem:s1+$0x9020] =	vst v0  }
0x3d: {  	[tilespmem:s1+$0x9030] =	vst v0  }
0x3e: {  	[tilespmem:s1+$0x9040] =	vst v0  }
0x3f: {  	[tilespmem:s1+$0x9050] =	vst v0  }
0x40: {  	[tilespmem:s1+$0x9060] =	vst v0  }
0x41: {  	[tilespmem:s1+$0x9070] =	vst v0  }
0x42: {  	[tilespmem:s1+$0x9080] =	vst v0  }
0x43: {  	[tilespmem:s1+$0x9090] =	vst v0  }
.Ltmp0:
0x44: {  	[tilespmem:s1+$0x90A0] =	vst v0;
	(pc) =	sbr.rel @p1 .LBB2_2-.Ltmp0, $4  }
0x45: {  	[tilespmem:s1+$0x90B0] =	vst v0  }
0x46: {  	[tilespmem:s1+$0x90C0] =	vst v0  }
0x47: {  	[tilespmem:s1+$0x90D0] =	vst v0  }
0x48: {  	[tilespmem:s1+$0x90E0] =	vst v0;
	s1 =	sshra.s32 s2, $0x2;
	s2 =	sadd.s32 $0x400, s2  }
0x49: {  	[tilespmem:s1+$0x90F0] =	vst v0  }
0x4a: {  	[tilespmem:s1+$0x9000] =	vst v0  }
0x4b: {  	[tilespmem:s1+$0x9010] =	vst v0  }
0x4c: {  	[tilespmem:s1+$0x9020] =	vst v0  }
0x4d: {  	[tilespmem:s1+$0x9030] =	vst v0  }
0x4e: {  	[tilespmem:s1+$0x9040] =	vst v0  }
0x4f: {  	[tilespmem:s1+$0x9050] =	vst v0  }
0x50: {  	[tilespmem:s1+$0x9060] =	vst v0  }
0x51: {  	[tilespmem:s1+$0x9070] =	vst v0  }
0x52: {  	[tilespmem:s1+$0x9080] =	vst v0  }
0x53: {  	[tilespmem:s1+$0x9090] =	vst v0  }
0x54: {  	[tilespmem:s1+$0x90A0] =	vst v0  }
0x55: {  	[tilespmem:s1+$0x90B0] =	vst v0  }
0x56: {  	[tilespmem:s1+$0x90C0] =	vst v0  }
0x57: {  	[tilespmem:s1+$0x90D0] =	vst v0  }
0x58: {  	[tilespmem:s1+$0x90E0] =	vst v0;
	s3 =	simm.s32 $0x13  }
0x59: {  	_ =	swait.ge [sflag:s3], $0xE00  }
0x5a: {  	[sflag:s3] =	ssyncset.done $0x0  }
0x5b: {  	s6 =	simm.s32 $0x16;
	[sflag:s3] =	ssyncadd.s32 $0xFFFFF200  }
0x5c: {  	_ =	swait.ge [sflag:s6], $0xE00  }
0x5d: {  	[sflag:s6] =	ssyncset.done $0x0  }
0x5e: {  	s29 =	simm.s32 $0x19;
	[sflag:s6] =	ssyncadd.s32 $0xFFFFF200  }
0x5f: {  	_ =	swait.ge [sflag:s29], $0xE00  }
0x60: {  	[sflag:s29] =	ssyncset.done $0x0  }
0x61: {  	s2 =	simm.s32 $0x14;
	[sflag:s29] =	ssyncadd.s32 $0xFFFFF200  }
0x62: {  	_ =	swait.ge [sflag:s2], $0xE00  }
0x63: {  	[sflag:s2] =	ssyncset.done $0x0  }
0x64: {  	s3 =	simm.s32 $0x17;
	[sflag:s2] =	ssyncadd.s32 $0xFFFFF200  }
0x65: {  	_ =	swait.ge [sflag:s3], $0xE00  }
0x66: {  	[sflag:s3] =	ssyncset.done $0x0  }
0x67: {  	s6 =	simm.s32 $0x1A;
	[sflag:s3] =	ssyncadd.s32 $0xFFFFF200  }
0x68: {  	_ =	swait.ge [sflag:s6], $0xE00  }
0x69: {  	[sflag:s6] =	ssyncset.done $0x0  }
0x6a: {  	s29 =	simm.s32 $0x15;
	[sflag:s6] =	ssyncadd.s32 $0xFFFFF200  }
0x6b: {  	_ =	swait.ge [sflag:s29], $0xE00  }
0x6c: {  	[sflag:s29] =	ssyncset.done $0x0  }
0x6d: {  	s2 =	simm.s32 $0x18;
	[sflag:s29] =	ssyncadd.s32 $0xFFFFF200  }
0x6e: {  	_ =	swait.ge [sflag:s2], $0xE00  }
0x6f: {  	[sflag:s2] =	ssyncset.done $0x0  }
0x70: {  	s3 =	simm.s32 $0x1B;
	[sflag:s2] =	ssyncadd.s32 $0xFFFFF200  }
0x71: {  	_ =	swait.ge [sflag:s3], $0xE00  }
0x72: {  	[sflag:s3] =	ssyncset.done $0x0  }
0x73: {  	[sflag:s3] =	ssyncadd.s32 $0xFFFFF200  }
0x74: {  	s6 =	simm.s32 $0x7E00;
	s2 =	simm.s32 $0x0;
	[bflag:$0x0] =	sbarrier.arrive $0xFFFF  }
0x75: {  	[tilespmem:s6], [sflag:$0x1] =	stream.indirect.gather [spmem:s9], $0x1, s2, s5, $0xb8;
	[tilespmem:$0x1C1E0] =	vst v63  }
0x76: {  	s29 =	simm.s32 $0x7F00  }
0x77: {  	[tilespmem:s29], [sflag:$0x2] =	stream.indirect.gather [spmem:s13], $0x1, s2, s5, $0xb8;
	[tilespmem:$0x1C1E0] =	vst v63  }
0x78: {  	s3 =	simm.s32 $0x8000  }
0x79: {  	[tilespmem:s3], [sflag:$0x3] =	stream.indirect.gather [spmem:s14], $0x1, s2, s5, $0xb8;
	[tilespmem:$0x1C1E0] =	vst v63  }
0x7a: {  	s6 =	simm.s32 $0x8100  }
0x7b: {  	[tilespmem:s6], [sflag:$0x4] =	stream.indirect.gather [spmem:s15], $0x1, s7, s5, $0xb8;
	[tilespmem:$0x1C1E0] =	vst v63  }
0x7c: {  	s29 =	simm.s32 $0x8200  }
0x7d: {  	[tilespmem:s29], [sflag:$0x5] =	stream.indirect.gather [spmem:s16], $0x1, s7, s5, $0xb8;
	[tilespmem:$0x1C1E0] =	vst v63  }
0x7e: {  	s3 =	simm.s32 $0x8300  }
0x7f: {  	[tilespmem:s3], [sflag:$0x6] =	stream.indirect.gather [spmem:s17], $0x1, s7, s5, $0xb8;
	[tilespmem:$0x1C1E0] =	vst v63  }
0x80: {  	s6 =	simm.s32 $0x8400  }
0x81: {  	[tilespmem:s6], [sflag:$0x7] =	stream.indirect.gather [spmem:s18], $0x1, s8, s5, $0xb8;
	[tilespmem:$0x1C1E0] =	vst v63  }
0x82: {  	s7 =	simm.s32 $0x8500  }
0x83: {  	[tilespmem:s7], [sflag:$0x8] =	stream.indirect.gather [spmem:s19], $0x1, s8, s5, $0xb8;
	[tilespmem:$0x1C1E0] =	vst v63  }
0x84: {  	s29 =	simm.s32 $0x8600;
	s3 =	simm.s32 $0xC  }
0x85: {  	[tilespmem:s29], [sflag:$0x9] =	stream.indirect.gather [spmem:s20], $0x1, s8, s5, $0xb8;
	[tilespmem:$0x1C1E0] =	vst v63  }
.LBB2_4:
0x86: {  	s29 =	sshll.u32 s2, $0x9  }
0x87: {  	s6 =	rddreg [dreg:$0x3];
	s1 =	sor.u32 $0x100, s29  }
0x88: {  	[tilespmem:s6], [sflag:$0xA] =	stream.indirect.gather [spmem:s9], $0x1, s1, s5, $0xb8;
	[tilespmem:$0x1C1E0] =	vst v63  }
0x89: {  	s7 =	rddreg [dreg:$0x4]  }
0x8a: {  	[tilespmem:s7], [sflag:$0xB] =	stream.indirect.gather [spmem:s13], $0x1, s1, s5, $0xb8;
	[tilespmem:$0x1C1E0] =	vst v63  }
0x8b: {  	s8 =	rddreg [dreg:$0x5]  }
0x8c: {  	[tilespmem:s8], [sflag:$0xC] =	stream.indirect.gather [spmem:s14], $0x1, s1, s5, $0xb8;
	[tilespmem:$0x1C1E0] =	vst v63  }
0x8d: {  	s6 =	sadd.s32 $0xF00, s29;
	s7 =	rddreg [dreg:$0x6]  }
0x8e: {  	[tilespmem:s7], [sflag:$0xD] =	stream.indirect.gather [spmem:s15], $0x1, s6, s5, $0xb8;
	[tilespmem:$0x1C1E0] =	vst v63  }
0x8f: {  	s8 =	rddreg [dreg:$0x7]  }
0x90: {  	[tilespmem:s8], [sflag:$0xE] =	stream.indirect.gather [spmem:s16], $0x1, s6, s5, $0xb8;
	[tilespmem:$0x1C1E0] =	vst v63  }
0x91: {  	s7 =	rddreg [dreg:$0x8]  }
0x92: {  	[tilespmem:s7], [sflag:$0xF] =	stream.indirect.gather [spmem:s17], $0x1, s6, s5, $0xb8;
	[tilespmem:$0x1C1E0] =	vst v63  }
0x93: {  	s8 =	rddreg [dreg:$0x9];
	s6 =	sadd.s32 $0x1D00, s29  }
0x94: {  	[tilespmem:s8], [sflag:$0x10] =	stream.indirect.gather [spmem:s18], $0x1, s6, s5, $0xb8;
	[tilespmem:$0x1C1E0] =	vst v63  }
0x95: {  	s7 =	rddreg [dreg:$0xa]  }
0x96: {  	[tilespmem:s7], [sflag:$0x11] =	stream.indirect.gather [spmem:s19], $0x1, s6, s5, $0xb8;
	[tilespmem:$0x1C1E0] =	vst v63  }
0x97: {  	s8 =	rddreg [dreg:$0xb];
	s7 =	simm.s32 $0x1  }
0x98: {  	[tilespmem:s8], [sflag:$0x12] =	stream.indirect.gather [spmem:s20], $0x1, s6, s5, $0xb8;
	[tilespmem:$0x1C1E0] =	vst v63  }
0x99: {  	_ =	swait.ge [sflag:s7], $0x100  }
0x9a: {  	[sflag:s7] =	ssyncset.done $0x0  }
0x9b: {  	s8 =	simm.s32 $0x2;
	[sflag:s7] =	ssyncadd.s32 $0xFFFFFF00  }
0x9c: {  	_ =	swait.ge [sflag:s8], $0x100  }
0x9d: {  	[sflag:s8] =	ssyncset.done $0x0  }
0x9e: {  	s7 =	simm.s32 $0x3;
	[sflag:s8] =	ssyncadd.s32 $0xFFFFFF00  }
0x9f: {  	_ =	swait.ge [sflag:s7], $0x100  }
0xa0: {  	[sflag:s7] =	ssyncset.done $0x0  }
0xa1: {  	s8 =	simm.s32 $0x4;
	[sflag:s7] =	ssyncadd.s32 $0xFFFFFF00  }
0xa2: {  	_ =	swait.ge [sflag:s8], $0x100  }
0xa3: {  	[sflag:s8] =	ssyncset.done $0x0  }
0xa4: {  	[sflag:s8] =	ssyncadd.s32 $0xFFFFFF00  }
0xa5: {  	_ =	swait.ge [sflag:s22], $0x100  }
0xa6: {  	[sflag:s22] =	ssyncset.done $0x0  }
0xa7: {  	[sflag:s22] =	ssyncadd.s32 $0xFFFFFF00  }
0xa8: {  	_ =	swait.ge [sflag:s23], $0x100  }
0xa9: {  	[sflag:s23] =	ssyncset.done $0x0  }
0xaa: {  	[sflag:s23] =	ssyncadd.s32 $0xFFFFFF00  }
0xab: {  	_ =	swait.ge [sflag:s24], $0x100  }
0xac: {  	[sflag:s24] =	ssyncset.done $0x0  }
0xad: {  	[sflag:s24] =	ssyncadd.s32 $0xFFFFFF00  }
0xae: {  	_ =	swait.ge [sflag:s26], $0x100  }
0xaf: {  	[sflag:s26] =	ssyncset.done $0x0  }
0xb0: {  	[sflag:s26] =	ssyncadd.s32 $0xFFFFFF00  }
0xb1: {  	_ =	swait.ge [sflag:s28], $0x100  }
0xb2: {  	[sflag:s28] =	ssyncset.done $0x0  }
0xb3: {  	[sflag:s28] =	ssyncadd.s32 $0xFFFFFF00  }
0xb4: {  	v1 =	vld [tilespmem:$0x7E00]  }
0xb5: {  	v2 =	vld [tilespmem:$0x8100];
	_ =	sdelay $0x1  }
0xb6: {  	v3 =	vld [tilespmem:$0x8400];
	_ =	sdelay $0x1  }
0xb7: {  	v4 =	vld [tilespmem:s29+$0x5400]  }
0xb8: {  	v1 =	vadd.f32 v2, v1;
	v2 =	vld [tilespmem:s29+$0x0]  }
0xb9: {  	v5 =	vld [tilespmem:s29+$0x2A00]  }
0xba: {  	v1 =	vadd.f32 v3, v1;
	_ =	sdelay $0x1  }
0xbb: {  	v1 =	vmul.f32 v4, v1;
	_ =	sdelay $0x1  }
0xbc: {  	v1 =	vadd.f32 v1, v5;
	_ =	sdelay $0x1  }
0xbd: {  	[tilespmem:v2+s0+$0x0] =	vst.idx.add.f32.msk $0xffff, v1  }
0xbe: {  	v1 =	vld [tilespmem:$0x7F00]  }
0xbf: {  	v2 =	vld [tilespmem:$0x8200];
	_ =	sdelay $0x1  }
0xc0: {  	v3 =	vld [tilespmem:$0x8500];
	_ =	sdelay $0x1  }
0xc1: {  	v43 =	vld [tilespmem:s29+$0x6200]  }
0xc2: {  	v1 =	vadd.f32 v2, v1;
	v2 =	vld [tilespmem:s29+$0xE00]  }
0xc3: {  	v44 =	vld [tilespmem:s29+$0x3800]  }
0xc4: {  	v1 =	vadd.f32 v3, v1;
	_ =	sdelay $0x1  }
0xc5: {  	v1 =	vmul.f32 v43, v1;
	_ =	sdelay $0x1  }
0xc6: {  	v1 =	vadd.f32 v1, v44;
	_ =	sdelay $0x1  }
0xc7: {  	[tilespmem:v2+s0+$0x0] =	vst.idx.add.f32.msk $0xffff, v1  }
0xc8: {  	v1 =	vld [tilespmem:$0x8000]  }
0xc9: {  	v2 =	vld [tilespmem:$0x8300];
	_ =	sdelay $0x1  }
0xca: {  	v3 =	vld [tilespmem:$0x8600];
	_ =	sdelay $0x1  }
0xcb: {  	v45 =	vld [tilespmem:s29+$0x7000]  }
0xcc: {  	v1 =	vadd.f32 v2, v1;
	v2 =	vld [tilespmem:s29+$0x1C00]  }
0xcd: {  	v46 =	vld [tilespmem:s29+$0x4600]  }
0xce: {  	v1 =	vadd.f32 v3, v1;
	_ =	sdelay $0x1  }
0xcf: {  	v1 =	vmul.f32 v45, v1;
	_ =	sdelay $0x1  }
0xd0: {  	v1 =	vadd.f32 v1, v46;
	_ =	sdelay $0x1  }
0xd1: {  	[tilespmem:v2+s0+$0x0] =	vst.idx.add.f32.msk $0xffff, v1  }
0xd2: {  	v1 =	vld [tilespmem:$0x7E10]  }
0xd3: {  	v2 =	vld [tilespmem:$0x8110];
	_ =	sdelay $0x1  }
0xd4: {  	v3 =	vld [tilespmem:$0x8410];
	_ =	sdelay $0x1  }
0xd5: {  	v47 =	vld [tilespmem:s29+$0x5410]  }
0xd6: {  	v1 =	vadd.f32 v2, v1;
	v2 =	vld [tilespmem:s29+$0x10]  }
0xd7: {  	v48 =	vld [tilespmem:s29+$0x2A10]  }
0xd8: {  	v1 =	vadd.f32 v3, v1;
	_ =	sdelay $0x1  }
0xd9: {  	v1 =	vmul.f32 v47, v1;
	_ =	sdelay $0x1  }
0xda: {  	v1 =	vadd.f32 v1, v48;
	_ =	sdelay $0x1  }
0xdb: {  	[tilespmem:v2+s0+$0x0] =	vst.idx.add.f32.msk $0xffff, v1  }
0xdc: {  	v1 =	vld [tilespmem:$0x7F10]  }
0xdd: {  	v2 =	vld [tilespmem:$0x8210];
	_ =	sdelay $0x1  }
0xde: {  	v3 =	vld [tilespmem:$0x8510];
	_ =	sdelay $0x1  }
0xdf: {  	v49 =	vld [tilespmem:s29+$0x6210]  }
0xe0: {  	v1 =	vadd.f32 v2, v1;
	v2 =	vld [tilespmem:s29+$0xE10]  }
0xe1: {  	v50 =	vld [tilespmem:s29+$0x3810]  }
0xe2: {  	v1 =	vadd.f32 v3, v1;
	_ =	sdelay $0x1  }
0xe3: {  	v1 =	vmul.f32 v49, v1;
	_ =	sdelay $0x1  }
0xe4: {  	v1 =	vadd.f32 v1, v50;
	_ =	sdelay $0x1  }
0xe5: {  	[tilespmem:v2+s0+$0x0] =	vst.idx.add.f32.msk $0xffff, v1  }
0xe6: {  	v1 =	vld [tilespmem:$0x8010]  }
0xe7: {  	v2 =	vld [tilespmem:$0x8310];
	_ =	sdelay $0x1  }
0xe8: {  	v3 =	vld [tilespmem:$0x8610];
	_ =	sdelay $0x1  }
0xe9: {  	v51 =	vld [tilespmem:s29+$0x7010]  }
0xea: {  	v1 =	vadd.f32 v2, v1;
	v2 =	vld [tilespmem:s29+$0x1C10]  }
0xeb: {  	v52 =	vld [tilespmem:s29+$0x4610]  }
0xec: {  	v1 =	vadd.f32 v3, v1;
	_ =	sdelay $0x1  }
0xed: {  	v1 =	vmul.f32 v51, v1;
	_ =	sdelay $0x1  }
0xee: {  	v1 =	vadd.f32 v1, v52;
	_ =	sdelay $0x1  }
0xef: {  	[tilespmem:v2+s0+$0x0] =	vst.idx.add.f32.msk $0xffff, v1  }
0xf0: {  	v1 =	vld [tilespmem:$0x7E20]  }
0xf1: {  	v2 =	vld [tilespmem:$0x8120];
	_ =	sdelay $0x1  }
0xf2: {  	v3 =	vld [tilespmem:$0x8420];
	_ =	sdelay $0x1  }
0xf3: {  	v53 =	vld [tilespmem:s29+$0x5420]  }
0xf4: {  	v1 =	vadd.f32 v2, v1;
	v2 =	vld [tilespmem:s29+$0x20]  }
0xf5: {  	v54 =	vld [tilespmem:s29+$0x2A20]  }
0xf6: {  	v1 =	vadd.f32 v3, v1;
	_ =	sdelay $0x1  }
0xf7: {  	v1 =	vmul.f32 v53, v1;
	_ =	sdelay $0x1  }
0xf8: {  	v1 =	vadd.f32 v1, v54;
	_ =	sdelay $0x1  }
0xf9: {  	[tilespmem:v2+s0+$0x0] =	vst.idx.add.f32.msk $0xffff, v1  }
0xfa: {  	v1 =	vld [tilespmem:$0x7F20]  }
0xfb: {  	v2 =	vld [tilespmem:$0x8220];
	_ =	sdelay $0x1  }
0xfc: {  	v3 =	vld [tilespmem:$0x8520];
	_ =	sdelay $0x1  }
0xfd: {  	v55 =	vld [tilespmem:s29+$0x6220]  }
0xfe: {  	v1 =	vadd.f32 v2, v1;
	v2 =	vld [tilespmem:s29+$0xE20]  }
0xff: {  	v56 =	vld [tilespmem:s29+$0x3820]  }
0x100: {  	v1 =	vadd.f32 v3, v1;
	_ =	sdelay $0x1  }
0x101: {  	v1 =	vmul.f32 v55, v1;
	_ =	sdelay $0x1  }
0x102: {  	v1 =	vadd.f32 v1, v56;
	_ =	sdelay $0x1  }
0x103: {  	[tilespmem:v2+s0+$0x0] =	vst.idx.add.f32.msk $0xffff, v1  }
0x104: {  	v1 =	vld [tilespmem:$0x8020]  }
0x105: {  	v2 =	vld [tilespmem:$0x8320];
	_ =	sdelay $0x1  }
0x106: {  	v3 =	vld [tilespmem:$0x8620];
	_ =	sdelay $0x1  }
0x107: {  	v57 =	vld [tilespmem:s29+$0x7020]  }
0x108: {  	v1 =	vadd.f32 v2, v1;
	v2 =	vld [tilespmem:s29+$0x1C20]  }
0x109: {  	v58 =	vld [tilespmem:s29+$0x4620]  }
0x10a: {  	v1 =	vadd.f32 v3, v1;
	_ =	sdelay $0x1  }
0x10b: {  	v1 =	vmul.f32 v57, v1;
	_ =	sdelay $0x1  }
0x10c: {  	v1 =	vadd.f32 v1, v58;
	_ =	sdelay $0x1  }
0x10d: {  	[tilespmem:v2+s0+$0x0] =	vst.idx.add.f32.msk $0xffff, v1  }
0x10e: {  	v1 =	vld [tilespmem:$0x7E30]  }
0x10f: {  	v2 =	vld [tilespmem:$0x8130];
	_ =	sdelay $0x1  }
0x110: {  	v3 =	vld [tilespmem:$0x8430];
	_ =	sdelay $0x1  }
0x111: {  	v59 =	vld [tilespmem:s29+$0x5430]  }
0x112: {  	v1 =	vadd.f32 v2, v1;
	v2 =	vld [tilespmem:s29+$0x30]  }
0x113: {  	v60 =	vld [tilespmem:s29+$0x2A30]  }
0x114: {  	v1 =	vadd.f32 v3, v1;
	_ =	sdelay $0x1  }
0x115: {  	v1 =	vmul.f32 v59, v1;
	_ =	sdelay $0x1  }
0x116: {  	v1 =	vadd.f32 v1, v60;
	_ =	sdelay $0x1  }
0x117: {  	[tilespmem:v2+s0+$0x0] =	vst.idx.add.f32.msk $0xffff, v1  }
0x118: {  	v1 =	vld [tilespmem:$0x7F30]  }
0x119: {  	v2 =	vld [tilespmem:$0x8230];
	_ =	sdelay $0x1  }
0x11a: {  	v3 =	vld [tilespmem:$0x8530];
	_ =	sdelay $0x1  }
0x11b: {  	v61 =	vld [tilespmem:s29+$0x6230]  }
0x11c: {  	v1 =	vadd.f32 v2, v1;
	v2 =	vld [tilespmem:s29+$0xE30]  }
0x11d: {  	v62 =	vld [tilespmem:s29+$0x3830]  }
0x11e: {  	v1 =	vadd.f32 v3, v1;
	_ =	sdelay $0x1  }
0x11f: {  	v1 =	vmul.f32 v61, v1;
	_ =	sdelay $0x1  }
0x120: {  	v1 =	vadd.f32 v1, v62;
	_ =	sdelay $0x1  }
0x121: {  	[tilespmem:v2+s0+$0x0] =	vst.idx.add.f32.msk $0xffff, v1  }
0x122: {  	v1 =	vld [tilespmem:$0x8030]  }
0x123: {  	v2 =	vld [tilespmem:$0x8330];
	_ =	sdelay $0x1  }
0x124: {  	v3 =	vld [tilespmem:$0x8630];
	_ =	sdelay $0x1  }
0x125: {  	v63 =	vld [tilespmem:s29+$0x7030]  }
0x126: {  	v1 =	vadd.f32 v2, v1;
	v2 =	vld [tilespmem:s29+$0x1C30]  }
0x127: {  	v8 =	vld [tilespmem:s29+$0x4630]  }
0x128: {  	v1 =	vadd.f32 v3, v1;
	_ =	sdelay $0x1  }
0x129: {  	v1 =	vmul.f32 v63, v1;
	_ =	sdelay $0x1  }
0x12a: {  	v1 =	vadd.f32 v1, v8;
	_ =	sdelay $0x1  }
0x12b: {  	[tilespmem:v2+s0+$0x0] =	vst.idx.add.f32.msk $0xffff, v1  }
0x12c: {  	v1 =	vld [tilespmem:$0x7E40]  }
0x12d: {  	v2 =	vld [tilespmem:$0x8140];
	_ =	sdelay $0x1  }
0x12e: {  	v3 =	vld [tilespmem:$0x8440];
	_ =	sdelay $0x1  }
0x12f: {  	v9 =	vld [tilespmem:s29+$0x5440]  }
0x130: {  	v1 =	vadd.f32 v2, v1;
	v2 =	vld [tilespmem:s29+$0x40]  }
0x131: {  	v10 =	vld [tilespmem:s29+$0x2A40]  }
0x132: {  	v1 =	vadd.f32 v3, v1;
	_ =	sdelay $0x1  }
0x133: {  	v1 =	vmul.f32 v9, v1;
	_ =	sdelay $0x1  }
0x134: {  	v1 =	vadd.f32 v1, v10;
	_ =	sdelay $0x1  }
0x135: {  	[tilespmem:v2+s0+$0x0] =	vst.idx.add.f32.msk $0xffff, v1  }
0x136: {  	v1 =	vld [tilespmem:$0x7F40]  }
0x137: {  	v2 =	vld [tilespmem:$0x8240];
	_ =	sdelay $0x1  }
0x138: {  	v3 =	vld [tilespmem:$0x8540];
	_ =	sdelay $0x1  }
0x139: {  	v11 =	vld [tilespmem:s29+$0x6240]  }
0x13a: {  	v1 =	vadd.f32 v2, v1;
	v2 =	vld [tilespmem:s29+$0xE40]  }
0x13b: {  	v12 =	vld [tilespmem:s29+$0x3840]  }
0x13c: {  	v1 =	vadd.f32 v3, v1;
	_ =	sdelay $0x1  }
0x13d: {  	v1 =	vmul.f32 v11, v1;
	_ =	sdelay $0x1  }
0x13e: {  	v1 =	vadd.f32 v1, v12;
	_ =	sdelay $0x1  }
0x13f: {  	[tilespmem:v2+s0+$0x0] =	vst.idx.add.f32.msk $0xffff, v1  }
0x140: {  	v1 =	vld [tilespmem:$0x8040]  }
0x141: {  	v2 =	vld [tilespmem:$0x8340];
	_ =	sdelay $0x1  }
0x142: {  	v3 =	vld [tilespmem:$0x8640];
	_ =	sdelay $0x1  }
0x143: {  	v13 =	vld [tilespmem:s29+$0x7040]  }
0x144: {  	v1 =	vadd.f32 v2, v1;
	v2 =	vld [tilespmem:s29+$0x1C40]  }
0x145: {  	v14 =	vld [tilespmem:s29+$0x4640]  }
0x146: {  	v1 =	vadd.f32 v3, v1;
	_ =	sdelay $0x1  }
0x147: {  	v1 =	vmul.f32 v13, v1;
	_ =	sdelay $0x1  }
0x148: {  	v1 =	vadd.f32 v1, v14;
	_ =	sdelay $0x1  }
0x149: {  	[tilespmem:v2+s0+$0x0] =	vst.idx.add.f32.msk $0xffff, v1  }
0x14a: {  	v1 =	vld [tilespmem:$0x7E50]  }
0x14b: {  	v2 =	vld [tilespmem:$0x8150];
	_ =	sdelay $0x1  }
0x14c: {  	v3 =	vld [tilespmem:$0x8450];
	_ =	sdelay $0x1  }
0x14d: {  	v15 =	vld [tilespmem:s29+$0x5450]  }
0x14e: {  	v1 =	vadd.f32 v2, v1;
	v2 =	vld [tilespmem:s29+$0x50]  }
0x14f: {  	v16 =	vld [tilespmem:s29+$0x2A50]  }
0x150: {  	v1 =	vadd.f32 v3, v1;
	_ =	sdelay $0x1  }
0x151: {  	v1 =	vmul.f32 v15, v1;
	_ =	sdelay $0x1  }
0x152: {  	v1 =	vadd.f32 v1, v16;
	_ =	sdelay $0x1  }
0x153: {  	[tilespmem:v2+s0+$0x0] =	vst.idx.add.f32.msk $0xffff, v1  }
0x154: {  	v1 =	vld [tilespmem:$0x7F50]  }
0x155: {  	v2 =	vld [tilespmem:$0x8250];
	_ =	sdelay $0x1  }
0x156: {  	v3 =	vld [tilespmem:$0x8550];
	_ =	sdelay $0x1  }
0x157: {  	v17 =	vld [tilespmem:s29+$0x6250]  }
0x158: {  	v1 =	vadd.f32 v2, v1;
	v2 =	vld [tilespmem:s29+$0xE50]  }
0x159: {  	v18 =	vld [tilespmem:s29+$0x3850]  }
0x15a: {  	v1 =	vadd.f32 v3, v1;
	_ =	sdelay $0x1  }
0x15b: {  	v1 =	vmul.f32 v17, v1;
	_ =	sdelay $0x1  }
0x15c: {  	v1 =	vadd.f32 v1, v18;
	_ =	sdelay $0x1  }
0x15d: {  	[tilespmem:v2+s0+$0x0] =	vst.idx.add.f32.msk $0xffff, v1  }
0x15e: {  	v1 =	vld [tilespmem:$0x8050]  }
0x15f: {  	v2 =	vld [tilespmem:$0x8350];
	_ =	sdelay $0x1  }
0x160: {  	v3 =	vld [tilespmem:$0x8650];
	_ =	sdelay $0x1  }
0x161: {  	v19 =	vld [tilespmem:s29+$0x7050]  }
0x162: {  	v1 =	vadd.f32 v2, v1;
	v2 =	vld [tilespmem:s29+$0x1C50]  }
0x163: {  	v20 =	vld [tilespmem:s29+$0x4650]  }
0x164: {  	v1 =	vadd.f32 v3, v1;
	_ =	sdelay $0x1  }
0x165: {  	v1 =	vmul.f32 v19, v1;
	_ =	sdelay $0x1  }
0x166: {  	v1 =	vadd.f32 v1, v20;
	_ =	sdelay $0x1  }
0x167: {  	[tilespmem:v2+s0+$0x0] =	vst.idx.add.f32.msk $0xffff, v1  }
0x168: {  	v1 =	vld [tilespmem:$0x7E60]  }
0x169: {  	v2 =	vld [tilespmem:$0x8160];
	_ =	sdelay $0x1  }
0x16a: {  	v3 =	vld [tilespmem:$0x8460];
	_ =	sdelay $0x1  }
0x16b: {  	v21 =	vld [tilespmem:s29+$0x5460]  }
0x16c: {  	v1 =	vadd.f32 v2, v1;
	v2 =	vld [tilespmem:s29+$0x60]  }
0x16d: {  	v22 =	vld [tilespmem:s29+$0x2A60]  }
0x16e: {  	v1 =	vadd.f32 v3, v1;
	_ =	sdelay $0x1  }
0x16f: {  	v1 =	vmul.f32 v21, v1;
	_ =	sdelay $0x1  }
0x170: {  	v1 =	vadd.f32 v1, v22;
	_ =	sdelay $0x1  }
0x171: {  	[tilespmem:v2+s0+$0x0] =	vst.idx.add.f32.msk $0xffff, v1  }
0x172: {  	v1 =	vld [tilespmem:$0x7F60]  }
0x173: {  	v2 =	vld [tilespmem:$0x8260];
	_ =	sdelay $0x1  }
0x174: {  	v3 =	vld [tilespmem:$0x8560];
	_ =	sdelay $0x1  }
0x175: {  	v23 =	vld [tilespmem:s29+$0x6260]  }
0x176: {  	v1 =	vadd.f32 v2, v1;
	v2 =	vld [tilespmem:s29+$0xE60]  }
0x177: {  	v24 =	vld [tilespmem:s29+$0x3860]  }
0x178: {  	v1 =	vadd.f32 v3, v1;
	_ =	sdelay $0x1  }
0x179: {  	v1 =	vmul.f32 v23, v1;
	_ =	sdelay $0x1  }
0x17a: {  	v1 =	vadd.f32 v1, v24;
	_ =	sdelay $0x1  }
0x17b: {  	[tilespmem:v2+s0+$0x0] =	vst.idx.add.f32.msk $0xffff, v1  }
0x17c: {  	v1 =	vld [tilespmem:$0x8060]  }
0x17d: {  	v2 =	vld [tilespmem:$0x8360];
	_ =	sdelay $0x1  }
0x17e: {  	v3 =	vld [tilespmem:$0x8660];
	_ =	sdelay $0x1  }
0x17f: {  	v25 =	vld [tilespmem:s29+$0x7060]  }
0x180: {  	v1 =	vadd.f32 v2, v1;
	v2 =	vld [tilespmem:s29+$0x1C60]  }
0x181: {  	v26 =	vld [tilespmem:s29+$0x4660]  }
0x182: {  	v1 =	vadd.f32 v3, v1;
	_ =	sdelay $0x1  }
0x183: {  	v1 =	vmul.f32 v25, v1;
	_ =	sdelay $0x1  }
0x184: {  	v1 =	vadd.f32 v1, v26;
	_ =	sdelay $0x1  }
0x185: {  	[tilespmem:v2+s0+$0x0] =	vst.idx.add.f32.msk $0xffff, v1  }
0x186: {  	v1 =	vld [tilespmem:$0x7E70]  }
0x187: {  	v2 =	vld [tilespmem:$0x8170];
	_ =	sdelay $0x1  }
0x188: {  	v3 =	vld [tilespmem:$0x8470];
	_ =	sdelay $0x1  }
0x189: {  	v27 =	vld [tilespmem:s29+$0x5470]  }
0x18a: {  	v1 =	vadd.f32 v2, v1;
	v2 =	vld [tilespmem:s29+$0x70]  }
0x18b: {  	v28 =	vld [tilespmem:s29+$0x2A70]  }
0x18c: {  	v1 =	vadd.f32 v3, v1;
	_ =	sdelay $0x1  }
0x18d: {  	v1 =	vmul.f32 v27, v1;
	_ =	sdelay $0x1  }
0x18e: {  	v1 =	vadd.f32 v1, v28;
	_ =	sdelay $0x1  }
0x18f: {  	[tilespmem:v2+s0+$0x0] =	vst.idx.add.f32.msk $0xffff, v1  }
0x190: {  	v1 =	vld [tilespmem:$0x7F70]  }
0x191: {  	v2 =	vld [tilespmem:$0x8270];
	_ =	sdelay $0x1  }
0x192: {  	v3 =	vld [tilespmem:$0x8570];
	_ =	sdelay $0x1  }
0x193: {  	v29 =	vld [tilespmem:s29+$0x6270]  }
0x194: {  	v1 =	vadd.f32 v2, v1;
	v2 =	vld [tilespmem:s29+$0xE70]  }
0x195: {  	v30 =	vld [tilespmem:s29+$0x3870]  }
0x196: {  	v1 =	vadd.f32 v3, v1;
	_ =	sdelay $0x1  }
0x197: {  	v1 =	vmul.f32 v29, v1;
	_ =	sdelay $0x1  }
0x198: {  	v1 =	vadd.f32 v1, v30;
	_ =	sdelay $0x1  }
0x199: {  	[tilespmem:v2+s0+$0x0] =	vst.idx.add.f32.msk $0xffff, v1  }
0x19a: {  	v1 =	vld [tilespmem:$0x8070]  }
0x19b: {  	v2 =	vld [tilespmem:$0x8370];
	_ =	sdelay $0x1  }
0x19c: {  	v3 =	vld [tilespmem:$0x8670];
	_ =	sdelay $0x1  }
0x19d: {  	v31 =	vld [tilespmem:s29+$0x7070]  }
0x19e: {  	v1 =	vadd.f32 v2, v1;
	v2 =	vld [tilespmem:s29+$0x1C70]  }
0x19f: {  	v32 =	vld [tilespmem:s29+$0x4670]  }
0x1a0: {  	v1 =	vadd.f32 v3, v1;
	_ =	sdelay $0x1  }
0x1a1: {  	v1 =	vmul.f32 v31, v1;
	_ =	sdelay $0x1  }
0x1a2: {  	v1 =	vadd.f32 v1, v32;
	_ =	sdelay $0x1  }
0x1a3: {  	[tilespmem:v2+s0+$0x0] =	vst.idx.add.f32.msk $0xffff, v1  }
0x1a4: {  	v1 =	vld [tilespmem:$0x7E80]  }
0x1a5: {  	v2 =	vld [tilespmem:$0x8180];
	_ =	sdelay $0x1  }
0x1a6: {  	v3 =	vld [tilespmem:$0x8480];
	_ =	sdelay $0x1  }
0x1a7: {  	v33 =	vld [tilespmem:s29+$0x5480]  }
0x1a8: {  	v1 =	vadd.f32 v2, v1;
	v2 =	vld [tilespmem:s29+$0x80]  }
0x1a9: {  	v34 =	vld [tilespmem:s29+$0x2A80]  }
0x1aa: {  	v1 =	vadd.f32 v3, v1;
	_ =	sdelay $0x1  }
0x1ab: {  	v1 =	vmul.f32 v33, v1;
	_ =	sdelay $0x1  }
0x1ac: {  	v1 =	vadd.f32 v1, v34;
	_ =	sdelay $0x1  }
0x1ad: {  	[tilespmem:v2+s0+$0x0] =	vst.idx.add.f32.msk $0xffff, v1  }
0x1ae: {  	v1 =	vld [tilespmem:$0x7F80]  }
0x1af: {  	v2 =	vld [tilespmem:$0x8280];
	_ =	sdelay $0x1  }
0x1b0: {  	v3 =	vld [tilespmem:$0x8580];
	_ =	sdelay $0x1  }
0x1b1: {  	v35 =	vld [tilespmem:s29+$0x6280]  }
0x1b2: {  	v1 =	vadd.f32 v2, v1;
	v2 =	vld [tilespmem:s29+$0xE80]  }
0x1b3: {  	v36 =	vld [tilespmem:s29+$0x3880]  }
0x1b4: {  	v1 =	vadd.f32 v3, v1;
	_ =	sdelay $0x1  }
0x1b5: {  	v1 =	vmul.f32 v35, v1;
	_ =	sdelay $0x1  }
0x1b6: {  	v1 =	vadd.f32 v1, v36;
	_ =	sdelay $0x1  }
0x1b7: {  	[tilespmem:v2+s0+$0x0] =	vst.idx.add.f32.msk $0xffff, v1  }
0x1b8: {  	v1 =	vld [tilespmem:$0x8080]  }
0x1b9: {  	v2 =	vld [tilespmem:$0x8380];
	_ =	sdelay $0x1  }
0x1ba: {  	v3 =	vld [tilespmem:$0x8680];
	_ =	sdelay $0x1  }
0x1bb: {  	v37 =	vld [tilespmem:s29+$0x7080]  }
0x1bc: {  	v1 =	vadd.f32 v2, v1;
	v2 =	vld [tilespmem:s29+$0x1C80]  }
0x1bd: {  	v38 =	vld [tilespmem:s29+$0x4680]  }
0x1be: {  	v1 =	vadd.f32 v3, v1;
	_ =	sdelay $0x1  }
0x1bf: {  	v1 =	vmul.f32 v37, v1;
	_ =	sdelay $0x1  }
0x1c0: {  	v1 =	vadd.f32 v1, v38;
	_ =	sdelay $0x1  }
0x1c1: {  	[tilespmem:v2+s0+$0x0] =	vst.idx.add.f32.msk $0xffff, v1  }
0x1c2: {  	v1 =	vld [tilespmem:$0x7E90]  }
0x1c3: {  	v2 =	vld [tilespmem:$0x8190];
	_ =	sdelay $0x1  }
0x1c4: {  	v3 =	vld [tilespmem:$0x8490];
	_ =	sdelay $0x1  }
0x1c5: {  	v39 =	vld [tilespmem:s29+$0x5490]  }
0x1c6: {  	v1 =	vadd.f32 v2, v1;
	v2 =	vld [tilespmem:s29+$0x90]  }
0x1c7: {  	v40 =	vld [tilespmem:s29+$0x2A90]  }
0x1c8: {  	v1 =	vadd.f32 v3, v1;
	_ =	sdelay $0x1  }
0x1c9: {  	v1 =	vmul.f32 v39, v1;
	_ =	sdelay $0x1  }
0x1ca: {  	v1 =	vadd.f32 v1, v40;
	_ =	sdelay $0x1  }
0x1cb: {  	[tilespmem:v2+s0+$0x0] =	vst.idx.add.f32.msk $0xffff, v1  }
0x1cc: {  	v1 =	vld [tilespmem:$0x7F90]  }
0x1cd: {  	v2 =	vld [tilespmem:$0x8290];
	_ =	sdelay $0x1  }
0x1ce: {  	v3 =	vld [tilespmem:$0x8590]  }
0x1cf: {  	v41 =	vld [tilespmem:s29+$0x3890]  }
0x1d0: {  	v42 =	vld [tilespmem:s29+$0x6290]  }
0x1d1: {  	v1 =	vadd.f32 v2, v1;
	v2 =	vld [tilespmem:s29+$0xE90];
	_ =	sdelay $0x1  }
0x1d2: {  	v1 =	vadd.f32 v3, v1;
	_ =	sdelay $0x1  }
0x1d3: {  	v1 =	vmul.f32 v42, v1;
	_ =	sdelay $0x1  }
0x1d4: {  	v1 =	vadd.f32 v1, v41;
	_ =	sdelay $0x1  }
0x1d5: {  	[tilespmem:v2+s0+$0x0] =	vst.idx.add.f32.msk $0xffff, v1  }
0x1d6: {  	v1 =	vld [tilespmem:$0x8090]  }
0x1d7: {  	v2 =	vld [tilespmem:$0x8390];
	_ =	sdelay $0x1  }
0x1d8: {  	v3 =	vld [tilespmem:$0x8690];
	_ =	sdelay $0x1  }
0x1d9: {  	v43 =	vld [tilespmem:s29+$0x7090]  }
0x1da: {  	v1 =	vadd.f32 v2, v1;
	v2 =	vld [tilespmem:s29+$0x1C90]  }
0x1db: {  	v44 =	vld [tilespmem:s29+$0x4690]  }
0x1dc: {  	v1 =	vadd.f32 v3, v1;
	_ =	sdelay $0x1  }
0x1dd: {  	v1 =	vmul.f32 v43, v1;
	_ =	sdelay $0x1  }
0x1de: {  	v1 =	vadd.f32 v1, v44;
	_ =	sdelay $0x1  }
0x1df: {  	[tilespmem:v2+s0+$0x0] =	vst.idx.add.f32.msk $0xffff, v1  }
0x1e0: {  	v1 =	vld [tilespmem:$0x7EA0]  }
0x1e1: {  	v2 =	vld [tilespmem:$0x81A0];
	_ =	sdelay $0x1  }
0x1e2: {  	v3 =	vld [tilespmem:$0x84A0];
	_ =	sdelay $0x1  }
0x1e3: {  	v45 =	vld [tilespmem:s29+$0x54A0]  }
0x1e4: {  	v1 =	vadd.f32 v2, v1;
	v2 =	vld [tilespmem:s29+$0xA0]  }
0x1e5: {  	v46 =	vld [tilespmem:s29+$0x2AA0]  }
0x1e6: {  	v1 =	vadd.f32 v3, v1;
	_ =	sdelay $0x1  }
0x1e7: {  	v1 =	vmul.f32 v45, v1;
	_ =	sdelay $0x1  }
0x1e8: {  	v1 =	vadd.f32 v1, v46;
	_ =	sdelay $0x1  }
0x1e9: {  	[tilespmem:v2+s0+$0x0] =	vst.idx.add.f32.msk $0xffff, v1  }
0x1ea: {  	v1 =	vld [tilespmem:$0x7FA0]  }
0x1eb: {  	v2 =	vld [tilespmem:$0x82A0];
	_ =	sdelay $0x1  }
0x1ec: {  	v3 =	vld [tilespmem:$0x85A0];
	_ =	sdelay $0x1  }
0x1ed: {  	v47 =	vld [tilespmem:s29+$0x62A0]  }
0x1ee: {  	v1 =	vadd.f32 v2, v1;
	v2 =	vld [tilespmem:s29+$0xEA0]  }
0x1ef: {  	v48 =	vld [tilespmem:s29+$0x38A0]  }
0x1f0: {  	v1 =	vadd.f32 v3, v1;
	_ =	sdelay $0x1  }
0x1f1: {  	v1 =	vmul.f32 v47, v1;
	_ =	sdelay $0x1  }
0x1f2: {  	v1 =	vadd.f32 v1, v48;
	_ =	sdelay $0x1  }
0x1f3: {  	[tilespmem:v2+s0+$0x0] =	vst.idx.add.f32.msk $0xffff, v1  }
0x1f4: {  	v1 =	vld [tilespmem:$0x80A0]  }
0x1f5: {  	v2 =	vld [tilespmem:$0x83A0];
	_ =	sdelay $0x1  }
0x1f6: {  	v3 =	vld [tilespmem:$0x86A0];
	_ =	sdelay $0x1  }
0x1f7: {  	v49 =	vld [tilespmem:s29+$0x70A0]  }
0x1f8: {  	v1 =	vadd.f32 v2, v1;
	v2 =	vld [tilespmem:s29+$0x1CA0]  }
0x1f9: {  	v50 =	vld [tilespmem:s29+$0x46A0]  }
0x1fa: {  	v1 =	vadd.f32 v3, v1;
	_ =	sdelay $0x1  }
0x1fb: {  	v1 =	vmul.f32 v49, v1;
	_ =	sdelay $0x1  }
0x1fc: {  	v1 =	vadd.f32 v1, v50;
	_ =	sdelay $0x1  }
0x1fd: {  	[tilespmem:v2+s0+$0x0] =	vst.idx.add.f32.msk $0xffff, v1  }
0x1fe: {  	v1 =	vld [tilespmem:$0x7EB0]  }
0x1ff: {  	v2 =	vld [tilespmem:$0x81B0];
	_ =	sdelay $0x1  }
0x200: {  	v3 =	vld [tilespmem:$0x84B0];
	_ =	sdelay $0x1  }
0x201: {  	v51 =	vld [tilespmem:s29+$0x54B0]  }
0x202: {  	v1 =	vadd.f32 v2, v1;
	v2 =	vld [tilespmem:s29+$0xB0]  }
0x203: {  	v52 =	vld [tilespmem:s29+$0x2AB0]  }
0x204: {  	v1 =	vadd.f32 v3, v1;
	_ =	sdelay $0x1  }
0x205: {  	v1 =	vmul.f32 v51, v1;
	_ =	sdelay $0x1  }
0x206: {  	v1 =	vadd.f32 v1, v52;
	_ =	sdelay $0x1  }
0x207: {  	[tilespmem:v2+s0+$0x0] =	vst.idx.add.f32.msk $0xffff, v1  }
0x208: {  	v1 =	vld [tilespmem:$0x7FB0]  }
0x209: {  	v2 =	vld [tilespmem:$0x82B0];
	_ =	sdelay $0x1  }
0x20a: {  	v3 =	vld [tilespmem:$0x85B0];
	_ =	sdelay $0x1  }
0x20b: {  	v53 =	vld [tilespmem:s29+$0x62B0]  }
0x20c: {  	v1 =	vadd.f32 v2, v1;
	v2 =	vld [tilespmem:s29+$0xEB0]  }
0x20d: {  	v54 =	vld [tilespmem:s29+$0x38B0]  }
0x20e: {  	v1 =	vadd.f32 v3, v1;
	_ =	sdelay $0x1  }
0x20f: {  	v1 =	vmul.f32 v53, v1;
	_ =	sdelay $0x1  }
0x210: {  	v1 =	vadd.f32 v1, v54;
	_ =	sdelay $0x1  }
0x211: {  	[tilespmem:v2+s0+$0x0] =	vst.idx.add.f32.msk $0xffff, v1  }
0x212: {  	v1 =	vld [tilespmem:$0x80B0]  }
0x213: {  	v2 =	vld [tilespmem:$0x83B0];
	_ =	sdelay $0x1  }
0x214: {  	v3 =	vld [tilespmem:$0x86B0];
	_ =	sdelay $0x1  }
0x215: {  	v55 =	vld [tilespmem:s29+$0x70B0]  }
0x216: {  	v1 =	vadd.f32 v2, v1;
	v2 =	vld [tilespmem:s29+$0x1CB0]  }
0x217: {  	v56 =	vld [tilespmem:s29+$0x46B0]  }
0x218: {  	v1 =	vadd.f32 v3, v1;
	_ =	sdelay $0x1  }
0x219: {  	v1 =	vmul.f32 v55, v1;
	_ =	sdelay $0x1  }
0x21a: {  	v1 =	vadd.f32 v1, v56;
	_ =	sdelay $0x1  }
0x21b: {  	[tilespmem:v2+s0+$0x0] =	vst.idx.add.f32.msk $0xffff, v1  }
0x21c: {  	v1 =	vld [tilespmem:$0x7EC0]  }
0x21d: {  	v2 =	vld [tilespmem:$0x81C0];
	_ =	sdelay $0x1  }
0x21e: {  	v3 =	vld [tilespmem:$0x84C0];
	_ =	sdelay $0x1  }
0x21f: {  	v57 =	vld [tilespmem:s29+$0x54C0]  }
0x220: {  	v1 =	vadd.f32 v2, v1;
	v2 =	vld [tilespmem:s29+$0xC0]  }
0x221: {  	v58 =	vld [tilespmem:s29+$0x2AC0]  }
0x222: {  	v1 =	vadd.f32 v3, v1;
	_ =	sdelay $0x1  }
0x223: {  	v1 =	vmul.f32 v57, v1;
	_ =	sdelay $0x1  }
0x224: {  	v1 =	vadd.f32 v1, v58;
	_ =	sdelay $0x1  }
0x225: {  	[tilespmem:v2+s0+$0x0] =	vst.idx.add.f32.msk $0xffff, v1  }
0x226: {  	v1 =	vld [tilespmem:$0x7FC0]  }
0x227: {  	v2 =	vld [tilespmem:$0x82C0];
	_ =	sdelay $0x1  }
0x228: {  	v3 =	vld [tilespmem:$0x85C0];
	_ =	sdelay $0x1  }
0x229: {  	v59 =	vld [tilespmem:s29+$0x62C0]  }
0x22a: {  	v1 =	vadd.f32 v2, v1;
	v2 =	vld [tilespmem:s29+$0xEC0]  }
0x22b: {  	v60 =	vld [tilespmem:s29+$0x38C0]  }
0x22c: {  	v1 =	vadd.f32 v3, v1;
	_ =	sdelay $0x1  }
0x22d: {  	v1 =	vmul.f32 v59, v1;
	_ =	sdelay $0x1  }
0x22e: {  	v1 =	vadd.f32 v1, v60;
	_ =	sdelay $0x1  }
0x22f: {  	[tilespmem:v2+s0+$0x0] =	vst.idx.add.f32.msk $0xffff, v1  }
0x230: {  	v1 =	vld [tilespmem:$0x80C0]  }
0x231: {  	v2 =	vld [tilespmem:$0x83C0];
	_ =	sdelay $0x1  }
0x232: {  	v3 =	vld [tilespmem:$0x86C0];
	_ =	sdelay $0x1  }
0x233: {  	v61 =	vld [tilespmem:s29+$0x70C0]  }
0x234: {  	v1 =	vadd.f32 v2, v1;
	v2 =	vld [tilespmem:s29+$0x1CC0]  }
0x235: {  	v62 =	vld [tilespmem:s29+$0x46C0]  }
0x236: {  	v1 =	vadd.f32 v3, v1;
	_ =	sdelay $0x1  }
0x237: {  	v1 =	vmul.f32 v61, v1;
	_ =	sdelay $0x1  }
0x238: {  	v1 =	vadd.f32 v1, v62;
	_ =	sdelay $0x1  }
0x239: {  	[tilespmem:v2+s0+$0x0] =	vst.idx.add.f32.msk $0xffff, v1  }
0x23a: {  	v1 =	vld [tilespmem:$0x7ED0]  }
0x23b: {  	v2 =	vld [tilespmem:$0x81D0];
	_ =	sdelay $0x1  }
0x23c: {  	v3 =	vld [tilespmem:$0x84D0];
	_ =	sdelay $0x1  }
0x23d: {  	v63 =	vld [tilespmem:s29+$0x54D0]  }
0x23e: {  	v1 =	vadd.f32 v2, v1;
	v2 =	vld [tilespmem:s29+$0xD0]  }
0x23f: {  	v8 =	vld [tilespmem:s29+$0x2AD0]  }
0x240: {  	v1 =	vadd.f32 v3, v1;
	_ =	sdelay $0x1  }
0x241: {  	v1 =	vmul.f32 v63, v1;
	_ =	sdelay $0x1  }
0x242: {  	v1 =	vadd.f32 v1, v8;
	_ =	sdelay $0x1  }
0x243: {  	[tilespmem:v2+s0+$0x0] =	vst.idx.add.f32.msk $0xffff, v1  }
0x244: {  	v1 =	vld [tilespmem:$0x7FD0]  }
0x245: {  	v2 =	vld [tilespmem:$0x82D0];
	_ =	sdelay $0x1  }
0x246: {  	v3 =	vld [tilespmem:$0x85D0];
	_ =	sdelay $0x1  }
0x247: {  	v9 =	vld [tilespmem:s29+$0x62D0]  }
0x248: {  	v1 =	vadd.f32 v2, v1;
	v2 =	vld [tilespmem:s29+$0xED0]  }
0x249: {  	v10 =	vld [tilespmem:s29+$0x38D0]  }
0x24a: {  	v1 =	vadd.f32 v3, v1;
	_ =	sdelay $0x1  }
0x24b: {  	v1 =	vmul.f32 v9, v1;
	_ =	sdelay $0x1  }
0x24c: {  	v1 =	vadd.f32 v1, v10;
	_ =	sdelay $0x1  }
0x24d: {  	[tilespmem:v2+s0+$0x0] =	vst.idx.add.f32.msk $0xffff, v1  }
0x24e: {  	v1 =	vld [tilespmem:$0x80D0]  }
0x24f: {  	v2 =	vld [tilespmem:$0x83D0];
	_ =	sdelay $0x1  }
0x250: {  	v3 =	vld [tilespmem:$0x86D0];
	_ =	sdelay $0x1  }
0x251: {  	v11 =	vld [tilespmem:s29+$0x70D0]  }
0x252: {  	v1 =	vadd.f32 v2, v1;
	v2 =	vld [tilespmem:s29+$0x1CD0]  }
0x253: {  	v12 =	vld [tilespmem:s29+$0x46D0]  }
0x254: {  	v1 =	vadd.f32 v3, v1;
	_ =	sdelay $0x1  }
0x255: {  	v1 =	vmul.f32 v11, v1;
	_ =	sdelay $0x1  }
0x256: {  	v1 =	vadd.f32 v1, v12;
	_ =	sdelay $0x1  }
0x257: {  	[tilespmem:v2+s0+$0x0] =	vst.idx.add.f32.msk $0xffff, v1  }
0x258: {  	v1 =	vld [tilespmem:$0x7EE0]  }
0x259: {  	v2 =	vld [tilespmem:$0x81E0];
	_ =	sdelay $0x1  }
0x25a: {  	v3 =	vld [tilespmem:$0x84E0];
	_ =	sdelay $0x1  }
0x25b: {  	v13 =	vld [tilespmem:s29+$0x54E0]  }
0x25c: {  	v1 =	vadd.f32 v2, v1;
	v2 =	vld [tilespmem:s29+$0xE0]  }
0x25d: {  	v14 =	vld [tilespmem:s29+$0x2AE0]  }
0x25e: {  	v1 =	vadd.f32 v3, v1;
	_ =	sdelay $0x1  }
0x25f: {  	v1 =	vmul.f32 v13, v1;
	_ =	sdelay $0x1  }
0x260: {  	v1 =	vadd.f32 v1, v14;
	_ =	sdelay $0x1  }
0x261: {  	[tilespmem:v2+s0+$0x0] =	vst.idx.add.f32.msk $0xffff, v1  }
0x262: {  	v1 =	vld [tilespmem:$0x7FE0]  }
0x263: {  	v2 =	vld [tilespmem:$0x82E0];
	_ =	sdelay $0x1  }
0x264: {  	v3 =	vld [tilespmem:$0x85E0];
	_ =	sdelay $0x1  }
0x265: {  	v15 =	vld [tilespmem:s29+$0x62E0]  }
0x266: {  	v1 =	vadd.f32 v2, v1;
	v2 =	vld [tilespmem:s29+$0xEE0]  }
0x267: {  	v16 =	vld [tilespmem:s29+$0x38E0]  }
0x268: {  	v1 =	vadd.f32 v3, v1;
	_ =	sdelay $0x1  }
0x269: {  	v1 =	vmul.f32 v15, v1;
	_ =	sdelay $0x1  }
0x26a: {  	v1 =	vadd.f32 v1, v16;
	_ =	sdelay $0x1  }
0x26b: {  	[tilespmem:v2+s0+$0x0] =	vst.idx.add.f32.msk $0xffff, v1  }
0x26c: {  	v1 =	vld [tilespmem:$0x80E0]  }
0x26d: {  	v2 =	vld [tilespmem:$0x83E0];
	_ =	sdelay $0x1  }
0x26e: {  	v3 =	vld [tilespmem:$0x86E0];
	_ =	sdelay $0x1  }
0x26f: {  	v17 =	vld [tilespmem:s29+$0x70E0]  }
0x270: {  	v1 =	vadd.f32 v2, v1;
	v2 =	vld [tilespmem:s29+$0x1CE0]  }
0x271: {  	v18 =	vld [tilespmem:s29+$0x46E0]  }
0x272: {  	v1 =	vadd.f32 v3, v1;
	_ =	sdelay $0x1  }
0x273: {  	v1 =	vmul.f32 v17, v1;
	_ =	sdelay $0x1  }
0x274: {  	v1 =	vadd.f32 v1, v18;
	_ =	sdelay $0x1  }
0x275: {  	[tilespmem:v2+s0+$0x0] =	vst.idx.add.f32.msk $0xffff, v1  }
0x276: {  	v1 =	vld [tilespmem:$0x7EF0]  }
0x277: {  	v2 =	vld [tilespmem:$0x81F0];
	_ =	sdelay $0x1  }
0x278: {  	v3 =	vld [tilespmem:$0x84F0];
	_ =	sdelay $0x1  }
0x279: {  	v19 =	vld [tilespmem:s29+$0x54F0]  }
0x27a: {  	v1 =	vadd.f32 v2, v1;
	v2 =	vld [tilespmem:s29+$0xF0]  }
0x27b: {  	v20 =	vld [tilespmem:s29+$0x2AF0]  }
0x27c: {  	v1 =	vadd.f32 v3, v1;
	_ =	sdelay $0x1  }
0x27d: {  	v1 =	vmul.f32 v19, v1;
	_ =	sdelay $0x1  }
0x27e: {  	v1 =	vadd.f32 v1, v20;
	_ =	sdelay $0x1  }
0x27f: {  	[tilespmem:v2+s0+$0x0] =	vst.idx.add.f32.msk $0xffff, v1  }
0x280: {  	v1 =	vld [tilespmem:$0x7FF0]  }
0x281: {  	v2 =	vld [tilespmem:$0x82F0];
	_ =	sdelay $0x1  }
0x282: {  	v3 =	vld [tilespmem:$0x85F0];
	_ =	sdelay $0x1  }
0x283: {  	v21 =	vld [tilespmem:s29+$0x62F0]  }
0x284: {  	v1 =	vadd.f32 v2, v1;
	v2 =	vld [tilespmem:s29+$0xEF0]  }
0x285: {  	v22 =	vld [tilespmem:s29+$0x38F0]  }
0x286: {  	v1 =	vadd.f32 v3, v1;
	_ =	sdelay $0x1  }
0x287: {  	v1 =	vmul.f32 v21, v1;
	_ =	sdelay $0x1  }
0x288: {  	v1 =	vadd.f32 v1, v22;
	_ =	sdelay $0x1  }
0x289: {  	[tilespmem:v2+s0+$0x0] =	vst.idx.add.f32.msk $0xffff, v1  }
0x28a: {  	v1 =	vld [tilespmem:$0x80F0]  }
0x28b: {  	v2 =	vld [tilespmem:$0x83F0];
	_ =	sdelay $0x1  }
0x28c: {  	v3 =	vld [tilespmem:$0x86F0];
	_ =	sdelay $0x1  }
0x28d: {  	v23 =	vld [tilespmem:s29+$0x70F0]  }
0x28e: {  	v1 =	vadd.f32 v2, v1;
	v2 =	vld [tilespmem:s29+$0x1CF0]  }
0x28f: {  	v24 =	vld [tilespmem:s29+$0x46F0]  }
0x290: {  	v1 =	vadd.f32 v3, v1;
	_ =	sdelay $0x1  }
0x291: {  	v1 =	vmul.f32 v23, v1;
	_ =	sdelay $0x1  }
0x292: {  	v1 =	vadd.f32 v1, v24  }
0x293: {  	p1 =	seq.s32 s2, $0x6  }
0x294: {  	s6 =	sadd.s32 @!p1 $0x200, s29;
	s7 =	simm.s32 @!p1 $0x100;
	s8 =	simm.s32 @!p1 $0x7E00;
	[tilespmem:v2+s0+$0x0] =	vst.idx.add.f32.msk $0xffff, v1  }
0x295: {  	[tilespmem:s8], [sflag:$0x1] =	stream.indirect.gather @!p1 [spmem:s9], $0x1, s6, s7, $0xb8;
	[tilespmem:$0x1C1E0] =	vst v63  }
0x296: {  	s8 =	simm.s32 @!p1 $0x7F00  }
0x297: {  	[tilespmem:s8], [sflag:$0x2] =	stream.indirect.gather @!p1 [spmem:s13], $0x1, s6, s7, $0xb8;
	[tilespmem:$0x1C1E0] =	vst v63  }
0x298: {  	s8 =	simm.s32 @!p1 $0x8000  }
0x299: {  	[tilespmem:s8], [sflag:$0x3] =	stream.indirect.gather @!p1 [spmem:s14], $0x1, s6, s7, $0xb8;
	[tilespmem:$0x1C1E0] =	vst v63  }
0x29a: {  	s6 =	sadd.s32 @!p1 $0x1000, s29;
	s8 =	simm.s32 @!p1 $0x8100  }
0x29b: {  	[tilespmem:s8], [sflag:$0x4] =	stream.indirect.gather @!p1 [spmem:s15], $0x1, s6, s7, $0xb8;
	[tilespmem:$0x1C1E0] =	vst v63  }
0x29c: {  	s8 =	simm.s32 @!p1 $0x8200  }
0x29d: {  	[tilespmem:s8], [sflag:$0x5] =	stream.indirect.gather @!p1 [spmem:s16], $0x1, s6, s7, $0xb8;
	[tilespmem:$0x1C1E0] =	vst v63  }
0x29e: {  	s8 =	simm.s32 @!p1 $0x8300  }
0x29f: {  	[tilespmem:s8], [sflag:$0x6] =	stream.indirect.gather @!p1 [spmem:s17], $0x1, s6, s7, $0xb8;
	[tilespmem:$0x1C1E0] =	vst v63  }
0x2a0: {  	s6 =	sadd.s32 @!p1 $0x1E00, s29;
	s8 =	simm.s32 @!p1 $0x8400  }
0x2a1: {  	[tilespmem:s8], [sflag:$0x7] =	stream.indirect.gather @!p1 [spmem:s18], $0x1, s6, s7, $0xb8;
	[tilespmem:$0x1C1E0] =	vst v63  }
0x2a2: {  	s8 =	simm.s32 @!p1 $0x8500  }
0x2a3: {  	[tilespmem:s8], [sflag:$0x8] =	stream.indirect.gather @!p1 [spmem:s19], $0x1, s6, s7, $0xb8;
	[tilespmem:$0x1C1E0] =	vst v63  }
0x2a4: {  	s8 =	simm.s32 @!p1 $0x8600  }
0x2a5: {  	[tilespmem:s8], [sflag:$0x9] =	stream.indirect.gather @!p1 [spmem:s20], $0x1, s6, s7, $0xb8;
	[tilespmem:$0x1C1E0] =	vst v63  }
0x2a6: {  	_ =	swait.ge [sflag:s30], $0x100  }
0x2a7: {  	[sflag:s30] =	ssyncset.done $0x0  }
0x2a8: {  	[sflag:s30] =	ssyncadd.s32 $0xFFFFFF00  }
0x2a9: {  	_ =	swait.ge [sflag:s31], $0x100  }
0x2aa: {  	[sflag:s31] =	ssyncset.done $0x0  }
0x2ab: {  	[sflag:s31] =	ssyncadd.s32 $0xFFFFFF00  }
0x2ac: {  	_ =	swait.ge [sflag:s3], $0x100  }
0x2ad: {  	[sflag:s3] =	ssyncset.done $0x0  }
0x2ae: {  	[sflag:s3] =	ssyncadd.s32 $0xFFFFFF00  }
0x2af: {  	_ =	swait.ge [sflag:s4], $0x100  }
0x2b0: {  	[sflag:s4] =	ssyncset.done $0x0  }
0x2b1: {  	[sflag:s4] =	ssyncadd.s32 $0xFFFFFF00  }
0x2b2: {  	_ =	swait.ge [sflag:s25], $0x100  }
0x2b3: {  	[sflag:s25] =	ssyncset.done $0x0  }
0x2b4: {  	[sflag:s25] =	ssyncadd.s32 $0xFFFFFF00  }
0x2b5: {  	_ =	swait.ge [sflag:s10], $0x100  }
0x2b6: {  	[sflag:s10] =	ssyncset.done $0x0  }
0x2b7: {  	[sflag:s10] =	ssyncadd.s32 $0xFFFFFF00  }
0x2b8: {  	_ =	swait.ge [sflag:s11], $0x100  }
0x2b9: {  	[sflag:s11] =	ssyncset.done $0x0  }
0x2ba: {  	[sflag:s11] =	ssyncadd.s32 $0xFFFFFF00  }
0x2bb: {  	_ =	swait.ge [sflag:s12], $0x100  }
0x2bc: {  	[sflag:s12] =	ssyncset.done $0x0  }
0x2bd: {  	[sflag:s12] =	ssyncadd.s32 $0xFFFFFF00  }
0x2be: {  	_ =	swait.ge [sflag:s21], $0x100  }
0x2bf: {  	[sflag:s21] =	ssyncset.done $0x0  }
0x2c0: {  	[sflag:s21] =	ssyncadd.s32 $0xFFFFFF00  }
0x2c1: {  	v1 =	vld [tilespmem:$0x8700]  }
0x2c2: {  	v2 =	vld [tilespmem:$0x8A00];
	_ =	sdelay $0x1  }
0x2c3: {  	v3 =	vld [tilespmem:$0x8D00];
	_ =	sdelay $0x1  }
0x2c4: {  	v25 =	vld [tilespmem:s1+$0x5400]  }
0x2c5: {  	v1 =	vadd.f32 v2, v1;
	v2 =	vld [tilespmem:s1+$0x0]  }
0x2c6: {  	v26 =	vld [tilespmem:s1+$0x2A00]  }
0x2c7: {  	v1 =	vadd.f32 v3, v1;
	_ =	sdelay $0x1  }
0x2c8: {  	v1 =	vmul.f32 v25, v1;
	_ =	sdelay $0x1  }
0x2c9: {  	v1 =	vadd.f32 v1, v26;
	_ =	sdelay $0x1  }
0x2ca: {  	[tilespmem:v2+s0+$0x0] =	vst.idx.add.f32.msk $0xffff, v1  }
0x2cb: {  	v1 =	vld [tilespmem:$0x8800]  }
0x2cc: {  	v2 =	vld [tilespmem:$0x8B00];
	_ =	sdelay $0x1  }
0x2cd: {  	v3 =	vld [tilespmem:$0x8E00];
	_ =	sdelay $0x1  }
0x2ce: {  	v27 =	vld [tilespmem:s1+$0x6200]  }
0x2cf: {  	v1 =	vadd.f32 v2, v1;
	v2 =	vld [tilespmem:s1+$0xE00]  }
0x2d0: {  	v28 =	vld [tilespmem:s1+$0x3800]  }
0x2d1: {  	v1 =	vadd.f32 v3, v1;
	_ =	sdelay $0x1  }
0x2d2: {  	v1 =	vmul.f32 v27, v1;
	_ =	sdelay $0x1  }
0x2d3: {  	v1 =	vadd.f32 v1, v28;
	_ =	sdelay $0x1  }
0x2d4: {  	[tilespmem:v2+s0+$0x0] =	vst.idx.add.f32.msk $0xffff, v1  }
0x2d5: {  	v1 =	vld [tilespmem:$0x8900]  }
0x2d6: {  	v2 =	vld [tilespmem:$0x8C00];
	_ =	sdelay $0x1  }
0x2d7: {  	v3 =	vld [tilespmem:$0x8F00];
	_ =	sdelay $0x1  }
0x2d8: {  	v29 =	vld [tilespmem:s1+$0x7000]  }
0x2d9: {  	v1 =	vadd.f32 v2, v1;
	v2 =	vld [tilespmem:s1+$0x1C00]  }
0x2da: {  	v30 =	vld [tilespmem:s1+$0x4600]  }
0x2db: {  	v1 =	vadd.f32 v3, v1;
	_ =	sdelay $0x1  }
0x2dc: {  	v1 =	vmul.f32 v29, v1;
	_ =	sdelay $0x1  }
0x2dd: {  	v1 =	vadd.f32 v1, v30;
	_ =	sdelay $0x1  }
0x2de: {  	[tilespmem:v2+s0+$0x0] =	vst.idx.add.f32.msk $0xffff, v1  }
0x2df: {  	v1 =	vld [tilespmem:$0x8710]  }
0x2e0: {  	v2 =	vld [tilespmem:$0x8A10];
	_ =	sdelay $0x1  }
0x2e1: {  	v3 =	vld [tilespmem:$0x8D10];
	_ =	sdelay $0x1  }
0x2e2: {  	s6 =	sor.u32 $0x110, s29;
	v31 =	vld [tilespmem:s29+$0x5510]  }
0x2e3: {  	v1 =	vadd.f32 v2, v1;
	v2 =	vld [tilespmem:s6+$0x0]  }
0x2e4: {  	v32 =	vld [tilespmem:s29+$0x2B10]  }
0x2e5: {  	v1 =	vadd.f32 v3, v1;
	_ =	sdelay $0x1  }
0x2e6: {  	v1 =	vmul.f32 v31, v1;
	_ =	sdelay $0x1  }
0x2e7: {  	v1 =	vadd.f32 v1, v32;
	_ =	sdelay $0x1  }
0x2e8: {  	[tilespmem:v2+s0+$0x0] =	vst.idx.add.f32.msk $0xffff, v1  }
0x2e9: {  	v1 =	vld [tilespmem:$0x8810]  }
0x2ea: {  	v2 =	vld [tilespmem:$0x8B10];
	_ =	sdelay $0x1  }
0x2eb: {  	v3 =	vld [tilespmem:$0x8E10];
	_ =	sdelay $0x1  }
0x2ec: {  	v33 =	vld [tilespmem:s29+$0x6310]  }
0x2ed: {  	v1 =	vadd.f32 v2, v1;
	v2 =	vld [tilespmem:s29+$0xF10]  }
0x2ee: {  	v34 =	vld [tilespmem:s29+$0x3910]  }
0x2ef: {  	v1 =	vadd.f32 v3, v1;
	_ =	sdelay $0x1  }
0x2f0: {  	v1 =	vmul.f32 v33, v1;
	_ =	sdelay $0x1  }
0x2f1: {  	v1 =	vadd.f32 v1, v34;
	_ =	sdelay $0x1  }
0x2f2: {  	[tilespmem:v2+s0+$0x0] =	vst.idx.add.f32.msk $0xffff, v1  }
0x2f3: {  	v1 =	vld [tilespmem:$0x8910]  }
0x2f4: {  	v2 =	vld [tilespmem:$0x8C10];
	_ =	sdelay $0x1  }
0x2f5: {  	v3 =	vld [tilespmem:$0x8F10];
	_ =	sdelay $0x1  }
0x2f6: {  	v35 =	vld [tilespmem:s29+$0x7110]  }
0x2f7: {  	v1 =	vadd.f32 v2, v1;
	v2 =	vld [tilespmem:s29+$0x1D10]  }
0x2f8: {  	v36 =	vld [tilespmem:s29+$0x4710]  }
0x2f9: {  	v1 =	vadd.f32 v3, v1;
	_ =	sdelay $0x1  }
0x2fa: {  	v1 =	vmul.f32 v35, v1;
	_ =	sdelay $0x1  }
0x2fb: {  	v1 =	vadd.f32 v1, v36;
	_ =	sdelay $0x1  }
0x2fc: {  	[tilespmem:v2+s0+$0x0] =	vst.idx.add.f32.msk $0xffff, v1  }
0x2fd: {  	v1 =	vld [tilespmem:$0x8720]  }
0x2fe: {  	v2 =	vld [tilespmem:$0x8A20];
	_ =	sdelay $0x1  }
0x2ff: {  	v3 =	vld [tilespmem:$0x8D20];
	_ =	sdelay $0x1  }
0x300: {  	s7 =	sor.u32 $0x120, s29;
	v37 =	vld [tilespmem:s29+$0x5520]  }
0x301: {  	v1 =	vadd.f32 v2, v1;
	v2 =	vld [tilespmem:s7+$0x0]  }
0x302: {  	v38 =	vld [tilespmem:s29+$0x2B20]  }
0x303: {  	v1 =	vadd.f32 v3, v1;
	_ =	sdelay $0x1  }
0x304: {  	v1 =	vmul.f32 v37, v1;
	_ =	sdelay $0x1  }
0x305: {  	v1 =	vadd.f32 v1, v38;
	_ =	sdelay $0x1  }
0x306: {  	[tilespmem:v2+s0+$0x0] =	vst.idx.add.f32.msk $0xffff, v1  }
0x307: {  	v1 =	vld [tilespmem:$0x8820]  }
0x308: {  	v2 =	vld [tilespmem:$0x8B20];
	_ =	sdelay $0x1  }
0x309: {  	v3 =	vld [tilespmem:$0x8E20];
	_ =	sdelay $0x1  }
0x30a: {  	v39 =	vld [tilespmem:s29+$0x6320]  }
0x30b: {  	v1 =	vadd.f32 v2, v1;
	v2 =	vld [tilespmem:s29+$0xF20]  }
0x30c: {  	v40 =	vld [tilespmem:s29+$0x3920]  }
0x30d: {  	v1 =	vadd.f32 v3, v1;
	_ =	sdelay $0x1  }
0x30e: {  	v1 =	vmul.f32 v39, v1;
	_ =	sdelay $0x1  }
0x30f: {  	v1 =	vadd.f32 v1, v40;
	_ =	sdelay $0x1  }
0x310: {  	[tilespmem:v2+s0+$0x0] =	vst.idx.add.f32.msk $0xffff, v1  }
0x311: {  	v1 =	vld [tilespmem:$0x8920]  }
0x312: {  	v2 =	vld [tilespmem:$0x8C20];
	_ =	sdelay $0x1  }
0x313: {  	v3 =	vld [tilespmem:$0x8F20];
	_ =	sdelay $0x1  }
0x314: {  	v41 =	vld [tilespmem:s29+$0x7120]  }
0x315: {  	v1 =	vadd.f32 v2, v1;
	v2 =	vld [tilespmem:s29+$0x1D20]  }
0x316: {  	v42 =	vld [tilespmem:s29+$0x4720]  }
0x317: {  	v1 =	vadd.f32 v3, v1;
	_ =	sdelay $0x1  }
0x318: {  	v1 =	vmul.f32 v41, v1;
	_ =	sdelay $0x1  }
0x319: {  	v1 =	vadd.f32 v1, v42;
	_ =	sdelay $0x1  }
0x31a: {  	[tilespmem:v2+s0+$0x0] =	vst.idx.add.f32.msk $0xffff, v1  }
0x31b: {  	v1 =	vld [tilespmem:$0x8730]  }
0x31c: {  	v2 =	vld [tilespmem:$0x8A30];
	_ =	sdelay $0x1  }
0x31d: {  	v3 =	vld [tilespmem:$0x8D30];
	_ =	sdelay $0x1  }
0x31e: {  	s8 =	sor.u32 $0x130, s29;
	v43 =	vld [tilespmem:s29+$0x5530]  }
0x31f: {  	v1 =	vadd.f32 v2, v1;
	v2 =	vld [tilespmem:s8+$0x0]  }
0x320: {  	v44 =	vld [tilespmem:s29+$0x2B30]  }
0x321: {  	v1 =	vadd.f32 v3, v1;
	_ =	sdelay $0x1  }
0x322: {  	v1 =	vmul.f32 v43, v1;
	_ =	sdelay $0x1  }
0x323: {  	v1 =	vadd.f32 v1, v44;
	_ =	sdelay $0x1  }
0x324: {  	[tilespmem:v2+s0+$0x0] =	vst.idx.add.f32.msk $0xffff, v1  }
0x325: {  	v1 =	vld [tilespmem:$0x8830]  }
0x326: {  	v2 =	vld [tilespmem:$0x8B30];
	_ =	sdelay $0x1  }
0x327: {  	v3 =	vld [tilespmem:$0x8E30];
	_ =	sdelay $0x1  }
0x328: {  	v45 =	vld [tilespmem:s29+$0x6330]  }
0x329: {  	v1 =	vadd.f32 v2, v1;
	v2 =	vld [tilespmem:s29+$0xF30]  }
0x32a: {  	v46 =	vld [tilespmem:s29+$0x3930]  }
0x32b: {  	v1 =	vadd.f32 v3, v1;
	_ =	sdelay $0x1  }
0x32c: {  	v1 =	vmul.f32 v45, v1;
	_ =	sdelay $0x1  }
0x32d: {  	v1 =	vadd.f32 v1, v46;
	_ =	sdelay $0x1  }
0x32e: {  	[tilespmem:v2+s0+$0x0] =	vst.idx.add.f32.msk $0xffff, v1  }
0x32f: {  	v1 =	vld [tilespmem:$0x8930]  }
0x330: {  	v2 =	vld [tilespmem:$0x8C30];
	_ =	sdelay $0x1  }
0x331: {  	v3 =	vld [tilespmem:$0x8F30];
	_ =	sdelay $0x1  }
0x332: {  	v47 =	vld [tilespmem:s29+$0x7130]  }
0x333: {  	v1 =	vadd.f32 v2, v1;
	v2 =	vld [tilespmem:s29+$0x1D30]  }
0x334: {  	v48 =	vld [tilespmem:s29+$0x4730]  }
0x335: {  	v1 =	vadd.f32 v3, v1;
	_ =	sdelay $0x1  }
0x336: {  	v1 =	vmul.f32 v47, v1;
	_ =	sdelay $0x1  }
0x337: {  	v1 =	vadd.f32 v1, v48;
	_ =	sdelay $0x1  }
0x338: {  	[tilespmem:v2+s0+$0x0] =	vst.idx.add.f32.msk $0xffff, v1  }
0x339: {  	v1 =	vld [tilespmem:$0x8740]  }
0x33a: {  	v2 =	vld [tilespmem:$0x8A40];
	_ =	sdelay $0x1  }
0x33b: {  	v3 =	vld [tilespmem:$0x8D40];
	_ =	sdelay $0x1  }
0x33c: {  	s6 =	sor.u32 $0x140, s29;
	v49 =	vld [tilespmem:s29+$0x5540]  }
0x33d: {  	v1 =	vadd.f32 v2, v1;
	v2 =	vld [tilespmem:s6+$0x0]  }
0x33e: {  	v50 =	vld [tilespmem:s29+$0x2B40]  }
0x33f: {  	v1 =	vadd.f32 v3, v1;
	_ =	sdelay $0x1  }
0x340: {  	v1 =	vmul.f32 v49, v1;
	_ =	sdelay $0x1  }
0x341: {  	v1 =	vadd.f32 v1, v50;
	_ =	sdelay $0x1  }
0x342: {  	[tilespmem:v2+s0+$0x0] =	vst.idx.add.f32.msk $0xffff, v1  }
0x343: {  	v1 =	vld [tilespmem:$0x8840]  }
0x344: {  	v2 =	vld [tilespmem:$0x8B40];
	_ =	sdelay $0x1  }
0x345: {  	v3 =	vld [tilespmem:$0x8E40];
	_ =	sdelay $0x1  }
0x346: {  	v51 =	vld [tilespmem:s29+$0x6340]  }
0x347: {  	v1 =	vadd.f32 v2, v1;
	v2 =	vld [tilespmem:s29+$0xF40]  }
0x348: {  	v52 =	vld [tilespmem:s29+$0x3940]  }
0x349: {  	v1 =	vadd.f32 v3, v1;
	_ =	sdelay $0x1  }
0x34a: {  	v1 =	vmul.f32 v51, v1;
	_ =	sdelay $0x1  }
0x34b: {  	v1 =	vadd.f32 v1, v52;
	_ =	sdelay $0x1  }
0x34c: {  	[tilespmem:v2+s0+$0x0] =	vst.idx.add.f32.msk $0xffff, v1  }
0x34d: {  	v1 =	vld [tilespmem:$0x8940]  }
0x34e: {  	v2 =	vld [tilespmem:$0x8C40];
	_ =	sdelay $0x1  }
0x34f: {  	v3 =	vld [tilespmem:$0x8F40];
	_ =	sdelay $0x1  }
0x350: {  	v53 =	vld [tilespmem:s29+$0x7140]  }
0x351: {  	v1 =	vadd.f32 v2, v1;
	v2 =	vld [tilespmem:s29+$0x1D40]  }
0x352: {  	v54 =	vld [tilespmem:s29+$0x4740]  }
0x353: {  	v1 =	vadd.f32 v3, v1;
	_ =	sdelay $0x1  }
0x354: {  	v1 =	vmul.f32 v53, v1;
	_ =	sdelay $0x1  }
0x355: {  	v1 =	vadd.f32 v1, v54;
	_ =	sdelay $0x1  }
0x356: {  	[tilespmem:v2+s0+$0x0] =	vst.idx.add.f32.msk $0xffff, v1  }
0x357: {  	v1 =	vld [tilespmem:$0x8750]  }
0x358: {  	v2 =	vld [tilespmem:$0x8A50];
	_ =	sdelay $0x1  }
0x359: {  	v3 =	vld [tilespmem:$0x8D50];
	_ =	sdelay $0x1  }
0x35a: {  	s7 =	sor.u32 $0x150, s29;
	v55 =	vld [tilespmem:s29+$0x5550]  }
0x35b: {  	v1 =	vadd.f32 v2, v1;
	v2 =	vld [tilespmem:s7+$0x0]  }
0x35c: {  	v56 =	vld [tilespmem:s29+$0x2B50]  }
0x35d: {  	v1 =	vadd.f32 v3, v1;
	_ =	sdelay $0x1  }
0x35e: {  	v1 =	vmul.f32 v55, v1;
	_ =	sdelay $0x1  }
0x35f: {  	v1 =	vadd.f32 v1, v56;
	_ =	sdelay $0x1  }
0x360: {  	[tilespmem:v2+s0+$0x0] =	vst.idx.add.f32.msk $0xffff, v1  }
0x361: {  	v1 =	vld [tilespmem:$0x8850]  }
0x362: {  	v2 =	vld [tilespmem:$0x8B50];
	_ =	sdelay $0x1  }
0x363: {  	v3 =	vld [tilespmem:$0x8E50];
	_ =	sdelay $0x1  }
0x364: {  	v57 =	vld [tilespmem:s29+$0x6350]  }
0x365: {  	v1 =	vadd.f32 v2, v1;
	v2 =	vld [tilespmem:s29+$0xF50]  }
0x366: {  	v58 =	vld [tilespmem:s29+$0x3950]  }
0x367: {  	v1 =	vadd.f32 v3, v1;
	_ =	sdelay $0x1  }
0x368: {  	v1 =	vmul.f32 v57, v1;
	_ =	sdelay $0x1  }
0x369: {  	v1 =	vadd.f32 v1, v58;
	_ =	sdelay $0x1  }
0x36a: {  	[tilespmem:v2+s0+$0x0] =	vst.idx.add.f32.msk $0xffff, v1  }
0x36b: {  	v1 =	vld [tilespmem:$0x8950]  }
0x36c: {  	v2 =	vld [tilespmem:$0x8C50];
	_ =	sdelay $0x1  }
0x36d: {  	v3 =	vld [tilespmem:$0x8F50];
	_ =	sdelay $0x1  }
0x36e: {  	v59 =	vld [tilespmem:s29+$0x7150]  }
0x36f: {  	v1 =	vadd.f32 v2, v1;
	v2 =	vld [tilespmem:s29+$0x1D50]  }
0x370: {  	v60 =	vld [tilespmem:s29+$0x4750]  }
0x371: {  	v1 =	vadd.f32 v3, v1;
	_ =	sdelay $0x1  }
0x372: {  	v1 =	vmul.f32 v59, v1;
	_ =	sdelay $0x1  }
0x373: {  	v1 =	vadd.f32 v1, v60;
	_ =	sdelay $0x1  }
0x374: {  	[tilespmem:v2+s0+$0x0] =	vst.idx.add.f32.msk $0xffff, v1  }
0x375: {  	v1 =	vld [tilespmem:$0x8760]  }
0x376: {  	v2 =	vld [tilespmem:$0x8A60];
	_ =	sdelay $0x1  }
0x377: {  	v3 =	vld [tilespmem:$0x8D60];
	_ =	sdelay $0x1  }
0x378: {  	s8 =	sor.u32 $0x160, s29;
	v61 =	vld [tilespmem:s29+$0x5560]  }
0x379: {  	v1 =	vadd.f32 v2, v1;
	v2 =	vld [tilespmem:s8+$0x0]  }
0x37a: {  	v62 =	vld [tilespmem:s29+$0x2B60]  }
0x37b: {  	v1 =	vadd.f32 v3, v1;
	_ =	sdelay $0x1  }
0x37c: {  	v1 =	vmul.f32 v61, v1;
	_ =	sdelay $0x1  }
0x37d: {  	v1 =	vadd.f32 v1, v62;
	_ =	sdelay $0x1  }
0x37e: {  	[tilespmem:v2+s0+$0x0] =	vst.idx.add.f32.msk $0xffff, v1  }
0x37f: {  	v1 =	vld [tilespmem:$0x8860]  }
0x380: {  	v2 =	vld [tilespmem:$0x8B60];
	_ =	sdelay $0x1  }
0x381: {  	v3 =	vld [tilespmem:$0x8E60];
	_ =	sdelay $0x1  }
0x382: {  	v63 =	vld [tilespmem:s29+$0x6360]  }
0x383: {  	v1 =	vadd.f32 v2, v1;
	v2 =	vld [tilespmem:s29+$0xF60]  }
0x384: {  	v8 =	vld [tilespmem:s29+$0x3960]  }
0x385: {  	v1 =	vadd.f32 v3, v1;
	_ =	sdelay $0x1  }
0x386: {  	v1 =	vmul.f32 v63, v1;
	_ =	sdelay $0x1  }
0x387: {  	v1 =	vadd.f32 v1, v8;
	_ =	sdelay $0x1  }
0x388: {  	[tilespmem:v2+s0+$0x0] =	vst.idx.add.f32.msk $0xffff, v1  }
0x389: {  	v1 =	vld [tilespmem:$0x8960]  }
0x38a: {  	v2 =	vld [tilespmem:$0x8C60];
	_ =	sdelay $0x1  }
0x38b: {  	v3 =	vld [tilespmem:$0x8F60];
	_ =	sdelay $0x1  }
0x38c: {  	v9 =	vld [tilespmem:s29+$0x7160]  }
0x38d: {  	v1 =	vadd.f32 v2, v1;
	v2 =	vld [tilespmem:s29+$0x1D60]  }
0x38e: {  	v10 =	vld [tilespmem:s29+$0x4760]  }
0x38f: {  	v1 =	vadd.f32 v3, v1;
	_ =	sdelay $0x1  }
0x390: {  	v1 =	vmul.f32 v9, v1;
	_ =	sdelay $0x1  }
0x391: {  	v1 =	vadd.f32 v1, v10;
	_ =	sdelay $0x1  }
0x392: {  	[tilespmem:v2+s0+$0x0] =	vst.idx.add.f32.msk $0xffff, v1  }
0x393: {  	v1 =	vld [tilespmem:$0x8770]  }
0x394: {  	v2 =	vld [tilespmem:$0x8A70];
	_ =	sdelay $0x1  }
0x395: {  	v3 =	vld [tilespmem:$0x8D70];
	_ =	sdelay $0x1  }
0x396: {  	s6 =	sor.u32 $0x170, s29;
	v11 =	vld [tilespmem:s29+$0x5570]  }
0x397: {  	v1 =	vadd.f32 v2, v1;
	v2 =	vld [tilespmem:s6+$0x0]  }
0x398: {  	v12 =	vld [tilespmem:s29+$0x2B70]  }
0x399: {  	v1 =	vadd.f32 v3, v1;
	_ =	sdelay $0x1  }
0x39a: {  	v1 =	vmul.f32 v11, v1;
	_ =	sdelay $0x1  }
0x39b: {  	v1 =	vadd.f32 v1, v12;
	_ =	sdelay $0x1  }
0x39c: {  	[tilespmem:v2+s0+$0x0] =	vst.idx.add.f32.msk $0xffff, v1  }
0x39d: {  	v1 =	vld [tilespmem:$0x8870]  }
0x39e: {  	v2 =	vld [tilespmem:$0x8B70];
	_ =	sdelay $0x1  }
0x39f: {  	v3 =	vld [tilespmem:$0x8E70];
	_ =	sdelay $0x1  }
0x3a0: {  	v13 =	vld [tilespmem:s29+$0x6370]  }
0x3a1: {  	v1 =	vadd.f32 v2, v1;
	v2 =	vld [tilespmem:s29+$0xF70]  }
0x3a2: {  	v14 =	vld [tilespmem:s29+$0x3970]  }
0x3a3: {  	v1 =	vadd.f32 v3, v1;
	_ =	sdelay $0x1  }
0x3a4: {  	v1 =	vmul.f32 v13, v1;
	_ =	sdelay $0x1  }
0x3a5: {  	v1 =	vadd.f32 v1, v14;
	_ =	sdelay $0x1  }
0x3a6: {  	[tilespmem:v2+s0+$0x0] =	vst.idx.add.f32.msk $0xffff, v1  }
0x3a7: {  	v1 =	vld [tilespmem:$0x8970]  }
0x3a8: {  	v2 =	vld [tilespmem:$0x8C70];
	_ =	sdelay $0x1  }
0x3a9: {  	v3 =	vld [tilespmem:$0x8F70];
	_ =	sdelay $0x1  }
0x3aa: {  	v15 =	vld [tilespmem:s29+$0x7170]  }
0x3ab: {  	v1 =	vadd.f32 v2, v1;
	v2 =	vld [tilespmem:s29+$0x1D70]  }
0x3ac: {  	v16 =	vld [tilespmem:s29+$0x4770]  }
0x3ad: {  	v1 =	vadd.f32 v3, v1;
	_ =	sdelay $0x1  }
0x3ae: {  	v1 =	vmul.f32 v15, v1;
	_ =	sdelay $0x1  }
0x3af: {  	v1 =	vadd.f32 v1, v16;
	_ =	sdelay $0x1  }
0x3b0: {  	[tilespmem:v2+s0+$0x0] =	vst.idx.add.f32.msk $0xffff, v1  }
0x3b1: {  	v1 =	vld [tilespmem:$0x8780]  }
0x3b2: {  	v2 =	vld [tilespmem:$0x8A80];
	_ =	sdelay $0x1  }
0x3b3: {  	v3 =	vld [tilespmem:$0x8D80];
	_ =	sdelay $0x1  }
0x3b4: {  	s7 =	sor.u32 $0x180, s29;
	v17 =	vld [tilespmem:s29+$0x5580]  }
0x3b5: {  	v1 =	vadd.f32 v2, v1;
	v2 =	vld [tilespmem:s7+$0x0]  }
0x3b6: {  	v18 =	vld [tilespmem:s29+$0x2B80]  }
0x3b7: {  	v1 =	vadd.f32 v3, v1;
	_ =	sdelay $0x1  }
0x3b8: {  	v1 =	vmul.f32 v17, v1;
	_ =	sdelay $0x1  }
0x3b9: {  	v1 =	vadd.f32 v1, v18;
	_ =	sdelay $0x1  }
0x3ba: {  	[tilespmem:v2+s0+$0x0] =	vst.idx.add.f32.msk $0xffff, v1  }
0x3bb: {  	v1 =	vld [tilespmem:$0x8880]  }
0x3bc: {  	v2 =	vld [tilespmem:$0x8B80];
	_ =	sdelay $0x1  }
0x3bd: {  	v3 =	vld [tilespmem:$0x8E80];
	_ =	sdelay $0x1  }
0x3be: {  	v19 =	vld [tilespmem:s29+$0x6380]  }
0x3bf: {  	v1 =	vadd.f32 v2, v1;
	v2 =	vld [tilespmem:s29+$0xF80]  }
0x3c0: {  	v20 =	vld [tilespmem:s29+$0x3980]  }
0x3c1: {  	v1 =	vadd.f32 v3, v1;
	_ =	sdelay $0x1  }
0x3c2: {  	v1 =	vmul.f32 v19, v1;
	_ =	sdelay $0x1  }
0x3c3: {  	v1 =	vadd.f32 v1, v20;
	_ =	sdelay $0x1  }
0x3c4: {  	[tilespmem:v2+s0+$0x0] =	vst.idx.add.f32.msk $0xffff, v1  }
0x3c5: {  	v1 =	vld [tilespmem:$0x8980]  }
0x3c6: {  	v2 =	vld [tilespmem:$0x8C80];
	_ =	sdelay $0x1  }
0x3c7: {  	v3 =	vld [tilespmem:$0x8F80];
	_ =	sdelay $0x1  }
0x3c8: {  	v21 =	vld [tilespmem:s29+$0x7180]  }
0x3c9: {  	v1 =	vadd.f32 v2, v1;
	v2 =	vld [tilespmem:s29+$0x1D80]  }
0x3ca: {  	v22 =	vld [tilespmem:s29+$0x4780]  }
0x3cb: {  	v1 =	vadd.f32 v3, v1;
	_ =	sdelay $0x1  }
0x3cc: {  	v1 =	vmul.f32 v21, v1;
	_ =	sdelay $0x1  }
0x3cd: {  	v1 =	vadd.f32 v1, v22;
	_ =	sdelay $0x1  }
0x3ce: {  	[tilespmem:v2+s0+$0x0] =	vst.idx.add.f32.msk $0xffff, v1  }
0x3cf: {  	v1 =	vld [tilespmem:$0x8790]  }
0x3d0: {  	v2 =	vld [tilespmem:$0x8A90];
	_ =	sdelay $0x1  }
0x3d1: {  	v3 =	vld [tilespmem:$0x8D90];
	_ =	sdelay $0x1  }
0x3d2: {  	s8 =	sor.u32 $0x190, s29;
	v23 =	vld [tilespmem:s29+$0x5590]  }
0x3d3: {  	v1 =	vadd.f32 v2, v1;
	v2 =	vld [tilespmem:s8+$0x0]  }
0x3d4: {  	v24 =	vld [tilespmem:s29+$0x2B90]  }
0x3d5: {  	v1 =	vadd.f32 v3, v1;
	_ =	sdelay $0x1  }
0x3d6: {  	v1 =	vmul.f32 v23, v1;
	_ =	sdelay $0x1  }
0x3d7: {  	v1 =	vadd.f32 v1, v24;
	_ =	sdelay $0x1  }
0x3d8: {  	[tilespmem:v2+s0+$0x0] =	vst.idx.add.f32.msk $0xffff, v1  }
0x3d9: {  	v1 =	vld [tilespmem:$0x8890]  }
0x3da: {  	v2 =	vld [tilespmem:$0x8B90];
	_ =	sdelay $0x1  }
0x3db: {  	v3 =	vld [tilespmem:$0x8E90];
	_ =	sdelay $0x1  }
0x3dc: {  	v25 =	vld [tilespmem:s29+$0x6390]  }
0x3dd: {  	v1 =	vadd.f32 v2, v1;
	v2 =	vld [tilespmem:s29+$0xF90]  }
0x3de: {  	v26 =	vld [tilespmem:s29+$0x3990]  }
0x3df: {  	v1 =	vadd.f32 v3, v1;
	_ =	sdelay $0x1  }
0x3e0: {  	v1 =	vmul.f32 v25, v1;
	_ =	sdelay $0x1  }
0x3e1: {  	v1 =	vadd.f32 v1, v26;
	_ =	sdelay $0x1  }
0x3e2: {  	[tilespmem:v2+s0+$0x0] =	vst.idx.add.f32.msk $0xffff, v1  }
0x3e3: {  	v1 =	vld [tilespmem:$0x8990]  }
0x3e4: {  	v2 =	vld [tilespmem:$0x8C90];
	_ =	sdelay $0x1  }
0x3e5: {  	v3 =	vld [tilespmem:$0x8F90];
	_ =	sdelay $0x1  }
0x3e6: {  	v27 =	vld [tilespmem:s29+$0x7190]  }
0x3e7: {  	v1 =	vadd.f32 v2, v1;
	v2 =	vld [tilespmem:s29+$0x1D90]  }
0x3e8: {  	v28 =	vld [tilespmem:s29+$0x4790]  }
0x3e9: {  	v1 =	vadd.f32 v3, v1;
	_ =	sdelay $0x1  }
0x3ea: {  	v1 =	vmul.f32 v27, v1;
	_ =	sdelay $0x1  }
0x3eb: {  	v1 =	vadd.f32 v1, v28;
	_ =	sdelay $0x1  }
0x3ec: {  	[tilespmem:v2+s0+$0x0] =	vst.idx.add.f32.msk $0xffff, v1  }
0x3ed: {  	v1 =	vld [tilespmem:$0x87A0]  }
0x3ee: {  	v2 =	vld [tilespmem:$0x8AA0];
	_ =	sdelay $0x1  }
0x3ef: {  	v3 =	vld [tilespmem:$0x8DA0];
	_ =	sdelay $0x1  }
0x3f0: {  	s6 =	sor.u32 $0x1A0, s29;
	v29 =	vld [tilespmem:s29+$0x55A0]  }
0x3f1: {  	v1 =	vadd.f32 v2, v1;
	v2 =	vld [tilespmem:s6+$0x0]  }
0x3f2: {  	v30 =	vld [tilespmem:s29+$0x2BA0]  }
0x3f3: {  	v1 =	vadd.f32 v3, v1;
	_ =	sdelay $0x1  }
0x3f4: {  	v1 =	vmul.f32 v29, v1;
	_ =	sdelay $0x1  }
0x3f5: {  	v1 =	vadd.f32 v1, v30;
	_ =	sdelay $0x1  }
0x3f6: {  	[tilespmem:v2+s0+$0x0] =	vst.idx.add.f32.msk $0xffff, v1  }
0x3f7: {  	v1 =	vld [tilespmem:$0x88A0]  }
0x3f8: {  	v2 =	vld [tilespmem:$0x8BA0];
	_ =	sdelay $0x1  }
0x3f9: {  	v3 =	vld [tilespmem:$0x8EA0];
	_ =	sdelay $0x1  }
0x3fa: {  	v31 =	vld [tilespmem:s29+$0x63A0]  }
0x3fb: {  	v1 =	vadd.f32 v2, v1;
	v2 =	vld [tilespmem:s29+$0xFA0]  }
0x3fc: {  	v32 =	vld [tilespmem:s29+$0x39A0]  }
0x3fd: {  	v1 =	vadd.f32 v3, v1;
	_ =	sdelay $0x1  }
0x3fe: {  	v1 =	vmul.f32 v31, v1;
	_ =	sdelay $0x1  }
0x3ff: {  	v1 =	vadd.f32 v1, v32;
	_ =	sdelay $0x1  }
0x400: {  	[tilespmem:v2+s0+$0x0] =	vst.idx.add.f32.msk $0xffff, v1  }
0x401: {  	v1 =	vld [tilespmem:$0x89A0]  }
0x402: {  	v2 =	vld [tilespmem:$0x8CA0];
	_ =	sdelay $0x1  }
0x403: {  	v3 =	vld [tilespmem:$0x8FA0];
	_ =	sdelay $0x1  }
0x404: {  	v33 =	vld [tilespmem:s29+$0x71A0]  }
0x405: {  	v1 =	vadd.f32 v2, v1;
	v2 =	vld [tilespmem:s29+$0x1DA0]  }
0x406: {  	v34 =	vld [tilespmem:s29+$0x47A0]  }
0x407: {  	v1 =	vadd.f32 v3, v1;
	_ =	sdelay $0x1  }
0x408: {  	v1 =	vmul.f32 v33, v1;
	_ =	sdelay $0x1  }
0x409: {  	v1 =	vadd.f32 v1, v34;
	_ =	sdelay $0x1  }
0x40a: {  	[tilespmem:v2+s0+$0x0] =	vst.idx.add.f32.msk $0xffff, v1  }
0x40b: {  	v1 =	vld [tilespmem:$0x87B0]  }
0x40c: {  	v2 =	vld [tilespmem:$0x8AB0];
	_ =	sdelay $0x1  }
0x40d: {  	v3 =	vld [tilespmem:$0x8DB0];
	_ =	sdelay $0x1  }
0x40e: {  	s7 =	sor.u32 $0x1B0, s29;
	v35 =	vld [tilespmem:s29+$0x55B0]  }
0x40f: {  	v1 =	vadd.f32 v2, v1;
	v2 =	vld [tilespmem:s7+$0x0]  }
0x410: {  	v36 =	vld [tilespmem:s29+$0x2BB0]  }
0x411: {  	v1 =	vadd.f32 v3, v1;
	_ =	sdelay $0x1  }
0x412: {  	v1 =	vmul.f32 v35, v1;
	_ =	sdelay $0x1  }
0x413: {  	v1 =	vadd.f32 v1, v36;
	_ =	sdelay $0x1  }
0x414: {  	[tilespmem:v2+s0+$0x0] =	vst.idx.add.f32.msk $0xffff, v1  }
0x415: {  	v1 =	vld [tilespmem:$0x88B0]  }
0x416: {  	v2 =	vld [tilespmem:$0x8BB0];
	_ =	sdelay $0x1  }
0x417: {  	v3 =	vld [tilespmem:$0x8EB0];
	_ =	sdelay $0x1  }
0x418: {  	v37 =	vld [tilespmem:s29+$0x63B0]  }
0x419: {  	v1 =	vadd.f32 v2, v1;
	v2 =	vld [tilespmem:s29+$0xFB0]  }
0x41a: {  	v38 =	vld [tilespmem:s29+$0x39B0]  }
0x41b: {  	v1 =	vadd.f32 v3, v1;
	_ =	sdelay $0x1  }
0x41c: {  	v1 =	vmul.f32 v37, v1;
	_ =	sdelay $0x1  }
0x41d: {  	v1 =	vadd.f32 v1, v38;
	_ =	sdelay $0x1  }
0x41e: {  	[tilespmem:v2+s0+$0x0] =	vst.idx.add.f32.msk $0xffff, v1  }
0x41f: {  	v1 =	vld [tilespmem:$0x89B0]  }
0x420: {  	v2 =	vld [tilespmem:$0x8CB0];
	_ =	sdelay $0x1  }
0x421: {  	v3 =	vld [tilespmem:$0x8FB0];
	_ =	sdelay $0x1  }
0x422: {  	v39 =	vld [tilespmem:s29+$0x71B0]  }
0x423: {  	v1 =	vadd.f32 v2, v1;
	v2 =	vld [tilespmem:s29+$0x1DB0]  }
0x424: {  	v40 =	vld [tilespmem:s29+$0x47B0]  }
0x425: {  	v1 =	vadd.f32 v3, v1;
	_ =	sdelay $0x1  }
0x426: {  	v1 =	vmul.f32 v39, v1;
	_ =	sdelay $0x1  }
0x427: {  	v1 =	vadd.f32 v1, v40;
	_ =	sdelay $0x1  }
0x428: {  	[tilespmem:v2+s0+$0x0] =	vst.idx.add.f32.msk $0xffff, v1  }
0x429: {  	v1 =	vld [tilespmem:$0x87C0]  }
0x42a: {  	v2 =	vld [tilespmem:$0x8AC0];
	_ =	sdelay $0x1  }
0x42b: {  	v3 =	vld [tilespmem:$0x8DC0];
	_ =	sdelay $0x1  }
0x42c: {  	s8 =	sor.u32 $0x1C0, s29;
	v41 =	vld [tilespmem:s29+$0x55C0]  }
0x42d: {  	v1 =	vadd.f32 v2, v1;
	v2 =	vld [tilespmem:s8+$0x0]  }
0x42e: {  	v42 =	vld [tilespmem:s29+$0x2BC0]  }
0x42f: {  	v1 =	vadd.f32 v3, v1;
	_ =	sdelay $0x1  }
0x430: {  	v1 =	vmul.f32 v41, v1;
	_ =	sdelay $0x1  }
0x431: {  	v1 =	vadd.f32 v1, v42;
	_ =	sdelay $0x1  }
0x432: {  	[tilespmem:v2+s0+$0x0] =	vst.idx.add.f32.msk $0xffff, v1  }
0x433: {  	v1 =	vld [tilespmem:$0x88C0]  }
0x434: {  	v2 =	vld [tilespmem:$0x8BC0];
	_ =	sdelay $0x1  }
0x435: {  	v3 =	vld [tilespmem:$0x8EC0];
	_ =	sdelay $0x1  }
0x436: {  	v43 =	vld [tilespmem:s29+$0x63C0]  }
0x437: {  	v1 =	vadd.f32 v2, v1;
	v2 =	vld [tilespmem:s29+$0xFC0]  }
0x438: {  	v44 =	vld [tilespmem:s29+$0x39C0]  }
0x439: {  	v1 =	vadd.f32 v3, v1;
	_ =	sdelay $0x1  }
0x43a: {  	v1 =	vmul.f32 v43, v1;
	_ =	sdelay $0x1  }
0x43b: {  	v1 =	vadd.f32 v1, v44;
	_ =	sdelay $0x1  }
0x43c: {  	[tilespmem:v2+s0+$0x0] =	vst.idx.add.f32.msk $0xffff, v1  }
0x43d: {  	v1 =	vld [tilespmem:$0x89C0]  }
0x43e: {  	v2 =	vld [tilespmem:$0x8CC0];
	_ =	sdelay $0x1  }
0x43f: {  	v3 =	vld [tilespmem:$0x8FC0];
	_ =	sdelay $0x1  }
0x440: {  	v45 =	vld [tilespmem:s29+$0x71C0]  }
0x441: {  	v1 =	vadd.f32 v2, v1;
	v2 =	vld [tilespmem:s29+$0x1DC0]  }
0x442: {  	v46 =	vld [tilespmem:s29+$0x47C0]  }
0x443: {  	v1 =	vadd.f32 v3, v1;
	_ =	sdelay $0x1  }
0x444: {  	v1 =	vmul.f32 v45, v1;
	_ =	sdelay $0x1  }
0x445: {  	v1 =	vadd.f32 v1, v46;
	_ =	sdelay $0x1  }
0x446: {  	[tilespmem:v2+s0+$0x0] =	vst.idx.add.f32.msk $0xffff, v1  }
0x447: {  	v1 =	vld [tilespmem:$0x87D0]  }
0x448: {  	v2 =	vld [tilespmem:$0x8AD0];
	_ =	sdelay $0x1  }
0x449: {  	v3 =	vld [tilespmem:$0x8DD0];
	_ =	sdelay $0x1  }
0x44a: {  	s6 =	sor.u32 $0x1D0, s29;
	v47 =	vld [tilespmem:s29+$0x55D0]  }
0x44b: {  	v1 =	vadd.f32 v2, v1;
	v2 =	vld [tilespmem:s6+$0x0]  }
0x44c: {  	v48 =	vld [tilespmem:s29+$0x2BD0]  }
0x44d: {  	v1 =	vadd.f32 v3, v1;
	_ =	sdelay $0x1  }
0x44e: {  	v1 =	vmul.f32 v47, v1;
	_ =	sdelay $0x1  }
0x44f: {  	v1 =	vadd.f32 v1, v48;
	_ =	sdelay $0x1  }
0x450: {  	[tilespmem:v2+s0+$0x0] =	vst.idx.add.f32.msk $0xffff, v1  }
0x451: {  	v1 =	vld [tilespmem:$0x88D0]  }
0x452: {  	v2 =	vld [tilespmem:$0x8BD0];
	_ =	sdelay $0x1  }
0x453: {  	v3 =	vld [tilespmem:$0x8ED0];
	_ =	sdelay $0x1  }
0x454: {  	v49 =	vld [tilespmem:s29+$0x63D0]  }
0x455: {  	v1 =	vadd.f32 v2, v1;
	v2 =	vld [tilespmem:s29+$0xFD0]  }
0x456: {  	v50 =	vld [tilespmem:s29+$0x39D0]  }
0x457: {  	v1 =	vadd.f32 v3, v1;
	_ =	sdelay $0x1  }
0x458: {  	v1 =	vmul.f32 v49, v1;
	_ =	sdelay $0x1  }
0x459: {  	v1 =	vadd.f32 v1, v50;
	_ =	sdelay $0x1  }
0x45a: {  	[tilespmem:v2+s0+$0x0] =	vst.idx.add.f32.msk $0xffff, v1  }
0x45b: {  	v1 =	vld [tilespmem:$0x89D0]  }
0x45c: {  	v2 =	vld [tilespmem:$0x8CD0];
	_ =	sdelay $0x1  }
0x45d: {  	v3 =	vld [tilespmem:$0x8FD0];
	_ =	sdelay $0x1  }
0x45e: {  	v51 =	vld [tilespmem:s29+$0x71D0]  }
0x45f: {  	v1 =	vadd.f32 v2, v1;
	v2 =	vld [tilespmem:s29+$0x1DD0]  }
0x460: {  	v52 =	vld [tilespmem:s29+$0x47D0]  }
0x461: {  	v1 =	vadd.f32 v3, v1;
	_ =	sdelay $0x1  }
0x462: {  	v1 =	vmul.f32 v51, v1;
	_ =	sdelay $0x1  }
0x463: {  	v1 =	vadd.f32 v1, v52;
	_ =	sdelay $0x1  }
0x464: {  	[tilespmem:v2+s0+$0x0] =	vst.idx.add.f32.msk $0xffff, v1  }
0x465: {  	v1 =	vld [tilespmem:$0x87E0]  }
0x466: {  	v2 =	vld [tilespmem:$0x8AE0];
	_ =	sdelay $0x1  }
0x467: {  	v3 =	vld [tilespmem:$0x8DE0];
	_ =	sdelay $0x1  }
0x468: {  	s7 =	sor.u32 $0x1E0, s29;
	v53 =	vld [tilespmem:s29+$0x55E0]  }
0x469: {  	v1 =	vadd.f32 v2, v1;
	v2 =	vld [tilespmem:s7+$0x0]  }
0x46a: {  	v54 =	vld [tilespmem:s29+$0x2BE0]  }
0x46b: {  	v1 =	vadd.f32 v3, v1;
	_ =	sdelay $0x1  }
0x46c: {  	v1 =	vmul.f32 v53, v1;
	_ =	sdelay $0x1  }
0x46d: {  	v1 =	vadd.f32 v1, v54;
	_ =	sdelay $0x1  }
0x46e: {  	[tilespmem:v2+s0+$0x0] =	vst.idx.add.f32.msk $0xffff, v1  }
0x46f: {  	v1 =	vld [tilespmem:$0x88E0]  }
0x470: {  	v2 =	vld [tilespmem:$0x8BE0];
	_ =	sdelay $0x1  }
0x471: {  	v3 =	vld [tilespmem:$0x8EE0];
	_ =	sdelay $0x1  }
0x472: {  	v55 =	vld [tilespmem:s29+$0x63E0]  }
0x473: {  	v1 =	vadd.f32 v2, v1;
	v2 =	vld [tilespmem:s29+$0xFE0]  }
0x474: {  	v56 =	vld [tilespmem:s29+$0x39E0]  }
0x475: {  	v1 =	vadd.f32 v3, v1;
	_ =	sdelay $0x1  }
0x476: {  	v1 =	vmul.f32 v55, v1;
	_ =	sdelay $0x1  }
0x477: {  	v1 =	vadd.f32 v1, v56;
	_ =	sdelay $0x1  }
0x478: {  	[tilespmem:v2+s0+$0x0] =	vst.idx.add.f32.msk $0xffff, v1  }
0x479: {  	v1 =	vld [tilespmem:$0x89E0]  }
0x47a: {  	v2 =	vld [tilespmem:$0x8CE0];
	_ =	sdelay $0x1  }
0x47b: {  	v3 =	vld [tilespmem:$0x8FE0];
	_ =	sdelay $0x1  }
0x47c: {  	v57 =	vld [tilespmem:s29+$0x71E0]  }
0x47d: {  	v1 =	vadd.f32 v2, v1;
	v2 =	vld [tilespmem:s29+$0x1DE0]  }
0x47e: {  	v58 =	vld [tilespmem:s29+$0x47E0]  }
0x47f: {  	v1 =	vadd.f32 v3, v1;
	_ =	sdelay $0x1  }
0x480: {  	v1 =	vmul.f32 v57, v1;
	_ =	sdelay $0x1  }
0x481: {  	v1 =	vadd.f32 v1, v58;
	_ =	sdelay $0x1  }
0x482: {  	[tilespmem:v2+s0+$0x0] =	vst.idx.add.f32.msk $0xffff, v1  }
0x483: {  	v1 =	vld [tilespmem:$0x87F0]  }
0x484: {  	v2 =	vld [tilespmem:$0x8AF0];
	_ =	sdelay $0x1  }
0x485: {  	v3 =	vld [tilespmem:$0x8DF0];
	_ =	sdelay $0x1  }
0x486: {  	s8 =	sor.u32 $0x1F0, s29;
	v59 =	vld [tilespmem:s29+$0x55F0]  }
0x487: {  	v60 =	vld [tilespmem:s8+$0x0];
	v1 =	vadd.f32 v2, v1  }
0x488: {  	v2 =	vld [tilespmem:s29+$0x2BF0]  }
0x489: {  	v1 =	vadd.f32 v3, v1;
	_ =	sdelay $0x1  }
0x48a: {  	v1 =	vmul.f32 v59, v1;
	_ =	sdelay $0x1  }
0x48b: {  	v1 =	vadd.f32 v1, v2;
	_ =	sdelay $0x1  }
0x48c: {  	[tilespmem:v60+s0+$0x0] =	vst.idx.add.f32.msk $0xffff, v1  }
0x48d: {  	v1 =	vld [tilespmem:$0x88F0]  }
0x48e: {  	v2 =	vld [tilespmem:$0x8BF0];
	_ =	sdelay $0x1  }
0x48f: {  	v3 =	vld [tilespmem:$0x8EF0];
	_ =	sdelay $0x1  }
0x490: {  	v61 =	vld [tilespmem:s29+$0x63F0]  }
0x491: {  	v1 =	vadd.f32 v2, v1;
	v2 =	vld [tilespmem:s29+$0xFF0]  }
0x492: {  	v5 =	vld [tilespmem:s29+$0x39F0]  }
0x493: {  	v1 =	vadd.f32 v3, v1;
	_ =	sdelay $0x1  }
0x494: {  	v1 =	vmul.f32 v61, v1;
	_ =	sdelay $0x1  }
0x495: {  	v1 =	vadd.f32 v1, v5;
	_ =	sdelay $0x1  }
0x496: {  	[tilespmem:v2+s0+$0x0] =	vst.idx.add.f32.msk $0xffff, v1  }
0x497: {  	v1 =	vld [tilespmem:$0x89F0]  }
0x498: {  	v2 =	vld [tilespmem:$0x8CF0];
	_ =	sdelay $0x1  }
0x499: {  	v3 =	vld [tilespmem:$0x8FF0];
	_ =	sdelay $0x1  }
0x49a: {  	v62 =	vld [tilespmem:s29+$0x71F0]  }
0x49b: {  	v1 =	vadd.f32 v2, v1;
	v2 =	vld [tilespmem:s29+$0x1DF0]  }
0x49c: {  	v63 =	vld [tilespmem:s29+$0x47F0]  }
0x49d: {  	s2 =	sadd.s32 $0x1, s2;
	v1 =	vadd.f32 v3, v1  }
0x49e: {  	p1 =	sne.s32 s2, $0x7  }
.Ltmp1:
0x49f: {  	v1 =	vmul.f32 v62, v1;
	(pc) =	sbr.rel @p1 .LBB2_4-.Ltmp1, $3  }
0x4a0: {  	_ = 	snop  }
0x4a1: {  	v1 =	vadd.f32 v1, v63;
	_ =	sdelay $0x1  }
0x4a2: {  	[tilespmem:v2+s0+$0x0] =	vst.idx.add.f32.msk $0xffff, v1  }
0x4a3: {  	s29 =	simm.s32 $0x0;
	s1 =	rddreg [dreg:$0x16];
	s2 =	simm.s32 $0x1C  }
0x4a4: {  	[hbm4b:s1+s29] =	stream.linear.scatter [tilespmem:s0], [sflag:$0x1C], $0xC350, $0x38;
	[tilespmem:$0x1C1E0] =	vst v63  }
0x4a5: {  	_ =	swait.ge [sflag:s2], $0xC350  }
0x4a6: {  	s3 =	rddreg [dreg:$0x18]  }
0x4a7: {  	s8 =	rddreg [dreg:$0x17];
	s3 =	sadd.s32 $0x1, s3  }
0x4a8: {  	p1 =	sne.s32 s3, s8  }
.Ltmp2:
0x4a9: {  	_ = 	snop;
	(pc) =	sbr.rel @p1 .LBB2_1-.Ltmp2, $3  }
0x4aa: {  	_ =	sdelay $0x1  }
0x4ab: {  	[sflag:s2] =	ssyncset.done $0x0  }
0x4ac: {  	s7 =	simm.s32 $0xE00;
	[sflag:s2] =	ssyncadd.s32 $0xFFFF3CB0;
	s8 =	simm.s32 $0x1C00  }
0x4ad: {  	_ =	sfence.sel $0x180000  }
0x4ae: {  	[bflag:$0x0] =	sbarrier.arrive $0xFFFF  }
0x4af: {  	_ =	strace $0x90000047  }
0x4b0: {  	[bflag:$0x2] =	sbarrier.arrive $0xFFFF  }
0x4b1: {  	s0 =	rddreg [dreg:$0x2]  }
0x4b2: {  	s0 =	sadd.s32 @!p0 $0x100000, s0  }
0x4b3: {  	[sflag:s0] =	ssyncadd.tile.s32 @!p0 $0x1;
	_ =	shalt  }
.Lfunc_end2:
_tile_overlayer_lowered:
.L_overlay_start_2:
0x4b4: {  	(tag) =	ssettag $0x2  }
0x4b5: {  	s0 =	rddreg [dreg:$0x0];
	s2 =	stileid.u32  }
0x4b6: {  	s1 =	rddreg [dreg:$0x1];
	p0 =	sne.s32 s2, $0x0  }
0x4b7: {  	s3 =	rddreg [dreg:$0x2];
	[bflag:$0x3] =	sbarrier.arrive $0xFFFF;
	s2 =	simm.s32 @!p0 $0x1C1C  }
0x4b8: {  	[timem:s3], [sflag:s2] =	dma.local @!p0 [hbm:s0], s1  }
0x4b9: {  	s0 =	simm.s32 @!p0 $0x1C  }
0x4ba: {  	_ =	swait.ge @!p0 [sflag:s0], s1  }
0x4bb: {  	s1 =	ssub.s32 @!p0 $0x0, s1;
	[sflag:s0] =	ssyncset.done @!p0 $0x0  }
0x4bc: {  	[sflag:s0] =	ssyncadd.s32 @!p0 s1  }
0x4bd: {  	[bflag:$0x3] =	sbarrier.arrive $0xFFFF  }
0x4be: {  	_ =	shalt  }

</sc_bundles>
